<compile_context>
chip_gen: v7x
topology: tpu7x:2x2x1
jax: 0.10.2.dev20260603
libtpu: 0.0.44.dev20260713+nightly
codegen_flags: <defaults>
</compile_context>

<pallas_src>
import jax
import jax.numpy as jnp
from jax import lax
from jax.experimental import pallas as pl
from jax.experimental.pallas import tpu as pltpu
from jax.experimental.pallas import tpu_sc as plsc

CTX = 2048
DIM = 64
BATCH = 4

NC = 2
NS = 16
NW = NC * NS
CBLK = 128
NB_PER_W = 2
TOK = NB_PER_W * CBLK
LANES = 16
NBUF = 8
NGRP = TOK // NBUF


def _emb_body(x_hbm, tokT_hbm, posT_hbm, out_hbm, idx_v, tcol_v, outT_v,
              idx_s, *sems):
    c = lax.axis_index("c")
    s = lax.axis_index("s")
    wid = s * NC + c
    cb = wid % (CTX // CBLK)
    bb = wid // (CTX // CBLK)
    c0 = cb * CBLK

    for i in range(NB_PER_W):
        pltpu.sync_copy(
            x_hbm.at[pl.ds(NB_PER_W * bb + i, 1), pl.ds(c0, CBLK)],
            idx_v.at[pl.ds(i, 1)],
        )

    pos_copies = [
        pltpu.async_copy(
            posT_hbm.at[:, pl.ds(c0, CBLK)],
            outT_v.at[:, pl.ds(i * CBLK, CBLK)],
            sems[NBUF],
        )
        for i in range(NB_PER_W)
    ]

    for k in range(TOK // LANES):
        vec = idx_v[k // (CBLK // LANES), pl.ds((k % (CBLK // LANES)) * LANES, LANES)]
        for i in range(LANES):
            idx_s[k * LANES + i] = vec[i]

    iotas = [lax.iota(jnp.int32, LANES) + kk * LANES for kk in range(DIM // LANES)]

    def fire(t, b):
        v = idx_s[t]
        off = pl.multiple_of((v >> 7) * 128, 128)
        return pltpu.async_copy(
            tokT_hbm.at[:, pl.ds(off, 128)], tcol_v.at[b], sems[b]
        )

    def process(t, b):
        v = idx_s[t]
        vl = jnp.full((LANES,), v & 127, jnp.int32)
        bsp = jnp.full((LANES,), b, jnp.int32)
        tsp = jnp.full((LANES,), t, jnp.int32)
        for kk in range(DIM // LANES):
            col = plsc.load_gather(tcol_v, [bsp, iotas[kk], vl])
            plsc.addupdate_scatter(outT_v, [iotas[kk], tsp], col)

    def drain(b):
        pltpu.make_async_copy(
            tokT_hbm.at[:, pl.ds(0, 128)], tcol_v.at[b], sems[b]
        ).wait()

    for b in range(NBUF):
        fire(b, b)
    for cp in pos_copies:
        cp.wait()

    def group(g, carry):
        for b in range(NBUF):
            t = g * NBUF + b
            drain(b)
            process(t, b)
            fire(t + NBUF, b)
        return carry

    lax.fori_loop(0, NGRP - 1, group, 0)

    for b in range(NBUF):
        t = (NGRP - 1) * NBUF + b
        drain(b)
        process(t, b)

    wb_copies = [
        pltpu.async_copy(
            outT_v.at[:, pl.ds(i * CBLK, CBLK)],
            out_hbm.at[NB_PER_W * bb + i, :, pl.ds(c0, CBLK)],
            sems[NBUF],
        )
        for i in range(NB_PER_W)
    ]
    for cp in wb_copies:
        cp.wait()


@jax.jit
def kernel(x, token_table, pos_table):
    tokT = token_table.T
    posT = pos_table.T
    mesh = plsc.VectorSubcoreMesh(core_axis_name="c", subcore_axis_name="s")
    out = pl.kernel(
        _emb_body,
        out_type=jax.ShapeDtypeStruct((BATCH, DIM, CTX), jnp.float32),
        mesh=mesh,
        scratch_types=[
            pltpu.VMEM((NB_PER_W, CBLK), jnp.int32),
            pltpu.VMEM((NBUF, DIM, 128), jnp.float32),
            pltpu.VMEM((DIM, TOK), jnp.float32),
            pltpu.SMEM((TOK,), jnp.int32),
        ] + [pltpu.SemaphoreType.DMA] * (NBUF + 1),
        compiler_params=pltpu.CompilerParams(needs_layout_passes=False),
    )(x, tokT, posT)
    return jnp.transpose(out, (0, 2, 1))

# --- scband reference (transcript-rebuilt; emitter-appended) ---
"""Pipeline reference for scband-embedding-layer-78073915506954 (READ-ONLY COPY).

The authoritative reference and input builder live on the scoring server;
editing this copy changes nothing except your own understanding.
"""

import jax, jax.numpy as jnp
import numpy as np

VOCABULARY_SIZE = 1000000
CONTEXT_SIZE = 2048
EMBEDDING_DIM = 64
BATCH = 4

def setup_inputs(seed: int = 0) -> dict:
    key = jax.random.key(seed)
    k1, k2, k3 = jax.random.split(key, 3)
    x = jax.random.randint(k1, (BATCH, CONTEXT_SIZE), 0, VOCABULARY_SIZE, dtype=jnp.int64 if jax.config.read('jax_enable_x64') else jnp.int32)
    token_table = jax.random.normal(k2, (VOCABULARY_SIZE, EMBEDDING_DIM), dtype=jnp.float32)
    pos_table = jax.random.normal(k3, (CONTEXT_SIZE, EMBEDDING_DIM), dtype=jnp.float32)
    return {"x": x, "token_table": token_table, "pos_table": pos_table}

def reference(x, token_table, pos_table):
    # TokenEmbeddings: gather rows from the token embedding table
    token_emb = jnp.take(token_table, x, axis=0)  # [B, C, D]
    # PositionalEmbedding: lookup positions arange(CONTEXT_SIZE)
    positions = jnp.arange(CONTEXT_SIZE)
    positional_emb = jnp.take(pos_table, positions, axis=0)  # [C, D]
    return token_emb + positional_emb  # broadcast over batch

if __name__ == "__main__":
    import jax
    _d = setup_inputs()
    print(jax.jit(kernel)(*tuple(_d.values())))

</pallas_src>

<mosaic_0001>
#map = affine_map<(d0, d1) -> (0, 0)>
#map1 = affine_map<(d0, d1) -> (0, 0, 0)>
module attributes {stable_mosaic.version = 14 : i64} {
  func.func @_emb_body(%arg0: i32, %arg1: i32, %arg2: memref<4x2048xi32, #tpu.memory_space<hbm>>, %arg3: memref<64x1000000xf32, #tpu.memory_space<hbm>>, %arg4: memref<64x2048xf32, #tpu.memory_space<hbm>>, %arg5: memref<4x64x2048xf32, #tpu.memory_space<hbm>>, %arg6: memref<2x128xi32, #tpu.memory_space<vmem>>, %arg7: memref<8x64x128xf32, #tpu.memory_space<vmem>>, %arg8: memref<64x256xf32, #tpu.memory_space<vmem>>, %arg9: memref<256xi32, #tpu.memory_space<smem>>, %arg10: memref<!tpu.dma_semaphore, #tpu.memory_space<semaphore_mem>>, %arg11: memref<!tpu.dma_semaphore, #tpu.memory_space<semaphore_mem>>, %arg12: memref<!tpu.dma_semaphore, #tpu.memory_space<semaphore_mem>>, %arg13: memref<!tpu.dma_semaphore, #tpu.memory_space<semaphore_mem>>, %arg14: memref<!tpu.dma_semaphore, #tpu.memory_space<semaphore_mem>>, %arg15: memref<!tpu.dma_semaphore, #tpu.memory_space<semaphore_mem>>, %arg16: memref<!tpu.dma_semaphore, #tpu.memory_space<semaphore_mem>>, %arg17: memref<!tpu.dma_semaphore, #tpu.memory_space<semaphore_mem>>, %arg18: memref<!tpu.dma_semaphore, #tpu.memory_space<semaphore_mem>>) attributes {dimension_semantics = [#tpu.dimension_semantics<core_parallel>, #tpu.dimension_semantics<subcore_parallel>], iteration_bounds = array<i64: 2, 16>, scalar_prefetch = 0 : i64, scratch_operands = 13 : i64, tpu.core_type = #tpu.core_type<sc_vector_subcore>, window_params = [{transform_indices = #map}, {transform_indices = #map}, {transform_indices = #map}, {transform_indices = #map1}]} {
    %mul3A = arith.constant 2 : i32
    %mul3A_0 = arith.muli %arg1, %mul3A : i32
    %add3A = arith.addi %mul3A_0, %arg0 : i32
    %jit3A = arith.constant 16 : i32
    %eq3A = arith.constant 0 : i32
    %eq3A_1 = arith.cmpi eq, %jit3A, %eq3A : i32
    %jit3A_2 = arith.constant 1 : i32
    %select_n3A = arith.select %eq3A_1, %jit3A_2, %jit3A : i32
    %rem3A = arith.remsi %add3A, %select_n3A : i32
    %ne3A = arith.constant 0 : i32
    %ne3A_3 = arith.cmpi ne, %rem3A, %ne3A : i32
    %lt3A = arith.constant 0 : i32
    %lt3A_4 = arith.cmpi slt, %rem3A, %lt3A : i32
    %lt3A_5 = arith.constant 0 : i32
    %lt3A_6 = arith.cmpi slt, %select_n3A, %lt3A_5 : i32
    %ne3A_7 = arith.xori %lt3A_4, %lt3A_6 : i1
    %and3A = arith.andi %ne3A_7, %ne3A_3 : i1
    %add3A_8 = arith.addi %rem3A, %select_n3A : i32
    %select_n3A_9 = arith.select %and3A, %add3A_8, %rem3A : i32
    %jit3A_10 = arith.constant 16 : i32
    %div3A = arith.divsi %add3A, %jit3A_10 : i32
    %sign3A = arith.constant 0 : i32
    %sign3A_11 = arith.cmpi sgt, %add3A, %sign3A : i32
    %sign3A_12 = arith.extui %sign3A_11 : i1 to i32
    %sign3A_13 = arith.constant 0 : i32
    %sign3A_14 = arith.cmpi slt, %add3A, %sign3A_13 : i32
    %sign3A_15 = arith.extui %sign3A_14 : i1 to i32
    %sign3A_16 = arith.subi %sign3A_12, %sign3A_15 : i32
    %sign3A_17 = arith.constant 0 : i32
    %sign3A_18 = arith.cmpi sgt, %jit3A_10, %sign3A_17 : i32
    %sign3A_19 = arith.extui %sign3A_18 : i1 to i32
    %sign3A_20 = arith.constant 0 : i32
    %sign3A_21 = arith.cmpi slt, %jit3A_10, %sign3A_20 : i32
    %sign3A_22 = arith.extui %sign3A_21 : i1 to i32
    %sign3A_23 = arith.subi %sign3A_19, %sign3A_22 : i32
    %ne3A_24 = arith.cmpi ne, %sign3A_16, %sign3A_23 : i32
    %rem3A_25 = arith.remsi %add3A, %jit3A_10 : i32
    %ne3A_26 = arith.constant 0 : i32
    %ne3A_27 = arith.cmpi ne, %rem3A_25, %ne3A_26 : i32
    %and3A_28 = arith.andi %ne3A_24, %ne3A_27 : i1
    %sub3A = arith.constant 1 : i32
    %sub3A_29 = arith.subi %div3A, %sub3A : i32
    %select_n3A_30 = arith.select %and3A_28, %sub3A_29, %div3A : i32
    %mul3A_31 = arith.constant 128 : i32
    %mul3A_32 = arith.muli %select_n3A_9, %mul3A_31 : i32
    %mul3A_33 = arith.constant 2 : i32
    %mul3A_34 = arith.muli %mul3A_33, %select_n3A_30 : i32
    %add3A_35 = arith.constant 0 : i32
    %add3A_36 = arith.addi %mul3A_34, %add3A_35 : i32
    "tpu.region"() ({
      %run_scoped3A = tpu.sem_alloc : memref<!tpu.dma_semaphore, #tpu.memory_space<semaphore_mem>>
      %dma_start3A_1891 = arith.constant 0 : i32
      %dma_start3A_1892 = arith.constant 0 : i32
      %dma_start3A_1893 = tpu.memref_slice %arg6[%dma_start3A_1891, %dma_start3A_1892] : memref<2x128xi32, #tpu.memory_space<vmem>> -> memref<1x128xi32, #tpu.memory_space<vmem>>
      %dma_start3A_1894 = tpu.memref_slice %arg2[%add3A_36, %mul3A_32] : memref<4x2048xi32, #tpu.memory_space<hbm>> -> memref<1x128xi32, #tpu.memory_space<hbm>>
      %dma_start3A_1895 = arith.constant 0 : i32
      %dma_start3A_1896 = arith.constant 0 : i32
      %dma_start3A_1897 = tpu.memref_slice %arg6[%dma_start3A_1895, %dma_start3A_1896] : memref<2x128xi32, #tpu.memory_space<vmem>> -> memref<1x128xi32, #tpu.memory_space<vmem>>
      %dma_start3A_1898 = tpu.memref_slice %arg2[%add3A_36, %mul3A_32] : memref<4x2048xi32, #tpu.memory_space<hbm>> -> memref<1x128xi32, #tpu.memory_space<hbm>>
      tpu.enqueue_dma source(%dma_start3A_1898 : memref<1x128xi32, #tpu.memory_space<hbm>>) target(%dma_start3A_1897 : memref<1x128xi32, #tpu.memory_space<vmem>>) target_semaphore(%run_scoped3A : memref<!tpu.dma_semaphore, #tpu.memory_space<semaphore_mem>>)
      %dma_wait3A_1899 = arith.constant 0 : i32
      %dma_wait3A_1900 = arith.constant 0 : i32
      %dma_wait3A_1901 = tpu.memref_slice %arg6[%dma_wait3A_1899, %dma_wait3A_1900] : memref<2x128xi32, #tpu.memory_space<vmem>> -> memref<1x128xi32, #tpu.memory_space<vmem>>
      %dma_wait3A_1902 = tpu.memref_slice %arg2[%add3A_36, %mul3A_32] : memref<4x2048xi32, #tpu.memory_space<hbm>> -> memref<1x128xi32, #tpu.memory_space<hbm>>
      %dma_wait3A_1903 = arith.constant 0 : i32
      %dma_wait3A_1904 = arith.constant 0 : i32
      %dma_wait3A_1905 = tpu.memref_slice %arg6[%dma_wait3A_1903, %dma_wait3A_1904] : memref<2x128xi32, #tpu.memory_space<vmem>> -> memref<1x128xi32, #tpu.memory_space<vmem>>
      %dma_wait3A_1906 = tpu.memref_slice %arg2[%add3A_36, %mul3A_32] : memref<4x2048xi32, #tpu.memory_space<hbm>> -> memref<1x128xi32, #tpu.memory_space<hbm>>
      tpu.wait_dma2 semaphore(%run_scoped3A : memref<!tpu.dma_semaphore, #tpu.memory_space<semaphore_mem>>) src(%dma_wait3A_1906 : memref<1x128xi32, #tpu.memory_space<hbm>>) dst(%dma_wait3A_1905 : memref<1x128xi32, #tpu.memory_space<vmem>>)
      tpu.yield
    }) : () -> ()
    %mul3A_37 = arith.constant 2 : i32
    %mul3A_38 = arith.muli %mul3A_37, %select_n3A_30 : i32
    %add3A_39 = arith.constant 1 : i32
    %add3A_40 = arith.addi %mul3A_38, %add3A_39 : i32
    "tpu.region"() ({
      %run_scoped3A = tpu.sem_alloc : memref<!tpu.dma_semaphore, #tpu.memory_space<semaphore_mem>>
      %dma_start3A_1891 = arith.constant 1 : i32
      %dma_start3A_1892 = arith.constant 0 : i32
      %dma_start3A_1893 = tpu.memref_slice %arg6[%dma_start3A_1891, %dma_start3A_1892] : memref<2x128xi32, #tpu.memory_space<vmem>> -> memref<1x128xi32, #tpu.memory_space<vmem>>
      %dma_start3A_1894 = tpu.memref_slice %arg2[%add3A_40, %mul3A_32] : memref<4x2048xi32, #tpu.memory_space<hbm>> -> memref<1x128xi32, #tpu.memory_space<hbm>>
      %dma_start3A_1895 = arith.constant 1 : i32
      %dma_start3A_1896 = arith.constant 0 : i32
      %dma_start3A_1897 = tpu.memref_slice %arg6[%dma_start3A_1895, %dma_start3A_1896] : memref<2x128xi32, #tpu.memory_space<vmem>> -> memref<1x128xi32, #tpu.memory_space<vmem>>
      %dma_start3A_1898 = tpu.memref_slice %arg2[%add3A_40, %mul3A_32] : memref<4x2048xi32, #tpu.memory_space<hbm>> -> memref<1x128xi32, #tpu.memory_space<hbm>>
      tpu.enqueue_dma source(%dma_start3A_1898 : memref<1x128xi32, #tpu.memory_space<hbm>>) target(%dma_start3A_1897 : memref<1x128xi32, #tpu.memory_space<vmem>>) target_semaphore(%run_scoped3A : memref<!tpu.dma_semaphore, #tpu.memory_space<semaphore_mem>>)
      %dma_wait3A_1899 = arith.constant 1 : i32
      %dma_wait3A_1900 = arith.constant 0 : i32
      %dma_wait3A_1901 = tpu.memref_slice %arg6[%dma_wait3A_1899, %dma_wait3A_1900] : memref<2x128xi32, #tpu.memory_space<vmem>> -> memref<1x128xi32, #tpu.memory_space<vmem>>
      %dma_wait3A_1902 = tpu.memref_slice %arg2[%add3A_40, %mul3A_32] : memref<4x2048xi32, #tpu.memory_space<hbm>> -> memref<1x128xi32, #tpu.memory_space<hbm>>
      %dma_wait3A_1903 = arith.constant 1 : i32
      %dma_wait3A_1904 = arith.constant 0 : i32
      %dma_wait3A_1905 = tpu.memref_slice %arg6[%dma_wait3A_1903, %dma_wait3A_1904] : memref<2x128xi32, #tpu.memory_space<vmem>> -> memref<1x128xi32, #tpu.memory_space<vmem>>
      %dma_wait3A_1906 = tpu.memref_slice %arg2[%add3A_40, %mul3A_32] : memref<4x2048xi32, #tpu.memory_space<hbm>> -> memref<1x128xi32, #tpu.memory_space<hbm>>
      tpu.wait_dma2 semaphore(%run_scoped3A : memref<!tpu.dma_semaphore, #tpu.memory_space<semaphore_mem>>) src(%dma_wait3A_1906 : memref<1x128xi32, #tpu.memory_space<hbm>>) dst(%dma_wait3A_1905 : memref<1x128xi32, #tpu.memory_space<vmem>>)
      tpu.yield
    }) : () -> ()
    %dma_start3A = arith.constant 0 : i32
    %dma_start3A_41 = arith.constant 0 : i32
    %dma_start3A_42 = tpu.memref_slice %arg8[%dma_start3A, %dma_start3A_41] : memref<64x256xf32, #tpu.memory_space<vmem>> -> memref<64x128xf32, #tpu.memory_space<vmem>>
    %dma_start3A_43 = arith.constant 0 : i32
    %dma_start3A_44 = tpu.memref_slice %arg4[%dma_start3A_43, %mul3A_32] : memref<64x2048xf32, #tpu.memory_space<hbm>> -> memref<64x128xf32, #tpu.memory_space<hbm>>
    %dma_start3A_45 = arith.constant 0 : i32
    %dma_start3A_46 = arith.constant 0 : i32
    %dma_start3A_47 = tpu.memref_slice %arg8[%dma_start3A_45, %dma_start3A_46] : memref<64x256xf32, #tpu.memory_space<vmem>> -> memref<64x128xf32, #tpu.memory_space<vmem>>
    %dma_start3A_48 = arith.constant 0 : i32
    %dma_start3A_49 = tpu.memref_slice %arg4[%dma_start3A_48, %mul3A_32] : memref<64x2048xf32, #tpu.memory_space<hbm>> -> memref<64x128xf32, #tpu.memory_space<hbm>>
    tpu.enqueue_dma source(%dma_start3A_49 : memref<64x128xf32, #tpu.memory_space<hbm>>) target(%dma_start3A_47 : memref<64x128xf32, #tpu.memory_space<vmem>>) target_semaphore(%arg18 : memref<!tpu.dma_semaphore, #tpu.memory_space<semaphore_mem>>)
    %dma_start3A_50 = arith.constant 0 : i32
    %dma_start3A_51 = arith.constant 128 : i32
    %dma_start3A_52 = tpu.memref_slice %arg8[%dma_start3A_50, %dma_start3A_51] : memref<64x256xf32, #tpu.memory_space<vmem>> -> memref<64x128xf32, #tpu.memory_space<vmem>>
    %dma_start3A_53 = arith.constant 0 : i32
    %dma_start3A_54 = tpu.memref_slice %arg4[%dma_start3A_53, %mul3A_32] : memref<64x2048xf32, #tpu.memory_space<hbm>> -> memref<64x128xf32, #tpu.memory_space<hbm>>
    %dma_start3A_55 = arith.constant 0 : i32
    %dma_start3A_56 = arith.constant 128 : i32
    %dma_start3A_57 = tpu.memref_slice %arg8[%dma_start3A_55, %dma_start3A_56] : memref<64x256xf32, #tpu.memory_space<vmem>> -> memref<64x128xf32, #tpu.memory_space<vmem>>
    %dma_start3A_58 = arith.constant 0 : i32
    %dma_start3A_59 = tpu.memref_slice %arg4[%dma_start3A_58, %mul3A_32] : memref<64x2048xf32, #tpu.memory_space<hbm>> -> memref<64x128xf32, #tpu.memory_space<hbm>>
    tpu.enqueue_dma source(%dma_start3A_59 : memref<64x128xf32, #tpu.memory_space<hbm>>) target(%dma_start3A_57 : memref<64x128xf32, #tpu.memory_space<vmem>>) target_semaphore(%arg18 : memref<!tpu.dma_semaphore, #tpu.memory_space<semaphore_mem>>)
    %get3A = arith.constant 0 : i32
    %get3A_60 = arith.index_cast %get3A : i32 to index
    %get3A_61 = arith.constant 0 : index
    %get3A_62 = tpu.vector_load %arg6[%get3A_60, %get3A_61] {strides = array<i32>} : memref<2x128xi32, #tpu.memory_space<vmem>>, vector<16xi32>,
    %slice3A = vector.extract_strided_slice %get3A_62 {offsets = [0], sizes = [1], strides = [1]} : vector<16xi32> to vector<1xi32>
    %squeeze3A = vector.extract %slice3A[0] : i32 from vector<1xi32>
    %swap3A = arith.constant 0 : i32
    %swap3A_63 = arith.index_cast %swap3A : i32 to index
    %swap3A_64 = memref.load %arg9[%swap3A_63] : memref<256xi32, #tpu.memory_space<smem>>
    memref.store %squeeze3A, %arg9[%swap3A_63] : memref<256xi32, #tpu.memory_space<smem>>
    %slice3A_65 = vector.extract_strided_slice %get3A_62 {offsets = [1], sizes = [1], strides = [1]} : vector<16xi32> to vector<1xi32>
    %squeeze3A_66 = vector.extract %slice3A_65[0] : i32 from vector<1xi32>
    %swap3A_67 = arith.constant 1 : i32
    %swap3A_68 = arith.index_cast %swap3A_67 : i32 to index
    %swap3A_69 = memref.load %arg9[%swap3A_68] : memref<256xi32, #tpu.memory_space<smem>>
    memref.store %squeeze3A_66, %arg9[%swap3A_68] : memref<256xi32, #tpu.memory_space<smem>>
    %slice3A_70 = vector.extract_strided_slice %get3A_62 {offsets = [2], sizes = [1], strides = [1]} : vector<16xi32> to vector<1xi32>
    %squeeze3A_71 = vector.extract %slice3A_70[0] : i32 from vector<1xi32>
    %swap3A_72 = arith.constant 2 : i32
    %swap3A_73 = arith.index_cast %swap3A_72 : i32 to index
    %swap3A_74 = memref.load %arg9[%swap3A_73] : memref<256xi32, #tpu.memory_space<smem>>
    memref.store %squeeze3A_71, %arg9[%swap3A_73] : memref<256xi32, #tpu.memory_space<smem>>
    %slice3A_75 = vector.extract_strided_slice %get3A_62 {offsets = [3], sizes = [1], strides = [1]} : vector<16xi32> to vector<1xi32>
    %squeeze3A_76 = vector.extract %slice3A_75[0] : i32 from vector<1xi32>
    %swap3A_77 = arith.constant 3 : i32
    %swap3A_78 = arith.index_cast %swap3A_77 : i32 to index
    %swap3A_79 = memref.load %arg9[%swap3A_78] : memref<256xi32, #tpu.memory_space<smem>>
    memref.store %squeeze3A_76, %arg9[%swap3A_78] : memref<256xi32, #tpu.memory_space<smem>>
    %slice3A_80 = vector.extract_strided_slice %get3A_62 {offsets = [4], sizes = [1], strides = [1]} : vector<16xi32> to vector<1xi32>
    %squeeze3A_81 = vector.extract %slice3A_80[0] : i32 from vector<1xi32>
    %swap3A_82 = arith.constant 4 : i32
    %swap3A_83 = arith.index_cast %swap3A_82 : i32 to index
    %swap3A_84 = memref.load %arg9[%swap3A_83] : memref<256xi32, #tpu.memory_space<smem>>
    memref.store %squeeze3A_81, %arg9[%swap3A_83] : memref<256xi32, #tpu.memory_space<smem>>
    %slice3A_85 = vector.extract_strided_slice %get3A_62 {offsets = [5], sizes = [1], strides = [1]} : vector<16xi32> to vector<1xi32>
    %squeeze3A_86 = vector.extract %slice3A_85[0] : i32 from vector<1xi32>
    %swap3A_87 = arith.constant 5 : i32
    %swap3A_88 = arith.index_cast %swap3A_87 : i32 to index
    %swap3A_89 = memref.load %arg9[%swap3A_88] : memref<256xi32, #tpu.memory_space<smem>>
    memref.store %squeeze3A_86, %arg9[%swap3A_88] : memref<256xi32, #tpu.memory_space<smem>>
    %slice3A_90 = vector.extract_strided_slice %get3A_62 {offsets = [6], sizes = [1], strides = [1]} : vector<16xi32> to vector<1xi32>
    %squeeze3A_91 = vector.extract %slice3A_90[0] : i32 from vector<1xi32>
    %swap3A_92 = arith.constant 6 : i32
    %swap3A_93 = arith.index_cast %swap3A_92 : i32 to index
    %swap3A_94 = memref.load %arg9[%swap3A_93] : memref<256xi32, #tpu.memory_space<smem>>
    memref.store %squeeze3A_91, %arg9[%swap3A_93] : memref<256xi32, #tpu.memory_space<smem>>
    %slice3A_95 = vector.extract_strided_slice %get3A_62 {offsets = [7], sizes = [1], strides = [1]} : vector<16xi32> to vector<1xi32>
    %squeeze3A_96 = vector.extract %slice3A_95[0] : i32 from vector<1xi32>
    %swap3A_97 = arith.constant 7 : i32
    %swap3A_98 = arith.index_cast %swap3A_97 : i32 to index
    %swap3A_99 = memref.load %arg9[%swap3A_98] : memref<256xi32, #tpu.memory_space<smem>>
    memref.store %squeeze3A_96, %arg9[%swap3A_98] : memref<256xi32, #tpu.memory_space<smem>>
    %slice3A_100 = vector.extract_strided_slice %get3A_62 {offsets = [8], sizes = [1], strides = [1]} : vector<16xi32> to vector<1xi32>
    %squeeze3A_101 = vector.extract %slice3A_100[0] : i32 from vector<1xi32>
    %swap3A_102 = arith.constant 8 : i32
    %swap3A_103 = arith.index_cast %swap3A_102 : i32 to index
    %swap3A_104 = memref.load %arg9[%swap3A_103] : memref<256xi32, #tpu.memory_space<smem>>
    memref.store %squeeze3A_101, %arg9[%swap3A_103] : memref<256xi32, #tpu.memory_space<smem>>
    %slice3A_105 = vector.extract_strided_slice %get3A_62 {offsets = [9], sizes = [1], strides = [1]} : vector<16xi32> to vector<1xi32>
    %squeeze3A_106 = vector.extract %slice3A_105[0] : i32 from vector<1xi32>
    %swap3A_107 = arith.constant 9 : i32
    %swap3A_108 = arith.index_cast %swap3A_107 : i32 to index
    %swap3A_109 = memref.load %arg9[%swap3A_108] : memref<256xi32, #tpu.memory_space<smem>>
    memref.store %squeeze3A_106, %arg9[%swap3A_108] : memref<256xi32, #tpu.memory_space<smem>>
    %slice3A_110 = vector.extract_strided_slice %get3A_62 {offsets = [10], sizes = [1], strides = [1]} : vector<16xi32> to vector<1xi32>
    %squeeze3A_111 = vector.extract %slice3A_110[0] : i32 from vector<1xi32>
    %swap3A_112 = arith.constant 10 : i32
    %swap3A_113 = arith.index_cast %swap3A_112 : i32 to index
    %swap3A_114 = memref.load %arg9[%swap3A_113] : memref<256xi32, #tpu.memory_space<smem>>
    memref.store %squeeze3A_111, %arg9[%swap3A_113] : memref<256xi32, #tpu.memory_space<smem>>
    %slice3A_115 = vector.extract_strided_slice %get3A_62 {offsets = [11], sizes = [1], strides = [1]} : vector<16xi32> to vector<1xi32>
    %squeeze3A_116 = vector.extract %slice3A_115[0] : i32 from vector<1xi32>
    %swap3A_117 = arith.constant 11 : i32
    %swap3A_118 = arith.index_cast %swap3A_117 : i32 to index
    %swap3A_119 = memref.load %arg9[%swap3A_118] : memref<256xi32, #tpu.memory_space<smem>>
    memref.store %squeeze3A_116, %arg9[%swap3A_118] : memref<256xi32, #tpu.memory_space<smem>>
    %slice3A_120 = vector.extract_strided_slice %get3A_62 {offsets = [12], sizes = [1], strides = [1]} : vector<16xi32> to vector<1xi32>
    %squeeze3A_121 = vector.extract %slice3A_120[0] : i32 from vector<1xi32>
    %swap3A_122 = arith.constant 12 : i32
    %swap3A_123 = arith.index_cast %swap3A_122 : i32 to index
    %swap3A_124 = memref.load %arg9[%swap3A_123] : memref<256xi32, #tpu.memory_space<smem>>
    memref.store %squeeze3A_121, %arg9[%swap3A_123] : memref<256xi32, #tpu.memory_space<smem>>
    %slice3A_125 = vector.extract_strided_slice %get3A_62 {offsets = [13], sizes = [1], strides = [1]} : vector<16xi32> to vector<1xi32>
    %squeeze3A_126 = vector.extract %slice3A_125[0] : i32 from vector<1xi32>
    %swap3A_127 = arith.constant 13 : i32
    %swap3A_128 = arith.index_cast %swap3A_127 : i32 to index
    %swap3A_129 = memref.load %arg9[%swap3A_128] : memref<256xi32, #tpu.memory_space<smem>>
    memref.store %squeeze3A_126, %arg9[%swap3A_128] : memref<256xi32, #tpu.memory_space<smem>>
    %slice3A_130 = vector.extract_strided_slice %get3A_62 {offsets = [14], sizes = [1], strides = [1]} : vector<16xi32> to vector<1xi32>
    %squeeze3A_131 = vector.extract %slice3A_130[0] : i32 from vector<1xi32>
    %swap3A_132 = arith.constant 14 : i32
    %swap3A_133 = arith.index_cast %swap3A_132 : i32 to index
    %swap3A_134 = memref.load %arg9[%swap3A_133] : memref<256xi32, #tpu.memory_space<smem>>
    memref.store %squeeze3A_131, %arg9[%swap3A_133] : memref<256xi32, #tpu.memory_space<smem>>
    %slice3A_135 = vector.extract_strided_slice %get3A_62 {offsets = [15], sizes = [1], strides = [1]} : vector<16xi32> to vector<1xi32>
    %squeeze3A_136 = vector.extract %slice3A_135[0] : i32 from vector<1xi32>
    %swap3A_137 = arith.constant 15 : i32
    %swap3A_138 = arith.index_cast %swap3A_137 : i32 to index
    %swap3A_139 = memref.load %arg9[%swap3A_138] : memref<256xi32, #tpu.memory_space<smem>>
    memref.store %squeeze3A_136, %arg9[%swap3A_138] : memref<256xi32, #tpu.memory_space<smem>>
    %get3A_140 = arith.constant 0 : i32
    %get3A_141 = arith.index_cast %get3A_140 : i32 to index
    %get3A_142 = arith.constant 16 : index
    %get3A_143 = tpu.vector_load %arg6[%get3A_141, %get3A_142] {strides = array<i32>} : memref<2x128xi32, #tpu.memory_space<vmem>>, vector<16xi32>,
    %slice3A_144 = vector.extract_strided_slice %get3A_143 {offsets = [0], sizes = [1], strides = [1]} : vector<16xi32> to vector<1xi32>
    %squeeze3A_145 = vector.extract %slice3A_144[0] : i32 from vector<1xi32>
    %swap3A_146 = arith.constant 16 : i32
    %swap3A_147 = arith.index_cast %swap3A_146 : i32 to index
    %swap3A_148 = memref.load %arg9[%swap3A_147] : memref<256xi32, #tpu.memory_space<smem>>
    memref.store %squeeze3A_145, %arg9[%swap3A_147] : memref<256xi32, #tpu.memory_space<smem>>
    %slice3A_149 = vector.extract_strided_slice %get3A_143 {offsets = [1], sizes = [1], strides = [1]} : vector<16xi32> to vector<1xi32>
    %squeeze3A_150 = vector.extract %slice3A_149[0] : i32 from vector<1xi32>
    %swap3A_151 = arith.constant 17 : i32
    %swap3A_152 = arith.index_cast %swap3A_151 : i32 to index
    %swap3A_153 = memref.load %arg9[%swap3A_152] : memref<256xi32, #tpu.memory_space<smem>>
    memref.store %squeeze3A_150, %arg9[%swap3A_152] : memref<256xi32, #tpu.memory_space<smem>>
    %slice3A_154 = vector.extract_strided_slice %get3A_143 {offsets = [2], sizes = [1], strides = [1]} : vector<16xi32> to vector<1xi32>
    %squeeze3A_155 = vector.extract %slice3A_154[0] : i32 from vector<1xi32>
    %swap3A_156 = arith.constant 18 : i32
    %swap3A_157 = arith.index_cast %swap3A_156 : i32 to index
    %swap3A_158 = memref.load %arg9[%swap3A_157] : memref<256xi32, #tpu.memory_space<smem>>
    memref.store %squeeze3A_155, %arg9[%swap3A_157] : memref<256xi32, #tpu.memory_space<smem>>
    %slice3A_159 = vector.extract_strided_slice %get3A_143 {offsets = [3], sizes = [1], strides = [1]} : vector<16xi32> to vector<1xi32>
    %squeeze3A_160 = vector.extract %slice3A_159[0] : i32 from vector<1xi32>
    %swap3A_161 = arith.constant 19 : i32
    %swap3A_162 = arith.index_cast %swap3A_161 : i32 to index
    %swap3A_163 = memref.load %arg9[%swap3A_162] : memref<256xi32, #tpu.memory_space<smem>>
    memref.store %squeeze3A_160, %arg9[%swap3A_162] : memref<256xi32, #tpu.memory_space<smem>>
    %slice3A_164 = vector.extract_strided_slice %get3A_143 {offsets = [4], sizes = [1], strides = [1]} : vector<16xi32> to vector<1xi32>
    %squeeze3A_165 = vector.extract %slice3A_164[0] : i32 from vector<1xi32>
    %swap3A_166 = arith.constant 20 : i32
    %swap3A_167 = arith.index_cast %swap3A_166 : i32 to index
    %swap3A_168 = memref.load %arg9[%swap3A_167] : memref<256xi32, #tpu.memory_space<smem>>
    memref.store %squeeze3A_165, %arg9[%swap3A_167] : memref<256xi32, #tpu.memory_space<smem>>
    %slice3A_169 = vector.extract_strided_slice %get3A_143 {offsets = [5], sizes = [1], strides = [1]} : vector<16xi32> to vector<1xi32>
    %squeeze3A_170 = vector.extract %slice3A_169[0] : i32 from vector<1xi32>
    %swap3A_171 = arith.constant 21 : i32
    %swap3A_172 = arith.index_cast %swap3A_171 : i32 to index
    %swap3A_173 = memref.load %arg9[%swap3A_172] : memref<256xi32, #tpu.memory_space<smem>>
    memref.store %squeeze3A_170, %arg9[%swap3A_172] : memref<256xi32, #tpu.memory_space<smem>>
    %slice3A_174 = vector.extract_strided_slice %get3A_143 {offsets = [6], sizes = [1], strides = [1]} : vector<16xi32> to vector<1xi32>
    %squeeze3A_175 = vector.extract %slice3A_174[0] : i32 from vector<1xi32>
    %swap3A_176 = arith.constant 22 : i32
    %swap3A_177 = arith.index_cast %swap3A_176 : i32 to index
    %swap3A_178 = memref.load %arg9[%swap3A_177] : memref<256xi32, #tpu.memory_space<smem>>
    memref.store %squeeze3A_175, %arg9[%swap3A_177] : memref<256xi32, #tpu.memory_space<smem>>
    %slice3A_179 = vector.extract_strided_slice %get3A_143 {offsets = [7], sizes = [1], strides = [1]} : vector<16xi32> to vector<1xi32>
    %squeeze3A_180 = vector.extract %slice3A_179[0] : i32 from vector<1xi32>
    %swap3A_181 = arith.constant 23 : i32
    %swap3A_182 = arith.index_cast %swap3A_181 : i32 to index
    %swap3A_183 = memref.load %arg9[%swap3A_182] : memref<256xi32, #tpu.memory_space<smem>>
    memref.store %squeeze3A_180, %arg9[%swap3A_182] : memref<256xi32, #tpu.memory_space<smem>>
    %slice3A_184 = vector.extract_strided_slice %get3A_143 {offsets = [8], sizes = [1], strides = [1]} : vector<16xi32> to vector<1xi32>
    %squeeze3A_185 = vector.extract %slice3A_184[0] : i32 from vector<1xi32>
    %swap3A_186 = arith.constant 24 : i32
    %swap3A_187 = arith.index_cast %swap3A_186 : i32 to index
    %swap3A_188 = memref.load %arg9[%swap3A_187] : memref<256xi32, #tpu.memory_space<smem>>
    memref.store %squeeze3A_185, %arg9[%swap3A_187] : memref<256xi32, #tpu.memory_space<smem>>
    %slice3A_189 = vector.extract_strided_slice %get3A_143 {offsets = [9], sizes = [1], strides = [1]} : vector<16xi32> to vector<1xi32>
    %squeeze3A_190 = vector.extract %slice3A_189[0] : i32 from vector<1xi32>
    %swap3A_191 = arith.constant 25 : i32
    %swap3A_192 = arith.index_cast %swap3A_191 : i32 to index
    %swap3A_193 = memref.load %arg9[%swap3A_192] : memref<256xi32, #tpu.memory_space<smem>>
    memref.store %squeeze3A_190, %arg9[%swap3A_192] : memref<256xi32, #tpu.memory_space<smem>>
    %slice3A_194 = vector.extract_strided_slice %get3A_143 {offsets = [10], sizes = [1], strides = [1]} : vector<16xi32> to vector<1xi32>
    %squeeze3A_195 = vector.extract %slice3A_194[0] : i32 from vector<1xi32>
    %swap3A_196 = arith.constant 26 : i32
    %swap3A_197 = arith.index_cast %swap3A_196 : i32 to index
    %swap3A_198 = memref.load %arg9[%swap3A_197] : memref<256xi32, #tpu.memory_space<smem>>
    memref.store %squeeze3A_195, %arg9[%swap3A_197] : memref<256xi32, #tpu.memory_space<smem>>
    %slice3A_199 = vector.extract_strided_slice %get3A_143 {offsets = [11], sizes = [1], strides = [1]} : vector<16xi32> to vector<1xi32>
    %squeeze3A_200 = vector.extract %slice3A_199[0] : i32 from vector<1xi32>
    %swap3A_201 = arith.constant 27 : i32
    %swap3A_202 = arith.index_cast %swap3A_201 : i32 to index
    %swap3A_203 = memref.load %arg9[%swap3A_202] : memref<256xi32, #tpu.memory_space<smem>>
    memref.store %squeeze3A_200, %arg9[%swap3A_202] : memref<256xi32, #tpu.memory_space<smem>>
    %slice3A_204 = vector.extract_strided_slice %get3A_143 {offsets = [12], sizes = [1], strides = [1]} : vector<16xi32> to vector<1xi32>
    %squeeze3A_205 = vector.extract %slice3A_204[0] : i32 from vector<1xi32>
    %swap3A_206 = arith.constant 28 : i32
    %swap3A_207 = arith.index_cast %swap3A_206 : i32 to index
    %swap3A_208 = memref.load %arg9[%swap3A_207] : memref<256xi32, #tpu.memory_space<smem>>
    memref.store %squeeze3A_205, %arg9[%swap3A_207] : memref<256xi32, #tpu.memory_space<smem>>
    %slice3A_209 = vector.extract_strided_slice %get3A_143 {offsets = [13], sizes = [1], strides = [1]} : vector<16xi32> to vector<1xi32>
    %squeeze3A_210 = vector.extract %slice3A_209[0] : i32 from vector<1xi32>
    %swap3A_211 = arith.constant 29 : i32
    %swap3A_212 = arith.index_cast %swap3A_211 : i32 to index
    %swap3A_213 = memref.load %arg9[%swap3A_212] : memref<256xi32, #tpu.memory_space<smem>>
    memref.store %squeeze3A_210, %arg9[%swap3A_212] : memref<256xi32, #tpu.memory_space<smem>>
    %slice3A_214 = vector.extract_strided_slice %get3A_143 {offsets = [14], sizes = [1], strides = [1]} : vector<16xi32> to vector<1xi32>
    %squeeze3A_215 = vector.extract %slice3A_214[0] : i32 from vector<1xi32>
    %swap3A_216 = arith.constant 30 : i32
    %swap3A_217 = arith.index_cast %swap3A_216 : i32 to index
    %swap3A_218 = memref.load %arg9[%swap3A_217] : memref<256xi32, #tpu.memory_space<smem>>
    memref.store %squeeze3A_215, %arg9[%swap3A_217] : memref<256xi32, #tpu.memory_space<smem>>
    %slice3A_219 = vector.extract_strided_slice %get3A_143 {offsets = [15], sizes = [1], strides = [1]} : vector<16xi32> to vector<1xi32>
    %squeeze3A_220 = vector.extract %slice3A_219[0] : i32 from vector<1xi32>
    %swap3A_221 = arith.constant 31 : i32
    %swap3A_222 = arith.index_cast %swap3A_221 : i32 to index
    %swap3A_223 = memref.load %arg9[%swap3A_222] : memref<256xi32, #tpu.memory_space<smem>>
    memref.store %squeeze3A_220, %arg9[%swap3A_222] : memref<256xi32, #tpu.memory_space<smem>>
    %get3A_224 = arith.constant 0 : i32
    %get3A_225 = arith.index_cast %get3A_224 : i32 to index
    %get3A_226 = arith.constant 32 : index
    %get3A_227 = tpu.vector_load %arg6[%get3A_225, %get3A_226] {strides = array<i32>} : memref<2x128xi32, #tpu.memory_space<vmem>>, vector<16xi32>,
    %slice3A_228 = vector.extract_strided_slice %get3A_227 {offsets = [0], sizes = [1], strides = [1]} : vector<16xi32> to vector<1xi32>
    %squeeze3A_229 = vector.extract %slice3A_228[0] : i32 from vector<1xi32>
    %swap3A_230 = arith.constant 32 : i32
    %swap3A_231 = arith.index_cast %swap3A_230 : i32 to index
    %swap3A_232 = memref.load %arg9[%swap3A_231] : memref<256xi32, #tpu.memory_space<smem>>
    memref.store %squeeze3A_229, %arg9[%swap3A_231] : memref<256xi32, #tpu.memory_space<smem>>
    %slice3A_233 = vector.extract_strided_slice %get3A_227 {offsets = [1], sizes = [1], strides = [1]} : vector<16xi32> to vector<1xi32>
    %squeeze3A_234 = vector.extract %slice3A_233[0] : i32 from vector<1xi32>
    %swap3A_235 = arith.constant 33 : i32
    %swap3A_236 = arith.index_cast %swap3A_235 : i32 to index
    %swap3A_237 = memref.load %arg9[%swap3A_236] : memref<256xi32, #tpu.memory_space<smem>>
    memref.store %squeeze3A_234, %arg9[%swap3A_236] : memref<256xi32, #tpu.memory_space<smem>>
    %slice3A_238 = vector.extract_strided_slice %get3A_227 {offsets = [2], sizes = [1], strides = [1]} : vector<16xi32> to vector<1xi32>
    %squeeze3A_239 = vector.extract %slice3A_238[0] : i32 from vector<1xi32>
    %swap3A_240 = arith.constant 34 : i32
    %swap3A_241 = arith.index_cast %swap3A_240 : i32 to index
    %swap3A_242 = memref.load %arg9[%swap3A_241] : memref<256xi32, #tpu.memory_space<smem>>
    memref.store %squeeze3A_239, %arg9[%swap3A_241] : memref<256xi32, #tpu.memory_space<smem>>
    %slice3A_243 = vector.extract_strided_slice %get3A_227 {offsets = [3], sizes = [1], strides = [1]} : vector<16xi32> to vector<1xi32>
    %squeeze3A_244 = vector.extract %slice3A_243[0] : i32 from vector<1xi32>
    %swap3A_245 = arith.constant 35 : i32
    %swap3A_246 = arith.index_cast %swap3A_245 : i32 to index
    %swap3A_247 = memref.load %arg9[%swap3A_246] : memref<256xi32, #tpu.memory_space<smem>>
    memref.store %squeeze3A_244, %arg9[%swap3A_246] : memref<256xi32, #tpu.memory_space<smem>>
    %slice3A_248 = vector.extract_strided_slice %get3A_227 {offsets = [4], sizes = [1], strides = [1]} : vector<16xi32> to vector<1xi32>
    %squeeze3A_249 = vector.extract %slice3A_248[0] : i32 from vector<1xi32>
    %swap3A_250 = arith.constant 36 : i32
    %swap3A_251 = arith.index_cast %swap3A_250 : i32 to index
    %swap3A_252 = memref.load %arg9[%swap3A_251] : memref<256xi32, #tpu.memory_space<smem>>
    memref.store %squeeze3A_249, %arg9[%swap3A_251] : memref<256xi32, #tpu.memory_space<smem>>
    %slice3A_253 = vector.extract_strided_slice %get3A_227 {offsets = [5], sizes = [1], strides = [1]} : vector<16xi32> to vector<1xi32>
    %squeeze3A_254 = vector.extract %slice3A_253[0] : i32 from vector<1xi32>
    %swap3A_255 = arith.constant 37 : i32
    %swap3A_256 = arith.index_cast %swap3A_255 : i32 to index
    %swap3A_257 = memref.load %arg9[%swap3A_256] : memref<256xi32, #tpu.memory_space<smem>>
    memref.store %squeeze3A_254, %arg9[%swap3A_256] : memref<256xi32, #tpu.memory_space<smem>>
    %slice3A_258 = vector.extract_strided_slice %get3A_227 {offsets = [6], sizes = [1], strides = [1]} : vector<16xi32> to vector<1xi32>
    %squeeze3A_259 = vector.extract %slice3A_258[0] : i32 from vector<1xi32>
    %swap3A_260 = arith.constant 38 : i32
    %swap3A_261 = arith.index_cast %swap3A_260 : i32 to index
    %swap3A_262 = memref.load %arg9[%swap3A_261] : memref<256xi32, #tpu.memory_space<smem>>
    memref.store %squeeze3A_259, %arg9[%swap3A_261] : memref<256xi32, #tpu.memory_space<smem>>
    %slice3A_263 = vector.extract_strided_slice %get3A_227 {offsets = [7], sizes = [1], strides = [1]} : vector<16xi32> to vector<1xi32>
    %squeeze3A_264 = vector.extract %slice3A_263[0] : i32 from vector<1xi32>
    %swap3A_265 = arith.constant 39 : i32
    %swap3A_266 = arith.index_cast %swap3A_265 : i32 to index
    %swap3A_267 = memref.load %arg9[%swap3A_266] : memref<256xi32, #tpu.memory_space<smem>>
    memref.store %squeeze3A_264, %arg9[%swap3A_266] : memref<256xi32, #tpu.memory_space<smem>>
    %slice3A_268 = vector.extract_strided_slice %get3A_227 {offsets = [8], sizes = [1], strides = [1]} : vector<16xi32> to vector<1xi32>
    %squeeze3A_269 = vector.extract %slice3A_268[0] : i32 from vector<1xi32>
    %swap3A_270 = arith.constant 40 : i32
    %swap3A_271 = arith.index_cast %swap3A_270 : i32 to index
    %swap3A_272 = memref.load %arg9[%swap3A_271] : memref<256xi32, #tpu.memory_space<smem>>
    memref.store %squeeze3A_269, %arg9[%swap3A_271] : memref<256xi32, #tpu.memory_space<smem>>
    %slice3A_273 = vector.extract_strided_slice %get3A_227 {offsets = [9], sizes = [1], strides = [1]} : vector<16xi32> to vector<1xi32>
    %squeeze3A_274 = vector.extract %slice3A_273[0] : i32 from vector<1xi32>
    %swap3A_275 = arith.constant 41 : i32
    %swap3A_276 = arith.index_cast %swap3A_275 : i32 to index
    %swap3A_277 = memref.load %arg9[%swap3A_276] : memref<256xi32, #tpu.memory_space<smem>>
    memref.store %squeeze3A_274, %arg9[%swap3A_276] : memref<256xi32, #tpu.memory_space<smem>>
    %slice3A_278 = vector.extract_strided_slice %get3A_227 {offsets = [10], sizes = [1], strides = [1]} : vector<16xi32> to vector<1xi32>
    %squeeze3A_279 = vector.extract %slice3A_278[0] : i32 from vector<1xi32>
    %swap3A_280 = arith.constant 42 : i32
    %swap3A_281 = arith.index_cast %swap3A_280 : i32 to index
    %swap3A_282 = memref.load %arg9[%swap3A_281] : memref<256xi32, #tpu.memory_space<smem>>
    memref.store %squeeze3A_279, %arg9[%swap3A_281] : memref<256xi32, #tpu.memory_space<smem>>
    %slice3A_283 = vector.extract_strided_slice %get3A_227 {offsets = [11], sizes = [1], strides = [1]} : vector<16xi32> to vector<1xi32>
    %squeeze3A_284 = vector.extract %slice3A_283[0] : i32 from vector<1xi32>
    %swap3A_285 = arith.constant 43 : i32
    %swap3A_286 = arith.index_cast %swap3A_285 : i32 to index
    %swap3A_287 = memref.load %arg9[%swap3A_286] : memref<256xi32, #tpu.memory_space<smem>>
    memref.store %squeeze3A_284, %arg9[%swap3A_286] : memref<256xi32, #tpu.memory_space<smem>>
    %slice3A_288 = vector.extract_strided_slice %get3A_227 {offsets = [12], sizes = [1], strides = [1]} : vector<16xi32> to vector<1xi32>
    %squeeze3A_289 = vector.extract %slice3A_288[0] : i32 from vector<1xi32>
    %swap3A_290 = arith.constant 44 : i32
    %swap3A_291 = arith.index_cast %swap3A_290 : i32 to index
    %swap3A_292 = memref.load %arg9[%swap3A_291] : memref<256xi32, #tpu.memory_space<smem>>
    memref.store %squeeze3A_289, %arg9[%swap3A_291] : memref<256xi32, #tpu.memory_space<smem>>
    %slice3A_293 = vector.extract_strided_slice %get3A_227 {offsets = [13], sizes = [1], strides = [1]} : vector<16xi32> to vector<1xi32>
    %squeeze3A_294 = vector.extract %slice3A_293[0] : i32 from vector<1xi32>
    %swap3A_295 = arith.constant 45 : i32
    %swap3A_296 = arith.index_cast %swap3A_295 : i32 to index
    %swap3A_297 = memref.load %arg9[%swap3A_296] : memref<256xi32, #tpu.memory_space<smem>>
    memref.store %squeeze3A_294, %arg9[%swap3A_296] : memref<256xi32, #tpu.memory_space<smem>>
    %slice3A_298 = vector.extract_strided_slice %get3A_227 {offsets = [14], sizes = [1], strides = [1]} : vector<16xi32> to vector<1xi32>
    %squeeze3A_299 = vector.extract %slice3A_298[0] : i32 from vector<1xi32>
    %swap3A_300 = arith.constant 46 : i32
    %swap3A_301 = arith.index_cast %swap3A_300 : i32 to index
    %swap3A_302 = memref.load %arg9[%swap3A_301] : memref<256xi32, #tpu.memory_space<smem>>
    memref.store %squeeze3A_299, %arg9[%swap3A_301] : memref<256xi32, #tpu.memory_space<smem>>
    %slice3A_303 = vector.extract_strided_slice %get3A_227 {offsets = [15], sizes = [1], strides = [1]} : vector<16xi32> to vector<1xi32>
    %squeeze3A_304 = vector.extract %slice3A_303[0] : i32 from vector<1xi32>
    %swap3A_305 = arith.constant 47 : i32
    %swap3A_306 = arith.index_cast %swap3A_305 : i32 to index
    %swap3A_307 = memref.load %arg9[%swap3A_306] : memref<256xi32, #tpu.memory_space<smem>>
    memref.store %squeeze3A_304, %arg9[%swap3A_306] : memref<256xi32, #tpu.memory_space<smem>>
    %get3A_308 = arith.constant 0 : i32
    %get3A_309 = arith.index_cast %get3A_308 : i32 to index
    %get3A_310 = arith.constant 48 : index
    %get3A_311 = tpu.vector_load %arg6[%get3A_309, %get3A_310] {strides = array<i32>} : memref<2x128xi32, #tpu.memory_space<vmem>>, vector<16xi32>,
    %slice3A_312 = vector.extract_strided_slice %get3A_311 {offsets = [0], sizes = [1], strides = [1]} : vector<16xi32> to vector<1xi32>
    %squeeze3A_313 = vector.extract %slice3A_312[0] : i32 from vector<1xi32>
    %swap3A_314 = arith.constant 48 : i32
    %swap3A_315 = arith.index_cast %swap3A_314 : i32 to index
    %swap3A_316 = memref.load %arg9[%swap3A_315] : memref<256xi32, #tpu.memory_space<smem>>
    memref.store %squeeze3A_313, %arg9[%swap3A_315] : memref<256xi32, #tpu.memory_space<smem>>
    %slice3A_317 = vector.extract_strided_slice %get3A_311 {offsets = [1], sizes = [1], strides = [1]} : vector<16xi32> to vector<1xi32>
    %squeeze3A_318 = vector.extract %slice3A_317[0] : i32 from vector<1xi32>
    %swap3A_319 = arith.constant 49 : i32
    %swap3A_320 = arith.index_cast %swap3A_319 : i32 to index
    %swap3A_321 = memref.load %arg9[%swap3A_320] : memref<256xi32, #tpu.memory_space<smem>>
    memref.store %squeeze3A_318, %arg9[%swap3A_320] : memref<256xi32, #tpu.memory_space<smem>>
    %slice3A_322 = vector.extract_strided_slice %get3A_311 {offsets = [2], sizes = [1], strides = [1]} : vector<16xi32> to vector<1xi32>
    %squeeze3A_323 = vector.extract %slice3A_322[0] : i32 from vector<1xi32>
    %swap3A_324 = arith.constant 50 : i32
    %swap3A_325 = arith.index_cast %swap3A_324 : i32 to index
    %swap3A_326 = memref.load %arg9[%swap3A_325] : memref<256xi32, #tpu.memory_space<smem>>
    memref.store %squeeze3A_323, %arg9[%swap3A_325] : memref<256xi32, #tpu.memory_space<smem>>
    %slice3A_327 = vector.extract_strided_slice %get3A_311 {offsets = [3], sizes = [1], strides = [1]} : vector<16xi32> to vector<1xi32>
    %squeeze3A_328 = vector.extract %slice3A_327[0] : i32 from vector<1xi32>
    %swap3A_329 = arith.constant 51 : i32
    %swap3A_330 = arith.index_cast %swap3A_329 : i32 to index
    %swap3A_331 = memref.load %arg9[%swap3A_330] : memref<256xi32, #tpu.memory_space<smem>>
    memref.store %squeeze3A_328, %arg9[%swap3A_330] : memref<256xi32, #tpu.memory_space<smem>>
    %slice3A_332 = vector.extract_strided_slice %get3A_311 {offsets = [4], sizes = [1], strides = [1]} : vector<16xi32> to vector<1xi32>
    %squeeze3A_333 = vector.extract %slice3A_332[0] : i32 from vector<1xi32>
    %swap3A_334 = arith.constant 52 : i32
    %swap3A_335 = arith.index_cast %swap3A_334 : i32 to index
    %swap3A_336 = memref.load %arg9[%swap3A_335] : memref<256xi32, #tpu.memory_space<smem>>
    memref.store %squeeze3A_333, %arg9[%swap3A_335] : memref<256xi32, #tpu.memory_space<smem>>
    %slice3A_337 = vector.extract_strided_slice %get3A_311 {offsets = [5], sizes = [1], strides = [1]} : vector<16xi32> to vector<1xi32>
    %squeeze3A_338 = vector.extract %slice3A_337[0] : i32 from vector<1xi32>
    %swap3A_339 = arith.constant 53 : i32
    %swap3A_340 = arith.index_cast %swap3A_339 : i32 to index
    %swap3A_341 = memref.load %arg9[%swap3A_340] : memref<256xi32, #tpu.memory_space<smem>>
    memref.store %squeeze3A_338, %arg9[%swap3A_340] : memref<256xi32, #tpu.memory_space<smem>>
    %slice3A_342 = vector.extract_strided_slice %get3A_311 {offsets = [6], sizes = [1], strides = [1]} : vector<16xi32> to vector<1xi32>
    %squeeze3A_343 = vector.extract %slice3A_342[0] : i32 from vector<1xi32>
    %swap3A_344 = arith.constant 54 : i32
    %swap3A_345 = arith.index_cast %swap3A_344 : i32 to index
    %swap3A_346 = memref.load %arg9[%swap3A_345] : memref<256xi32, #tpu.memory_space<smem>>
    memref.store %squeeze3A_343, %arg9[%swap3A_345] : memref<256xi32, #tpu.memory_space<smem>>
    %slice3A_347 = vector.extract_strided_slice %get3A_311 {offsets = [7], sizes = [1], strides = [1]} : vector<16xi32> to vector<1xi32>
    %squeeze3A_348 = vector.extract %slice3A_347[0] : i32 from vector<1xi32>
    %swap3A_349 = arith.constant 55 : i32
    %swap3A_350 = arith.index_cast %swap3A_349 : i32 to index
    %swap3A_351 = memref.load %arg9[%swap3A_350] : memref<256xi32, #tpu.memory_space<smem>>
    memref.store %squeeze3A_348, %arg9[%swap3A_350] : memref<256xi32, #tpu.memory_space<smem>>
    %slice3A_352 = vector.extract_strided_slice %get3A_311 {offsets = [8], sizes = [1], strides = [1]} : vector<16xi32> to vector<1xi32>
    %squeeze3A_353 = vector.extract %slice3A_352[0] : i32 from vector<1xi32>
    %swap3A_354 = arith.constant 56 : i32
    %swap3A_355 = arith.index_cast %swap3A_354 : i32 to index
    %swap3A_356 = memref.load %arg9[%swap3A_355] : memref<256xi32, #tpu.memory_space<smem>>
    memref.store %squeeze3A_353, %arg9[%swap3A_355] : memref<256xi32, #tpu.memory_space<smem>>
    %slice3A_357 = vector.extract_strided_slice %get3A_311 {offsets = [9], sizes = [1], strides = [1]} : vector<16xi32> to vector<1xi32>
    %squeeze3A_358 = vector.extract %slice3A_357[0] : i32 from vector<1xi32>
    %swap3A_359 = arith.constant 57 : i32
    %swap3A_360 = arith.index_cast %swap3A_359 : i32 to index
    %swap3A_361 = memref.load %arg9[%swap3A_360] : memref<256xi32, #tpu.memory_space<smem>>
    memref.store %squeeze3A_358, %arg9[%swap3A_360] : memref<256xi32, #tpu.memory_space<smem>>
    %slice3A_362 = vector.extract_strided_slice %get3A_311 {offsets = [10], sizes = [1], strides = [1]} : vector<16xi32> to vector<1xi32>
    %squeeze3A_363 = vector.extract %slice3A_362[0] : i32 from vector<1xi32>
    %swap3A_364 = arith.constant 58 : i32
    %swap3A_365 = arith.index_cast %swap3A_364 : i32 to index
    %swap3A_366 = memref.load %arg9[%swap3A_365] : memref<256xi32, #tpu.memory_space<smem>>
    memref.store %squeeze3A_363, %arg9[%swap3A_365] : memref<256xi32, #tpu.memory_space<smem>>
    %slice3A_367 = vector.extract_strided_slice %get3A_311 {offsets = [11], sizes = [1], strides = [1]} : vector<16xi32> to vector<1xi32>
    %squeeze3A_368 = vector.extract %slice3A_367[0] : i32 from vector<1xi32>
    %swap3A_369 = arith.constant 59 : i32
    %swap3A_370 = arith.index_cast %swap3A_369 : i32 to index
    %swap3A_371 = memref.load %arg9[%swap3A_370] : memref<256xi32, #tpu.memory_space<smem>>
    memref.store %squeeze3A_368, %arg9[%swap3A_370] : memref<256xi32, #tpu.memory_space<smem>>
    %slice3A_372 = vector.extract_strided_slice %get3A_311 {offsets = [12], sizes = [1], strides = [1]} : vector<16xi32> to vector<1xi32>
    %squeeze3A_373 = vector.extract %slice3A_372[0] : i32 from vector<1xi32>
    %swap3A_374 = arith.constant 60 : i32
    %swap3A_375 = arith.index_cast %swap3A_374 : i32 to index
    %swap3A_376 = memref.load %arg9[%swap3A_375] : memref<256xi32, #tpu.memory_space<smem>>
    memref.store %squeeze3A_373, %arg9[%swap3A_375] : memref<256xi32, #tpu.memory_space<smem>>
    %slice3A_377 = vector.extract_strided_slice %get3A_311 {offsets = [13], sizes = [1], strides = [1]} : vector<16xi32> to vector<1xi32>
    %squeeze3A_378 = vector.extract %slice3A_377[0] : i32 from vector<1xi32>
    %swap3A_379 = arith.constant 61 : i32
    %swap3A_380 = arith.index_cast %swap3A_379 : i32 to index
    %swap3A_381 = memref.load %arg9[%swap3A_380] : memref<256xi32, #tpu.memory_space<smem>>
    memref.store %squeeze3A_378, %arg9[%swap3A_380] : memref<256xi32, #tpu.memory_space<smem>>
    %slice3A_382 = vector.extract_strided_slice %get3A_311 {offsets = [14], sizes = [1], strides = [1]} : vector<16xi32> to vector<1xi32>
    %squeeze3A_383 = vector.extract %slice3A_382[0] : i32 from vector<1xi32>
    %swap3A_384 = arith.constant 62 : i32
    %swap3A_385 = arith.index_cast %swap3A_384 : i32 to index
    %swap3A_386 = memref.load %arg9[%swap3A_385] : memref<256xi32, #tpu.memory_space<smem>>
    memref.store %squeeze3A_383, %arg9[%swap3A_385] : memref<256xi32, #tpu.memory_space<smem>>
    %slice3A_387 = vector.extract_strided_slice %get3A_311 {offsets = [15], sizes = [1], strides = [1]} : vector<16xi32> to vector<1xi32>
    %squeeze3A_388 = vector.extract %slice3A_387[0] : i32 from vector<1xi32>
    %swap3A_389 = arith.constant 63 : i32
    %swap3A_390 = arith.index_cast %swap3A_389 : i32 to index
    %swap3A_391 = memref.load %arg9[%swap3A_390] : memref<256xi32, #tpu.memory_space<smem>>
    memref.store %squeeze3A_388, %arg9[%swap3A_390] : memref<256xi32, #tpu.memory_space<smem>>
    %get3A_392 = arith.constant 0 : i32
    %get3A_393 = arith.index_cast %get3A_392 : i32 to index
    %get3A_394 = arith.constant 64 : index
    %get3A_395 = tpu.vector_load %arg6[%get3A_393, %get3A_394] {strides = array<i32>} : memref<2x128xi32, #tpu.memory_space<vmem>>, vector<16xi32>,
    %slice3A_396 = vector.extract_strided_slice %get3A_395 {offsets = [0], sizes = [1], strides = [1]} : vector<16xi32> to vector<1xi32>
    %squeeze3A_397 = vector.extract %slice3A_396[0] : i32 from vector<1xi32>
    %swap3A_398 = arith.constant 64 : i32
    %swap3A_399 = arith.index_cast %swap3A_398 : i32 to index
    %swap3A_400 = memref.load %arg9[%swap3A_399] : memref<256xi32, #tpu.memory_space<smem>>
    memref.store %squeeze3A_397, %arg9[%swap3A_399] : memref<256xi32, #tpu.memory_space<smem>>
    %slice3A_401 = vector.extract_strided_slice %get3A_395 {offsets = [1], sizes = [1], strides = [1]} : vector<16xi32> to vector<1xi32>
    %squeeze3A_402 = vector.extract %slice3A_401[0] : i32 from vector<1xi32>
    %swap3A_403 = arith.constant 65 : i32
    %swap3A_404 = arith.index_cast %swap3A_403 : i32 to index
    %swap3A_405 = memref.load %arg9[%swap3A_404] : memref<256xi32, #tpu.memory_space<smem>>
    memref.store %squeeze3A_402, %arg9[%swap3A_404] : memref<256xi32, #tpu.memory_space<smem>>
    %slice3A_406 = vector.extract_strided_slice %get3A_395 {offsets = [2], sizes = [1], strides = [1]} : vector<16xi32> to vector<1xi32>
    %squeeze3A_407 = vector.extract %slice3A_406[0] : i32 from vector<1xi32>
    %swap3A_408 = arith.constant 66 : i32
    %swap3A_409 = arith.index_cast %swap3A_408 : i32 to index
    %swap3A_410 = memref.load %arg9[%swap3A_409] : memref<256xi32, #tpu.memory_space<smem>>
    memref.store %squeeze3A_407, %arg9[%swap3A_409] : memref<256xi32, #tpu.memory_space<smem>>
    %slice3A_411 = vector.extract_strided_slice %get3A_395 {offsets = [3], sizes = [1], strides = [1]} : vector<16xi32> to vector<1xi32>
    %squeeze3A_412 = vector.extract %slice3A_411[0] : i32 from vector<1xi32>
    %swap3A_413 = arith.constant 67 : i32
    %swap3A_414 = arith.index_cast %swap3A_413 : i32 to index
    %swap3A_415 = memref.load %arg9[%swap3A_414] : memref<256xi32, #tpu.memory_space<smem>>
    memref.store %squeeze3A_412, %arg9[%swap3A_414] : memref<256xi32, #tpu.memory_space<smem>>
    %slice3A_416 = vector.extract_strided_slice %get3A_395 {offsets = [4], sizes = [1], strides = [1]} : vector<16xi32> to vector<1xi32>
    %squeeze3A_417 = vector.extract %slice3A_416[0] : i32 from vector<1xi32>
    %swap3A_418 = arith.constant 68 : i32
    %swap3A_419 = arith.index_cast %swap3A_418 : i32 to index
    %swap3A_420 = memref.load %arg9[%swap3A_419] : memref<256xi32, #tpu.memory_space<smem>>
    memref.store %squeeze3A_417, %arg9[%swap3A_419] : memref<256xi32, #tpu.memory_space<smem>>
    %slice3A_421 = vector.extract_strided_slice %get3A_395 {offsets = [5], sizes = [1], strides = [1]} : vector<16xi32> to vector<1xi32>
    %squeeze3A_422 = vector.extract %slice3A_421[0] : i32 from vector<1xi32>
    %swap3A_423 = arith.constant 69 : i32
    %swap3A_424 = arith.index_cast %swap3A_423 : i32 to index
    %swap3A_425 = memref.load %arg9[%swap3A_424] : memref<256xi32, #tpu.memory_space<smem>>
    memref.store %squeeze3A_422, %arg9[%swap3A_424] : memref<256xi32, #tpu.memory_space<smem>>
    %slice3A_426 = vector.extract_strided_slice %get3A_395 {offsets = [6], sizes = [1], strides = [1]} : vector<16xi32> to vector<1xi32>
    %squeeze3A_427 = vector.extract %slice3A_426[0] : i32 from vector<1xi32>
    %swap3A_428 = arith.constant 70 : i32
    %swap3A_429 = arith.index_cast %swap3A_428 : i32 to index
    %swap3A_430 = memref.load %arg9[%swap3A_429] : memref<256xi32, #tpu.memory_space<smem>>
    memref.store %squeeze3A_427, %arg9[%swap3A_429] : memref<256xi32, #tpu.memory_space<smem>>
    %slice3A_431 = vector.extract_strided_slice %get3A_395 {offsets = [7], sizes = [1], strides = [1]} : vector<16xi32> to vector<1xi32>
    %squeeze3A_432 = vector.extract %slice3A_431[0] : i32 from vector<1xi32>
    %swap3A_433 = arith.constant 71 : i32
    %swap3A_434 = arith.index_cast %swap3A_433 : i32 to index
    %swap3A_435 = memref.load %arg9[%swap3A_434] : memref<256xi32, #tpu.memory_space<smem>>
    memref.store %squeeze3A_432, %arg9[%swap3A_434] : memref<256xi32, #tpu.memory_space<smem>>
    %slice3A_436 = vector.extract_strided_slice %get3A_395 {offsets = [8], sizes = [1], strides = [1]} : vector<16xi32> to vector<1xi32>
    %squeeze3A_437 = vector.extract %slice3A_436[0] : i32 from vector<1xi32>
    %swap3A_438 = arith.constant 72 : i32
    %swap3A_439 = arith.index_cast %swap3A_438 : i32 to index
    %swap3A_440 = memref.load %arg9[%swap3A_439] : memref<256xi32, #tpu.memory_space<smem>>
    memref.store %squeeze3A_437, %arg9[%swap3A_439] : memref<256xi32, #tpu.memory_space<smem>>
    %slice3A_441 = vector.extract_strided_slice %get3A_395 {offsets = [9], sizes = [1], strides = [1]} : vector<16xi32> to vector<1xi32>
    %squeeze3A_442 = vector.extract %slice3A_441[0] : i32 from vector<1xi32>
    %swap3A_443 = arith.constant 73 : i32
    %swap3A_444 = arith.index_cast %swap3A_443 : i32 to index
    %swap3A_445 = memref.load %arg9[%swap3A_444] : memref<256xi32, #tpu.memory_space<smem>>
    memref.store %squeeze3A_442, %arg9[%swap3A_444] : memref<256xi32, #tpu.memory_space<smem>>
    %slice3A_446 = vector.extract_strided_slice %get3A_395 {offsets = [10], sizes = [1], strides = [1]} : vector<16xi32> to vector<1xi32>
    %squeeze3A_447 = vector.extract %slice3A_446[0] : i32 from vector<1xi32>
    %swap3A_448 = arith.constant 74 : i32
    %swap3A_449 = arith.index_cast %swap3A_448 : i32 to index
    %swap3A_450 = memref.load %arg9[%swap3A_449] : memref<256xi32, #tpu.memory_space<smem>>
    memref.store %squeeze3A_447, %arg9[%swap3A_449] : memref<256xi32, #tpu.memory_space<smem>>
    %slice3A_451 = vector.extract_strided_slice %get3A_395 {offsets = [11], sizes = [1], strides = [1]} : vector<16xi32> to vector<1xi32>
    %squeeze3A_452 = vector.extract %slice3A_451[0] : i32 from vector<1xi32>
    %swap3A_453 = arith.constant 75 : i32
    %swap3A_454 = arith.index_cast %swap3A_453 : i32 to index
    %swap3A_455 = memref.load %arg9[%swap3A_454] : memref<256xi32, #tpu.memory_space<smem>>
    memref.store %squeeze3A_452, %arg9[%swap3A_454] : memref<256xi32, #tpu.memory_space<smem>>
    %slice3A_456 = vector.extract_strided_slice %get3A_395 {offsets = [12], sizes = [1], strides = [1]} : vector<16xi32> to vector<1xi32>
    %squeeze3A_457 = vector.extract %slice3A_456[0] : i32 from vector<1xi32>
    %swap3A_458 = arith.constant 76 : i32
    %swap3A_459 = arith.index_cast %swap3A_458 : i32 to index
    %swap3A_460 = memref.load %arg9[%swap3A_459] : memref<256xi32, #tpu.memory_space<smem>>
    memref.store %squeeze3A_457, %arg9[%swap3A_459] : memref<256xi32, #tpu.memory_space<smem>>
    %slice3A_461 = vector.extract_strided_slice %get3A_395 {offsets = [13], sizes = [1], strides = [1]} : vector<16xi32> to vector<1xi32>
    %squeeze3A_462 = vector.extract %slice3A_461[0] : i32 from vector<1xi32>
    %swap3A_463 = arith.constant 77 : i32
    %swap3A_464 = arith.index_cast %swap3A_463 : i32 to index
    %swap3A_465 = memref.load %arg9[%swap3A_464] : memref<256xi32, #tpu.memory_space<smem>>
    memref.store %squeeze3A_462, %arg9[%swap3A_464] : memref<256xi32, #tpu.memory_space<smem>>
    %slice3A_466 = vector.extract_strided_slice %get3A_395 {offsets = [14], sizes = [1], strides = [1]} : vector<16xi32> to vector<1xi32>
    %squeeze3A_467 = vector.extract %slice3A_466[0] : i32 from vector<1xi32>
    %swap3A_468 = arith.constant 78 : i32
    %swap3A_469 = arith.index_cast %swap3A_468 : i32 to index
    %swap3A_470 = memref.load %arg9[%swap3A_469] : memref<256xi32, #tpu.memory_space<smem>>
    memref.store %squeeze3A_467, %arg9[%swap3A_469] : memref<256xi32, #tpu.memory_space<smem>>
    %slice3A_471 = vector.extract_strided_slice %get3A_395 {offsets = [15], sizes = [1], strides = [1]} : vector<16xi32> to vector<1xi32>
    %squeeze3A_472 = vector.extract %slice3A_471[0] : i32 from vector<1xi32>
    %swap3A_473 = arith.constant 79 : i32
    %swap3A_474 = arith.index_cast %swap3A_473 : i32 to index
    %swap3A_475 = memref.load %arg9[%swap3A_474] : memref<256xi32, #tpu.memory_space<smem>>
    memref.store %squeeze3A_472, %arg9[%swap3A_474] : memref<256xi32, #tpu.memory_space<smem>>
    %get3A_476 = arith.constant 0 : i32
    %get3A_477 = arith.index_cast %get3A_476 : i32 to index
    %get3A_478 = arith.constant 80 : index
    %get3A_479 = tpu.vector_load %arg6[%get3A_477, %get3A_478] {strides = array<i32>} : memref<2x128xi32, #tpu.memory_space<vmem>>, vector<16xi32>,
    %slice3A_480 = vector.extract_strided_slice %get3A_479 {offsets = [0], sizes = [1], strides = [1]} : vector<16xi32> to vector<1xi32>
    %squeeze3A_481 = vector.extract %slice3A_480[0] : i32 from vector<1xi32>
    %swap3A_482 = arith.constant 80 : i32
    %swap3A_483 = arith.index_cast %swap3A_482 : i32 to index
    %swap3A_484 = memref.load %arg9[%swap3A_483] : memref<256xi32, #tpu.memory_space<smem>>
    memref.store %squeeze3A_481, %arg9[%swap3A_483] : memref<256xi32, #tpu.memory_space<smem>>
    %slice3A_485 = vector.extract_strided_slice %get3A_479 {offsets = [1], sizes = [1], strides = [1]} : vector<16xi32> to vector<1xi32>
    %squeeze3A_486 = vector.extract %slice3A_485[0] : i32 from vector<1xi32>
    %swap3A_487 = arith.constant 81 : i32
    %swap3A_488 = arith.index_cast %swap3A_487 : i32 to index
    %swap3A_489 = memref.load %arg9[%swap3A_488] : memref<256xi32, #tpu.memory_space<smem>>
    memref.store %squeeze3A_486, %arg9[%swap3A_488] : memref<256xi32, #tpu.memory_space<smem>>
    %slice3A_490 = vector.extract_strided_slice %get3A_479 {offsets = [2], sizes = [1], strides = [1]} : vector<16xi32> to vector<1xi32>
    %squeeze3A_491 = vector.extract %slice3A_490[0] : i32 from vector<1xi32>
    %swap3A_492 = arith.constant 82 : i32
    %swap3A_493 = arith.index_cast %swap3A_492 : i32 to index
    %swap3A_494 = memref.load %arg9[%swap3A_493] : memref<256xi32, #tpu.memory_space<smem>>
    memref.store %squeeze3A_491, %arg9[%swap3A_493] : memref<256xi32, #tpu.memory_space<smem>>
    %slice3A_495 = vector.extract_strided_slice %get3A_479 {offsets = [3], sizes = [1], strides = [1]} : vector<16xi32> to vector<1xi32>
    %squeeze3A_496 = vector.extract %slice3A_495[0] : i32 from vector<1xi32>
    %swap3A_497 = arith.constant 83 : i32
    %swap3A_498 = arith.index_cast %swap3A_497 : i32 to index
    %swap3A_499 = memref.load %arg9[%swap3A_498] : memref<256xi32, #tpu.memory_space<smem>>
    memref.store %squeeze3A_496, %arg9[%swap3A_498] : memref<256xi32, #tpu.memory_space<smem>>
    %slice3A_500 = vector.extract_strided_slice %get3A_479 {offsets = [4], sizes = [1], strides = [1]} : vector<16xi32> to vector<1xi32>
    %squeeze3A_501 = vector.extract %slice3A_500[0] : i32 from vector<1xi32>
    %swap3A_502 = arith.constant 84 : i32
    %swap3A_503 = arith.index_cast %swap3A_502 : i32 to index
    %swap3A_504 = memref.load %arg9[%swap3A_503] : memref<256xi32, #tpu.memory_space<smem>>
    memref.store %squeeze3A_501, %arg9[%swap3A_503] : memref<256xi32, #tpu.memory_space<smem>>
    %slice3A_505 = vector.extract_strided_slice %get3A_479 {offsets = [5], sizes = [1], strides = [1]} : vector<16xi32> to vector<1xi32>
    %squeeze3A_506 = vector.extract %slice3A_505[0] : i32 from vector<1xi32>
    %swap3A_507 = arith.constant 85 : i32
    %swap3A_508 = arith.index_cast %swap3A_507 : i32 to index
    %swap3A_509 = memref.load %arg9[%swap3A_508] : memref<256xi32, #tpu.memory_space<smem>>
    memref.store %squeeze3A_506, %arg9[%swap3A_508] : memref<256xi32, #tpu.memory_space<smem>>
    %slice3A_510 = vector.extract_strided_slice %get3A_479 {offsets = [6], sizes = [1], strides = [1]} : vector<16xi32> to vector<1xi32>
    %squeeze3A_511 = vector.extract %slice3A_510[0] : i32 from vector<1xi32>
    %swap3A_512 = arith.constant 86 : i32
    %swap3A_513 = arith.index_cast %swap3A_512 : i32 to index
    %swap3A_514 = memref.load %arg9[%swap3A_513] : memref<256xi32, #tpu.memory_space<smem>>
    memref.store %squeeze3A_511, %arg9[%swap3A_513] : memref<256xi32, #tpu.memory_space<smem>>
    %slice3A_515 = vector.extract_strided_slice %get3A_479 {offsets = [7], sizes = [1], strides = [1]} : vector<16xi32> to vector<1xi32>
    %squeeze3A_516 = vector.extract %slice3A_515[0] : i32 from vector<1xi32>
    %swap3A_517 = arith.constant 87 : i32
    %swap3A_518 = arith.index_cast %swap3A_517 : i32 to index
    %swap3A_519 = memref.load %arg9[%swap3A_518] : memref<256xi32, #tpu.memory_space<smem>>
    memref.store %squeeze3A_516, %arg9[%swap3A_518] : memref<256xi32, #tpu.memory_space<smem>>
    %slice3A_520 = vector.extract_strided_slice %get3A_479 {offsets = [8], sizes = [1], strides = [1]} : vector<16xi32> to vector<1xi32>
    %squeeze3A_521 = vector.extract %slice3A_520[0] : i32 from vector<1xi32>
    %swap3A_522 = arith.constant 88 : i32
    %swap3A_523 = arith.index_cast %swap3A_522 : i32 to index
    %swap3A_524 = memref.load %arg9[%swap3A_523] : memref<256xi32, #tpu.memory_space<smem>>
    memref.store %squeeze3A_521, %arg9[%swap3A_523] : memref<256xi32, #tpu.memory_space<smem>>
    %slice3A_525 = vector.extract_strided_slice %get3A_479 {offsets = [9], sizes = [1], strides = [1]} : vector<16xi32> to vector<1xi32>
    %squeeze3A_526 = vector.extract %slice3A_525[0] : i32 from vector<1xi32>
    %swap3A_527 = arith.constant 89 : i32
    %swap3A_528 = arith.index_cast %swap3A_527 : i32 to index
    %swap3A_529 = memref.load %arg9[%swap3A_528] : memref<256xi32, #tpu.memory_space<smem>>
    memref.store %squeeze3A_526, %arg9[%swap3A_528] : memref<256xi32, #tpu.memory_space<smem>>
    %slice3A_530 = vector.extract_strided_slice %get3A_479 {offsets = [10], sizes = [1], strides = [1]} : vector<16xi32> to vector<1xi32>
    %squeeze3A_531 = vector.extract %slice3A_530[0] : i32 from vector<1xi32>
    %swap3A_532 = arith.constant 90 : i32
    %swap3A_533 = arith.index_cast %swap3A_532 : i32 to index
    %swap3A_534 = memref.load %arg9[%swap3A_533] : memref<256xi32, #tpu.memory_space<smem>>
    memref.store %squeeze3A_531, %arg9[%swap3A_533] : memref<256xi32, #tpu.memory_space<smem>>
    %slice3A_535 = vector.extract_strided_slice %get3A_479 {offsets = [11], sizes = [1], strides = [1]} : vector<16xi32> to vector<1xi32>
    %squeeze3A_536 = vector.extract %slice3A_535[0] : i32 from vector<1xi32>
    %swap3A_537 = arith.constant 91 : i32
    %swap3A_538 = arith.index_cast %swap3A_537 : i32 to index
    %swap3A_539 = memref.load %arg9[%swap3A_538] : memref<256xi32, #tpu.memory_space<smem>>
    memref.store %squeeze3A_536, %arg9[%swap3A_538] : memref<256xi32, #tpu.memory_space<smem>>
    %slice3A_540 = vector.extract_strided_slice %get3A_479 {offsets = [12], sizes = [1], strides = [1]} : vector<16xi32> to vector<1xi32>
    %squeeze3A_541 = vector.extract %slice3A_540[0] : i32 from vector<1xi32>
    %swap3A_542 = arith.constant 92 : i32
    %swap3A_543 = arith.index_cast %swap3A_542 : i32 to index
    %swap3A_544 = memref.load %arg9[%swap3A_543] : memref<256xi32, #tpu.memory_space<smem>>
    memref.store %squeeze3A_541, %arg9[%swap3A_543] : memref<256xi32, #tpu.memory_space<smem>>
    %slice3A_545 = vector.extract_strided_slice %get3A_479 {offsets = [13], sizes = [1], strides = [1]} : vector<16xi32> to vector<1xi32>
    %squeeze3A_546 = vector.extract %slice3A_545[0] : i32 from vector<1xi32>
    %swap3A_547 = arith.constant 93 : i32
    %swap3A_548 = arith.index_cast %swap3A_547 : i32 to index
    %swap3A_549 = memref.load %arg9[%swap3A_548] : memref<256xi32, #tpu.memory_space<smem>>
    memref.store %squeeze3A_546, %arg9[%swap3A_548] : memref<256xi32, #tpu.memory_space<smem>>
    %slice3A_550 = vector.extract_strided_slice %get3A_479 {offsets = [14], sizes = [1], strides = [1]} : vector<16xi32> to vector<1xi32>
    %squeeze3A_551 = vector.extract %slice3A_550[0] : i32 from vector<1xi32>
    %swap3A_552 = arith.constant 94 : i32
    %swap3A_553 = arith.index_cast %swap3A_552 : i32 to index
    %swap3A_554 = memref.load %arg9[%swap3A_553] : memref<256xi32, #tpu.memory_space<smem>>
    memref.store %squeeze3A_551, %arg9[%swap3A_553] : memref<256xi32, #tpu.memory_space<smem>>
    %slice3A_555 = vector.extract_strided_slice %get3A_479 {offsets = [15], sizes = [1], strides = [1]} : vector<16xi32> to vector<1xi32>
    %squeeze3A_556 = vector.extract %slice3A_555[0] : i32 from vector<1xi32>
    %swap3A_557 = arith.constant 95 : i32
    %swap3A_558 = arith.index_cast %swap3A_557 : i32 to index
    %swap3A_559 = memref.load %arg9[%swap3A_558] : memref<256xi32, #tpu.memory_space<smem>>
    memref.store %squeeze3A_556, %arg9[%swap3A_558] : memref<256xi32, #tpu.memory_space<smem>>
    %get3A_560 = arith.constant 0 : i32
    %get3A_561 = arith.index_cast %get3A_560 : i32 to index
    %get3A_562 = arith.constant 96 : index
    %get3A_563 = tpu.vector_load %arg6[%get3A_561, %get3A_562] {strides = array<i32>} : memref<2x128xi32, #tpu.memory_space<vmem>>, vector<16xi32>,
    %slice3A_564 = vector.extract_strided_slice %get3A_563 {offsets = [0], sizes = [1], strides = [1]} : vector<16xi32> to vector<1xi32>
    %squeeze3A_565 = vector.extract %slice3A_564[0] : i32 from vector<1xi32>
    %swap3A_566 = arith.constant 96 : i32
    %swap3A_567 = arith.index_cast %swap3A_566 : i32 to index
    %swap3A_568 = memref.load %arg9[%swap3A_567] : memref<256xi32, #tpu.memory_space<smem>>
    memref.store %squeeze3A_565, %arg9[%swap3A_567] : memref<256xi32, #tpu.memory_space<smem>>
    %slice3A_569 = vector.extract_strided_slice %get3A_563 {offsets = [1], sizes = [1], strides = [1]} : vector<16xi32> to vector<1xi32>
    %squeeze3A_570 = vector.extract %slice3A_569[0] : i32 from vector<1xi32>
    %swap3A_571 = arith.constant 97 : i32
    %swap3A_572 = arith.index_cast %swap3A_571 : i32 to index
    %swap3A_573 = memref.load %arg9[%swap3A_572] : memref<256xi32, #tpu.memory_space<smem>>
    memref.store %squeeze3A_570, %arg9[%swap3A_572] : memref<256xi32, #tpu.memory_space<smem>>
    %slice3A_574 = vector.extract_strided_slice %get3A_563 {offsets = [2], sizes = [1], strides = [1]} : vector<16xi32> to vector<1xi32>
    %squeeze3A_575 = vector.extract %slice3A_574[0] : i32 from vector<1xi32>
    %swap3A_576 = arith.constant 98 : i32
    %swap3A_577 = arith.index_cast %swap3A_576 : i32 to index
    %swap3A_578 = memref.load %arg9[%swap3A_577] : memref<256xi32, #tpu.memory_space<smem>>
    memref.store %squeeze3A_575, %arg9[%swap3A_577] : memref<256xi32, #tpu.memory_space<smem>>
    %slice3A_579 = vector.extract_strided_slice %get3A_563 {offsets = [3], sizes = [1], strides = [1]} : vector<16xi32> to vector<1xi32>
    %squeeze3A_580 = vector.extract %slice3A_579[0] : i32 from vector<1xi32>
    %swap3A_581 = arith.constant 99 : i32
    %swap3A_582 = arith.index_cast %swap3A_581 : i32 to index
    %swap3A_583 = memref.load %arg9[%swap3A_582] : memref<256xi32, #tpu.memory_space<smem>>
    memref.store %squeeze3A_580, %arg9[%swap3A_582] : memref<256xi32, #tpu.memory_space<smem>>
    %slice3A_584 = vector.extract_strided_slice %get3A_563 {offsets = [4], sizes = [1], strides = [1]} : vector<16xi32> to vector<1xi32>
    %squeeze3A_585 = vector.extract %slice3A_584[0] : i32 from vector<1xi32>
    %swap3A_586 = arith.constant 100 : i32
    %swap3A_587 = arith.index_cast %swap3A_586 : i32 to index
    %swap3A_588 = memref.load %arg9[%swap3A_587] : memref<256xi32, #tpu.memory_space<smem>>
    memref.store %squeeze3A_585, %arg9[%swap3A_587] : memref<256xi32, #tpu.memory_space<smem>>
    %slice3A_589 = vector.extract_strided_slice %get3A_563 {offsets = [5], sizes = [1], strides = [1]} : vector<16xi32> to vector<1xi32>
    %squeeze3A_590 = vector.extract %slice3A_589[0] : i32 from vector<1xi32>
    %swap3A_591 = arith.constant 101 : i32
    %swap3A_592 = arith.index_cast %swap3A_591 : i32 to index
    %swap3A_593 = memref.load %arg9[%swap3A_592] : memref<256xi32, #tpu.memory_space<smem>>
    memref.store %squeeze3A_590, %arg9[%swap3A_592] : memref<256xi32, #tpu.memory_space<smem>>
    %slice3A_594 = vector.extract_strided_slice %get3A_563 {offsets = [6], sizes = [1], strides = [1]} : vector<16xi32> to vector<1xi32>
    %squeeze3A_595 = vector.extract %slice3A_594[0] : i32 from vector<1xi32>
    %swap3A_596 = arith.constant 102 : i32
    %swap3A_597 = arith.index_cast %swap3A_596 : i32 to index
    %swap3A_598 = memref.load %arg9[%swap3A_597] : memref<256xi32, #tpu.memory_space<smem>>
    memref.store %squeeze3A_595, %arg9[%swap3A_597] : memref<256xi32, #tpu.memory_space<smem>>
    %slice3A_599 = vector.extract_strided_slice %get3A_563 {offsets = [7], sizes = [1], strides = [1]} : vector<16xi32> to vector<1xi32>
    %squeeze3A_600 = vector.extract %slice3A_599[0] : i32 from vector<1xi32>
    %swap3A_601 = arith.constant 103 : i32
    %swap3A_602 = arith.index_cast %swap3A_601 : i32 to index
    %swap3A_603 = memref.load %arg9[%swap3A_602] : memref<256xi32, #tpu.memory_space<smem>>
    memref.store %squeeze3A_600, %arg9[%swap3A_602] : memref<256xi32, #tpu.memory_space<smem>>
    %slice3A_604 = vector.extract_strided_slice %get3A_563 {offsets = [8], sizes = [1], strides = [1]} : vector<16xi32> to vector<1xi32>
    %squeeze3A_605 = vector.extract %slice3A_604[0] : i32 from vector<1xi32>
    %swap3A_606 = arith.constant 104 : i32
    %swap3A_607 = arith.index_cast %swap3A_606 : i32 to index
    %swap3A_608 = memref.load %arg9[%swap3A_607] : memref<256xi32, #tpu.memory_space<smem>>
    memref.store %squeeze3A_605, %arg9[%swap3A_607] : memref<256xi32, #tpu.memory_space<smem>>
    %slice3A_609 = vector.extract_strided_slice %get3A_563 {offsets = [9], sizes = [1], strides = [1]} : vector<16xi32> to vector<1xi32>
    %squeeze3A_610 = vector.extract %slice3A_609[0] : i32 from vector<1xi32>
    %swap3A_611 = arith.constant 105 : i32
    %swap3A_612 = arith.index_cast %swap3A_611 : i32 to index
    %swap3A_613 = memref.load %arg9[%swap3A_612] : memref<256xi32, #tpu.memory_space<smem>>
    memref.store %squeeze3A_610, %arg9[%swap3A_612] : memref<256xi32, #tpu.memory_space<smem>>
    %slice3A_614 = vector.extract_strided_slice %get3A_563 {offsets = [10], sizes = [1], strides = [1]} : vector<16xi32> to vector<1xi32>
    %squeeze3A_615 = vector.extract %slice3A_614[0] : i32 from vector<1xi32>
    %swap3A_616 = arith.constant 106 : i32
    %swap3A_617 = arith.index_cast %swap3A_616 : i32 to index
    %swap3A_618 = memref.load %arg9[%swap3A_617] : memref<256xi32, #tpu.memory_space<smem>>
    memref.store %squeeze3A_615, %arg9[%swap3A_617] : memref<256xi32, #tpu.memory_space<smem>>
    %slice3A_619 = vector.extract_strided_slice %get3A_563 {offsets = [11], sizes = [1], strides = [1]} : vector<16xi32> to vector<1xi32>
    %squeeze3A_620 = vector.extract %slice3A_619[0] : i32 from vector<1xi32>
    %swap3A_621 = arith.constant 107 : i32
    %swap3A_622 = arith.index_cast %swap3A_621 : i32 to index
    %swap3A_623 = memref.load %arg9[%swap3A_622] : memref<256xi32, #tpu.memory_space<smem>>
    memref.store %squeeze3A_620, %arg9[%swap3A_622] : memref<256xi32, #tpu.memory_space<smem>>
    %slice3A_624 = vector.extract_strided_slice %get3A_563 {offsets = [12], sizes = [1], strides = [1]} : vector<16xi32> to vector<1xi32>
    %squeeze3A_625 = vector.extract %slice3A_624[0] : i32 from vector<1xi32>
    %swap3A_626 = arith.constant 108 : i32
    %swap3A_627 = arith.index_cast %swap3A_626 : i32 to index
    %swap3A_628 = memref.load %arg9[%swap3A_627] : memref<256xi32, #tpu.memory_space<smem>>
    memref.store %squeeze3A_625, %arg9[%swap3A_627] : memref<256xi32, #tpu.memory_space<smem>>
    %slice3A_629 = vector.extract_strided_slice %get3A_563 {offsets = [13], sizes = [1], strides = [1]} : vector<16xi32> to vector<1xi32>
    %squeeze3A_630 = vector.extract %slice3A_629[0] : i32 from vector<1xi32>
    %swap3A_631 = arith.constant 109 : i32
    %swap3A_632 = arith.index_cast %swap3A_631 : i32 to index
    %swap3A_633 = memref.load %arg9[%swap3A_632] : memref<256xi32, #tpu.memory_space<smem>>
    memref.store %squeeze3A_630, %arg9[%swap3A_632] : memref<256xi32, #tpu.memory_space<smem>>
    %slice3A_634 = vector.extract_strided_slice %get3A_563 {offsets = [14], sizes = [1], strides = [1]} : vector<16xi32> to vector<1xi32>
    %squeeze3A_635 = vector.extract %slice3A_634[0] : i32 from vector<1xi32>
    %swap3A_636 = arith.constant 110 : i32
    %swap3A_637 = arith.index_cast %swap3A_636 : i32 to index
    %swap3A_638 = memref.load %arg9[%swap3A_637] : memref<256xi32, #tpu.memory_space<smem>>
    memref.store %squeeze3A_635, %arg9[%swap3A_637] : memref<256xi32, #tpu.memory_space<smem>>
    %slice3A_639 = vector.extract_strided_slice %get3A_563 {offsets = [15], sizes = [1], strides = [1]} : vector<16xi32> to vector<1xi32>
    %squeeze3A_640 = vector.extract %slice3A_639[0] : i32 from vector<1xi32>
    %swap3A_641 = arith.constant 111 : i32
    %swap3A_642 = arith.index_cast %swap3A_641 : i32 to index
    %swap3A_643 = memref.load %arg9[%swap3A_642] : memref<256xi32, #tpu.memory_space<smem>>
    memref.store %squeeze3A_640, %arg9[%swap3A_642] : memref<256xi32, #tpu.memory_space<smem>>
    %get3A_644 = arith.constant 0 : i32
    %get3A_645 = arith.index_cast %get3A_644 : i32 to index
    %get3A_646 = arith.constant 112 : index
    %get3A_647 = tpu.vector_load %arg6[%get3A_645, %get3A_646] {strides = array<i32>} : memref<2x128xi32, #tpu.memory_space<vmem>>, vector<16xi32>,
    %slice3A_648 = vector.extract_strided_slice %get3A_647 {offsets = [0], sizes = [1], strides = [1]} : vector<16xi32> to vector<1xi32>
    %squeeze3A_649 = vector.extract %slice3A_648[0] : i32 from vector<1xi32>
    %swap3A_650 = arith.constant 112 : i32
    %swap3A_651 = arith.index_cast %swap3A_650 : i32 to index
    %swap3A_652 = memref.load %arg9[%swap3A_651] : memref<256xi32, #tpu.memory_space<smem>>
    memref.store %squeeze3A_649, %arg9[%swap3A_651] : memref<256xi32, #tpu.memory_space<smem>>
    %slice3A_653 = vector.extract_strided_slice %get3A_647 {offsets = [1], sizes = [1], strides = [1]} : vector<16xi32> to vector<1xi32>
    %squeeze3A_654 = vector.extract %slice3A_653[0] : i32 from vector<1xi32>
    %swap3A_655 = arith.constant 113 : i32
    %swap3A_656 = arith.index_cast %swap3A_655 : i32 to index
    %swap3A_657 = memref.load %arg9[%swap3A_656] : memref<256xi32, #tpu.memory_space<smem>>
    memref.store %squeeze3A_654, %arg9[%swap3A_656] : memref<256xi32, #tpu.memory_space<smem>>
    %slice3A_658 = vector.extract_strided_slice %get3A_647 {offsets = [2], sizes = [1], strides = [1]} : vector<16xi32> to vector<1xi32>
    %squeeze3A_659 = vector.extract %slice3A_658[0] : i32 from vector<1xi32>
    %swap3A_660 = arith.constant 114 : i32
    %swap3A_661 = arith.index_cast %swap3A_660 : i32 to index
    %swap3A_662 = memref.load %arg9[%swap3A_661] : memref<256xi32, #tpu.memory_space<smem>>
    memref.store %squeeze3A_659, %arg9[%swap3A_661] : memref<256xi32, #tpu.memory_space<smem>>
    %slice3A_663 = vector.extract_strided_slice %get3A_647 {offsets = [3], sizes = [1], strides = [1]} : vector<16xi32> to vector<1xi32>
    %squeeze3A_664 = vector.extract %slice3A_663[0] : i32 from vector<1xi32>
    %swap3A_665 = arith.constant 115 : i32
    %swap3A_666 = arith.index_cast %swap3A_665 : i32 to index
    %swap3A_667 = memref.load %arg9[%swap3A_666] : memref<256xi32, #tpu.memory_space<smem>>
    memref.store %squeeze3A_664, %arg9[%swap3A_666] : memref<256xi32, #tpu.memory_space<smem>>
    %slice3A_668 = vector.extract_strided_slice %get3A_647 {offsets = [4], sizes = [1], strides = [1]} : vector<16xi32> to vector<1xi32>
    %squeeze3A_669 = vector.extract %slice3A_668[0] : i32 from vector<1xi32>
    %swap3A_670 = arith.constant 116 : i32
    %swap3A_671 = arith.index_cast %swap3A_670 : i32 to index
    %swap3A_672 = memref.load %arg9[%swap3A_671] : memref<256xi32, #tpu.memory_space<smem>>
    memref.store %squeeze3A_669, %arg9[%swap3A_671] : memref<256xi32, #tpu.memory_space<smem>>
    %slice3A_673 = vector.extract_strided_slice %get3A_647 {offsets = [5], sizes = [1], strides = [1]} : vector<16xi32> to vector<1xi32>
    %squeeze3A_674 = vector.extract %slice3A_673[0] : i32 from vector<1xi32>
    %swap3A_675 = arith.constant 117 : i32
    %swap3A_676 = arith.index_cast %swap3A_675 : i32 to index
    %swap3A_677 = memref.load %arg9[%swap3A_676] : memref<256xi32, #tpu.memory_space<smem>>
    memref.store %squeeze3A_674, %arg9[%swap3A_676] : memref<256xi32, #tpu.memory_space<smem>>
    %slice3A_678 = vector.extract_strided_slice %get3A_647 {offsets = [6], sizes = [1], strides = [1]} : vector<16xi32> to vector<1xi32>
    %squeeze3A_679 = vector.extract %slice3A_678[0] : i32 from vector<1xi32>
    %swap3A_680 = arith.constant 118 : i32
    %swap3A_681 = arith.index_cast %swap3A_680 : i32 to index
    %swap3A_682 = memref.load %arg9[%swap3A_681] : memref<256xi32, #tpu.memory_space<smem>>
    memref.store %squeeze3A_679, %arg9[%swap3A_681] : memref<256xi32, #tpu.memory_space<smem>>
    %slice3A_683 = vector.extract_strided_slice %get3A_647 {offsets = [7], sizes = [1], strides = [1]} : vector<16xi32> to vector<1xi32>
    %squeeze3A_684 = vector.extract %slice3A_683[0] : i32 from vector<1xi32>
    %swap3A_685 = arith.constant 119 : i32
    %swap3A_686 = arith.index_cast %swap3A_685 : i32 to index
    %swap3A_687 = memref.load %arg9[%swap3A_686] : memref<256xi32, #tpu.memory_space<smem>>
    memref.store %squeeze3A_684, %arg9[%swap3A_686] : memref<256xi32, #tpu.memory_space<smem>>
    %slice3A_688 = vector.extract_strided_slice %get3A_647 {offsets = [8], sizes = [1], strides = [1]} : vector<16xi32> to vector<1xi32>
    %squeeze3A_689 = vector.extract %slice3A_688[0] : i32 from vector<1xi32>
    %swap3A_690 = arith.constant 120 : i32
    %swap3A_691 = arith.index_cast %swap3A_690 : i32 to index
    %swap3A_692 = memref.load %arg9[%swap3A_691] : memref<256xi32, #tpu.memory_space<smem>>
    memref.store %squeeze3A_689, %arg9[%swap3A_691] : memref<256xi32, #tpu.memory_space<smem>>
    %slice3A_693 = vector.extract_strided_slice %get3A_647 {offsets = [9], sizes = [1], strides = [1]} : vector<16xi32> to vector<1xi32>
    %squeeze3A_694 = vector.extract %slice3A_693[0] : i32 from vector<1xi32>
    %swap3A_695 = arith.constant 121 : i32
    %swap3A_696 = arith.index_cast %swap3A_695 : i32 to index
    %swap3A_697 = memref.load %arg9[%swap3A_696] : memref<256xi32, #tpu.memory_space<smem>>
    memref.store %squeeze3A_694, %arg9[%swap3A_696] : memref<256xi32, #tpu.memory_space<smem>>
    %slice3A_698 = vector.extract_strided_slice %get3A_647 {offsets = [10], sizes = [1], strides = [1]} : vector<16xi32> to vector<1xi32>
    %squeeze3A_699 = vector.extract %slice3A_698[0] : i32 from vector<1xi32>
    %swap3A_700 = arith.constant 122 : i32
    %swap3A_701 = arith.index_cast %swap3A_700 : i32 to index
    %swap3A_702 = memref.load %arg9[%swap3A_701] : memref<256xi32, #tpu.memory_space<smem>>
    memref.store %squeeze3A_699, %arg9[%swap3A_701] : memref<256xi32, #tpu.memory_space<smem>>
    %slice3A_703 = vector.extract_strided_slice %get3A_647 {offsets = [11], sizes = [1], strides = [1]} : vector<16xi32> to vector<1xi32>
    %squeeze3A_704 = vector.extract %slice3A_703[0] : i32 from vector<1xi32>
    %swap3A_705 = arith.constant 123 : i32
    %swap3A_706 = arith.index_cast %swap3A_705 : i32 to index
    %swap3A_707 = memref.load %arg9[%swap3A_706] : memref<256xi32, #tpu.memory_space<smem>>
    memref.store %squeeze3A_704, %arg9[%swap3A_706] : memref<256xi32, #tpu.memory_space<smem>>
    %slice3A_708 = vector.extract_strided_slice %get3A_647 {offsets = [12], sizes = [1], strides = [1]} : vector<16xi32> to vector<1xi32>
    %squeeze3A_709 = vector.extract %slice3A_708[0] : i32 from vector<1xi32>
    %swap3A_710 = arith.constant 124 : i32
    %swap3A_711 = arith.index_cast %swap3A_710 : i32 to index
    %swap3A_712 = memref.load %arg9[%swap3A_711] : memref<256xi32, #tpu.memory_space<smem>>
    memref.store %squeeze3A_709, %arg9[%swap3A_711] : memref<256xi32, #tpu.memory_space<smem>>
    %slice3A_713 = vector.extract_strided_slice %get3A_647 {offsets = [13], sizes = [1], strides = [1]} : vector<16xi32> to vector<1xi32>
    %squeeze3A_714 = vector.extract %slice3A_713[0] : i32 from vector<1xi32>
    %swap3A_715 = arith.constant 125 : i32
    %swap3A_716 = arith.index_cast %swap3A_715 : i32 to index
    %swap3A_717 = memref.load %arg9[%swap3A_716] : memref<256xi32, #tpu.memory_space<smem>>
    memref.store %squeeze3A_714, %arg9[%swap3A_716] : memref<256xi32, #tpu.memory_space<smem>>
    %slice3A_718 = vector.extract_strided_slice %get3A_647 {offsets = [14], sizes = [1], strides = [1]} : vector<16xi32> to vector<1xi32>
    %squeeze3A_719 = vector.extract %slice3A_718[0] : i32 from vector<1xi32>
    %swap3A_720 = arith.constant 126 : i32
    %swap3A_721 = arith.index_cast %swap3A_720 : i32 to index
    %swap3A_722 = memref.load %arg9[%swap3A_721] : memref<256xi32, #tpu.memory_space<smem>>
    memref.store %squeeze3A_719, %arg9[%swap3A_721] : memref<256xi32, #tpu.memory_space<smem>>
    %slice3A_723 = vector.extract_strided_slice %get3A_647 {offsets = [15], sizes = [1], strides = [1]} : vector<16xi32> to vector<1xi32>
    %squeeze3A_724 = vector.extract %slice3A_723[0] : i32 from vector<1xi32>
    %swap3A_725 = arith.constant 127 : i32
    %swap3A_726 = arith.index_cast %swap3A_725 : i32 to index
    %swap3A_727 = memref.load %arg9[%swap3A_726] : memref<256xi32, #tpu.memory_space<smem>>
    memref.store %squeeze3A_724, %arg9[%swap3A_726] : memref<256xi32, #tpu.memory_space<smem>>
    %get3A_728 = arith.constant 1 : i32
    %get3A_729 = arith.index_cast %get3A_728 : i32 to index
    %get3A_730 = arith.constant 0 : index
    %get3A_731 = tpu.vector_load %arg6[%get3A_729, %get3A_730] {strides = array<i32>} : memref<2x128xi32, #tpu.memory_space<vmem>>, vector<16xi32>,
    %slice3A_732 = vector.extract_strided_slice %get3A_731 {offsets = [0], sizes = [1], strides = [1]} : vector<16xi32> to vector<1xi32>
    %squeeze3A_733 = vector.extract %slice3A_732[0] : i32 from vector<1xi32>
    %swap3A_734 = arith.constant 128 : i32
    %swap3A_735 = arith.index_cast %swap3A_734 : i32 to index
    %swap3A_736 = memref.load %arg9[%swap3A_735] : memref<256xi32, #tpu.memory_space<smem>>
    memref.store %squeeze3A_733, %arg9[%swap3A_735] : memref<256xi32, #tpu.memory_space<smem>>
    %slice3A_737 = vector.extract_strided_slice %get3A_731 {offsets = [1], sizes = [1], strides = [1]} : vector<16xi32> to vector<1xi32>
    %squeeze3A_738 = vector.extract %slice3A_737[0] : i32 from vector<1xi32>
    %swap3A_739 = arith.constant 129 : i32
    %swap3A_740 = arith.index_cast %swap3A_739 : i32 to index
    %swap3A_741 = memref.load %arg9[%swap3A_740] : memref<256xi32, #tpu.memory_space<smem>>
    memref.store %squeeze3A_738, %arg9[%swap3A_740] : memref<256xi32, #tpu.memory_space<smem>>
    %slice3A_742 = vector.extract_strided_slice %get3A_731 {offsets = [2], sizes = [1], strides = [1]} : vector<16xi32> to vector<1xi32>
    %squeeze3A_743 = vector.extract %slice3A_742[0] : i32 from vector<1xi32>
    %swap3A_744 = arith.constant 130 : i32
    %swap3A_745 = arith.index_cast %swap3A_744 : i32 to index
    %swap3A_746 = memref.load %arg9[%swap3A_745] : memref<256xi32, #tpu.memory_space<smem>>
    memref.store %squeeze3A_743, %arg9[%swap3A_745] : memref<256xi32, #tpu.memory_space<smem>>
    %slice3A_747 = vector.extract_strided_slice %get3A_731 {offsets = [3], sizes = [1], strides = [1]} : vector<16xi32> to vector<1xi32>
    %squeeze3A_748 = vector.extract %slice3A_747[0] : i32 from vector<1xi32>
    %swap3A_749 = arith.constant 131 : i32
    %swap3A_750 = arith.index_cast %swap3A_749 : i32 to index
    %swap3A_751 = memref.load %arg9[%swap3A_750] : memref<256xi32, #tpu.memory_space<smem>>
    memref.store %squeeze3A_748, %arg9[%swap3A_750] : memref<256xi32, #tpu.memory_space<smem>>
    %slice3A_752 = vector.extract_strided_slice %get3A_731 {offsets = [4], sizes = [1], strides = [1]} : vector<16xi32> to vector<1xi32>
    %squeeze3A_753 = vector.extract %slice3A_752[0] : i32 from vector<1xi32>
    %swap3A_754 = arith.constant 132 : i32
    %swap3A_755 = arith.index_cast %swap3A_754 : i32 to index
    %swap3A_756 = memref.load %arg9[%swap3A_755] : memref<256xi32, #tpu.memory_space<smem>>
    memref.store %squeeze3A_753, %arg9[%swap3A_755] : memref<256xi32, #tpu.memory_space<smem>>
    %slice3A_757 = vector.extract_strided_slice %get3A_731 {offsets = [5], sizes = [1], strides = [1]} : vector<16xi32> to vector<1xi32>
    %squeeze3A_758 = vector.extract %slice3A_757[0] : i32 from vector<1xi32>
    %swap3A_759 = arith.constant 133 : i32
    %swap3A_760 = arith.index_cast %swap3A_759 : i32 to index
    %swap3A_761 = memref.load %arg9[%swap3A_760] : memref<256xi32, #tpu.memory_space<smem>>
    memref.store %squeeze3A_758, %arg9[%swap3A_760] : memref<256xi32, #tpu.memory_space<smem>>
    %slice3A_762 = vector.extract_strided_slice %get3A_731 {offsets = [6], sizes = [1], strides = [1]} : vector<16xi32> to vector<1xi32>
    %squeeze3A_763 = vector.extract %slice3A_762[0] : i32 from vector<1xi32>
    %swap3A_764 = arith.constant 134 : i32
    %swap3A_765 = arith.index_cast %swap3A_764 : i32 to index
    %swap3A_766 = memref.load %arg9[%swap3A_765] : memref<256xi32, #tpu.memory_space<smem>>
    memref.store %squeeze3A_763, %arg9[%swap3A_765] : memref<256xi32, #tpu.memory_space<smem>>
    %slice3A_767 = vector.extract_strided_slice %get3A_731 {offsets = [7], sizes = [1], strides = [1]} : vector<16xi32> to vector<1xi32>
    %squeeze3A_768 = vector.extract %slice3A_767[0] : i32 from vector<1xi32>
    %swap3A_769 = arith.constant 135 : i32
    %swap3A_770 = arith.index_cast %swap3A_769 : i32 to index
    %swap3A_771 = memref.load %arg9[%swap3A_770] : memref<256xi32, #tpu.memory_space<smem>>
    memref.store %squeeze3A_768, %arg9[%swap3A_770] : memref<256xi32, #tpu.memory_space<smem>>
    %slice3A_772 = vector.extract_strided_slice %get3A_731 {offsets = [8], sizes = [1], strides = [1]} : vector<16xi32> to vector<1xi32>
    %squeeze3A_773 = vector.extract %slice3A_772[0] : i32 from vector<1xi32>
    %swap3A_774 = arith.constant 136 : i32
    %swap3A_775 = arith.index_cast %swap3A_774 : i32 to index
    %swap3A_776 = memref.load %arg9[%swap3A_775] : memref<256xi32, #tpu.memory_space<smem>>
    memref.store %squeeze3A_773, %arg9[%swap3A_775] : memref<256xi32, #tpu.memory_space<smem>>
    %slice3A_777 = vector.extract_strided_slice %get3A_731 {offsets = [9], sizes = [1], strides = [1]} : vector<16xi32> to vector<1xi32>
    %squeeze3A_778 = vector.extract %slice3A_777[0] : i32 from vector<1xi32>
    %swap3A_779 = arith.constant 137 : i32
    %swap3A_780 = arith.index_cast %swap3A_779 : i32 to index
    %swap3A_781 = memref.load %arg9[%swap3A_780] : memref<256xi32, #tpu.memory_space<smem>>
    memref.store %squeeze3A_778, %arg9[%swap3A_780] : memref<256xi32, #tpu.memory_space<smem>>
    %slice3A_782 = vector.extract_strided_slice %get3A_731 {offsets = [10], sizes = [1], strides = [1]} : vector<16xi32> to vector<1xi32>
    %squeeze3A_783 = vector.extract %slice3A_782[0] : i32 from vector<1xi32>
    %swap3A_784 = arith.constant 138 : i32
    %swap3A_785 = arith.index_cast %swap3A_784 : i32 to index
    %swap3A_786 = memref.load %arg9[%swap3A_785] : memref<256xi32, #tpu.memory_space<smem>>
    memref.store %squeeze3A_783, %arg9[%swap3A_785] : memref<256xi32, #tpu.memory_space<smem>>
    %slice3A_787 = vector.extract_strided_slice %get3A_731 {offsets = [11], sizes = [1], strides = [1]} : vector<16xi32> to vector<1xi32>
    %squeeze3A_788 = vector.extract %slice3A_787[0] : i32 from vector<1xi32>
    %swap3A_789 = arith.constant 139 : i32
    %swap3A_790 = arith.index_cast %swap3A_789 : i32 to index
    %swap3A_791 = memref.load %arg9[%swap3A_790] : memref<256xi32, #tpu.memory_space<smem>>
    memref.store %squeeze3A_788, %arg9[%swap3A_790] : memref<256xi32, #tpu.memory_space<smem>>
    %slice3A_792 = vector.extract_strided_slice %get3A_731 {offsets = [12], sizes = [1], strides = [1]} : vector<16xi32> to vector<1xi32>
    %squeeze3A_793 = vector.extract %slice3A_792[0] : i32 from vector<1xi32>
    %swap3A_794 = arith.constant 140 : i32
    %swap3A_795 = arith.index_cast %swap3A_794 : i32 to index
    %swap3A_796 = memref.load %arg9[%swap3A_795] : memref<256xi32, #tpu.memory_space<smem>>
    memref.store %squeeze3A_793, %arg9[%swap3A_795] : memref<256xi32, #tpu.memory_space<smem>>
    %slice3A_797 = vector.extract_strided_slice %get3A_731 {offsets = [13], sizes = [1], strides = [1]} : vector<16xi32> to vector<1xi32>
    %squeeze3A_798 = vector.extract %slice3A_797[0] : i32 from vector<1xi32>
    %swap3A_799 = arith.constant 141 : i32
    %swap3A_800 = arith.index_cast %swap3A_799 : i32 to index
    %swap3A_801 = memref.load %arg9[%swap3A_800] : memref<256xi32, #tpu.memory_space<smem>>
    memref.store %squeeze3A_798, %arg9[%swap3A_800] : memref<256xi32, #tpu.memory_space<smem>>
    %slice3A_802 = vector.extract_strided_slice %get3A_731 {offsets = [14], sizes = [1], strides = [1]} : vector<16xi32> to vector<1xi32>
    %squeeze3A_803 = vector.extract %slice3A_802[0] : i32 from vector<1xi32>
    %swap3A_804 = arith.constant 142 : i32
    %swap3A_805 = arith.index_cast %swap3A_804 : i32 to index
    %swap3A_806 = memref.load %arg9[%swap3A_805] : memref<256xi32, #tpu.memory_space<smem>>
    memref.store %squeeze3A_803, %arg9[%swap3A_805] : memref<256xi32, #tpu.memory_space<smem>>
    %slice3A_807 = vector.extract_strided_slice %get3A_731 {offsets = [15], sizes = [1], strides = [1]} : vector<16xi32> to vector<1xi32>
    %squeeze3A_808 = vector.extract %slice3A_807[0] : i32 from vector<1xi32>
    %swap3A_809 = arith.constant 143 : i32
    %swap3A_810 = arith.index_cast %swap3A_809 : i32 to index
    %swap3A_811 = memref.load %arg9[%swap3A_810] : memref<256xi32, #tpu.memory_space<smem>>
    memref.store %squeeze3A_808, %arg9[%swap3A_810] : memref<256xi32, #tpu.memory_space<smem>>
    %get3A_812 = arith.constant 1 : i32
    %get3A_813 = arith.index_cast %get3A_812 : i32 to index
    %get3A_814 = arith.constant 16 : index
    %get3A_815 = tpu.vector_load %arg6[%get3A_813, %get3A_814] {strides = array<i32>} : memref<2x128xi32, #tpu.memory_space<vmem>>, vector<16xi32>,
    %slice3A_816 = vector.extract_strided_slice %get3A_815 {offsets = [0], sizes = [1], strides = [1]} : vector<16xi32> to vector<1xi32>
    %squeeze3A_817 = vector.extract %slice3A_816[0] : i32 from vector<1xi32>
    %swap3A_818 = arith.constant 144 : i32
    %swap3A_819 = arith.index_cast %swap3A_818 : i32 to index
    %swap3A_820 = memref.load %arg9[%swap3A_819] : memref<256xi32, #tpu.memory_space<smem>>
    memref.store %squeeze3A_817, %arg9[%swap3A_819] : memref<256xi32, #tpu.memory_space<smem>>
    %slice3A_821 = vector.extract_strided_slice %get3A_815 {offsets = [1], sizes = [1], strides = [1]} : vector<16xi32> to vector<1xi32>
    %squeeze3A_822 = vector.extract %slice3A_821[0] : i32 from vector<1xi32>
    %swap3A_823 = arith.constant 145 : i32
    %swap3A_824 = arith.index_cast %swap3A_823 : i32 to index
    %swap3A_825 = memref.load %arg9[%swap3A_824] : memref<256xi32, #tpu.memory_space<smem>>
    memref.store %squeeze3A_822, %arg9[%swap3A_824] : memref<256xi32, #tpu.memory_space<smem>>
    %slice3A_826 = vector.extract_strided_slice %get3A_815 {offsets = [2], sizes = [1], strides = [1]} : vector<16xi32> to vector<1xi32>
    %squeeze3A_827 = vector.extract %slice3A_826[0] : i32 from vector<1xi32>
    %swap3A_828 = arith.constant 146 : i32
    %swap3A_829 = arith.index_cast %swap3A_828 : i32 to index
    %swap3A_830 = memref.load %arg9[%swap3A_829] : memref<256xi32, #tpu.memory_space<smem>>
    memref.store %squeeze3A_827, %arg9[%swap3A_829] : memref<256xi32, #tpu.memory_space<smem>>
    %slice3A_831 = vector.extract_strided_slice %get3A_815 {offsets = [3], sizes = [1], strides = [1]} : vector<16xi32> to vector<1xi32>
    %squeeze3A_832 = vector.extract %slice3A_831[0] : i32 from vector<1xi32>
    %swap3A_833 = arith.constant 147 : i32
    %swap3A_834 = arith.index_cast %swap3A_833 : i32 to index
    %swap3A_835 = memref.load %arg9[%swap3A_834] : memref<256xi32, #tpu.memory_space<smem>>
    memref.store %squeeze3A_832, %arg9[%swap3A_834] : memref<256xi32, #tpu.memory_space<smem>>
    %slice3A_836 = vector.extract_strided_slice %get3A_815 {offsets = [4], sizes = [1], strides = [1]} : vector<16xi32> to vector<1xi32>
    %squeeze3A_837 = vector.extract %slice3A_836[0] : i32 from vector<1xi32>
    %swap3A_838 = arith.constant 148 : i32
    %swap3A_839 = arith.index_cast %swap3A_838 : i32 to index
    %swap3A_840 = memref.load %arg9[%swap3A_839] : memref<256xi32, #tpu.memory_space<smem>>
    memref.store %squeeze3A_837, %arg9[%swap3A_839] : memref<256xi32, #tpu.memory_space<smem>>
    %slice3A_841 = vector.extract_strided_slice %get3A_815 {offsets = [5], sizes = [1], strides = [1]} : vector<16xi32> to vector<1xi32>
    %squeeze3A_842 = vector.extract %slice3A_841[0] : i32 from vector<1xi32>
    %swap3A_843 = arith.constant 149 : i32
    %swap3A_844 = arith.index_cast %swap3A_843 : i32 to index
    %swap3A_845 = memref.load %arg9[%swap3A_844] : memref<256xi32, #tpu.memory_space<smem>>
    memref.store %squeeze3A_842, %arg9[%swap3A_844] : memref<256xi32, #tpu.memory_space<smem>>
    %slice3A_846 = vector.extract_strided_slice %get3A_815 {offsets = [6], sizes = [1], strides = [1]} : vector<16xi32> to vector<1xi32>
    %squeeze3A_847 = vector.extract %slice3A_846[0] : i32 from vector<1xi32>
    %swap3A_848 = arith.constant 150 : i32
    %swap3A_849 = arith.index_cast %swap3A_848 : i32 to index
    %swap3A_850 = memref.load %arg9[%swap3A_849] : memref<256xi32, #tpu.memory_space<smem>>
    memref.store %squeeze3A_847, %arg9[%swap3A_849] : memref<256xi32, #tpu.memory_space<smem>>
    %slice3A_851 = vector.extract_strided_slice %get3A_815 {offsets = [7], sizes = [1], strides = [1]} : vector<16xi32> to vector<1xi32>
    %squeeze3A_852 = vector.extract %slice3A_851[0] : i32 from vector<1xi32>
    %swap3A_853 = arith.constant 151 : i32
    %swap3A_854 = arith.index_cast %swap3A_853 : i32 to index
    %swap3A_855 = memref.load %arg9[%swap3A_854] : memref<256xi32, #tpu.memory_space<smem>>
    memref.store %squeeze3A_852, %arg9[%swap3A_854] : memref<256xi32, #tpu.memory_space<smem>>
    %slice3A_856 = vector.extract_strided_slice %get3A_815 {offsets = [8], sizes = [1], strides = [1]} : vector<16xi32> to vector<1xi32>
    %squeeze3A_857 = vector.extract %slice3A_856[0] : i32 from vector<1xi32>
    %swap3A_858 = arith.constant 152 : i32
    %swap3A_859 = arith.index_cast %swap3A_858 : i32 to index
    %swap3A_860 = memref.load %arg9[%swap3A_859] : memref<256xi32, #tpu.memory_space<smem>>
    memref.store %squeeze3A_857, %arg9[%swap3A_859] : memref<256xi32, #tpu.memory_space<smem>>
    %slice3A_861 = vector.extract_strided_slice %get3A_815 {offsets = [9], sizes = [1], strides = [1]} : vector<16xi32> to vector<1xi32>
    %squeeze3A_862 = vector.extract %slice3A_861[0] : i32 from vector<1xi32>
    %swap3A_863 = arith.constant 153 : i32
    %swap3A_864 = arith.index_cast %swap3A_863 : i32 to index
    %swap3A_865 = memref.load %arg9[%swap3A_864] : memref<256xi32, #tpu.memory_space<smem>>
    memref.store %squeeze3A_862, %arg9[%swap3A_864] : memref<256xi32, #tpu.memory_space<smem>>
    %slice3A_866 = vector.extract_strided_slice %get3A_815 {offsets = [10], sizes = [1], strides = [1]} : vector<16xi32> to vector<1xi32>
    %squeeze3A_867 = vector.extract %slice3A_866[0] : i32 from vector<1xi32>
    %swap3A_868 = arith.constant 154 : i32
    %swap3A_869 = arith.index_cast %swap3A_868 : i32 to index
    %swap3A_870 = memref.load %arg9[%swap3A_869] : memref<256xi32, #tpu.memory_space<smem>>
    memref.store %squeeze3A_867, %arg9[%swap3A_869] : memref<256xi32, #tpu.memory_space<smem>>
    %slice3A_871 = vector.extract_strided_slice %get3A_815 {offsets = [11], sizes = [1], strides = [1]} : vector<16xi32> to vector<1xi32>
    %squeeze3A_872 = vector.extract %slice3A_871[0] : i32 from vector<1xi32>
    %swap3A_873 = arith.constant 155 : i32
    %swap3A_874 = arith.index_cast %swap3A_873 : i32 to index
    %swap3A_875 = memref.load %arg9[%swap3A_874] : memref<256xi32, #tpu.memory_space<smem>>
    memref.store %squeeze3A_872, %arg9[%swap3A_874] : memref<256xi32, #tpu.memory_space<smem>>
    %slice3A_876 = vector.extract_strided_slice %get3A_815 {offsets = [12], sizes = [1], strides = [1]} : vector<16xi32> to vector<1xi32>
    %squeeze3A_877 = vector.extract %slice3A_876[0] : i32 from vector<1xi32>
    %swap3A_878 = arith.constant 156 : i32
    %swap3A_879 = arith.index_cast %swap3A_878 : i32 to index
    %swap3A_880 = memref.load %arg9[%swap3A_879] : memref<256xi32, #tpu.memory_space<smem>>
    memref.store %squeeze3A_877, %arg9[%swap3A_879] : memref<256xi32, #tpu.memory_space<smem>>
    %slice3A_881 = vector.extract_strided_slice %get3A_815 {offsets = [13], sizes = [1], strides = [1]} : vector<16xi32> to vector<1xi32>
    %squeeze3A_882 = vector.extract %slice3A_881[0] : i32 from vector<1xi32>
    %swap3A_883 = arith.constant 157 : i32
    %swap3A_884 = arith.index_cast %swap3A_883 : i32 to index
    %swap3A_885 = memref.load %arg9[%swap3A_884] : memref<256xi32, #tpu.memory_space<smem>>
    memref.store %squeeze3A_882, %arg9[%swap3A_884] : memref<256xi32, #tpu.memory_space<smem>>
    %slice3A_886 = vector.extract_strided_slice %get3A_815 {offsets = [14], sizes = [1], strides = [1]} : vector<16xi32> to vector<1xi32>
    %squeeze3A_887 = vector.extract %slice3A_886[0] : i32 from vector<1xi32>
    %swap3A_888 = arith.constant 158 : i32
    %swap3A_889 = arith.index_cast %swap3A_888 : i32 to index
    %swap3A_890 = memref.load %arg9[%swap3A_889] : memref<256xi32, #tpu.memory_space<smem>>
    memref.store %squeeze3A_887, %arg9[%swap3A_889] : memref<256xi32, #tpu.memory_space<smem>>
    %slice3A_891 = vector.extract_strided_slice %get3A_815 {offsets = [15], sizes = [1], strides = [1]} : vector<16xi32> to vector<1xi32>
    %squeeze3A_892 = vector.extract %slice3A_891[0] : i32 from vector<1xi32>
    %swap3A_893 = arith.constant 159 : i32
    %swap3A_894 = arith.index_cast %swap3A_893 : i32 to index
    %swap3A_895 = memref.load %arg9[%swap3A_894] : memref<256xi32, #tpu.memory_space<smem>>
    memref.store %squeeze3A_892, %arg9[%swap3A_894] : memref<256xi32, #tpu.memory_space<smem>>
    %get3A_896 = arith.constant 1 : i32
    %get3A_897 = arith.index_cast %get3A_896 : i32 to index
    %get3A_898 = arith.constant 32 : index
    %get3A_899 = tpu.vector_load %arg6[%get3A_897, %get3A_898] {strides = array<i32>} : memref<2x128xi32, #tpu.memory_space<vmem>>, vector<16xi32>,
    %slice3A_900 = vector.extract_strided_slice %get3A_899 {offsets = [0], sizes = [1], strides = [1]} : vector<16xi32> to vector<1xi32>
    %squeeze3A_901 = vector.extract %slice3A_900[0] : i32 from vector<1xi32>
    %swap3A_902 = arith.constant 160 : i32
    %swap3A_903 = arith.index_cast %swap3A_902 : i32 to index
    %swap3A_904 = memref.load %arg9[%swap3A_903] : memref<256xi32, #tpu.memory_space<smem>>
    memref.store %squeeze3A_901, %arg9[%swap3A_903] : memref<256xi32, #tpu.memory_space<smem>>
    %slice3A_905 = vector.extract_strided_slice %get3A_899 {offsets = [1], sizes = [1], strides = [1]} : vector<16xi32> to vector<1xi32>
    %squeeze3A_906 = vector.extract %slice3A_905[0] : i32 from vector<1xi32>
    %swap3A_907 = arith.constant 161 : i32
    %swap3A_908 = arith.index_cast %swap3A_907 : i32 to index
    %swap3A_909 = memref.load %arg9[%swap3A_908] : memref<256xi32, #tpu.memory_space<smem>>
    memref.store %squeeze3A_906, %arg9[%swap3A_908] : memref<256xi32, #tpu.memory_space<smem>>
    %slice3A_910 = vector.extract_strided_slice %get3A_899 {offsets = [2], sizes = [1], strides = [1]} : vector<16xi32> to vector<1xi32>
    %squeeze3A_911 = vector.extract %slice3A_910[0] : i32 from vector<1xi32>
    %swap3A_912 = arith.constant 162 : i32
    %swap3A_913 = arith.index_cast %swap3A_912 : i32 to index
    %swap3A_914 = memref.load %arg9[%swap3A_913] : memref<256xi32, #tpu.memory_space<smem>>
    memref.store %squeeze3A_911, %arg9[%swap3A_913] : memref<256xi32, #tpu.memory_space<smem>>
    %slice3A_915 = vector.extract_strided_slice %get3A_899 {offsets = [3], sizes = [1], strides = [1]} : vector<16xi32> to vector<1xi32>
    %squeeze3A_916 = vector.extract %slice3A_915[0] : i32 from vector<1xi32>
    %swap3A_917 = arith.constant 163 : i32
    %swap3A_918 = arith.index_cast %swap3A_917 : i32 to index
    %swap3A_919 = memref.load %arg9[%swap3A_918] : memref<256xi32, #tpu.memory_space<smem>>
    memref.store %squeeze3A_916, %arg9[%swap3A_918] : memref<256xi32, #tpu.memory_space<smem>>
    %slice3A_920 = vector.extract_strided_slice %get3A_899 {offsets = [4], sizes = [1], strides = [1]} : vector<16xi32> to vector<1xi32>
    %squeeze3A_921 = vector.extract %slice3A_920[0] : i32 from vector<1xi32>
    %swap3A_922 = arith.constant 164 : i32
    %swap3A_923 = arith.index_cast %swap3A_922 : i32 to index
    %swap3A_924 = memref.load %arg9[%swap3A_923] : memref<256xi32, #tpu.memory_space<smem>>
    memref.store %squeeze3A_921, %arg9[%swap3A_923] : memref<256xi32, #tpu.memory_space<smem>>
    %slice3A_925 = vector.extract_strided_slice %get3A_899 {offsets = [5], sizes = [1], strides = [1]} : vector<16xi32> to vector<1xi32>
    %squeeze3A_926 = vector.extract %slice3A_925[0] : i32 from vector<1xi32>
    %swap3A_927 = arith.constant 165 : i32
    %swap3A_928 = arith.index_cast %swap3A_927 : i32 to index
    %swap3A_929 = memref.load %arg9[%swap3A_928] : memref<256xi32, #tpu.memory_space<smem>>
    memref.store %squeeze3A_926, %arg9[%swap3A_928] : memref<256xi32, #tpu.memory_space<smem>>
    %slice3A_930 = vector.extract_strided_slice %get3A_899 {offsets = [6], sizes = [1], strides = [1]} : vector<16xi32> to vector<1xi32>
    %squeeze3A_931 = vector.extract %slice3A_930[0] : i32 from vector<1xi32>
    %swap3A_932 = arith.constant 166 : i32
    %swap3A_933 = arith.index_cast %swap3A_932 : i32 to index
    %swap3A_934 = memref.load %arg9[%swap3A_933] : memref<256xi32, #tpu.memory_space<smem>>
    memref.store %squeeze3A_931, %arg9[%swap3A_933] : memref<256xi32, #tpu.memory_space<smem>>
    %slice3A_935 = vector.extract_strided_slice %get3A_899 {offsets = [7], sizes = [1], strides = [1]} : vector<16xi32> to vector<1xi32>
    %squeeze3A_936 = vector.extract %slice3A_935[0] : i32 from vector<1xi32>
    %swap3A_937 = arith.constant 167 : i32
    %swap3A_938 = arith.index_cast %swap3A_937 : i32 to index
    %swap3A_939 = memref.load %arg9[%swap3A_938] : memref<256xi32, #tpu.memory_space<smem>>
    memref.store %squeeze3A_936, %arg9[%swap3A_938] : memref<256xi32, #tpu.memory_space<smem>>
    %slice3A_940 = vector.extract_strided_slice %get3A_899 {offsets = [8], sizes = [1], strides = [1]} : vector<16xi32> to vector<1xi32>
    %squeeze3A_941 = vector.extract %slice3A_940[0] : i32 from vector<1xi32>
    %swap3A_942 = arith.constant 168 : i32
    %swap3A_943 = arith.index_cast %swap3A_942 : i32 to index
    %swap3A_944 = memref.load %arg9[%swap3A_943] : memref<256xi32, #tpu.memory_space<smem>>
    memref.store %squeeze3A_941, %arg9[%swap3A_943] : memref<256xi32, #tpu.memory_space<smem>>
    %slice3A_945 = vector.extract_strided_slice %get3A_899 {offsets = [9], sizes = [1], strides = [1]} : vector<16xi32> to vector<1xi32>
    %squeeze3A_946 = vector.extract %slice3A_945[0] : i32 from vector<1xi32>
    %swap3A_947 = arith.constant 169 : i32
    %swap3A_948 = arith.index_cast %swap3A_947 : i32 to index
    %swap3A_949 = memref.load %arg9[%swap3A_948] : memref<256xi32, #tpu.memory_space<smem>>
    memref.store %squeeze3A_946, %arg9[%swap3A_948] : memref<256xi32, #tpu.memory_space<smem>>
    %slice3A_950 = vector.extract_strided_slice %get3A_899 {offsets = [10], sizes = [1], strides = [1]} : vector<16xi32> to vector<1xi32>
    %squeeze3A_951 = vector.extract %slice3A_950[0] : i32 from vector<1xi32>
    %swap3A_952 = arith.constant 170 : i32
    %swap3A_953 = arith.index_cast %swap3A_952 : i32 to index
    %swap3A_954 = memref.load %arg9[%swap3A_953] : memref<256xi32, #tpu.memory_space<smem>>
    memref.store %squeeze3A_951, %arg9[%swap3A_953] : memref<256xi32, #tpu.memory_space<smem>>
    %slice3A_955 = vector.extract_strided_slice %get3A_899 {offsets = [11], sizes = [1], strides = [1]} : vector<16xi32> to vector<1xi32>
    %squeeze3A_956 = vector.extract %slice3A_955[0] : i32 from vector<1xi32>
    %swap3A_957 = arith.constant 171 : i32
    %swap3A_958 = arith.index_cast %swap3A_957 : i32 to index
    %swap3A_959 = memref.load %arg9[%swap3A_958] : memref<256xi32, #tpu.memory_space<smem>>
    memref.store %squeeze3A_956, %arg9[%swap3A_958] : memref<256xi32, #tpu.memory_space<smem>>
    %slice3A_960 = vector.extract_strided_slice %get3A_899 {offsets = [12], sizes = [1], strides = [1]} : vector<16xi32> to vector<1xi32>
    %squeeze3A_961 = vector.extract %slice3A_960[0] : i32 from vector<1xi32>
    %swap3A_962 = arith.constant 172 : i32
    %swap3A_963 = arith.index_cast %swap3A_962 : i32 to index
    %swap3A_964 = memref.load %arg9[%swap3A_963] : memref<256xi32, #tpu.memory_space<smem>>
    memref.store %squeeze3A_961, %arg9[%swap3A_963] : memref<256xi32, #tpu.memory_space<smem>>
    %slice3A_965 = vector.extract_strided_slice %get3A_899 {offsets = [13], sizes = [1], strides = [1]} : vector<16xi32> to vector<1xi32>
    %squeeze3A_966 = vector.extract %slice3A_965[0] : i32 from vector<1xi32>
    %swap3A_967 = arith.constant 173 : i32
    %swap3A_968 = arith.index_cast %swap3A_967 : i32 to index
    %swap3A_969 = memref.load %arg9[%swap3A_968] : memref<256xi32, #tpu.memory_space<smem>>
    memref.store %squeeze3A_966, %arg9[%swap3A_968] : memref<256xi32, #tpu.memory_space<smem>>
    %slice3A_970 = vector.extract_strided_slice %get3A_899 {offsets = [14], sizes = [1], strides = [1]} : vector<16xi32> to vector<1xi32>
    %squeeze3A_971 = vector.extract %slice3A_970[0] : i32 from vector<1xi32>
    %swap3A_972 = arith.constant 174 : i32
    %swap3A_973 = arith.index_cast %swap3A_972 : i32 to index
    %swap3A_974 = memref.load %arg9[%swap3A_973] : memref<256xi32, #tpu.memory_space<smem>>
    memref.store %squeeze3A_971, %arg9[%swap3A_973] : memref<256xi32, #tpu.memory_space<smem>>
    %slice3A_975 = vector.extract_strided_slice %get3A_899 {offsets = [15], sizes = [1], strides = [1]} : vector<16xi32> to vector<1xi32>
    %squeeze3A_976 = vector.extract %slice3A_975[0] : i32 from vector<1xi32>
    %swap3A_977 = arith.constant 175 : i32
    %swap3A_978 = arith.index_cast %swap3A_977 : i32 to index
    %swap3A_979 = memref.load %arg9[%swap3A_978] : memref<256xi32, #tpu.memory_space<smem>>
    memref.store %squeeze3A_976, %arg9[%swap3A_978] : memref<256xi32, #tpu.memory_space<smem>>
    %get3A_980 = arith.constant 1 : i32
    %get3A_981 = arith.index_cast %get3A_980 : i32 to index
    %get3A_982 = arith.constant 48 : index
    %get3A_983 = tpu.vector_load %arg6[%get3A_981, %get3A_982] {strides = array<i32>} : memref<2x128xi32, #tpu.memory_space<vmem>>, vector<16xi32>,
    %slice3A_984 = vector.extract_strided_slice %get3A_983 {offsets = [0], sizes = [1], strides = [1]} : vector<16xi32> to vector<1xi32>
    %squeeze3A_985 = vector.extract %slice3A_984[0] : i32 from vector<1xi32>
    %swap3A_986 = arith.constant 176 : i32
    %swap3A_987 = arith.index_cast %swap3A_986 : i32 to index
    %swap3A_988 = memref.load %arg9[%swap3A_987] : memref<256xi32, #tpu.memory_space<smem>>
    memref.store %squeeze3A_985, %arg9[%swap3A_987] : memref<256xi32, #tpu.memory_space<smem>>
    %slice3A_989 = vector.extract_strided_slice %get3A_983 {offsets = [1], sizes = [1], strides = [1]} : vector<16xi32> to vector<1xi32>
    %squeeze3A_990 = vector.extract %slice3A_989[0] : i32 from vector<1xi32>
    %swap3A_991 = arith.constant 177 : i32
    %swap3A_992 = arith.index_cast %swap3A_991 : i32 to index
    %swap3A_993 = memref.load %arg9[%swap3A_992] : memref<256xi32, #tpu.memory_space<smem>>
    memref.store %squeeze3A_990, %arg9[%swap3A_992] : memref<256xi32, #tpu.memory_space<smem>>
    %slice3A_994 = vector.extract_strided_slice %get3A_983 {offsets = [2], sizes = [1], strides = [1]} : vector<16xi32> to vector<1xi32>
    %squeeze3A_995 = vector.extract %slice3A_994[0] : i32 from vector<1xi32>
    %swap3A_996 = arith.constant 178 : i32
    %swap3A_997 = arith.index_cast %swap3A_996 : i32 to index
    %swap3A_998 = memref.load %arg9[%swap3A_997] : memref<256xi32, #tpu.memory_space<smem>>
    memref.store %squeeze3A_995, %arg9[%swap3A_997] : memref<256xi32, #tpu.memory_space<smem>>
    %slice3A_999 = vector.extract_strided_slice %get3A_983 {offsets = [3], sizes = [1], strides = [1]} : vector<16xi32> to vector<1xi32>
    %squeeze3A_1000 = vector.extract %slice3A_999[0] : i32 from vector<1xi32>
    %swap3A_1001 = arith.constant 179 : i32
    %swap3A_1002 = arith.index_cast %swap3A_1001 : i32 to index
    %swap3A_1003 = memref.load %arg9[%swap3A_1002] : memref<256xi32, #tpu.memory_space<smem>>
    memref.store %squeeze3A_1000, %arg9[%swap3A_1002] : memref<256xi32, #tpu.memory_space<smem>>
    %slice3A_1004 = vector.extract_strided_slice %get3A_983 {offsets = [4], sizes = [1], strides = [1]} : vector<16xi32> to vector<1xi32>
    %squeeze3A_1005 = vector.extract %slice3A_1004[0] : i32 from vector<1xi32>
    %swap3A_1006 = arith.constant 180 : i32
    %swap3A_1007 = arith.index_cast %swap3A_1006 : i32 to index
    %swap3A_1008 = memref.load %arg9[%swap3A_1007] : memref<256xi32, #tpu.memory_space<smem>>
    memref.store %squeeze3A_1005, %arg9[%swap3A_1007] : memref<256xi32, #tpu.memory_space<smem>>
    %slice3A_1009 = vector.extract_strided_slice %get3A_983 {offsets = [5], sizes = [1], strides = [1]} : vector<16xi32> to vector<1xi32>
    %squeeze3A_1010 = vector.extract %slice3A_1009[0] : i32 from vector<1xi32>
    %swap3A_1011 = arith.constant 181 : i32
    %swap3A_1012 = arith.index_cast %swap3A_1011 : i32 to index
    %swap3A_1013 = memref.load %arg9[%swap3A_1012] : memref<256xi32, #tpu.memory_space<smem>>
    memref.store %squeeze3A_1010, %arg9[%swap3A_1012] : memref<256xi32, #tpu.memory_space<smem>>
    %slice3A_1014 = vector.extract_strided_slice %get3A_983 {offsets = [6], sizes = [1], strides = [1]} : vector<16xi32> to vector<1xi32>
    %squeeze3A_1015 = vector.extract %slice3A_1014[0] : i32 from vector<1xi32>
    %swap3A_1016 = arith.constant 182 : i32
    %swap3A_1017 = arith.index_cast %swap3A_1016 : i32 to index
    %swap3A_1018 = memref.load %arg9[%swap3A_1017] : memref<256xi32, #tpu.memory_space<smem>>
    memref.store %squeeze3A_1015, %arg9[%swap3A_1017] : memref<256xi32, #tpu.memory_space<smem>>
    %slice3A_1019 = vector.extract_strided_slice %get3A_983 {offsets = [7], sizes = [1], strides = [1]} : vector<16xi32> to vector<1xi32>
    %squeeze3A_1020 = vector.extract %slice3A_1019[0] : i32 from vector<1xi32>
    %swap3A_1021 = arith.constant 183 : i32
    %swap3A_1022 = arith.index_cast %swap3A_1021 : i32 to index
    %swap3A_1023 = memref.load %arg9[%swap3A_1022] : memref<256xi32, #tpu.memory_space<smem>>
    memref.store %squeeze3A_1020, %arg9[%swap3A_1022] : memref<256xi32, #tpu.memory_space<smem>>
    %slice3A_1024 = vector.extract_strided_slice %get3A_983 {offsets = [8], sizes = [1], strides = [1]} : vector<16xi32> to vector<1xi32>
    %squeeze3A_1025 = vector.extract %slice3A_1024[0] : i32 from vector<1xi32>
    %swap3A_1026 = arith.constant 184 : i32
    %swap3A_1027 = arith.index_cast %swap3A_1026 : i32 to index
    %swap3A_1028 = memref.load %arg9[%swap3A_1027] : memref<256xi32, #tpu.memory_space<smem>>
    memref.store %squeeze3A_1025, %arg9[%swap3A_1027] : memref<256xi32, #tpu.memory_space<smem>>
    %slice3A_1029 = vector.extract_strided_slice %get3A_983 {offsets = [9], sizes = [1], strides = [1]} : vector<16xi32> to vector<1xi32>
    %squeeze3A_1030 = vector.extract %slice3A_1029[0] : i32 from vector<1xi32>
    %swap3A_1031 = arith.constant 185 : i32
    %swap3A_1032 = arith.index_cast %swap3A_1031 : i32 to index
    %swap3A_1033 = memref.load %arg9[%swap3A_1032] : memref<256xi32, #tpu.memory_space<smem>>
    memref.store %squeeze3A_1030, %arg9[%swap3A_1032] : memref<256xi32, #tpu.memory_space<smem>>
    %slice3A_1034 = vector.extract_strided_slice %get3A_983 {offsets = [10], sizes = [1], strides = [1]} : vector<16xi32> to vector<1xi32>
    %squeeze3A_1035 = vector.extract %slice3A_1034[0] : i32 from vector<1xi32>
    %swap3A_1036 = arith.constant 186 : i32
    %swap3A_1037 = arith.index_cast %swap3A_1036 : i32 to index
    %swap3A_1038 = memref.load %arg9[%swap3A_1037] : memref<256xi32, #tpu.memory_space<smem>>
    memref.store %squeeze3A_1035, %arg9[%swap3A_1037] : memref<256xi32, #tpu.memory_space<smem>>
    %slice3A_1039 = vector.extract_strided_slice %get3A_983 {offsets = [11], sizes = [1], strides = [1]} : vector<16xi32> to vector<1xi32>
    %squeeze3A_1040 = vector.extract %slice3A_1039[0] : i32 from vector<1xi32>
    %swap3A_1041 = arith.constant 187 : i32
    %swap3A_1042 = arith.index_cast %swap3A_1041 : i32 to index
    %swap3A_1043 = memref.load %arg9[%swap3A_1042] : memref<256xi32, #tpu.memory_space<smem>>
    memref.store %squeeze3A_1040, %arg9[%swap3A_1042] : memref<256xi32, #tpu.memory_space<smem>>
    %slice3A_1044 = vector.extract_strided_slice %get3A_983 {offsets = [12], sizes = [1], strides = [1]} : vector<16xi32> to vector<1xi32>
    %squeeze3A_1045 = vector.extract %slice3A_1044[0] : i32 from vector<1xi32>
    %swap3A_1046 = arith.constant 188 : i32
    %swap3A_1047 = arith.index_cast %swap3A_1046 : i32 to index
    %swap3A_1048 = memref.load %arg9[%swap3A_1047] : memref<256xi32, #tpu.memory_space<smem>>
    memref.store %squeeze3A_1045, %arg9[%swap3A_1047] : memref<256xi32, #tpu.memory_space<smem>>
    %slice3A_1049 = vector.extract_strided_slice %get3A_983 {offsets = [13], sizes = [1], strides = [1]} : vector<16xi32> to vector<1xi32>
    %squeeze3A_1050 = vector.extract %slice3A_1049[0] : i32 from vector<1xi32>
    %swap3A_1051 = arith.constant 189 : i32
    %swap3A_1052 = arith.index_cast %swap3A_1051 : i32 to index
    %swap3A_1053 = memref.load %arg9[%swap3A_1052] : memref<256xi32, #tpu.memory_space<smem>>
    memref.store %squeeze3A_1050, %arg9[%swap3A_1052] : memref<256xi32, #tpu.memory_space<smem>>
    %slice3A_1054 = vector.extract_strided_slice %get3A_983 {offsets = [14], sizes = [1], strides = [1]} : vector<16xi32> to vector<1xi32>
    %squeeze3A_1055 = vector.extract %slice3A_1054[0] : i32 from vector<1xi32>
    %swap3A_1056 = arith.constant 190 : i32
    %swap3A_1057 = arith.index_cast %swap3A_1056 : i32 to index
    %swap3A_1058 = memref.load %arg9[%swap3A_1057] : memref<256xi32, #tpu.memory_space<smem>>
    memref.store %squeeze3A_1055, %arg9[%swap3A_1057] : memref<256xi32, #tpu.memory_space<smem>>
    %slice3A_1059 = vector.extract_strided_slice %get3A_983 {offsets = [15], sizes = [1], strides = [1]} : vector<16xi32> to vector<1xi32>
    %squeeze3A_1060 = vector.extract %slice3A_1059[0] : i32 from vector<1xi32>
    %swap3A_1061 = arith.constant 191 : i32
    %swap3A_1062 = arith.index_cast %swap3A_1061 : i32 to index
    %swap3A_1063 = memref.load %arg9[%swap3A_1062] : memref<256xi32, #tpu.memory_space<smem>>
    memref.store %squeeze3A_1060, %arg9[%swap3A_1062] : memref<256xi32, #tpu.memory_space<smem>>
    %get3A_1064 = arith.constant 1 : i32
    %get3A_1065 = arith.index_cast %get3A_1064 : i32 to index
    %get3A_1066 = arith.constant 64 : index
    %get3A_1067 = tpu.vector_load %arg6[%get3A_1065, %get3A_1066] {strides = array<i32>} : memref<2x128xi32, #tpu.memory_space<vmem>>, vector<16xi32>,
    %slice3A_1068 = vector.extract_strided_slice %get3A_1067 {offsets = [0], sizes = [1], strides = [1]} : vector<16xi32> to vector<1xi32>
    %squeeze3A_1069 = vector.extract %slice3A_1068[0] : i32 from vector<1xi32>
    %swap3A_1070 = arith.constant 192 : i32
    %swap3A_1071 = arith.index_cast %swap3A_1070 : i32 to index
    %swap3A_1072 = memref.load %arg9[%swap3A_1071] : memref<256xi32, #tpu.memory_space<smem>>
    memref.store %squeeze3A_1069, %arg9[%swap3A_1071] : memref<256xi32, #tpu.memory_space<smem>>
    %slice3A_1073 = vector.extract_strided_slice %get3A_1067 {offsets = [1], sizes = [1], strides = [1]} : vector<16xi32> to vector<1xi32>
    %squeeze3A_1074 = vector.extract %slice3A_1073[0] : i32 from vector<1xi32>
    %swap3A_1075 = arith.constant 193 : i32
    %swap3A_1076 = arith.index_cast %swap3A_1075 : i32 to index
    %swap3A_1077 = memref.load %arg9[%swap3A_1076] : memref<256xi32, #tpu.memory_space<smem>>
    memref.store %squeeze3A_1074, %arg9[%swap3A_1076] : memref<256xi32, #tpu.memory_space<smem>>
    %slice3A_1078 = vector.extract_strided_slice %get3A_1067 {offsets = [2], sizes = [1], strides = [1]} : vector<16xi32> to vector<1xi32>
    %squeeze3A_1079 = vector.extract %slice3A_1078[0] : i32 from vector<1xi32>
    %swap3A_1080 = arith.constant 194 : i32
    %swap3A_1081 = arith.index_cast %swap3A_1080 : i32 to index
    %swap3A_1082 = memref.load %arg9[%swap3A_1081] : memref<256xi32, #tpu.memory_space<smem>>
    memref.store %squeeze3A_1079, %arg9[%swap3A_1081] : memref<256xi32, #tpu.memory_space<smem>>
    %slice3A_1083 = vector.extract_strided_slice %get3A_1067 {offsets = [3], sizes = [1], strides = [1]} : vector<16xi32> to vector<1xi32>
    %squeeze3A_1084 = vector.extract %slice3A_1083[0] : i32 from vector<1xi32>
    %swap3A_1085 = arith.constant 195 : i32
    %swap3A_1086 = arith.index_cast %swap3A_1085 : i32 to index
    %swap3A_1087 = memref.load %arg9[%swap3A_1086] : memref<256xi32, #tpu.memory_space<smem>>
    memref.store %squeeze3A_1084, %arg9[%swap3A_1086] : memref<256xi32, #tpu.memory_space<smem>>
    %slice3A_1088 = vector.extract_strided_slice %get3A_1067 {offsets = [4], sizes = [1], strides = [1]} : vector<16xi32> to vector<1xi32>
    %squeeze3A_1089 = vector.extract %slice3A_1088[0] : i32 from vector<1xi32>
    %swap3A_1090 = arith.constant 196 : i32
    %swap3A_1091 = arith.index_cast %swap3A_1090 : i32 to index
    %swap3A_1092 = memref.load %arg9[%swap3A_1091] : memref<256xi32, #tpu.memory_space<smem>>
    memref.store %squeeze3A_1089, %arg9[%swap3A_1091] : memref<256xi32, #tpu.memory_space<smem>>
    %slice3A_1093 = vector.extract_strided_slice %get3A_1067 {offsets = [5], sizes = [1], strides = [1]} : vector<16xi32> to vector<1xi32>
    %squeeze3A_1094 = vector.extract %slice3A_1093[0] : i32 from vector<1xi32>
    %swap3A_1095 = arith.constant 197 : i32
    %swap3A_1096 = arith.index_cast %swap3A_1095 : i32 to index
    %swap3A_1097 = memref.load %arg9[%swap3A_1096] : memref<256xi32, #tpu.memory_space<smem>>
    memref.store %squeeze3A_1094, %arg9[%swap3A_1096] : memref<256xi32, #tpu.memory_space<smem>>
    %slice3A_1098 = vector.extract_strided_slice %get3A_1067 {offsets = [6], sizes = [1], strides = [1]} : vector<16xi32> to vector<1xi32>
    %squeeze3A_1099 = vector.extract %slice3A_1098[0] : i32 from vector<1xi32>
    %swap3A_1100 = arith.constant 198 : i32
    %swap3A_1101 = arith.index_cast %swap3A_1100 : i32 to index
    %swap3A_1102 = memref.load %arg9[%swap3A_1101] : memref<256xi32, #tpu.memory_space<smem>>
    memref.store %squeeze3A_1099, %arg9[%swap3A_1101] : memref<256xi32, #tpu.memory_space<smem>>
    %slice3A_1103 = vector.extract_strided_slice %get3A_1067 {offsets = [7], sizes = [1], strides = [1]} : vector<16xi32> to vector<1xi32>
    %squeeze3A_1104 = vector.extract %slice3A_1103[0] : i32 from vector<1xi32>
    %swap3A_1105 = arith.constant 199 : i32
    %swap3A_1106 = arith.index_cast %swap3A_1105 : i32 to index
    %swap3A_1107 = memref.load %arg9[%swap3A_1106] : memref<256xi32, #tpu.memory_space<smem>>
    memref.store %squeeze3A_1104, %arg9[%swap3A_1106] : memref<256xi32, #tpu.memory_space<smem>>
    %slice3A_1108 = vector.extract_strided_slice %get3A_1067 {offsets = [8], sizes = [1], strides = [1]} : vector<16xi32> to vector<1xi32>
    %squeeze3A_1109 = vector.extract %slice3A_1108[0] : i32 from vector<1xi32>
    %swap3A_1110 = arith.constant 200 : i32
    %swap3A_1111 = arith.index_cast %swap3A_1110 : i32 to index
    %swap3A_1112 = memref.load %arg9[%swap3A_1111] : memref<256xi32, #tpu.memory_space<smem>>
    memref.store %squeeze3A_1109, %arg9[%swap3A_1111] : memref<256xi32, #tpu.memory_space<smem>>
    %slice3A_1113 = vector.extract_strided_slice %get3A_1067 {offsets = [9], sizes = [1], strides = [1]} : vector<16xi32> to vector<1xi32>
    %squeeze3A_1114 = vector.extract %slice3A_1113[0] : i32 from vector<1xi32>
    %swap3A_1115 = arith.constant 201 : i32
    %swap3A_1116 = arith.index_cast %swap3A_1115 : i32 to index
    %swap3A_1117 = memref.load %arg9[%swap3A_1116] : memref<256xi32, #tpu.memory_space<smem>>
    memref.store %squeeze3A_1114, %arg9[%swap3A_1116] : memref<256xi32, #tpu.memory_space<smem>>
    %slice3A_1118 = vector.extract_strided_slice %get3A_1067 {offsets = [10], sizes = [1], strides = [1]} : vector<16xi32> to vector<1xi32>
    %squeeze3A_1119 = vector.extract %slice3A_1118[0] : i32 from vector<1xi32>
    %swap3A_1120 = arith.constant 202 : i32
    %swap3A_1121 = arith.index_cast %swap3A_1120 : i32 to index
    %swap3A_1122 = memref.load %arg9[%swap3A_1121] : memref<256xi32, #tpu.memory_space<smem>>
    memref.store %squeeze3A_1119, %arg9[%swap3A_1121] : memref<256xi32, #tpu.memory_space<smem>>
    %slice3A_1123 = vector.extract_strided_slice %get3A_1067 {offsets = [11], sizes = [1], strides = [1]} : vector<16xi32> to vector<1xi32>
    %squeeze3A_1124 = vector.extract %slice3A_1123[0] : i32 from vector<1xi32>
    %swap3A_1125 = arith.constant 203 : i32
    %swap3A_1126 = arith.index_cast %swap3A_1125 : i32 to index
    %swap3A_1127 = memref.load %arg9[%swap3A_1126] : memref<256xi32, #tpu.memory_space<smem>>
    memref.store %squeeze3A_1124, %arg9[%swap3A_1126] : memref<256xi32, #tpu.memory_space<smem>>
    %slice3A_1128 = vector.extract_strided_slice %get3A_1067 {offsets = [12], sizes = [1], strides = [1]} : vector<16xi32> to vector<1xi32>
    %squeeze3A_1129 = vector.extract %slice3A_1128[0] : i32 from vector<1xi32>
    %swap3A_1130 = arith.constant 204 : i32
    %swap3A_1131 = arith.index_cast %swap3A_1130 : i32 to index
    %swap3A_1132 = memref.load %arg9[%swap3A_1131] : memref<256xi32, #tpu.memory_space<smem>>
    memref.store %squeeze3A_1129, %arg9[%swap3A_1131] : memref<256xi32, #tpu.memory_space<smem>>
    %slice3A_1133 = vector.extract_strided_slice %get3A_1067 {offsets = [13], sizes = [1], strides = [1]} : vector<16xi32> to vector<1xi32>
    %squeeze3A_1134 = vector.extract %slice3A_1133[0] : i32 from vector<1xi32>
    %swap3A_1135 = arith.constant 205 : i32
    %swap3A_1136 = arith.index_cast %swap3A_1135 : i32 to index
    %swap3A_1137 = memref.load %arg9[%swap3A_1136] : memref<256xi32, #tpu.memory_space<smem>>
    memref.store %squeeze3A_1134, %arg9[%swap3A_1136] : memref<256xi32, #tpu.memory_space<smem>>
    %slice3A_1138 = vector.extract_strided_slice %get3A_1067 {offsets = [14], sizes = [1], strides = [1]} : vector<16xi32> to vector<1xi32>
    %squeeze3A_1139 = vector.extract %slice3A_1138[0] : i32 from vector<1xi32>
    %swap3A_1140 = arith.constant 206 : i32
    %swap3A_1141 = arith.index_cast %swap3A_1140 : i32 to index
    %swap3A_1142 = memref.load %arg9[%swap3A_1141] : memref<256xi32, #tpu.memory_space<smem>>
    memref.store %squeeze3A_1139, %arg9[%swap3A_1141] : memref<256xi32, #tpu.memory_space<smem>>
    %slice3A_1143 = vector.extract_strided_slice %get3A_1067 {offsets = [15], sizes = [1], strides = [1]} : vector<16xi32> to vector<1xi32>
    %squeeze3A_1144 = vector.extract %slice3A_1143[0] : i32 from vector<1xi32>
    %swap3A_1145 = arith.constant 207 : i32
    %swap3A_1146 = arith.index_cast %swap3A_1145 : i32 to index
    %swap3A_1147 = memref.load %arg9[%swap3A_1146] : memref<256xi32, #tpu.memory_space<smem>>
    memref.store %squeeze3A_1144, %arg9[%swap3A_1146] : memref<256xi32, #tpu.memory_space<smem>>
    %get3A_1148 = arith.constant 1 : i32
    %get3A_1149 = arith.index_cast %get3A_1148 : i32 to index
    %get3A_1150 = arith.constant 80 : index
    %get3A_1151 = tpu.vector_load %arg6[%get3A_1149, %get3A_1150] {strides = array<i32>} : memref<2x128xi32, #tpu.memory_space<vmem>>, vector<16xi32>,
    %slice3A_1152 = vector.extract_strided_slice %get3A_1151 {offsets = [0], sizes = [1], strides = [1]} : vector<16xi32> to vector<1xi32>
    %squeeze3A_1153 = vector.extract %slice3A_1152[0] : i32 from vector<1xi32>
    %swap3A_1154 = arith.constant 208 : i32
    %swap3A_1155 = arith.index_cast %swap3A_1154 : i32 to index
    %swap3A_1156 = memref.load %arg9[%swap3A_1155] : memref<256xi32, #tpu.memory_space<smem>>
    memref.store %squeeze3A_1153, %arg9[%swap3A_1155] : memref<256xi32, #tpu.memory_space<smem>>
    %slice3A_1157 = vector.extract_strided_slice %get3A_1151 {offsets = [1], sizes = [1], strides = [1]} : vector<16xi32> to vector<1xi32>
    %squeeze3A_1158 = vector.extract %slice3A_1157[0] : i32 from vector<1xi32>
    %swap3A_1159 = arith.constant 209 : i32
    %swap3A_1160 = arith.index_cast %swap3A_1159 : i32 to index
    %swap3A_1161 = memref.load %arg9[%swap3A_1160] : memref<256xi32, #tpu.memory_space<smem>>
    memref.store %squeeze3A_1158, %arg9[%swap3A_1160] : memref<256xi32, #tpu.memory_space<smem>>
    %slice3A_1162 = vector.extract_strided_slice %get3A_1151 {offsets = [2], sizes = [1], strides = [1]} : vector<16xi32> to vector<1xi32>
    %squeeze3A_1163 = vector.extract %slice3A_1162[0] : i32 from vector<1xi32>
    %swap3A_1164 = arith.constant 210 : i32
    %swap3A_1165 = arith.index_cast %swap3A_1164 : i32 to index
    %swap3A_1166 = memref.load %arg9[%swap3A_1165] : memref<256xi32, #tpu.memory_space<smem>>
    memref.store %squeeze3A_1163, %arg9[%swap3A_1165] : memref<256xi32, #tpu.memory_space<smem>>
    %slice3A_1167 = vector.extract_strided_slice %get3A_1151 {offsets = [3], sizes = [1], strides = [1]} : vector<16xi32> to vector<1xi32>
    %squeeze3A_1168 = vector.extract %slice3A_1167[0] : i32 from vector<1xi32>
    %swap3A_1169 = arith.constant 211 : i32
    %swap3A_1170 = arith.index_cast %swap3A_1169 : i32 to index
    %swap3A_1171 = memref.load %arg9[%swap3A_1170] : memref<256xi32, #tpu.memory_space<smem>>
    memref.store %squeeze3A_1168, %arg9[%swap3A_1170] : memref<256xi32, #tpu.memory_space<smem>>
    %slice3A_1172 = vector.extract_strided_slice %get3A_1151 {offsets = [4], sizes = [1], strides = [1]} : vector<16xi32> to vector<1xi32>
    %squeeze3A_1173 = vector.extract %slice3A_1172[0] : i32 from vector<1xi32>
    %swap3A_1174 = arith.constant 212 : i32
    %swap3A_1175 = arith.index_cast %swap3A_1174 : i32 to index
    %swap3A_1176 = memref.load %arg9[%swap3A_1175] : memref<256xi32, #tpu.memory_space<smem>>
    memref.store %squeeze3A_1173, %arg9[%swap3A_1175] : memref<256xi32, #tpu.memory_space<smem>>
    %slice3A_1177 = vector.extract_strided_slice %get3A_1151 {offsets = [5], sizes = [1], strides = [1]} : vector<16xi32> to vector<1xi32>
    %squeeze3A_1178 = vector.extract %slice3A_1177[0] : i32 from vector<1xi32>
    %swap3A_1179 = arith.constant 213 : i32
    %swap3A_1180 = arith.index_cast %swap3A_1179 : i32 to index
    %swap3A_1181 = memref.load %arg9[%swap3A_1180] : memref<256xi32, #tpu.memory_space<smem>>
    memref.store %squeeze3A_1178, %arg9[%swap3A_1180] : memref<256xi32, #tpu.memory_space<smem>>
    %slice3A_1182 = vector.extract_strided_slice %get3A_1151 {offsets = [6], sizes = [1], strides = [1]} : vector<16xi32> to vector<1xi32>
    %squeeze3A_1183 = vector.extract %slice3A_1182[0] : i32 from vector<1xi32>
    %swap3A_1184 = arith.constant 214 : i32
    %swap3A_1185 = arith.index_cast %swap3A_1184 : i32 to index
    %swap3A_1186 = memref.load %arg9[%swap3A_1185] : memref<256xi32, #tpu.memory_space<smem>>
    memref.store %squeeze3A_1183, %arg9[%swap3A_1185] : memref<256xi32, #tpu.memory_space<smem>>
    %slice3A_1187 = vector.extract_strided_slice %get3A_1151 {offsets = [7], sizes = [1], strides = [1]} : vector<16xi32> to vector<1xi32>
    %squeeze3A_1188 = vector.extract %slice3A_1187[0] : i32 from vector<1xi32>
    %swap3A_1189 = arith.constant 215 : i32
    %swap3A_1190 = arith.index_cast %swap3A_1189 : i32 to index
    %swap3A_1191 = memref.load %arg9[%swap3A_1190] : memref<256xi32, #tpu.memory_space<smem>>
    memref.store %squeeze3A_1188, %arg9[%swap3A_1190] : memref<256xi32, #tpu.memory_space<smem>>
    %slice3A_1192 = vector.extract_strided_slice %get3A_1151 {offsets = [8], sizes = [1], strides = [1]} : vector<16xi32> to vector<1xi32>
    %squeeze3A_1193 = vector.extract %slice3A_1192[0] : i32 from vector<1xi32>
    %swap3A_1194 = arith.constant 216 : i32
    %swap3A_1195 = arith.index_cast %swap3A_1194 : i32 to index
    %swap3A_1196 = memref.load %arg9[%swap3A_1195] : memref<256xi32, #tpu.memory_space<smem>>
    memref.store %squeeze3A_1193, %arg9[%swap3A_1195] : memref<256xi32, #tpu.memory_space<smem>>
    %slice3A_1197 = vector.extract_strided_slice %get3A_1151 {offsets = [9], sizes = [1], strides = [1]} : vector<16xi32> to vector<1xi32>
    %squeeze3A_1198 = vector.extract %slice3A_1197[0] : i32 from vector<1xi32>
    %swap3A_1199 = arith.constant 217 : i32
    %swap3A_1200 = arith.index_cast %swap3A_1199 : i32 to index
    %swap3A_1201 = memref.load %arg9[%swap3A_1200] : memref<256xi32, #tpu.memory_space<smem>>
    memref.store %squeeze3A_1198, %arg9[%swap3A_1200] : memref<256xi32, #tpu.memory_space<smem>>
    %slice3A_1202 = vector.extract_strided_slice %get3A_1151 {offsets = [10], sizes = [1], strides = [1]} : vector<16xi32> to vector<1xi32>
    %squeeze3A_1203 = vector.extract %slice3A_1202[0] : i32 from vector<1xi32>
    %swap3A_1204 = arith.constant 218 : i32
    %swap3A_1205 = arith.index_cast %swap3A_1204 : i32 to index
    %swap3A_1206 = memref.load %arg9[%swap3A_1205] : memref<256xi32, #tpu.memory_space<smem>>
    memref.store %squeeze3A_1203, %arg9[%swap3A_1205] : memref<256xi32, #tpu.memory_space<smem>>
    %slice3A_1207 = vector.extract_strided_slice %get3A_1151 {offsets = [11], sizes = [1], strides = [1]} : vector<16xi32> to vector<1xi32>
    %squeeze3A_1208 = vector.extract %slice3A_1207[0] : i32 from vector<1xi32>
    %swap3A_1209 = arith.constant 219 : i32
    %swap3A_1210 = arith.index_cast %swap3A_1209 : i32 to index
    %swap3A_1211 = memref.load %arg9[%swap3A_1210] : memref<256xi32, #tpu.memory_space<smem>>
    memref.store %squeeze3A_1208, %arg9[%swap3A_1210] : memref<256xi32, #tpu.memory_space<smem>>
    %slice3A_1212 = vector.extract_strided_slice %get3A_1151 {offsets = [12], sizes = [1], strides = [1]} : vector<16xi32> to vector<1xi32>
    %squeeze3A_1213 = vector.extract %slice3A_1212[0] : i32 from vector<1xi32>
    %swap3A_1214 = arith.constant 220 : i32
    %swap3A_1215 = arith.index_cast %swap3A_1214 : i32 to index
    %swap3A_1216 = memref.load %arg9[%swap3A_1215] : memref<256xi32, #tpu.memory_space<smem>>
    memref.store %squeeze3A_1213, %arg9[%swap3A_1215] : memref<256xi32, #tpu.memory_space<smem>>
    %slice3A_1217 = vector.extract_strided_slice %get3A_1151 {offsets = [13], sizes = [1], strides = [1]} : vector<16xi32> to vector<1xi32>
    %squeeze3A_1218 = vector.extract %slice3A_1217[0] : i32 from vector<1xi32>
    %swap3A_1219 = arith.constant 221 : i32
    %swap3A_1220 = arith.index_cast %swap3A_1219 : i32 to index
    %swap3A_1221 = memref.load %arg9[%swap3A_1220] : memref<256xi32, #tpu.memory_space<smem>>
    memref.store %squeeze3A_1218, %arg9[%swap3A_1220] : memref<256xi32, #tpu.memory_space<smem>>
    %slice3A_1222 = vector.extract_strided_slice %get3A_1151 {offsets = [14], sizes = [1], strides = [1]} : vector<16xi32> to vector<1xi32>
    %squeeze3A_1223 = vector.extract %slice3A_1222[0] : i32 from vector<1xi32>
    %swap3A_1224 = arith.constant 222 : i32
    %swap3A_1225 = arith.index_cast %swap3A_1224 : i32 to index
    %swap3A_1226 = memref.load %arg9[%swap3A_1225] : memref<256xi32, #tpu.memory_space<smem>>
    memref.store %squeeze3A_1223, %arg9[%swap3A_1225] : memref<256xi32, #tpu.memory_space<smem>>
    %slice3A_1227 = vector.extract_strided_slice %get3A_1151 {offsets = [15], sizes = [1], strides = [1]} : vector<16xi32> to vector<1xi32>
    %squeeze3A_1228 = vector.extract %slice3A_1227[0] : i32 from vector<1xi32>
    %swap3A_1229 = arith.constant 223 : i32
    %swap3A_1230 = arith.index_cast %swap3A_1229 : i32 to index
    %swap3A_1231 = memref.load %arg9[%swap3A_1230] : memref<256xi32, #tpu.memory_space<smem>>
    memref.store %squeeze3A_1228, %arg9[%swap3A_1230] : memref<256xi32, #tpu.memory_space<smem>>
    %get3A_1232 = arith.constant 1 : i32
    %get3A_1233 = arith.index_cast %get3A_1232 : i32 to index
    %get3A_1234 = arith.constant 96 : index
    %get3A_1235 = tpu.vector_load %arg6[%get3A_1233, %get3A_1234] {strides = array<i32>} : memref<2x128xi32, #tpu.memory_space<vmem>>, vector<16xi32>,
    %slice3A_1236 = vector.extract_strided_slice %get3A_1235 {offsets = [0], sizes = [1], strides = [1]} : vector<16xi32> to vector<1xi32>
    %squeeze3A_1237 = vector.extract %slice3A_1236[0] : i32 from vector<1xi32>
    %swap3A_1238 = arith.constant 224 : i32
    %swap3A_1239 = arith.index_cast %swap3A_1238 : i32 to index
    %swap3A_1240 = memref.load %arg9[%swap3A_1239] : memref<256xi32, #tpu.memory_space<smem>>
    memref.store %squeeze3A_1237, %arg9[%swap3A_1239] : memref<256xi32, #tpu.memory_space<smem>>
    %slice3A_1241 = vector.extract_strided_slice %get3A_1235 {offsets = [1], sizes = [1], strides = [1]} : vector<16xi32> to vector<1xi32>
    %squeeze3A_1242 = vector.extract %slice3A_1241[0] : i32 from vector<1xi32>
    %swap3A_1243 = arith.constant 225 : i32
    %swap3A_1244 = arith.index_cast %swap3A_1243 : i32 to index
    %swap3A_1245 = memref.load %arg9[%swap3A_1244] : memref<256xi32, #tpu.memory_space<smem>>
    memref.store %squeeze3A_1242, %arg9[%swap3A_1244] : memref<256xi32, #tpu.memory_space<smem>>
    %slice3A_1246 = vector.extract_strided_slice %get3A_1235 {offsets = [2], sizes = [1], strides = [1]} : vector<16xi32> to vector<1xi32>
    %squeeze3A_1247 = vector.extract %slice3A_1246[0] : i32 from vector<1xi32>
    %swap3A_1248 = arith.constant 226 : i32
    %swap3A_1249 = arith.index_cast %swap3A_1248 : i32 to index
    %swap3A_1250 = memref.load %arg9[%swap3A_1249] : memref<256xi32, #tpu.memory_space<smem>>
    memref.store %squeeze3A_1247, %arg9[%swap3A_1249] : memref<256xi32, #tpu.memory_space<smem>>
    %slice3A_1251 = vector.extract_strided_slice %get3A_1235 {offsets = [3], sizes = [1], strides = [1]} : vector<16xi32> to vector<1xi32>
    %squeeze3A_1252 = vector.extract %slice3A_1251[0] : i32 from vector<1xi32>
    %swap3A_1253 = arith.constant 227 : i32
    %swap3A_1254 = arith.index_cast %swap3A_1253 : i32 to index
    %swap3A_1255 = memref.load %arg9[%swap3A_1254] : memref<256xi32, #tpu.memory_space<smem>>
    memref.store %squeeze3A_1252, %arg9[%swap3A_1254] : memref<256xi32, #tpu.memory_space<smem>>
    %slice3A_1256 = vector.extract_strided_slice %get3A_1235 {offsets = [4], sizes = [1], strides = [1]} : vector<16xi32> to vector<1xi32>
    %squeeze3A_1257 = vector.extract %slice3A_1256[0] : i32 from vector<1xi32>
    %swap3A_1258 = arith.constant 228 : i32
    %swap3A_1259 = arith.index_cast %swap3A_1258 : i32 to index
    %swap3A_1260 = memref.load %arg9[%swap3A_1259] : memref<256xi32, #tpu.memory_space<smem>>
    memref.store %squeeze3A_1257, %arg9[%swap3A_1259] : memref<256xi32, #tpu.memory_space<smem>>
    %slice3A_1261 = vector.extract_strided_slice %get3A_1235 {offsets = [5], sizes = [1], strides = [1]} : vector<16xi32> to vector<1xi32>
    %squeeze3A_1262 = vector.extract %slice3A_1261[0] : i32 from vector<1xi32>
    %swap3A_1263 = arith.constant 229 : i32
    %swap3A_1264 = arith.index_cast %swap3A_1263 : i32 to index
    %swap3A_1265 = memref.load %arg9[%swap3A_1264] : memref<256xi32, #tpu.memory_space<smem>>
    memref.store %squeeze3A_1262, %arg9[%swap3A_1264] : memref<256xi32, #tpu.memory_space<smem>>
    %slice3A_1266 = vector.extract_strided_slice %get3A_1235 {offsets = [6], sizes = [1], strides = [1]} : vector<16xi32> to vector<1xi32>
    %squeeze3A_1267 = vector.extract %slice3A_1266[0] : i32 from vector<1xi32>
    %swap3A_1268 = arith.constant 230 : i32
    %swap3A_1269 = arith.index_cast %swap3A_1268 : i32 to index
    %swap3A_1270 = memref.load %arg9[%swap3A_1269] : memref<256xi32, #tpu.memory_space<smem>>
    memref.store %squeeze3A_1267, %arg9[%swap3A_1269] : memref<256xi32, #tpu.memory_space<smem>>
    %slice3A_1271 = vector.extract_strided_slice %get3A_1235 {offsets = [7], sizes = [1], strides = [1]} : vector<16xi32> to vector<1xi32>
    %squeeze3A_1272 = vector.extract %slice3A_1271[0] : i32 from vector<1xi32>
    %swap3A_1273 = arith.constant 231 : i32
    %swap3A_1274 = arith.index_cast %swap3A_1273 : i32 to index
    %swap3A_1275 = memref.load %arg9[%swap3A_1274] : memref<256xi32, #tpu.memory_space<smem>>
    memref.store %squeeze3A_1272, %arg9[%swap3A_1274] : memref<256xi32, #tpu.memory_space<smem>>
    %slice3A_1276 = vector.extract_strided_slice %get3A_1235 {offsets = [8], sizes = [1], strides = [1]} : vector<16xi32> to vector<1xi32>
    %squeeze3A_1277 = vector.extract %slice3A_1276[0] : i32 from vector<1xi32>
    %swap3A_1278 = arith.constant 232 : i32
    %swap3A_1279 = arith.index_cast %swap3A_1278 : i32 to index
    %swap3A_1280 = memref.load %arg9[%swap3A_1279] : memref<256xi32, #tpu.memory_space<smem>>
    memref.store %squeeze3A_1277, %arg9[%swap3A_1279] : memref<256xi32, #tpu.memory_space<smem>>
    %slice3A_1281 = vector.extract_strided_slice %get3A_1235 {offsets = [9], sizes = [1], strides = [1]} : vector<16xi32> to vector<1xi32>
    %squeeze3A_1282 = vector.extract %slice3A_1281[0] : i32 from vector<1xi32>
    %swap3A_1283 = arith.constant 233 : i32
    %swap3A_1284 = arith.index_cast %swap3A_1283 : i32 to index
    %swap3A_1285 = memref.load %arg9[%swap3A_1284] : memref<256xi32, #tpu.memory_space<smem>>
    memref.store %squeeze3A_1282, %arg9[%swap3A_1284] : memref<256xi32, #tpu.memory_space<smem>>
    %slice3A_1286 = vector.extract_strided_slice %get3A_1235 {offsets = [10], sizes = [1], strides = [1]} : vector<16xi32> to vector<1xi32>
    %squeeze3A_1287 = vector.extract %slice3A_1286[0] : i32 from vector<1xi32>
    %swap3A_1288 = arith.constant 234 : i32
    %swap3A_1289 = arith.index_cast %swap3A_1288 : i32 to index
    %swap3A_1290 = memref.load %arg9[%swap3A_1289] : memref<256xi32, #tpu.memory_space<smem>>
    memref.store %squeeze3A_1287, %arg9[%swap3A_1289] : memref<256xi32, #tpu.memory_space<smem>>
    %slice3A_1291 = vector.extract_strided_slice %get3A_1235 {offsets = [11], sizes = [1], strides = [1]} : vector<16xi32> to vector<1xi32>
    %squeeze3A_1292 = vector.extract %slice3A_1291[0] : i32 from vector<1xi32>
    %swap3A_1293 = arith.constant 235 : i32
    %swap3A_1294 = arith.index_cast %swap3A_1293 : i32 to index
    %swap3A_1295 = memref.load %arg9[%swap3A_1294] : memref<256xi32, #tpu.memory_space<smem>>
    memref.store %squeeze3A_1292, %arg9[%swap3A_1294] : memref<256xi32, #tpu.memory_space<smem>>
    %slice3A_1296 = vector.extract_strided_slice %get3A_1235 {offsets = [12], sizes = [1], strides = [1]} : vector<16xi32> to vector<1xi32>
    %squeeze3A_1297 = vector.extract %slice3A_1296[0] : i32 from vector<1xi32>
    %swap3A_1298 = arith.constant 236 : i32
    %swap3A_1299 = arith.index_cast %swap3A_1298 : i32 to index
    %swap3A_1300 = memref.load %arg9[%swap3A_1299] : memref<256xi32, #tpu.memory_space<smem>>
    memref.store %squeeze3A_1297, %arg9[%swap3A_1299] : memref<256xi32, #tpu.memory_space<smem>>
    %slice3A_1301 = vector.extract_strided_slice %get3A_1235 {offsets = [13], sizes = [1], strides = [1]} : vector<16xi32> to vector<1xi32>
    %squeeze3A_1302 = vector.extract %slice3A_1301[0] : i32 from vector<1xi32>
    %swap3A_1303 = arith.constant 237 : i32
    %swap3A_1304 = arith.index_cast %swap3A_1303 : i32 to index
    %swap3A_1305 = memref.load %arg9[%swap3A_1304] : memref<256xi32, #tpu.memory_space<smem>>
    memref.store %squeeze3A_1302, %arg9[%swap3A_1304] : memref<256xi32, #tpu.memory_space<smem>>
    %slice3A_1306 = vector.extract_strided_slice %get3A_1235 {offsets = [14], sizes = [1], strides = [1]} : vector<16xi32> to vector<1xi32>
    %squeeze3A_1307 = vector.extract %slice3A_1306[0] : i32 from vector<1xi32>
    %swap3A_1308 = arith.constant 238 : i32
    %swap3A_1309 = arith.index_cast %swap3A_1308 : i32 to index
    %swap3A_1310 = memref.load %arg9[%swap3A_1309] : memref<256xi32, #tpu.memory_space<smem>>
    memref.store %squeeze3A_1307, %arg9[%swap3A_1309] : memref<256xi32, #tpu.memory_space<smem>>
    %slice3A_1311 = vector.extract_strided_slice %get3A_1235 {offsets = [15], sizes = [1], strides = [1]} : vector<16xi32> to vector<1xi32>
    %squeeze3A_1312 = vector.extract %slice3A_1311[0] : i32 from vector<1xi32>
    %swap3A_1313 = arith.constant 239 : i32
    %swap3A_1314 = arith.index_cast %swap3A_1313 : i32 to index
    %swap3A_1315 = memref.load %arg9[%swap3A_1314] : memref<256xi32, #tpu.memory_space<smem>>
    memref.store %squeeze3A_1312, %arg9[%swap3A_1314] : memref<256xi32, #tpu.memory_space<smem>>
    %get3A_1316 = arith.constant 1 : i32
    %get3A_1317 = arith.index_cast %get3A_1316 : i32 to index
    %get3A_1318 = arith.constant 112 : index
    %get3A_1319 = tpu.vector_load %arg6[%get3A_1317, %get3A_1318] {strides = array<i32>} : memref<2x128xi32, #tpu.memory_space<vmem>>, vector<16xi32>,
    %slice3A_1320 = vector.extract_strided_slice %get3A_1319 {offsets = [0], sizes = [1], strides = [1]} : vector<16xi32> to vector<1xi32>
    %squeeze3A_1321 = vector.extract %slice3A_1320[0] : i32 from vector<1xi32>
    %swap3A_1322 = arith.constant 240 : i32
    %swap3A_1323 = arith.index_cast %swap3A_1322 : i32 to index
    %swap3A_1324 = memref.load %arg9[%swap3A_1323] : memref<256xi32, #tpu.memory_space<smem>>
    memref.store %squeeze3A_1321, %arg9[%swap3A_1323] : memref<256xi32, #tpu.memory_space<smem>>
    %slice3A_1325 = vector.extract_strided_slice %get3A_1319 {offsets = [1], sizes = [1], strides = [1]} : vector<16xi32> to vector<1xi32>
    %squeeze3A_1326 = vector.extract %slice3A_1325[0] : i32 from vector<1xi32>
    %swap3A_1327 = arith.constant 241 : i32
    %swap3A_1328 = arith.index_cast %swap3A_1327 : i32 to index
    %swap3A_1329 = memref.load %arg9[%swap3A_1328] : memref<256xi32, #tpu.memory_space<smem>>
    memref.store %squeeze3A_1326, %arg9[%swap3A_1328] : memref<256xi32, #tpu.memory_space<smem>>
    %slice3A_1330 = vector.extract_strided_slice %get3A_1319 {offsets = [2], sizes = [1], strides = [1]} : vector<16xi32> to vector<1xi32>
    %squeeze3A_1331 = vector.extract %slice3A_1330[0] : i32 from vector<1xi32>
    %swap3A_1332 = arith.constant 242 : i32
    %swap3A_1333 = arith.index_cast %swap3A_1332 : i32 to index
    %swap3A_1334 = memref.load %arg9[%swap3A_1333] : memref<256xi32, #tpu.memory_space<smem>>
    memref.store %squeeze3A_1331, %arg9[%swap3A_1333] : memref<256xi32, #tpu.memory_space<smem>>
    %slice3A_1335 = vector.extract_strided_slice %get3A_1319 {offsets = [3], sizes = [1], strides = [1]} : vector<16xi32> to vector<1xi32>
    %squeeze3A_1336 = vector.extract %slice3A_1335[0] : i32 from vector<1xi32>
    %swap3A_1337 = arith.constant 243 : i32
    %swap3A_1338 = arith.index_cast %swap3A_1337 : i32 to index
    %swap3A_1339 = memref.load %arg9[%swap3A_1338] : memref<256xi32, #tpu.memory_space<smem>>
    memref.store %squeeze3A_1336, %arg9[%swap3A_1338] : memref<256xi32, #tpu.memory_space<smem>>
    %slice3A_1340 = vector.extract_strided_slice %get3A_1319 {offsets = [4], sizes = [1], strides = [1]} : vector<16xi32> to vector<1xi32>
    %squeeze3A_1341 = vector.extract %slice3A_1340[0] : i32 from vector<1xi32>
    %swap3A_1342 = arith.constant 244 : i32
    %swap3A_1343 = arith.index_cast %swap3A_1342 : i32 to index
    %swap3A_1344 = memref.load %arg9[%swap3A_1343] : memref<256xi32, #tpu.memory_space<smem>>
    memref.store %squeeze3A_1341, %arg9[%swap3A_1343] : memref<256xi32, #tpu.memory_space<smem>>
    %slice3A_1345 = vector.extract_strided_slice %get3A_1319 {offsets = [5], sizes = [1], strides = [1]} : vector<16xi32> to vector<1xi32>
    %squeeze3A_1346 = vector.extract %slice3A_1345[0] : i32 from vector<1xi32>
    %swap3A_1347 = arith.constant 245 : i32
    %swap3A_1348 = arith.index_cast %swap3A_1347 : i32 to index
    %swap3A_1349 = memref.load %arg9[%swap3A_1348] : memref<256xi32, #tpu.memory_space<smem>>
    memref.store %squeeze3A_1346, %arg9[%swap3A_1348] : memref<256xi32, #tpu.memory_space<smem>>
    %slice3A_1350 = vector.extract_strided_slice %get3A_1319 {offsets = [6], sizes = [1], strides = [1]} : vector<16xi32> to vector<1xi32>
    %squeeze3A_1351 = vector.extract %slice3A_1350[0] : i32 from vector<1xi32>
    %swap3A_1352 = arith.constant 246 : i32
    %swap3A_1353 = arith.index_cast %swap3A_1352 : i32 to index
    %swap3A_1354 = memref.load %arg9[%swap3A_1353] : memref<256xi32, #tpu.memory_space<smem>>
    memref.store %squeeze3A_1351, %arg9[%swap3A_1353] : memref<256xi32, #tpu.memory_space<smem>>
    %slice3A_1355 = vector.extract_strided_slice %get3A_1319 {offsets = [7], sizes = [1], strides = [1]} : vector<16xi32> to vector<1xi32>
    %squeeze3A_1356 = vector.extract %slice3A_1355[0] : i32 from vector<1xi32>
    %swap3A_1357 = arith.constant 247 : i32
    %swap3A_1358 = arith.index_cast %swap3A_1357 : i32 to index
    %swap3A_1359 = memref.load %arg9[%swap3A_1358] : memref<256xi32, #tpu.memory_space<smem>>
    memref.store %squeeze3A_1356, %arg9[%swap3A_1358] : memref<256xi32, #tpu.memory_space<smem>>
    %slice3A_1360 = vector.extract_strided_slice %get3A_1319 {offsets = [8], sizes = [1], strides = [1]} : vector<16xi32> to vector<1xi32>
    %squeeze3A_1361 = vector.extract %slice3A_1360[0] : i32 from vector<1xi32>
    %swap3A_1362 = arith.constant 248 : i32
    %swap3A_1363 = arith.index_cast %swap3A_1362 : i32 to index
    %swap3A_1364 = memref.load %arg9[%swap3A_1363] : memref<256xi32, #tpu.memory_space<smem>>
    memref.store %squeeze3A_1361, %arg9[%swap3A_1363] : memref<256xi32, #tpu.memory_space<smem>>
    %slice3A_1365 = vector.extract_strided_slice %get3A_1319 {offsets = [9], sizes = [1], strides = [1]} : vector<16xi32> to vector<1xi32>
    %squeeze3A_1366 = vector.extract %slice3A_1365[0] : i32 from vector<1xi32>
    %swap3A_1367 = arith.constant 249 : i32
    %swap3A_1368 = arith.index_cast %swap3A_1367 : i32 to index
    %swap3A_1369 = memref.load %arg9[%swap3A_1368] : memref<256xi32, #tpu.memory_space<smem>>
    memref.store %squeeze3A_1366, %arg9[%swap3A_1368] : memref<256xi32, #tpu.memory_space<smem>>
    %slice3A_1370 = vector.extract_strided_slice %get3A_1319 {offsets = [10], sizes = [1], strides = [1]} : vector<16xi32> to vector<1xi32>
    %squeeze3A_1371 = vector.extract %slice3A_1370[0] : i32 from vector<1xi32>
    %swap3A_1372 = arith.constant 250 : i32
    %swap3A_1373 = arith.index_cast %swap3A_1372 : i32 to index
    %swap3A_1374 = memref.load %arg9[%swap3A_1373] : memref<256xi32, #tpu.memory_space<smem>>
    memref.store %squeeze3A_1371, %arg9[%swap3A_1373] : memref<256xi32, #tpu.memory_space<smem>>
    %slice3A_1375 = vector.extract_strided_slice %get3A_1319 {offsets = [11], sizes = [1], strides = [1]} : vector<16xi32> to vector<1xi32>
    %squeeze3A_1376 = vector.extract %slice3A_1375[0] : i32 from vector<1xi32>
    %swap3A_1377 = arith.constant 251 : i32
    %swap3A_1378 = arith.index_cast %swap3A_1377 : i32 to index
    %swap3A_1379 = memref.load %arg9[%swap3A_1378] : memref<256xi32, #tpu.memory_space<smem>>
    memref.store %squeeze3A_1376, %arg9[%swap3A_1378] : memref<256xi32, #tpu.memory_space<smem>>
    %slice3A_1380 = vector.extract_strided_slice %get3A_1319 {offsets = [12], sizes = [1], strides = [1]} : vector<16xi32> to vector<1xi32>
    %squeeze3A_1381 = vector.extract %slice3A_1380[0] : i32 from vector<1xi32>
    %swap3A_1382 = arith.constant 252 : i32
    %swap3A_1383 = arith.index_cast %swap3A_1382 : i32 to index
    %swap3A_1384 = memref.load %arg9[%swap3A_1383] : memref<256xi32, #tpu.memory_space<smem>>
    memref.store %squeeze3A_1381, %arg9[%swap3A_1383] : memref<256xi32, #tpu.memory_space<smem>>
    %slice3A_1385 = vector.extract_strided_slice %get3A_1319 {offsets = [13], sizes = [1], strides = [1]} : vector<16xi32> to vector<1xi32>
    %squeeze3A_1386 = vector.extract %slice3A_1385[0] : i32 from vector<1xi32>
    %swap3A_1387 = arith.constant 253 : i32
    %swap3A_1388 = arith.index_cast %swap3A_1387 : i32 to index
    %swap3A_1389 = memref.load %arg9[%swap3A_1388] : memref<256xi32, #tpu.memory_space<smem>>
    memref.store %squeeze3A_1386, %arg9[%swap3A_1388] : memref<256xi32, #tpu.memory_space<smem>>
    %slice3A_1390 = vector.extract_strided_slice %get3A_1319 {offsets = [14], sizes = [1], strides = [1]} : vector<16xi32> to vector<1xi32>
    %squeeze3A_1391 = vector.extract %slice3A_1390[0] : i32 from vector<1xi32>
    %swap3A_1392 = arith.constant 254 : i32
    %swap3A_1393 = arith.index_cast %swap3A_1392 : i32 to index
    %swap3A_1394 = memref.load %arg9[%swap3A_1393] : memref<256xi32, #tpu.memory_space<smem>>
    memref.store %squeeze3A_1391, %arg9[%swap3A_1393] : memref<256xi32, #tpu.memory_space<smem>>
    %slice3A_1395 = vector.extract_strided_slice %get3A_1319 {offsets = [15], sizes = [1], strides = [1]} : vector<16xi32> to vector<1xi32>
    %squeeze3A_1396 = vector.extract %slice3A_1395[0] : i32 from vector<1xi32>
    %swap3A_1397 = arith.constant 255 : i32
    %swap3A_1398 = arith.index_cast %swap3A_1397 : i32 to index
    %swap3A_1399 = memref.load %arg9[%swap3A_1398] : memref<256xi32, #tpu.memory_space<smem>>
    memref.store %squeeze3A_1396, %arg9[%swap3A_1398] : memref<256xi32, #tpu.memory_space<smem>>
    %iota3A = tpu.iota {dimensions = array<i32: 0>} : vector<16xi32>
    %add3A_1400 = arith.constant 0 : i32
    %add3A_1401 = vector.broadcast %add3A_1400 : i32 to vector<16xi32>
    %add3A_1402 = arith.addi %iota3A, %add3A_1401 : vector<16xi32>
    %iota3A_1403 = tpu.iota {dimensions = array<i32: 0>} : vector<16xi32>
    %add3A_1404 = arith.constant 16 : i32
    %add3A_1405 = vector.broadcast %add3A_1404 : i32 to vector<16xi32>
    %add3A_1406 = arith.addi %iota3A_1403, %add3A_1405 : vector<16xi32>
    %iota3A_1407 = tpu.iota {dimensions = array<i32: 0>} : vector<16xi32>
    %add3A_1408 = arith.constant 32 : i32
    %add3A_1409 = vector.broadcast %add3A_1408 : i32 to vector<16xi32>
    %add3A_1410 = arith.addi %iota3A_1407, %add3A_1409 : vector<16xi32>
    %iota3A_1411 = tpu.iota {dimensions = array<i32: 0>} : vector<16xi32>
    %add3A_1412 = arith.constant 48 : i32
    %add3A_1413 = vector.broadcast %add3A_1412 : i32 to vector<16xi32>
    %add3A_1414 = arith.addi %iota3A_1411, %add3A_1413 : vector<16xi32>
    %get3A_1415 = arith.constant 0 : i32
    %get3A_1416 = arith.index_cast %get3A_1415 : i32 to index
    %get3A_1417 = memref.load %arg9[%get3A_1416] : memref<256xi32, #tpu.memory_space<smem>>
    %shift_right_arithmetic3A = arith.constant 7 : i32
    %shift_right_arithmetic3A_1418 = arith.shrsi %get3A_1417, %shift_right_arithmetic3A : i32
    %mul3A_1419 = arith.constant 128 : i32
    %mul3A_1420 = arith.muli %shift_right_arithmetic3A_1418, %mul3A_1419 : i32
    %multiple_of3A = tpu.assume_multiple %mul3A_1420, 128 : i32
    %dma_start3A_1421 = arith.constant 0 : i32
    %dma_start3A_1422 = arith.constant 0 : i32
    %dma_start3A_1423 = arith.constant 0 : i32
    %dma_start3A_1424 = tpu.memref_slice %arg7[%dma_start3A_1421, %dma_start3A_1422, %dma_start3A_1423] : memref<8x64x128xf32, #tpu.memory_space<vmem>> -> memref<1x64x128xf32, #tpu.memory_space<vmem>>
    %dma_start3A_1425 = tpu.memref_squeeze %dma_start3A_1424 : memref<1x64x128xf32, #tpu.memory_space<vmem>> -> memref<64x128xf32, #tpu.memory_space<vmem>>
    %dma_start3A_1426 = arith.constant 0 : i32
    %dma_start3A_1427 = tpu.memref_slice %arg3[%dma_start3A_1426, %multiple_of3A] : memref<64x1000000xf32, #tpu.memory_space<hbm>> -> memref<64x128xf32, #tpu.memory_space<hbm>>
    %dma_start3A_1428 = arith.constant 0 : i32
    %dma_start3A_1429 = arith.constant 0 : i32
    %dma_start3A_1430 = tpu.memref_slice %arg7[%dma_start3A_1421, %dma_start3A_1428, %dma_start3A_1429] : memref<8x64x128xf32, #tpu.memory_space<vmem>> -> memref<1x64x128xf32, #tpu.memory_space<vmem>>
    %dma_start3A_1431 = tpu.memref_squeeze %dma_start3A_1430 : memref<1x64x128xf32, #tpu.memory_space<vmem>> -> memref<64x128xf32, #tpu.memory_space<vmem>>
    %dma_start3A_1432 = arith.constant 0 : i32
    %dma_start3A_1433 = tpu.memref_slice %arg3[%dma_start3A_1432, %multiple_of3A] : memref<64x1000000xf32, #tpu.memory_space<hbm>> -> memref<64x128xf32, #tpu.memory_space<hbm>>
    tpu.enqueue_dma source(%dma_start3A_1433 : memref<64x128xf32, #tpu.memory_space<hbm>>) target(%dma_start3A_1431 : memref<64x128xf32, #tpu.memory_space<vmem>>) target_semaphore(%arg10 : memref<!tpu.dma_semaphore, #tpu.memory_space<semaphore_mem>>)
    %get3A_1434 = arith.constant 1 : i32
    %get3A_1435 = arith.index_cast %get3A_1434 : i32 to index
    %get3A_1436 = memref.load %arg9[%get3A_1435] : memref<256xi32, #tpu.memory_space<smem>>
    %shift_right_arithmetic3A_1437 = arith.constant 7 : i32
    %shift_right_arithmetic3A_1438 = arith.shrsi %get3A_1436, %shift_right_arithmetic3A_1437 : i32
    %mul3A_1439 = arith.constant 128 : i32
    %mul3A_1440 = arith.muli %shift_right_arithmetic3A_1438, %mul3A_1439 : i32
    %multiple_of3A_1441 = tpu.assume_multiple %mul3A_1440, 128 : i32
    %dma_start3A_1442 = arith.constant 1 : i32
    %dma_start3A_1443 = arith.constant 0 : i32
    %dma_start3A_1444 = arith.constant 0 : i32
    %dma_start3A_1445 = tpu.memref_slice %arg7[%dma_start3A_1442, %dma_start3A_1443, %dma_start3A_1444] : memref<8x64x128xf32, #tpu.memory_space<vmem>> -> memref<1x64x128xf32, #tpu.memory_space<vmem>>
    %dma_start3A_1446 = tpu.memref_squeeze %dma_start3A_1445 : memref<1x64x128xf32, #tpu.memory_space<vmem>> -> memref<64x128xf32, #tpu.memory_space<vmem>>
    %dma_start3A_1447 = arith.constant 0 : i32
    %dma_start3A_1448 = tpu.memref_slice %arg3[%dma_start3A_1447, %multiple_of3A_1441] : memref<64x1000000xf32, #tpu.memory_space<hbm>> -> memref<64x128xf32, #tpu.memory_space<hbm>>
    %dma_start3A_1449 = arith.constant 0 : i32
    %dma_start3A_1450 = arith.constant 0 : i32
    %dma_start3A_1451 = tpu.memref_slice %arg7[%dma_start3A_1442, %dma_start3A_1449, %dma_start3A_1450] : memref<8x64x128xf32, #tpu.memory_space<vmem>> -> memref<1x64x128xf32, #tpu.memory_space<vmem>>
    %dma_start3A_1452 = tpu.memref_squeeze %dma_start3A_1451 : memref<1x64x128xf32, #tpu.memory_space<vmem>> -> memref<64x128xf32, #tpu.memory_space<vmem>>
    %dma_start3A_1453 = arith.constant 0 : i32
    %dma_start3A_1454 = tpu.memref_slice %arg3[%dma_start3A_1453, %multiple_of3A_1441] : memref<64x1000000xf32, #tpu.memory_space<hbm>> -> memref<64x128xf32, #tpu.memory_space<hbm>>
    tpu.enqueue_dma source(%dma_start3A_1454 : memref<64x128xf32, #tpu.memory_space<hbm>>) target(%dma_start3A_1452 : memref<64x128xf32, #tpu.memory_space<vmem>>) target_semaphore(%arg11 : memref<!tpu.dma_semaphore, #tpu.memory_space<semaphore_mem>>)
    %get3A_1455 = arith.constant 2 : i32
    %get3A_1456 = arith.index_cast %get3A_1455 : i32 to index
    %get3A_1457 = memref.load %arg9[%get3A_1456] : memref<256xi32, #tpu.memory_space<smem>>
    %shift_right_arithmetic3A_1458 = arith.constant 7 : i32
    %shift_right_arithmetic3A_1459 = arith.shrsi %get3A_1457, %shift_right_arithmetic3A_1458 : i32
    %mul3A_1460 = arith.constant 128 : i32
    %mul3A_1461 = arith.muli %shift_right_arithmetic3A_1459, %mul3A_1460 : i32
    %multiple_of3A_1462 = tpu.assume_multiple %mul3A_1461, 128 : i32
    %dma_start3A_1463 = arith.constant 2 : i32
    %dma_start3A_1464 = arith.constant 0 : i32
    %dma_start3A_1465 = arith.constant 0 : i32
    %dma_start3A_1466 = tpu.memref_slice %arg7[%dma_start3A_1463, %dma_start3A_1464, %dma_start3A_1465] : memref<8x64x128xf32, #tpu.memory_space<vmem>> -> memref<1x64x128xf32, #tpu.memory_space<vmem>>
    %dma_start3A_1467 = tpu.memref_squeeze %dma_start3A_1466 : memref<1x64x128xf32, #tpu.memory_space<vmem>> -> memref<64x128xf32, #tpu.memory_space<vmem>>
    %dma_start3A_1468 = arith.constant 0 : i32
    %dma_start3A_1469 = tpu.memref_slice %arg3[%dma_start3A_1468, %multiple_of3A_1462] : memref<64x1000000xf32, #tpu.memory_space<hbm>> -> memref<64x128xf32, #tpu.memory_space<hbm>>
    %dma_start3A_1470 = arith.constant 0 : i32
    %dma_start3A_1471 = arith.constant 0 : i32
    %dma_start3A_1472 = tpu.memref_slice %arg7[%dma_start3A_1463, %dma_start3A_1470, %dma_start3A_1471] : memref<8x64x128xf32, #tpu.memory_space<vmem>> -> memref<1x64x128xf32, #tpu.memory_space<vmem>>
    %dma_start3A_1473 = tpu.memref_squeeze %dma_start3A_1472 : memref<1x64x128xf32, #tpu.memory_space<vmem>> -> memref<64x128xf32, #tpu.memory_space<vmem>>
    %dma_start3A_1474 = arith.constant 0 : i32
    %dma_start3A_1475 = tpu.memref_slice %arg3[%dma_start3A_1474, %multiple_of3A_1462] : memref<64x1000000xf32, #tpu.memory_space<hbm>> -> memref<64x128xf32, #tpu.memory_space<hbm>>
    tpu.enqueue_dma source(%dma_start3A_1475 : memref<64x128xf32, #tpu.memory_space<hbm>>) target(%dma_start3A_1473 : memref<64x128xf32, #tpu.memory_space<vmem>>) target_semaphore(%arg12 : memref<!tpu.dma_semaphore, #tpu.memory_space<semaphore_mem>>)
    %get3A_1476 = arith.constant 3 : i32
    %get3A_1477 = arith.index_cast %get3A_1476 : i32 to index
    %get3A_1478 = memref.load %arg9[%get3A_1477] : memref<256xi32, #tpu.memory_space<smem>>
    %shift_right_arithmetic3A_1479 = arith.constant 7 : i32
    %shift_right_arithmetic3A_1480 = arith.shrsi %get3A_1478, %shift_right_arithmetic3A_1479 : i32
    %mul3A_1481 = arith.constant 128 : i32
    %mul3A_1482 = arith.muli %shift_right_arithmetic3A_1480, %mul3A_1481 : i32
    %multiple_of3A_1483 = tpu.assume_multiple %mul3A_1482, 128 : i32
    %dma_start3A_1484 = arith.constant 3 : i32
    %dma_start3A_1485 = arith.constant 0 : i32
    %dma_start3A_1486 = arith.constant 0 : i32
    %dma_start3A_1487 = tpu.memref_slice %arg7[%dma_start3A_1484, %dma_start3A_1485, %dma_start3A_1486] : memref<8x64x128xf32, #tpu.memory_space<vmem>> -> memref<1x64x128xf32, #tpu.memory_space<vmem>>
    %dma_start3A_1488 = tpu.memref_squeeze %dma_start3A_1487 : memref<1x64x128xf32, #tpu.memory_space<vmem>> -> memref<64x128xf32, #tpu.memory_space<vmem>>
    %dma_start3A_1489 = arith.constant 0 : i32
    %dma_start3A_1490 = tpu.memref_slice %arg3[%dma_start3A_1489, %multiple_of3A_1483] : memref<64x1000000xf32, #tpu.memory_space<hbm>> -> memref<64x128xf32, #tpu.memory_space<hbm>>
    %dma_start3A_1491 = arith.constant 0 : i32
    %dma_start3A_1492 = arith.constant 0 : i32
    %dma_start3A_1493 = tpu.memref_slice %arg7[%dma_start3A_1484, %dma_start3A_1491, %dma_start3A_1492] : memref<8x64x128xf32, #tpu.memory_space<vmem>> -> memref<1x64x128xf32, #tpu.memory_space<vmem>>
    %dma_start3A_1494 = tpu.memref_squeeze %dma_start3A_1493 : memref<1x64x128xf32, #tpu.memory_space<vmem>> -> memref<64x128xf32, #tpu.memory_space<vmem>>
    %dma_start3A_1495 = arith.constant 0 : i32
    %dma_start3A_1496 = tpu.memref_slice %arg3[%dma_start3A_1495, %multiple_of3A_1483] : memref<64x1000000xf32, #tpu.memory_space<hbm>> -> memref<64x128xf32, #tpu.memory_space<hbm>>
    tpu.enqueue_dma source(%dma_start3A_1496 : memref<64x128xf32, #tpu.memory_space<hbm>>) target(%dma_start3A_1494 : memref<64x128xf32, #tpu.memory_space<vmem>>) target_semaphore(%arg13 : memref<!tpu.dma_semaphore, #tpu.memory_space<semaphore_mem>>)
    %get3A_1497 = arith.constant 4 : i32
    %get3A_1498 = arith.index_cast %get3A_1497 : i32 to index
    %get3A_1499 = memref.load %arg9[%get3A_1498] : memref<256xi32, #tpu.memory_space<smem>>
    %shift_right_arithmetic3A_1500 = arith.constant 7 : i32
    %shift_right_arithmetic3A_1501 = arith.shrsi %get3A_1499, %shift_right_arithmetic3A_1500 : i32
    %mul3A_1502 = arith.constant 128 : i32
    %mul3A_1503 = arith.muli %shift_right_arithmetic3A_1501, %mul3A_1502 : i32
    %multiple_of3A_1504 = tpu.assume_multiple %mul3A_1503, 128 : i32
    %dma_start3A_1505 = arith.constant 4 : i32
    %dma_start3A_1506 = arith.constant 0 : i32
    %dma_start3A_1507 = arith.constant 0 : i32
    %dma_start3A_1508 = tpu.memref_slice %arg7[%dma_start3A_1505, %dma_start3A_1506, %dma_start3A_1507] : memref<8x64x128xf32, #tpu.memory_space<vmem>> -> memref<1x64x128xf32, #tpu.memory_space<vmem>>
    %dma_start3A_1509 = tpu.memref_squeeze %dma_start3A_1508 : memref<1x64x128xf32, #tpu.memory_space<vmem>> -> memref<64x128xf32, #tpu.memory_space<vmem>>
    %dma_start3A_1510 = arith.constant 0 : i32
    %dma_start3A_1511 = tpu.memref_slice %arg3[%dma_start3A_1510, %multiple_of3A_1504] : memref<64x1000000xf32, #tpu.memory_space<hbm>> -> memref<64x128xf32, #tpu.memory_space<hbm>>
    %dma_start3A_1512 = arith.constant 0 : i32
    %dma_start3A_1513 = arith.constant 0 : i32
    %dma_start3A_1514 = tpu.memref_slice %arg7[%dma_start3A_1505, %dma_start3A_1512, %dma_start3A_1513] : memref<8x64x128xf32, #tpu.memory_space<vmem>> -> memref<1x64x128xf32, #tpu.memory_space<vmem>>
    %dma_start3A_1515 = tpu.memref_squeeze %dma_start3A_1514 : memref<1x64x128xf32, #tpu.memory_space<vmem>> -> memref<64x128xf32, #tpu.memory_space<vmem>>
    %dma_start3A_1516 = arith.constant 0 : i32
    %dma_start3A_1517 = tpu.memref_slice %arg3[%dma_start3A_1516, %multiple_of3A_1504] : memref<64x1000000xf32, #tpu.memory_space<hbm>> -> memref<64x128xf32, #tpu.memory_space<hbm>>
    tpu.enqueue_dma source(%dma_start3A_1517 : memref<64x128xf32, #tpu.memory_space<hbm>>) target(%dma_start3A_1515 : memref<64x128xf32, #tpu.memory_space<vmem>>) target_semaphore(%arg14 : memref<!tpu.dma_semaphore, #tpu.memory_space<semaphore_mem>>)
    %get3A_1518 = arith.constant 5 : i32
    %get3A_1519 = arith.index_cast %get3A_1518 : i32 to index
    %get3A_1520 = memref.load %arg9[%get3A_1519] : memref<256xi32, #tpu.memory_space<smem>>
    %shift_right_arithmetic3A_1521 = arith.constant 7 : i32
    %shift_right_arithmetic3A_1522 = arith.shrsi %get3A_1520, %shift_right_arithmetic3A_1521 : i32
    %mul3A_1523 = arith.constant 128 : i32
    %mul3A_1524 = arith.muli %shift_right_arithmetic3A_1522, %mul3A_1523 : i32
    %multiple_of3A_1525 = tpu.assume_multiple %mul3A_1524, 128 : i32
    %dma_start3A_1526 = arith.constant 5 : i32
    %dma_start3A_1527 = arith.constant 0 : i32
    %dma_start3A_1528 = arith.constant 0 : i32
    %dma_start3A_1529 = tpu.memref_slice %arg7[%dma_start3A_1526, %dma_start3A_1527, %dma_start3A_1528] : memref<8x64x128xf32, #tpu.memory_space<vmem>> -> memref<1x64x128xf32, #tpu.memory_space<vmem>>
    %dma_start3A_1530 = tpu.memref_squeeze %dma_start3A_1529 : memref<1x64x128xf32, #tpu.memory_space<vmem>> -> memref<64x128xf32, #tpu.memory_space<vmem>>
    %dma_start3A_1531 = arith.constant 0 : i32
    %dma_start3A_1532 = tpu.memref_slice %arg3[%dma_start3A_1531, %multiple_of3A_1525] : memref<64x1000000xf32, #tpu.memory_space<hbm>> -> memref<64x128xf32, #tpu.memory_space<hbm>>
    %dma_start3A_1533 = arith.constant 0 : i32
    %dma_start3A_1534 = arith.constant 0 : i32
    %dma_start3A_1535 = tpu.memref_slice %arg7[%dma_start3A_1526, %dma_start3A_1533, %dma_start3A_1534] : memref<8x64x128xf32, #tpu.memory_space<vmem>> -> memref<1x64x128xf32, #tpu.memory_space<vmem>>
    %dma_start3A_1536 = tpu.memref_squeeze %dma_start3A_1535 : memref<1x64x128xf32, #tpu.memory_space<vmem>> -> memref<64x128xf32, #tpu.memory_space<vmem>>
    %dma_start3A_1537 = arith.constant 0 : i32
    %dma_start3A_1538 = tpu.memref_slice %arg3[%dma_start3A_1537, %multiple_of3A_1525] : memref<64x1000000xf32, #tpu.memory_space<hbm>> -> memref<64x128xf32, #tpu.memory_space<hbm>>
    tpu.enqueue_dma source(%dma_start3A_1538 : memref<64x128xf32, #tpu.memory_space<hbm>>) target(%dma_start3A_1536 : memref<64x128xf32, #tpu.memory_space<vmem>>) target_semaphore(%arg15 : memref<!tpu.dma_semaphore, #tpu.memory_space<semaphore_mem>>)
    %get3A_1539 = arith.constant 6 : i32
    %get3A_1540 = arith.index_cast %get3A_1539 : i32 to index
    %get3A_1541 = memref.load %arg9[%get3A_1540] : memref<256xi32, #tpu.memory_space<smem>>
    %shift_right_arithmetic3A_1542 = arith.constant 7 : i32
    %shift_right_arithmetic3A_1543 = arith.shrsi %get3A_1541, %shift_right_arithmetic3A_1542 : i32
    %mul3A_1544 = arith.constant 128 : i32
    %mul3A_1545 = arith.muli %shift_right_arithmetic3A_1543, %mul3A_1544 : i32
    %multiple_of3A_1546 = tpu.assume_multiple %mul3A_1545, 128 : i32
    %dma_start3A_1547 = arith.constant 6 : i32
    %dma_start3A_1548 = arith.constant 0 : i32
    %dma_start3A_1549 = arith.constant 0 : i32
    %dma_start3A_1550 = tpu.memref_slice %arg7[%dma_start3A_1547, %dma_start3A_1548, %dma_start3A_1549] : memref<8x64x128xf32, #tpu.memory_space<vmem>> -> memref<1x64x128xf32, #tpu.memory_space<vmem>>
    %dma_start3A_1551 = tpu.memref_squeeze %dma_start3A_1550 : memref<1x64x128xf32, #tpu.memory_space<vmem>> -> memref<64x128xf32, #tpu.memory_space<vmem>>
    %dma_start3A_1552 = arith.constant 0 : i32
    %dma_start3A_1553 = tpu.memref_slice %arg3[%dma_start3A_1552, %multiple_of3A_1546] : memref<64x1000000xf32, #tpu.memory_space<hbm>> -> memref<64x128xf32, #tpu.memory_space<hbm>>
    %dma_start3A_1554 = arith.constant 0 : i32
    %dma_start3A_1555 = arith.constant 0 : i32
    %dma_start3A_1556 = tpu.memref_slice %arg7[%dma_start3A_1547, %dma_start3A_1554, %dma_start3A_1555] : memref<8x64x128xf32, #tpu.memory_space<vmem>> -> memref<1x64x128xf32, #tpu.memory_space<vmem>>
    %dma_start3A_1557 = tpu.memref_squeeze %dma_start3A_1556 : memref<1x64x128xf32, #tpu.memory_space<vmem>> -> memref<64x128xf32, #tpu.memory_space<vmem>>
    %dma_start3A_1558 = arith.constant 0 : i32
    %dma_start3A_1559 = tpu.memref_slice %arg3[%dma_start3A_1558, %multiple_of3A_1546] : memref<64x1000000xf32, #tpu.memory_space<hbm>> -> memref<64x128xf32, #tpu.memory_space<hbm>>
    tpu.enqueue_dma source(%dma_start3A_1559 : memref<64x128xf32, #tpu.memory_space<hbm>>) target(%dma_start3A_1557 : memref<64x128xf32, #tpu.memory_space<vmem>>) target_semaphore(%arg16 : memref<!tpu.dma_semaphore, #tpu.memory_space<semaphore_mem>>)
    %get3A_1560 = arith.constant 7 : i32
    %get3A_1561 = arith.index_cast %get3A_1560 : i32 to index
    %get3A_1562 = memref.load %arg9[%get3A_1561] : memref<256xi32, #tpu.memory_space<smem>>
    %shift_right_arithmetic3A_1563 = arith.constant 7 : i32
    %shift_right_arithmetic3A_1564 = arith.shrsi %get3A_1562, %shift_right_arithmetic3A_1563 : i32
    %mul3A_1565 = arith.constant 128 : i32
    %mul3A_1566 = arith.muli %shift_right_arithmetic3A_1564, %mul3A_1565 : i32
    %multiple_of3A_1567 = tpu.assume_multiple %mul3A_1566, 128 : i32
    %dma_start3A_1568 = arith.constant 7 : i32
    %dma_start3A_1569 = arith.constant 0 : i32
    %dma_start3A_1570 = arith.constant 0 : i32
    %dma_start3A_1571 = tpu.memref_slice %arg7[%dma_start3A_1568, %dma_start3A_1569, %dma_start3A_1570] : memref<8x64x128xf32, #tpu.memory_space<vmem>> -> memref<1x64x128xf32, #tpu.memory_space<vmem>>
    %dma_start3A_1572 = tpu.memref_squeeze %dma_start3A_1571 : memref<1x64x128xf32, #tpu.memory_space<vmem>> -> memref<64x128xf32, #tpu.memory_space<vmem>>
    %dma_start3A_1573 = arith.constant 0 : i32
    %dma_start3A_1574 = tpu.memref_slice %arg3[%dma_start3A_1573, %multiple_of3A_1567] : memref<64x1000000xf32, #tpu.memory_space<hbm>> -> memref<64x128xf32, #tpu.memory_space<hbm>>
    %dma_start3A_1575 = arith.constant 0 : i32
    %dma_start3A_1576 = arith.constant 0 : i32
    %dma_start3A_1577 = tpu.memref_slice %arg7[%dma_start3A_1568, %dma_start3A_1575, %dma_start3A_1576] : memref<8x64x128xf32, #tpu.memory_space<vmem>> -> memref<1x64x128xf32, #tpu.memory_space<vmem>>
    %dma_start3A_1578 = tpu.memref_squeeze %dma_start3A_1577 : memref<1x64x128xf32, #tpu.memory_space<vmem>> -> memref<64x128xf32, #tpu.memory_space<vmem>>
    %dma_start3A_1579 = arith.constant 0 : i32
    %dma_start3A_1580 = tpu.memref_slice %arg3[%dma_start3A_1579, %multiple_of3A_1567] : memref<64x1000000xf32, #tpu.memory_space<hbm>> -> memref<64x128xf32, #tpu.memory_space<hbm>>
    tpu.enqueue_dma source(%dma_start3A_1580 : memref<64x128xf32, #tpu.memory_space<hbm>>) target(%dma_start3A_1578 : memref<64x128xf32, #tpu.memory_space<vmem>>) target_semaphore(%arg17 : memref<!tpu.dma_semaphore, #tpu.memory_space<semaphore_mem>>)
    %dma_wait3A = arith.constant 0 : i32
    %dma_wait3A_1581 = arith.constant 0 : i32
    %dma_wait3A_1582 = tpu.memref_slice %arg8[%dma_wait3A, %dma_wait3A_1581] : memref<64x256xf32, #tpu.memory_space<vmem>> -> memref<64x128xf32, #tpu.memory_space<vmem>>
    %dma_wait3A_1583 = arith.constant 0 : i32
    %dma_wait3A_1584 = tpu.memref_slice %arg4[%dma_wait3A_1583, %mul3A_32] : memref<64x2048xf32, #tpu.memory_space<hbm>> -> memref<64x128xf32, #tpu.memory_space<hbm>>
    %dma_wait3A_1585 = arith.constant 0 : i32
    %dma_wait3A_1586 = arith.constant 0 : i32
    %dma_wait3A_1587 = tpu.memref_slice %arg8[%dma_wait3A_1585, %dma_wait3A_1586] : memref<64x256xf32, #tpu.memory_space<vmem>> -> memref<64x128xf32, #tpu.memory_space<vmem>>
    %dma_wait3A_1588 = arith.constant 0 : i32
    %dma_wait3A_1589 = tpu.memref_slice %arg4[%dma_wait3A_1588, %mul3A_32] : memref<64x2048xf32, #tpu.memory_space<hbm>> -> memref<64x128xf32, #tpu.memory_space<hbm>>
    tpu.wait_dma2 semaphore(%arg18 : memref<!tpu.dma_semaphore, #tpu.memory_space<semaphore_mem>>) src(%dma_wait3A_1589 : memref<64x128xf32, #tpu.memory_space<hbm>>) dst(%dma_wait3A_1587 : memref<64x128xf32, #tpu.memory_space<vmem>>)
    %dma_wait3A_1590 = arith.constant 0 : i32
    %dma_wait3A_1591 = arith.constant 128 : i32
    %dma_wait3A_1592 = tpu.memref_slice %arg8[%dma_wait3A_1590, %dma_wait3A_1591] : memref<64x256xf32, #tpu.memory_space<vmem>> -> memref<64x128xf32, #tpu.memory_space<vmem>>
    %dma_wait3A_1593 = arith.constant 0 : i32
    %dma_wait3A_1594 = tpu.memref_slice %arg4[%dma_wait3A_1593, %mul3A_32] : memref<64x2048xf32, #tpu.memory_space<hbm>> -> memref<64x128xf32, #tpu.memory_space<hbm>>
    %dma_wait3A_1595 = arith.constant 0 : i32
    %dma_wait3A_1596 = arith.constant 128 : i32
    %dma_wait3A_1597 = tpu.memref_slice %arg8[%dma_wait3A_1595, %dma_wait3A_1596] : memref<64x256xf32, #tpu.memory_space<vmem>> -> memref<64x128xf32, #tpu.memory_space<vmem>>
    %dma_wait3A_1598 = arith.constant 0 : i32
    %dma_wait3A_1599 = tpu.memref_slice %arg4[%dma_wait3A_1598, %mul3A_32] : memref<64x2048xf32, #tpu.memory_space<hbm>> -> memref<64x128xf32, #tpu.memory_space<hbm>>
    tpu.wait_dma2 semaphore(%arg18 : memref<!tpu.dma_semaphore, #tpu.memory_space<semaphore_mem>>) src(%dma_wait3A_1599 : memref<64x128xf32, #tpu.memory_space<hbm>>) dst(%dma_wait3A_1597 : memref<64x128xf32, #tpu.memory_space<vmem>>)
    %scan3A = arith.constant 0 : i32
    %scan3A_1600 = arith.constant 0 : i32
    %scan3A_1601 = arith.constant 31 : i32
    %scan3A_1602 = arith.addi %scan3A_1600, %scan3A_1601 : i32
    %scan3A_1603 = arith.constant 1 : i32
    scf.for %scan3A_1891 = %scan3A_1600 to %scan3A_1602 step %scan3A_1603  : i32 {
      %mul3A_1892 = arith.constant 8 : i32
      %mul3A_1893 = arith.muli %scan3A_1891, %mul3A_1892 : i32
      %add3A_1894 = arith.constant 0 : i32
      %add3A_1895 = arith.addi %mul3A_1893, %add3A_1894 : i32
      %dma_wait3A_1896 = arith.constant 0 : i32
      %dma_wait3A_1897 = arith.constant 0 : i32
      %dma_wait3A_1898 = arith.constant 0 : i32
      %dma_wait3A_1899 = tpu.memref_slice %arg7[%dma_wait3A_1896, %dma_wait3A_1897, %dma_wait3A_1898] : memref<8x64x128xf32, #tpu.memory_space<vmem>> -> memref<1x64x128xf32, #tpu.memory_space<vmem>>
      %dma_wait3A_1900 = tpu.memref_squeeze %dma_wait3A_1899 : memref<1x64x128xf32, #tpu.memory_space<vmem>> -> memref<64x128xf32, #tpu.memory_space<vmem>>
      %dma_wait3A_1901 = arith.constant 0 : i32
      %dma_wait3A_1902 = arith.constant 0 : i32
      %dma_wait3A_1903 = tpu.memref_slice %arg3[%dma_wait3A_1901, %dma_wait3A_1902] : memref<64x1000000xf32, #tpu.memory_space<hbm>> -> memref<64x128xf32, #tpu.memory_space<hbm>>
      %dma_wait3A_1904 = arith.constant 0 : i32
      %dma_wait3A_1905 = arith.constant 0 : i32
      %dma_wait3A_1906 = tpu.memref_slice %arg7[%dma_wait3A_1896, %dma_wait3A_1904, %dma_wait3A_1905] : memref<8x64x128xf32, #tpu.memory_space<vmem>> -> memref<1x64x128xf32, #tpu.memory_space<vmem>>
      %dma_wait3A_1907 = tpu.memref_squeeze %dma_wait3A_1906 : memref<1x64x128xf32, #tpu.memory_space<vmem>> -> memref<64x128xf32, #tpu.memory_space<vmem>>
      %dma_wait3A_1908 = arith.constant 0 : i32
      %dma_wait3A_1909 = arith.constant 0 : i32
      %dma_wait3A_1910 = tpu.memref_slice %arg3[%dma_wait3A_1908, %dma_wait3A_1909] : memref<64x1000000xf32, #tpu.memory_space<hbm>> -> memref<64x128xf32, #tpu.memory_space<hbm>>
      tpu.wait_dma2 semaphore(%arg10 : memref<!tpu.dma_semaphore, #tpu.memory_space<semaphore_mem>>) src(%dma_wait3A_1910 : memref<64x128xf32, #tpu.memory_space<hbm>>) dst(%dma_wait3A_1907 : memref<64x128xf32, #tpu.memory_space<vmem>>)
      %get3A_1911 = arith.index_cast %add3A_1895 : i32 to index
      %get3A_1912 = memref.load %arg9[%get3A_1911] : memref<256xi32, #tpu.memory_space<smem>>
      %and3A_1913 = arith.constant 127 : i32
      %and3A_1914 = arith.andi %get3A_1912, %and3A_1913 : i32
      %broadcast_in_dim3A_1915 = vector.broadcast %and3A_1914 : i32 to vector<16xi32>
      %broadcast_in_dim3A_1916 = arith.constant 0 : i32
      %broadcast_in_dim3A_1917 = vector.broadcast %broadcast_in_dim3A_1916 : i32 to vector<16xi32>
      %broadcast_in_dim3A_1918 = vector.broadcast %add3A_1895 : i32 to vector<16xi32>
      %gather3A_1919 = tpu.vector_load_idx %arg7[%broadcast_in_dim3A_1917, %add3A_1402, %broadcast_in_dim3A_1915] : memref<8x64x128xf32, #tpu.memory_space<vmem>>[vector<16xi32>, vector<16xi32>, vector<16xi32>], vector<16xf32>,
      tpu.vector_store_idx %arg8[%add3A_1402, %broadcast_in_dim3A_1918], %gather3A_1919 {add = true} : memref<64x256xf32, #tpu.memory_space<vmem>>[vector<16xi32>, vector<16xi32>], vector<16xf32>,
      %gather3A_1920 = tpu.vector_load_idx %arg7[%broadcast_in_dim3A_1917, %add3A_1406, %broadcast_in_dim3A_1915] : memref<8x64x128xf32, #tpu.memory_space<vmem>>[vector<16xi32>, vector<16xi32>, vector<16xi32>], vector<16xf32>,
      tpu.vector_store_idx %arg8[%add3A_1406, %broadcast_in_dim3A_1918], %gather3A_1920 {add = true} : memref<64x256xf32, #tpu.memory_space<vmem>>[vector<16xi32>, vector<16xi32>], vector<16xf32>,
      %gather3A_1921 = tpu.vector_load_idx %arg7[%broadcast_in_dim3A_1917, %add3A_1410, %broadcast_in_dim3A_1915] : memref<8x64x128xf32, #tpu.memory_space<vmem>>[vector<16xi32>, vector<16xi32>, vector<16xi32>], vector<16xf32>,
      tpu.vector_store_idx %arg8[%add3A_1410, %broadcast_in_dim3A_1918], %gather3A_1921 {add = true} : memref<64x256xf32, #tpu.memory_space<vmem>>[vector<16xi32>, vector<16xi32>], vector<16xf32>,
      %gather3A_1922 = tpu.vector_load_idx %arg7[%broadcast_in_dim3A_1917, %add3A_1414, %broadcast_in_dim3A_1915] : memref<8x64x128xf32, #tpu.memory_space<vmem>>[vector<16xi32>, vector<16xi32>, vector<16xi32>], vector<16xf32>,
      tpu.vector_store_idx %arg8[%add3A_1414, %broadcast_in_dim3A_1918], %gather3A_1922 {add = true} : memref<64x256xf32, #tpu.memory_space<vmem>>[vector<16xi32>, vector<16xi32>], vector<16xf32>,
      %add3A_1923 = arith.constant 8 : i32
      %add3A_1924 = arith.addi %add3A_1895, %add3A_1923 : i32
      %get3A_1925 = arith.index_cast %add3A_1924 : i32 to index
      %get3A_1926 = memref.load %arg9[%get3A_1925] : memref<256xi32, #tpu.memory_space<smem>>
      %shift_right_arithmetic3A_1927 = arith.constant 7 : i32
      %shift_right_arithmetic3A_1928 = arith.shrsi %get3A_1926, %shift_right_arithmetic3A_1927 : i32
      %mul3A_1929 = arith.constant 128 : i32
      %mul3A_1930 = arith.muli %shift_right_arithmetic3A_1928, %mul3A_1929 : i32
      %multiple_of3A_1931 = tpu.assume_multiple %mul3A_1930, 128 : i32
      %dma_start3A_1932 = arith.constant 0 : i32
      %dma_start3A_1933 = arith.constant 0 : i32
      %dma_start3A_1934 = arith.constant 0 : i32
      %dma_start3A_1935 = tpu.memref_slice %arg7[%dma_start3A_1932, %dma_start3A_1933, %dma_start3A_1934] : memref<8x64x128xf32, #tpu.memory_space<vmem>> -> memref<1x64x128xf32, #tpu.memory_space<vmem>>
      %dma_start3A_1936 = tpu.memref_squeeze %dma_start3A_1935 : memref<1x64x128xf32, #tpu.memory_space<vmem>> -> memref<64x128xf32, #tpu.memory_space<vmem>>
      %dma_start3A_1937 = arith.constant 0 : i32
      %dma_start3A_1938 = tpu.memref_slice %arg3[%dma_start3A_1937, %multiple_of3A_1931] : memref<64x1000000xf32, #tpu.memory_space<hbm>> -> memref<64x128xf32, #tpu.memory_space<hbm>>
      %dma_start3A_1939 = arith.constant 0 : i32
      %dma_start3A_1940 = arith.constant 0 : i32
      %dma_start3A_1941 = tpu.memref_slice %arg7[%dma_start3A_1932, %dma_start3A_1939, %dma_start3A_1940] : memref<8x64x128xf32, #tpu.memory_space<vmem>> -> memref<1x64x128xf32, #tpu.memory_space<vmem>>
      %dma_start3A_1942 = tpu.memref_squeeze %dma_start3A_1941 : memref<1x64x128xf32, #tpu.memory_space<vmem>> -> memref<64x128xf32, #tpu.memory_space<vmem>>
      %dma_start3A_1943 = arith.constant 0 : i32
      %dma_start3A_1944 = tpu.memref_slice %arg3[%dma_start3A_1943, %multiple_of3A_1931] : memref<64x1000000xf32, #tpu.memory_space<hbm>> -> memref<64x128xf32, #tpu.memory_space<hbm>>
      tpu.enqueue_dma source(%dma_start3A_1944 : memref<64x128xf32, #tpu.memory_space<hbm>>) target(%dma_start3A_1942 : memref<64x128xf32, #tpu.memory_space<vmem>>) target_semaphore(%arg10 : memref<!tpu.dma_semaphore, #tpu.memory_space<semaphore_mem>>)
      %mul3A_1945 = arith.constant 8 : i32
      %mul3A_1946 = arith.muli %scan3A_1891, %mul3A_1945 : i32
      %add3A_1947 = arith.constant 1 : i32
      %add3A_1948 = arith.addi %mul3A_1946, %add3A_1947 : i32
      %dma_wait3A_1949 = arith.constant 1 : i32
      %dma_wait3A_1950 = arith.constant 0 : i32
      %dma_wait3A_1951 = arith.constant 0 : i32
      %dma_wait3A_1952 = tpu.memref_slice %arg7[%dma_wait3A_1949, %dma_wait3A_1950, %dma_wait3A_1951] : memref<8x64x128xf32, #tpu.memory_space<vmem>> -> memref<1x64x128xf32, #tpu.memory_space<vmem>>
      %dma_wait3A_1953 = tpu.memref_squeeze %dma_wait3A_1952 : memref<1x64x128xf32, #tpu.memory_space<vmem>> -> memref<64x128xf32, #tpu.memory_space<vmem>>
      %dma_wait3A_1954 = arith.constant 0 : i32
      %dma_wait3A_1955 = arith.constant 0 : i32
      %dma_wait3A_1956 = tpu.memref_slice %arg3[%dma_wait3A_1954, %dma_wait3A_1955] : memref<64x1000000xf32, #tpu.memory_space<hbm>> -> memref<64x128xf32, #tpu.memory_space<hbm>>
      %dma_wait3A_1957 = arith.constant 0 : i32
      %dma_wait3A_1958 = arith.constant 0 : i32
      %dma_wait3A_1959 = tpu.memref_slice %arg7[%dma_wait3A_1949, %dma_wait3A_1957, %dma_wait3A_1958] : memref<8x64x128xf32, #tpu.memory_space<vmem>> -> memref<1x64x128xf32, #tpu.memory_space<vmem>>
      %dma_wait3A_1960 = tpu.memref_squeeze %dma_wait3A_1959 : memref<1x64x128xf32, #tpu.memory_space<vmem>> -> memref<64x128xf32, #tpu.memory_space<vmem>>
      %dma_wait3A_1961 = arith.constant 0 : i32
      %dma_wait3A_1962 = arith.constant 0 : i32
      %dma_wait3A_1963 = tpu.memref_slice %arg3[%dma_wait3A_1961, %dma_wait3A_1962] : memref<64x1000000xf32, #tpu.memory_space<hbm>> -> memref<64x128xf32, #tpu.memory_space<hbm>>
      tpu.wait_dma2 semaphore(%arg11 : memref<!tpu.dma_semaphore, #tpu.memory_space<semaphore_mem>>) src(%dma_wait3A_1963 : memref<64x128xf32, #tpu.memory_space<hbm>>) dst(%dma_wait3A_1960 : memref<64x128xf32, #tpu.memory_space<vmem>>)
      %get3A_1964 = arith.index_cast %add3A_1948 : i32 to index
      %get3A_1965 = memref.load %arg9[%get3A_1964] : memref<256xi32, #tpu.memory_space<smem>>
      %and3A_1966 = arith.constant 127 : i32
      %and3A_1967 = arith.andi %get3A_1965, %and3A_1966 : i32
      %broadcast_in_dim3A_1968 = vector.broadcast %and3A_1967 : i32 to vector<16xi32>
      %broadcast_in_dim3A_1969 = arith.constant 1 : i32
      %broadcast_in_dim3A_1970 = vector.broadcast %broadcast_in_dim3A_1969 : i32 to vector<16xi32>
      %broadcast_in_dim3A_1971 = vector.broadcast %add3A_1948 : i32 to vector<16xi32>
      %gather3A_1972 = tpu.vector_load_idx %arg7[%broadcast_in_dim3A_1970, %add3A_1402, %broadcast_in_dim3A_1968] : memref<8x64x128xf32, #tpu.memory_space<vmem>>[vector<16xi32>, vector<16xi32>, vector<16xi32>], vector<16xf32>,
      tpu.vector_store_idx %arg8[%add3A_1402, %broadcast_in_dim3A_1971], %gather3A_1972 {add = true} : memref<64x256xf32, #tpu.memory_space<vmem>>[vector<16xi32>, vector<16xi32>], vector<16xf32>,
      %gather3A_1973 = tpu.vector_load_idx %arg7[%broadcast_in_dim3A_1970, %add3A_1406, %broadcast_in_dim3A_1968] : memref<8x64x128xf32, #tpu.memory_space<vmem>>[vector<16xi32>, vector<16xi32>, vector<16xi32>], vector<16xf32>,
      tpu.vector_store_idx %arg8[%add3A_1406, %broadcast_in_dim3A_1971], %gather3A_1973 {add = true} : memref<64x256xf32, #tpu.memory_space<vmem>>[vector<16xi32>, vector<16xi32>], vector<16xf32>,
      %gather3A_1974 = tpu.vector_load_idx %arg7[%broadcast_in_dim3A_1970, %add3A_1410, %broadcast_in_dim3A_1968] : memref<8x64x128xf32, #tpu.memory_space<vmem>>[vector<16xi32>, vector<16xi32>, vector<16xi32>], vector<16xf32>,
      tpu.vector_store_idx %arg8[%add3A_1410, %broadcast_in_dim3A_1971], %gather3A_1974 {add = true} : memref<64x256xf32, #tpu.memory_space<vmem>>[vector<16xi32>, vector<16xi32>], vector<16xf32>,
      %gather3A_1975 = tpu.vector_load_idx %arg7[%broadcast_in_dim3A_1970, %add3A_1414, %broadcast_in_dim3A_1968] : memref<8x64x128xf32, #tpu.memory_space<vmem>>[vector<16xi32>, vector<16xi32>, vector<16xi32>], vector<16xf32>,
      tpu.vector_store_idx %arg8[%add3A_1414, %broadcast_in_dim3A_1971], %gather3A_1975 {add = true} : memref<64x256xf32, #tpu.memory_space<vmem>>[vector<16xi32>, vector<16xi32>], vector<16xf32>,
      %add3A_1976 = arith.constant 8 : i32
      %add3A_1977 = arith.addi %add3A_1948, %add3A_1976 : i32
      %get3A_1978 = arith.index_cast %add3A_1977 : i32 to index
      %get3A_1979 = memref.load %arg9[%get3A_1978] : memref<256xi32, #tpu.memory_space<smem>>
      %shift_right_arithmetic3A_1980 = arith.constant 7 : i32
      %shift_right_arithmetic3A_1981 = arith.shrsi %get3A_1979, %shift_right_arithmetic3A_1980 : i32
      %mul3A_1982 = arith.constant 128 : i32
      %mul3A_1983 = arith.muli %shift_right_arithmetic3A_1981, %mul3A_1982 : i32
      %multiple_of3A_1984 = tpu.assume_multiple %mul3A_1983, 128 : i32
      %dma_start3A_1985 = arith.constant 1 : i32
      %dma_start3A_1986 = arith.constant 0 : i32
      %dma_start3A_1987 = arith.constant 0 : i32
      %dma_start3A_1988 = tpu.memref_slice %arg7[%dma_start3A_1985, %dma_start3A_1986, %dma_start3A_1987] : memref<8x64x128xf32, #tpu.memory_space<vmem>> -> memref<1x64x128xf32, #tpu.memory_space<vmem>>
      %dma_start3A_1989 = tpu.memref_squeeze %dma_start3A_1988 : memref<1x64x128xf32, #tpu.memory_space<vmem>> -> memref<64x128xf32, #tpu.memory_space<vmem>>
      %dma_start3A_1990 = arith.constant 0 : i32
      %dma_start3A_1991 = tpu.memref_slice %arg3[%dma_start3A_1990, %multiple_of3A_1984] : memref<64x1000000xf32, #tpu.memory_space<hbm>> -> memref<64x128xf32, #tpu.memory_space<hbm>>
      %dma_start3A_1992 = arith.constant 0 : i32
      %dma_start3A_1993 = arith.constant 0 : i32
      %dma_start3A_1994 = tpu.memref_slice %arg7[%dma_start3A_1985, %dma_start3A_1992, %dma_start3A_1993] : memref<8x64x128xf32, #tpu.memory_space<vmem>> -> memref<1x64x128xf32, #tpu.memory_space<vmem>>
      %dma_start3A_1995 = tpu.memref_squeeze %dma_start3A_1994 : memref<1x64x128xf32, #tpu.memory_space<vmem>> -> memref<64x128xf32, #tpu.memory_space<vmem>>
      %dma_start3A_1996 = arith.constant 0 : i32
      %dma_start3A_1997 = tpu.memref_slice %arg3[%dma_start3A_1996, %multiple_of3A_1984] : memref<64x1000000xf32, #tpu.memory_space<hbm>> -> memref<64x128xf32, #tpu.memory_space<hbm>>
      tpu.enqueue_dma source(%dma_start3A_1997 : memref<64x128xf32, #tpu.memory_space<hbm>>) target(%dma_start3A_1995 : memref<64x128xf32, #tpu.memory_space<vmem>>) target_semaphore(%arg11 : memref<!tpu.dma_semaphore, #tpu.memory_space<semaphore_mem>>)
      %mul3A_1998 = arith.constant 8 : i32
      %mul3A_1999 = arith.muli %scan3A_1891, %mul3A_1998 : i32
      %add3A_2000 = arith.constant 2 : i32
      %add3A_2001 = arith.addi %mul3A_1999, %add3A_2000 : i32
      %dma_wait3A_2002 = arith.constant 2 : i32
      %dma_wait3A_2003 = arith.constant 0 : i32
      %dma_wait3A_2004 = arith.constant 0 : i32
      %dma_wait3A_2005 = tpu.memref_slice %arg7[%dma_wait3A_2002, %dma_wait3A_2003, %dma_wait3A_2004] : memref<8x64x128xf32, #tpu.memory_space<vmem>> -> memref<1x64x128xf32, #tpu.memory_space<vmem>>
      %dma_wait3A_2006 = tpu.memref_squeeze %dma_wait3A_2005 : memref<1x64x128xf32, #tpu.memory_space<vmem>> -> memref<64x128xf32, #tpu.memory_space<vmem>>
      %dma_wait3A_2007 = arith.constant 0 : i32
      %dma_wait3A_2008 = arith.constant 0 : i32
      %dma_wait3A_2009 = tpu.memref_slice %arg3[%dma_wait3A_2007, %dma_wait3A_2008] : memref<64x1000000xf32, #tpu.memory_space<hbm>> -> memref<64x128xf32, #tpu.memory_space<hbm>>
      %dma_wait3A_2010 = arith.constant 0 : i32
      %dma_wait3A_2011 = arith.constant 0 : i32
      %dma_wait3A_2012 = tpu.memref_slice %arg7[%dma_wait3A_2002, %dma_wait3A_2010, %dma_wait3A_2011] : memref<8x64x128xf32, #tpu.memory_space<vmem>> -> memref<1x64x128xf32, #tpu.memory_space<vmem>>
      %dma_wait3A_2013 = tpu.memref_squeeze %dma_wait3A_2012 : memref<1x64x128xf32, #tpu.memory_space<vmem>> -> memref<64x128xf32, #tpu.memory_space<vmem>>
      %dma_wait3A_2014 = arith.constant 0 : i32
      %dma_wait3A_2015 = arith.constant 0 : i32
      %dma_wait3A_2016 = tpu.memref_slice %arg3[%dma_wait3A_2014, %dma_wait3A_2015] : memref<64x1000000xf32, #tpu.memory_space<hbm>> -> memref<64x128xf32, #tpu.memory_space<hbm>>
      tpu.wait_dma2 semaphore(%arg12 : memref<!tpu.dma_semaphore, #tpu.memory_space<semaphore_mem>>) src(%dma_wait3A_2016 : memref<64x128xf32, #tpu.memory_space<hbm>>) dst(%dma_wait3A_2013 : memref<64x128xf32, #tpu.memory_space<vmem>>)
      %get3A_2017 = arith.index_cast %add3A_2001 : i32 to index
      %get3A_2018 = memref.load %arg9[%get3A_2017] : memref<256xi32, #tpu.memory_space<smem>>
      %and3A_2019 = arith.constant 127 : i32
      %and3A_2020 = arith.andi %get3A_2018, %and3A_2019 : i32
      %broadcast_in_dim3A_2021 = vector.broadcast %and3A_2020 : i32 to vector<16xi32>
      %broadcast_in_dim3A_2022 = arith.constant 2 : i32
      %broadcast_in_dim3A_2023 = vector.broadcast %broadcast_in_dim3A_2022 : i32 to vector<16xi32>
      %broadcast_in_dim3A_2024 = vector.broadcast %add3A_2001 : i32 to vector<16xi32>
      %gather3A_2025 = tpu.vector_load_idx %arg7[%broadcast_in_dim3A_2023, %add3A_1402, %broadcast_in_dim3A_2021] : memref<8x64x128xf32, #tpu.memory_space<vmem>>[vector<16xi32>, vector<16xi32>, vector<16xi32>], vector<16xf32>,
      tpu.vector_store_idx %arg8[%add3A_1402, %broadcast_in_dim3A_2024], %gather3A_2025 {add = true} : memref<64x256xf32, #tpu.memory_space<vmem>>[vector<16xi32>, vector<16xi32>], vector<16xf32>,
      %gather3A_2026 = tpu.vector_load_idx %arg7[%broadcast_in_dim3A_2023, %add3A_1406, %broadcast_in_dim3A_2021] : memref<8x64x128xf32, #tpu.memory_space<vmem>>[vector<16xi32>, vector<16xi32>, vector<16xi32>], vector<16xf32>,
      tpu.vector_store_idx %arg8[%add3A_1406, %broadcast_in_dim3A_2024], %gather3A_2026 {add = true} : memref<64x256xf32, #tpu.memory_space<vmem>>[vector<16xi32>, vector<16xi32>], vector<16xf32>,
      %gather3A_2027 = tpu.vector_load_idx %arg7[%broadcast_in_dim3A_2023, %add3A_1410, %broadcast_in_dim3A_2021] : memref<8x64x128xf32, #tpu.memory_space<vmem>>[vector<16xi32>, vector<16xi32>, vector<16xi32>], vector<16xf32>,
      tpu.vector_store_idx %arg8[%add3A_1410, %broadcast_in_dim3A_2024], %gather3A_2027 {add = true} : memref<64x256xf32, #tpu.memory_space<vmem>>[vector<16xi32>, vector<16xi32>], vector<16xf32>,
      %gather3A_2028 = tpu.vector_load_idx %arg7[%broadcast_in_dim3A_2023, %add3A_1414, %broadcast_in_dim3A_2021] : memref<8x64x128xf32, #tpu.memory_space<vmem>>[vector<16xi32>, vector<16xi32>, vector<16xi32>], vector<16xf32>,
      tpu.vector_store_idx %arg8[%add3A_1414, %broadcast_in_dim3A_2024], %gather3A_2028 {add = true} : memref<64x256xf32, #tpu.memory_space<vmem>>[vector<16xi32>, vector<16xi32>], vector<16xf32>,
      %add3A_2029 = arith.constant 8 : i32
      %add3A_2030 = arith.addi %add3A_2001, %add3A_2029 : i32
      %get3A_2031 = arith.index_cast %add3A_2030 : i32 to index
      %get3A_2032 = memref.load %arg9[%get3A_2031] : memref<256xi32, #tpu.memory_space<smem>>
      %shift_right_arithmetic3A_2033 = arith.constant 7 : i32
      %shift_right_arithmetic3A_2034 = arith.shrsi %get3A_2032, %shift_right_arithmetic3A_2033 : i32
      %mul3A_2035 = arith.constant 128 : i32
      %mul3A_2036 = arith.muli %shift_right_arithmetic3A_2034, %mul3A_2035 : i32
      %multiple_of3A_2037 = tpu.assume_multiple %mul3A_2036, 128 : i32
      %dma_start3A_2038 = arith.constant 2 : i32
      %dma_start3A_2039 = arith.constant 0 : i32
      %dma_start3A_2040 = arith.constant 0 : i32
      %dma_start3A_2041 = tpu.memref_slice %arg7[%dma_start3A_2038, %dma_start3A_2039, %dma_start3A_2040] : memref<8x64x128xf32, #tpu.memory_space<vmem>> -> memref<1x64x128xf32, #tpu.memory_space<vmem>>
      %dma_start3A_2042 = tpu.memref_squeeze %dma_start3A_2041 : memref<1x64x128xf32, #tpu.memory_space<vmem>> -> memref<64x128xf32, #tpu.memory_space<vmem>>
      %dma_start3A_2043 = arith.constant 0 : i32
      %dma_start3A_2044 = tpu.memref_slice %arg3[%dma_start3A_2043, %multiple_of3A_2037] : memref<64x1000000xf32, #tpu.memory_space<hbm>> -> memref<64x128xf32, #tpu.memory_space<hbm>>
      %dma_start3A_2045 = arith.constant 0 : i32
      %dma_start3A_2046 = arith.constant 0 : i32
      %dma_start3A_2047 = tpu.memref_slice %arg7[%dma_start3A_2038, %dma_start3A_2045, %dma_start3A_2046] : memref<8x64x128xf32, #tpu.memory_space<vmem>> -> memref<1x64x128xf32, #tpu.memory_space<vmem>>
      %dma_start3A_2048 = tpu.memref_squeeze %dma_start3A_2047 : memref<1x64x128xf32, #tpu.memory_space<vmem>> -> memref<64x128xf32, #tpu.memory_space<vmem>>
      %dma_start3A_2049 = arith.constant 0 : i32
      %dma_start3A_2050 = tpu.memref_slice %arg3[%dma_start3A_2049, %multiple_of3A_2037] : memref<64x1000000xf32, #tpu.memory_space<hbm>> -> memref<64x128xf32, #tpu.memory_space<hbm>>
      tpu.enqueue_dma source(%dma_start3A_2050 : memref<64x128xf32, #tpu.memory_space<hbm>>) target(%dma_start3A_2048 : memref<64x128xf32, #tpu.memory_space<vmem>>) target_semaphore(%arg12 : memref<!tpu.dma_semaphore, #tpu.memory_space<semaphore_mem>>)
      %mul3A_2051 = arith.constant 8 : i32
      %mul3A_2052 = arith.muli %scan3A_1891, %mul3A_2051 : i32
      %add3A_2053 = arith.constant 3 : i32
      %add3A_2054 = arith.addi %mul3A_2052, %add3A_2053 : i32
      %dma_wait3A_2055 = arith.constant 3 : i32
      %dma_wait3A_2056 = arith.constant 0 : i32
      %dma_wait3A_2057 = arith.constant 0 : i32
      %dma_wait3A_2058 = tpu.memref_slice %arg7[%dma_wait3A_2055, %dma_wait3A_2056, %dma_wait3A_2057] : memref<8x64x128xf32, #tpu.memory_space<vmem>> -> memref<1x64x128xf32, #tpu.memory_space<vmem>>
      %dma_wait3A_2059 = tpu.memref_squeeze %dma_wait3A_2058 : memref<1x64x128xf32, #tpu.memory_space<vmem>> -> memref<64x128xf32, #tpu.memory_space<vmem>>
      %dma_wait3A_2060 = arith.constant 0 : i32
      %dma_wait3A_2061 = arith.constant 0 : i32
      %dma_wait3A_2062 = tpu.memref_slice %arg3[%dma_wait3A_2060, %dma_wait3A_2061] : memref<64x1000000xf32, #tpu.memory_space<hbm>> -> memref<64x128xf32, #tpu.memory_space<hbm>>
      %dma_wait3A_2063 = arith.constant 0 : i32
      %dma_wait3A_2064 = arith.constant 0 : i32
      %dma_wait3A_2065 = tpu.memref_slice %arg7[%dma_wait3A_2055, %dma_wait3A_2063, %dma_wait3A_2064] : memref<8x64x128xf32, #tpu.memory_space<vmem>> -> memref<1x64x128xf32, #tpu.memory_space<vmem>>
      %dma_wait3A_2066 = tpu.memref_squeeze %dma_wait3A_2065 : memref<1x64x128xf32, #tpu.memory_space<vmem>> -> memref<64x128xf32, #tpu.memory_space<vmem>>
      %dma_wait3A_2067 = arith.constant 0 : i32
      %dma_wait3A_2068 = arith.constant 0 : i32
      %dma_wait3A_2069 = tpu.memref_slice %arg3[%dma_wait3A_2067, %dma_wait3A_2068] : memref<64x1000000xf32, #tpu.memory_space<hbm>> -> memref<64x128xf32, #tpu.memory_space<hbm>>
      tpu.wait_dma2 semaphore(%arg13 : memref<!tpu.dma_semaphore, #tpu.memory_space<semaphore_mem>>) src(%dma_wait3A_2069 : memref<64x128xf32, #tpu.memory_space<hbm>>) dst(%dma_wait3A_2066 : memref<64x128xf32, #tpu.memory_space<vmem>>)
      %get3A_2070 = arith.index_cast %add3A_2054 : i32 to index
      %get3A_2071 = memref.load %arg9[%get3A_2070] : memref<256xi32, #tpu.memory_space<smem>>
      %and3A_2072 = arith.constant 127 : i32
      %and3A_2073 = arith.andi %get3A_2071, %and3A_2072 : i32
      %broadcast_in_dim3A_2074 = vector.broadcast %and3A_2073 : i32 to vector<16xi32>
      %broadcast_in_dim3A_2075 = arith.constant 3 : i32
      %broadcast_in_dim3A_2076 = vector.broadcast %broadcast_in_dim3A_2075 : i32 to vector<16xi32>
      %broadcast_in_dim3A_2077 = vector.broadcast %add3A_2054 : i32 to vector<16xi32>
      %gather3A_2078 = tpu.vector_load_idx %arg7[%broadcast_in_dim3A_2076, %add3A_1402, %broadcast_in_dim3A_2074] : memref<8x64x128xf32, #tpu.memory_space<vmem>>[vector<16xi32>, vector<16xi32>, vector<16xi32>], vector<16xf32>,
      tpu.vector_store_idx %arg8[%add3A_1402, %broadcast_in_dim3A_2077], %gather3A_2078 {add = true} : memref<64x256xf32, #tpu.memory_space<vmem>>[vector<16xi32>, vector<16xi32>], vector<16xf32>,
      %gather3A_2079 = tpu.vector_load_idx %arg7[%broadcast_in_dim3A_2076, %add3A_1406, %broadcast_in_dim3A_2074] : memref<8x64x128xf32, #tpu.memory_space<vmem>>[vector<16xi32>, vector<16xi32>, vector<16xi32>], vector<16xf32>,
      tpu.vector_store_idx %arg8[%add3A_1406, %broadcast_in_dim3A_2077], %gather3A_2079 {add = true} : memref<64x256xf32, #tpu.memory_space<vmem>>[vector<16xi32>, vector<16xi32>], vector<16xf32>,
      %gather3A_2080 = tpu.vector_load_idx %arg7[%broadcast_in_dim3A_2076, %add3A_1410, %broadcast_in_dim3A_2074] : memref<8x64x128xf32, #tpu.memory_space<vmem>>[vector<16xi32>, vector<16xi32>, vector<16xi32>], vector<16xf32>,
      tpu.vector_store_idx %arg8[%add3A_1410, %broadcast_in_dim3A_2077], %gather3A_2080 {add = true} : memref<64x256xf32, #tpu.memory_space<vmem>>[vector<16xi32>, vector<16xi32>], vector<16xf32>,
      %gather3A_2081 = tpu.vector_load_idx %arg7[%broadcast_in_dim3A_2076, %add3A_1414, %broadcast_in_dim3A_2074] : memref<8x64x128xf32, #tpu.memory_space<vmem>>[vector<16xi32>, vector<16xi32>, vector<16xi32>], vector<16xf32>,
      tpu.vector_store_idx %arg8[%add3A_1414, %broadcast_in_dim3A_2077], %gather3A_2081 {add = true} : memref<64x256xf32, #tpu.memory_space<vmem>>[vector<16xi32>, vector<16xi32>], vector<16xf32>,
      %add3A_2082 = arith.constant 8 : i32
      %add3A_2083 = arith.addi %add3A_2054, %add3A_2082 : i32
      %get3A_2084 = arith.index_cast %add3A_2083 : i32 to index
      %get3A_2085 = memref.load %arg9[%get3A_2084] : memref<256xi32, #tpu.memory_space<smem>>
      %shift_right_arithmetic3A_2086 = arith.constant 7 : i32
      %shift_right_arithmetic3A_2087 = arith.shrsi %get3A_2085, %shift_right_arithmetic3A_2086 : i32
      %mul3A_2088 = arith.constant 128 : i32
      %mul3A_2089 = arith.muli %shift_right_arithmetic3A_2087, %mul3A_2088 : i32
      %multiple_of3A_2090 = tpu.assume_multiple %mul3A_2089, 128 : i32
      %dma_start3A_2091 = arith.constant 3 : i32
      %dma_start3A_2092 = arith.constant 0 : i32
      %dma_start3A_2093 = arith.constant 0 : i32
      %dma_start3A_2094 = tpu.memref_slice %arg7[%dma_start3A_2091, %dma_start3A_2092, %dma_start3A_2093] : memref<8x64x128xf32, #tpu.memory_space<vmem>> -> memref<1x64x128xf32, #tpu.memory_space<vmem>>
      %dma_start3A_2095 = tpu.memref_squeeze %dma_start3A_2094 : memref<1x64x128xf32, #tpu.memory_space<vmem>> -> memref<64x128xf32, #tpu.memory_space<vmem>>
      %dma_start3A_2096 = arith.constant 0 : i32
      %dma_start3A_2097 = tpu.memref_slice %arg3[%dma_start3A_2096, %multiple_of3A_2090] : memref<64x1000000xf32, #tpu.memory_space<hbm>> -> memref<64x128xf32, #tpu.memory_space<hbm>>
      %dma_start3A_2098 = arith.constant 0 : i32
      %dma_start3A_2099 = arith.constant 0 : i32
      %dma_start3A_2100 = tpu.memref_slice %arg7[%dma_start3A_2091, %dma_start3A_2098, %dma_start3A_2099] : memref<8x64x128xf32, #tpu.memory_space<vmem>> -> memref<1x64x128xf32, #tpu.memory_space<vmem>>
      %dma_start3A_2101 = tpu.memref_squeeze %dma_start3A_2100 : memref<1x64x128xf32, #tpu.memory_space<vmem>> -> memref<64x128xf32, #tpu.memory_space<vmem>>
      %dma_start3A_2102 = arith.constant 0 : i32
      %dma_start3A_2103 = tpu.memref_slice %arg3[%dma_start3A_2102, %multiple_of3A_2090] : memref<64x1000000xf32, #tpu.memory_space<hbm>> -> memref<64x128xf32, #tpu.memory_space<hbm>>
      tpu.enqueue_dma source(%dma_start3A_2103 : memref<64x128xf32, #tpu.memory_space<hbm>>) target(%dma_start3A_2101 : memref<64x128xf32, #tpu.memory_space<vmem>>) target_semaphore(%arg13 : memref<!tpu.dma_semaphore, #tpu.memory_space<semaphore_mem>>)
      %mul3A_2104 = arith.constant 8 : i32
      %mul3A_2105 = arith.muli %scan3A_1891, %mul3A_2104 : i32
      %add3A_2106 = arith.constant 4 : i32
      %add3A_2107 = arith.addi %mul3A_2105, %add3A_2106 : i32
      %dma_wait3A_2108 = arith.constant 4 : i32
      %dma_wait3A_2109 = arith.constant 0 : i32
      %dma_wait3A_2110 = arith.constant 0 : i32
      %dma_wait3A_2111 = tpu.memref_slice %arg7[%dma_wait3A_2108, %dma_wait3A_2109, %dma_wait3A_2110] : memref<8x64x128xf32, #tpu.memory_space<vmem>> -> memref<1x64x128xf32, #tpu.memory_space<vmem>>
      %dma_wait3A_2112 = tpu.memref_squeeze %dma_wait3A_2111 : memref<1x64x128xf32, #tpu.memory_space<vmem>> -> memref<64x128xf32, #tpu.memory_space<vmem>>
      %dma_wait3A_2113 = arith.constant 0 : i32
      %dma_wait3A_2114 = arith.constant 0 : i32
      %dma_wait3A_2115 = tpu.memref_slice %arg3[%dma_wait3A_2113, %dma_wait3A_2114] : memref<64x1000000xf32, #tpu.memory_space<hbm>> -> memref<64x128xf32, #tpu.memory_space<hbm>>
      %dma_wait3A_2116 = arith.constant 0 : i32
      %dma_wait3A_2117 = arith.constant 0 : i32
      %dma_wait3A_2118 = tpu.memref_slice %arg7[%dma_wait3A_2108, %dma_wait3A_2116, %dma_wait3A_2117] : memref<8x64x128xf32, #tpu.memory_space<vmem>> -> memref<1x64x128xf32, #tpu.memory_space<vmem>>
      %dma_wait3A_2119 = tpu.memref_squeeze %dma_wait3A_2118 : memref<1x64x128xf32, #tpu.memory_space<vmem>> -> memref<64x128xf32, #tpu.memory_space<vmem>>
      %dma_wait3A_2120 = arith.constant 0 : i32
      %dma_wait3A_2121 = arith.constant 0 : i32
      %dma_wait3A_2122 = tpu.memref_slice %arg3[%dma_wait3A_2120, %dma_wait3A_2121] : memref<64x1000000xf32, #tpu.memory_space<hbm>> -> memref<64x128xf32, #tpu.memory_space<hbm>>
      tpu.wait_dma2 semaphore(%arg14 : memref<!tpu.dma_semaphore, #tpu.memory_space<semaphore_mem>>) src(%dma_wait3A_2122 : memref<64x128xf32, #tpu.memory_space<hbm>>) dst(%dma_wait3A_2119 : memref<64x128xf32, #tpu.memory_space<vmem>>)
      %get3A_2123 = arith.index_cast %add3A_2107 : i32 to index
      %get3A_2124 = memref.load %arg9[%get3A_2123] : memref<256xi32, #tpu.memory_space<smem>>
      %and3A_2125 = arith.constant 127 : i32
      %and3A_2126 = arith.andi %get3A_2124, %and3A_2125 : i32
      %broadcast_in_dim3A_2127 = vector.broadcast %and3A_2126 : i32 to vector<16xi32>
      %broadcast_in_dim3A_2128 = arith.constant 4 : i32
      %broadcast_in_dim3A_2129 = vector.broadcast %broadcast_in_dim3A_2128 : i32 to vector<16xi32>
      %broadcast_in_dim3A_2130 = vector.broadcast %add3A_2107 : i32 to vector<16xi32>
      %gather3A_2131 = tpu.vector_load_idx %arg7[%broadcast_in_dim3A_2129, %add3A_1402, %broadcast_in_dim3A_2127] : memref<8x64x128xf32, #tpu.memory_space<vmem>>[vector<16xi32>, vector<16xi32>, vector<16xi32>], vector<16xf32>,
      tpu.vector_store_idx %arg8[%add3A_1402, %broadcast_in_dim3A_2130], %gather3A_2131 {add = true} : memref<64x256xf32, #tpu.memory_space<vmem>>[vector<16xi32>, vector<16xi32>], vector<16xf32>,
      %gather3A_2132 = tpu.vector_load_idx %arg7[%broadcast_in_dim3A_2129, %add3A_1406, %broadcast_in_dim3A_2127] : memref<8x64x128xf32, #tpu.memory_space<vmem>>[vector<16xi32>, vector<16xi32>, vector<16xi32>], vector<16xf32>,
      tpu.vector_store_idx %arg8[%add3A_1406, %broadcast_in_dim3A_2130], %gather3A_2132 {add = true} : memref<64x256xf32, #tpu.memory_space<vmem>>[vector<16xi32>, vector<16xi32>], vector<16xf32>,
      %gather3A_2133 = tpu.vector_load_idx %arg7[%broadcast_in_dim3A_2129, %add3A_1410, %broadcast_in_dim3A_2127] : memref<8x64x128xf32, #tpu.memory_space<vmem>>[vector<16xi32>, vector<16xi32>, vector<16xi32>], vector<16xf32>,
      tpu.vector_store_idx %arg8[%add3A_1410, %broadcast_in_dim3A_2130], %gather3A_2133 {add = true} : memref<64x256xf32, #tpu.memory_space<vmem>>[vector<16xi32>, vector<16xi32>], vector<16xf32>,
      %gather3A_2134 = tpu.vector_load_idx %arg7[%broadcast_in_dim3A_2129, %add3A_1414, %broadcast_in_dim3A_2127] : memref<8x64x128xf32, #tpu.memory_space<vmem>>[vector<16xi32>, vector<16xi32>, vector<16xi32>], vector<16xf32>,
      tpu.vector_store_idx %arg8[%add3A_1414, %broadcast_in_dim3A_2130], %gather3A_2134 {add = true} : memref<64x256xf32, #tpu.memory_space<vmem>>[vector<16xi32>, vector<16xi32>], vector<16xf32>,
      %add3A_2135 = arith.constant 8 : i32
      %add3A_2136 = arith.addi %add3A_2107, %add3A_2135 : i32
      %get3A_2137 = arith.index_cast %add3A_2136 : i32 to index
      %get3A_2138 = memref.load %arg9[%get3A_2137] : memref<256xi32, #tpu.memory_space<smem>>
      %shift_right_arithmetic3A_2139 = arith.constant 7 : i32
      %shift_right_arithmetic3A_2140 = arith.shrsi %get3A_2138, %shift_right_arithmetic3A_2139 : i32
      %mul3A_2141 = arith.constant 128 : i32
      %mul3A_2142 = arith.muli %shift_right_arithmetic3A_2140, %mul3A_2141 : i32
      %multiple_of3A_2143 = tpu.assume_multiple %mul3A_2142, 128 : i32
      %dma_start3A_2144 = arith.constant 4 : i32
      %dma_start3A_2145 = arith.constant 0 : i32
      %dma_start3A_2146 = arith.constant 0 : i32
      %dma_start3A_2147 = tpu.memref_slice %arg7[%dma_start3A_2144, %dma_start3A_2145, %dma_start3A_2146] : memref<8x64x128xf32, #tpu.memory_space<vmem>> -> memref<1x64x128xf32, #tpu.memory_space<vmem>>
      %dma_start3A_2148 = tpu.memref_squeeze %dma_start3A_2147 : memref<1x64x128xf32, #tpu.memory_space<vmem>> -> memref<64x128xf32, #tpu.memory_space<vmem>>
      %dma_start3A_2149 = arith.constant 0 : i32
      %dma_start3A_2150 = tpu.memref_slice %arg3[%dma_start3A_2149, %multiple_of3A_2143] : memref<64x1000000xf32, #tpu.memory_space<hbm>> -> memref<64x128xf32, #tpu.memory_space<hbm>>
      %dma_start3A_2151 = arith.constant 0 : i32
      %dma_start3A_2152 = arith.constant 0 : i32
      %dma_start3A_2153 = tpu.memref_slice %arg7[%dma_start3A_2144, %dma_start3A_2151, %dma_start3A_2152] : memref<8x64x128xf32, #tpu.memory_space<vmem>> -> memref<1x64x128xf32, #tpu.memory_space<vmem>>
      %dma_start3A_2154 = tpu.memref_squeeze %dma_start3A_2153 : memref<1x64x128xf32, #tpu.memory_space<vmem>> -> memref<64x128xf32, #tpu.memory_space<vmem>>
      %dma_start3A_2155 = arith.constant 0 : i32
      %dma_start3A_2156 = tpu.memref_slice %arg3[%dma_start3A_2155, %multiple_of3A_2143] : memref<64x1000000xf32, #tpu.memory_space<hbm>> -> memref<64x128xf32, #tpu.memory_space<hbm>>
      tpu.enqueue_dma source(%dma_start3A_2156 : memref<64x128xf32, #tpu.memory_space<hbm>>) target(%dma_start3A_2154 : memref<64x128xf32, #tpu.memory_space<vmem>>) target_semaphore(%arg14 : memref<!tpu.dma_semaphore, #tpu.memory_space<semaphore_mem>>)
      %mul3A_2157 = arith.constant 8 : i32
      %mul3A_2158 = arith.muli %scan3A_1891, %mul3A_2157 : i32
      %add3A_2159 = arith.constant 5 : i32
      %add3A_2160 = arith.addi %mul3A_2158, %add3A_2159 : i32
      %dma_wait3A_2161 = arith.constant 5 : i32
      %dma_wait3A_2162 = arith.constant 0 : i32
      %dma_wait3A_2163 = arith.constant 0 : i32
      %dma_wait3A_2164 = tpu.memref_slice %arg7[%dma_wait3A_2161, %dma_wait3A_2162, %dma_wait3A_2163] : memref<8x64x128xf32, #tpu.memory_space<vmem>> -> memref<1x64x128xf32, #tpu.memory_space<vmem>>
      %dma_wait3A_2165 = tpu.memref_squeeze %dma_wait3A_2164 : memref<1x64x128xf32, #tpu.memory_space<vmem>> -> memref<64x128xf32, #tpu.memory_space<vmem>>
      %dma_wait3A_2166 = arith.constant 0 : i32
      %dma_wait3A_2167 = arith.constant 0 : i32
      %dma_wait3A_2168 = tpu.memref_slice %arg3[%dma_wait3A_2166, %dma_wait3A_2167] : memref<64x1000000xf32, #tpu.memory_space<hbm>> -> memref<64x128xf32, #tpu.memory_space<hbm>>
      %dma_wait3A_2169 = arith.constant 0 : i32
      %dma_wait3A_2170 = arith.constant 0 : i32
      %dma_wait3A_2171 = tpu.memref_slice %arg7[%dma_wait3A_2161, %dma_wait3A_2169, %dma_wait3A_2170] : memref<8x64x128xf32, #tpu.memory_space<vmem>> -> memref<1x64x128xf32, #tpu.memory_space<vmem>>
      %dma_wait3A_2172 = tpu.memref_squeeze %dma_wait3A_2171 : memref<1x64x128xf32, #tpu.memory_space<vmem>> -> memref<64x128xf32, #tpu.memory_space<vmem>>
      %dma_wait3A_2173 = arith.constant 0 : i32
      %dma_wait3A_2174 = arith.constant 0 : i32
      %dma_wait3A_2175 = tpu.memref_slice %arg3[%dma_wait3A_2173, %dma_wait3A_2174] : memref<64x1000000xf32, #tpu.memory_space<hbm>> -> memref<64x128xf32, #tpu.memory_space<hbm>>
      tpu.wait_dma2 semaphore(%arg15 : memref<!tpu.dma_semaphore, #tpu.memory_space<semaphore_mem>>) src(%dma_wait3A_2175 : memref<64x128xf32, #tpu.memory_space<hbm>>) dst(%dma_wait3A_2172 : memref<64x128xf32, #tpu.memory_space<vmem>>)
      %get3A_2176 = arith.index_cast %add3A_2160 : i32 to index
      %get3A_2177 = memref.load %arg9[%get3A_2176] : memref<256xi32, #tpu.memory_space<smem>>
      %and3A_2178 = arith.constant 127 : i32
      %and3A_2179 = arith.andi %get3A_2177, %and3A_2178 : i32
      %broadcast_in_dim3A_2180 = vector.broadcast %and3A_2179 : i32 to vector<16xi32>
      %broadcast_in_dim3A_2181 = arith.constant 5 : i32
      %broadcast_in_dim3A_2182 = vector.broadcast %broadcast_in_dim3A_2181 : i32 to vector<16xi32>
      %broadcast_in_dim3A_2183 = vector.broadcast %add3A_2160 : i32 to vector<16xi32>
      %gather3A_2184 = tpu.vector_load_idx %arg7[%broadcast_in_dim3A_2182, %add3A_1402, %broadcast_in_dim3A_2180] : memref<8x64x128xf32, #tpu.memory_space<vmem>>[vector<16xi32>, vector<16xi32>, vector<16xi32>], vector<16xf32>,
      tpu.vector_store_idx %arg8[%add3A_1402, %broadcast_in_dim3A_2183], %gather3A_2184 {add = true} : memref<64x256xf32, #tpu.memory_space<vmem>>[vector<16xi32>, vector<16xi32>], vector<16xf32>,
      %gather3A_2185 = tpu.vector_load_idx %arg7[%broadcast_in_dim3A_2182, %add3A_1406, %broadcast_in_dim3A_2180] : memref<8x64x128xf32, #tpu.memory_space<vmem>>[vector<16xi32>, vector<16xi32>, vector<16xi32>], vector<16xf32>,
      tpu.vector_store_idx %arg8[%add3A_1406, %broadcast_in_dim3A_2183], %gather3A_2185 {add = true} : memref<64x256xf32, #tpu.memory_space<vmem>>[vector<16xi32>, vector<16xi32>], vector<16xf32>,
      %gather3A_2186 = tpu.vector_load_idx %arg7[%broadcast_in_dim3A_2182, %add3A_1410, %broadcast_in_dim3A_2180] : memref<8x64x128xf32, #tpu.memory_space<vmem>>[vector<16xi32>, vector<16xi32>, vector<16xi32>], vector<16xf32>,
      tpu.vector_store_idx %arg8[%add3A_1410, %broadcast_in_dim3A_2183], %gather3A_2186 {add = true} : memref<64x256xf32, #tpu.memory_space<vmem>>[vector<16xi32>, vector<16xi32>], vector<16xf32>,
      %gather3A_2187 = tpu.vector_load_idx %arg7[%broadcast_in_dim3A_2182, %add3A_1414, %broadcast_in_dim3A_2180] : memref<8x64x128xf32, #tpu.memory_space<vmem>>[vector<16xi32>, vector<16xi32>, vector<16xi32>], vector<16xf32>,
      tpu.vector_store_idx %arg8[%add3A_1414, %broadcast_in_dim3A_2183], %gather3A_2187 {add = true} : memref<64x256xf32, #tpu.memory_space<vmem>>[vector<16xi32>, vector<16xi32>], vector<16xf32>,
      %add3A_2188 = arith.constant 8 : i32
      %add3A_2189 = arith.addi %add3A_2160, %add3A_2188 : i32
      %get3A_2190 = arith.index_cast %add3A_2189 : i32 to index
      %get3A_2191 = memref.load %arg9[%get3A_2190] : memref<256xi32, #tpu.memory_space<smem>>
      %shift_right_arithmetic3A_2192 = arith.constant 7 : i32
      %shift_right_arithmetic3A_2193 = arith.shrsi %get3A_2191, %shift_right_arithmetic3A_2192 : i32
      %mul3A_2194 = arith.constant 128 : i32
      %mul3A_2195 = arith.muli %shift_right_arithmetic3A_2193, %mul3A_2194 : i32
      %multiple_of3A_2196 = tpu.assume_multiple %mul3A_2195, 128 : i32
      %dma_start3A_2197 = arith.constant 5 : i32
      %dma_start3A_2198 = arith.constant 0 : i32
      %dma_start3A_2199 = arith.constant 0 : i32
      %dma_start3A_2200 = tpu.memref_slice %arg7[%dma_start3A_2197, %dma_start3A_2198, %dma_start3A_2199] : memref<8x64x128xf32, #tpu.memory_space<vmem>> -> memref<1x64x128xf32, #tpu.memory_space<vmem>>
      %dma_start3A_2201 = tpu.memref_squeeze %dma_start3A_2200 : memref<1x64x128xf32, #tpu.memory_space<vmem>> -> memref<64x128xf32, #tpu.memory_space<vmem>>
      %dma_start3A_2202 = arith.constant 0 : i32
      %dma_start3A_2203 = tpu.memref_slice %arg3[%dma_start3A_2202, %multiple_of3A_2196] : memref<64x1000000xf32, #tpu.memory_space<hbm>> -> memref<64x128xf32, #tpu.memory_space<hbm>>
      %dma_start3A_2204 = arith.constant 0 : i32
      %dma_start3A_2205 = arith.constant 0 : i32
      %dma_start3A_2206 = tpu.memref_slice %arg7[%dma_start3A_2197, %dma_start3A_2204, %dma_start3A_2205] : memref<8x64x128xf32, #tpu.memory_space<vmem>> -> memref<1x64x128xf32, #tpu.memory_space<vmem>>
      %dma_start3A_2207 = tpu.memref_squeeze %dma_start3A_2206 : memref<1x64x128xf32, #tpu.memory_space<vmem>> -> memref<64x128xf32, #tpu.memory_space<vmem>>
      %dma_start3A_2208 = arith.constant 0 : i32
      %dma_start3A_2209 = tpu.memref_slice %arg3[%dma_start3A_2208, %multiple_of3A_2196] : memref<64x1000000xf32, #tpu.memory_space<hbm>> -> memref<64x128xf32, #tpu.memory_space<hbm>>
      tpu.enqueue_dma source(%dma_start3A_2209 : memref<64x128xf32, #tpu.memory_space<hbm>>) target(%dma_start3A_2207 : memref<64x128xf32, #tpu.memory_space<vmem>>) target_semaphore(%arg15 : memref<!tpu.dma_semaphore, #tpu.memory_space<semaphore_mem>>)
      %mul3A_2210 = arith.constant 8 : i32
      %mul3A_2211 = arith.muli %scan3A_1891, %mul3A_2210 : i32
      %add3A_2212 = arith.constant 6 : i32
      %add3A_2213 = arith.addi %mul3A_2211, %add3A_2212 : i32
      %dma_wait3A_2214 = arith.constant 6 : i32
      %dma_wait3A_2215 = arith.constant 0 : i32
      %dma_wait3A_2216 = arith.constant 0 : i32
      %dma_wait3A_2217 = tpu.memref_slice %arg7[%dma_wait3A_2214, %dma_wait3A_2215, %dma_wait3A_2216] : memref<8x64x128xf32, #tpu.memory_space<vmem>> -> memref<1x64x128xf32, #tpu.memory_space<vmem>>
      %dma_wait3A_2218 = tpu.memref_squeeze %dma_wait3A_2217 : memref<1x64x128xf32, #tpu.memory_space<vmem>> -> memref<64x128xf32, #tpu.memory_space<vmem>>
      %dma_wait3A_2219 = arith.constant 0 : i32
      %dma_wait3A_2220 = arith.constant 0 : i32
      %dma_wait3A_2221 = tpu.memref_slice %arg3[%dma_wait3A_2219, %dma_wait3A_2220] : memref<64x1000000xf32, #tpu.memory_space<hbm>> -> memref<64x128xf32, #tpu.memory_space<hbm>>
      %dma_wait3A_2222 = arith.constant 0 : i32
      %dma_wait3A_2223 = arith.constant 0 : i32
      %dma_wait3A_2224 = tpu.memref_slice %arg7[%dma_wait3A_2214, %dma_wait3A_2222, %dma_wait3A_2223] : memref<8x64x128xf32, #tpu.memory_space<vmem>> -> memref<1x64x128xf32, #tpu.memory_space<vmem>>
      %dma_wait3A_2225 = tpu.memref_squeeze %dma_wait3A_2224 : memref<1x64x128xf32, #tpu.memory_space<vmem>> -> memref<64x128xf32, #tpu.memory_space<vmem>>
      %dma_wait3A_2226 = arith.constant 0 : i32
      %dma_wait3A_2227 = arith.constant 0 : i32
      %dma_wait3A_2228 = tpu.memref_slice %arg3[%dma_wait3A_2226, %dma_wait3A_2227] : memref<64x1000000xf32, #tpu.memory_space<hbm>> -> memref<64x128xf32, #tpu.memory_space<hbm>>
      tpu.wait_dma2 semaphore(%arg16 : memref<!tpu.dma_semaphore, #tpu.memory_space<semaphore_mem>>) src(%dma_wait3A_2228 : memref<64x128xf32, #tpu.memory_space<hbm>>) dst(%dma_wait3A_2225 : memref<64x128xf32, #tpu.memory_space<vmem>>)
      %get3A_2229 = arith.index_cast %add3A_2213 : i32 to index
      %get3A_2230 = memref.load %arg9[%get3A_2229] : memref<256xi32, #tpu.memory_space<smem>>
      %and3A_2231 = arith.constant 127 : i32
      %and3A_2232 = arith.andi %get3A_2230, %and3A_2231 : i32
      %broadcast_in_dim3A_2233 = vector.broadcast %and3A_2232 : i32 to vector<16xi32>
      %broadcast_in_dim3A_2234 = arith.constant 6 : i32
      %broadcast_in_dim3A_2235 = vector.broadcast %broadcast_in_dim3A_2234 : i32 to vector<16xi32>
      %broadcast_in_dim3A_2236 = vector.broadcast %add3A_2213 : i32 to vector<16xi32>
      %gather3A_2237 = tpu.vector_load_idx %arg7[%broadcast_in_dim3A_2235, %add3A_1402, %broadcast_in_dim3A_2233] : memref<8x64x128xf32, #tpu.memory_space<vmem>>[vector<16xi32>, vector<16xi32>, vector<16xi32>], vector<16xf32>,
      tpu.vector_store_idx %arg8[%add3A_1402, %broadcast_in_dim3A_2236], %gather3A_2237 {add = true} : memref<64x256xf32, #tpu.memory_space<vmem>>[vector<16xi32>, vector<16xi32>], vector<16xf32>,
      %gather3A_2238 = tpu.vector_load_idx %arg7[%broadcast_in_dim3A_2235, %add3A_1406, %broadcast_in_dim3A_2233] : memref<8x64x128xf32, #tpu.memory_space<vmem>>[vector<16xi32>, vector<16xi32>, vector<16xi32>], vector<16xf32>,
      tpu.vector_store_idx %arg8[%add3A_1406, %broadcast_in_dim3A_2236], %gather3A_2238 {add = true} : memref<64x256xf32, #tpu.memory_space<vmem>>[vector<16xi32>, vector<16xi32>], vector<16xf32>,
      %gather3A_2239 = tpu.vector_load_idx %arg7[%broadcast_in_dim3A_2235, %add3A_1410, %broadcast_in_dim3A_2233] : memref<8x64x128xf32, #tpu.memory_space<vmem>>[vector<16xi32>, vector<16xi32>, vector<16xi32>], vector<16xf32>,
      tpu.vector_store_idx %arg8[%add3A_1410, %broadcast_in_dim3A_2236], %gather3A_2239 {add = true} : memref<64x256xf32, #tpu.memory_space<vmem>>[vector<16xi32>, vector<16xi32>], vector<16xf32>,
      %gather3A_2240 = tpu.vector_load_idx %arg7[%broadcast_in_dim3A_2235, %add3A_1414, %broadcast_in_dim3A_2233] : memref<8x64x128xf32, #tpu.memory_space<vmem>>[vector<16xi32>, vector<16xi32>, vector<16xi32>], vector<16xf32>,
      tpu.vector_store_idx %arg8[%add3A_1414, %broadcast_in_dim3A_2236], %gather3A_2240 {add = true} : memref<64x256xf32, #tpu.memory_space<vmem>>[vector<16xi32>, vector<16xi32>], vector<16xf32>,
      %add3A_2241 = arith.constant 8 : i32
      %add3A_2242 = arith.addi %add3A_2213, %add3A_2241 : i32
      %get3A_2243 = arith.index_cast %add3A_2242 : i32 to index
      %get3A_2244 = memref.load %arg9[%get3A_2243] : memref<256xi32, #tpu.memory_space<smem>>
      %shift_right_arithmetic3A_2245 = arith.constant 7 : i32
      %shift_right_arithmetic3A_2246 = arith.shrsi %get3A_2244, %shift_right_arithmetic3A_2245 : i32
      %mul3A_2247 = arith.constant 128 : i32
      %mul3A_2248 = arith.muli %shift_right_arithmetic3A_2246, %mul3A_2247 : i32
      %multiple_of3A_2249 = tpu.assume_multiple %mul3A_2248, 128 : i32
      %dma_start3A_2250 = arith.constant 6 : i32
      %dma_start3A_2251 = arith.constant 0 : i32
      %dma_start3A_2252 = arith.constant 0 : i32
      %dma_start3A_2253 = tpu.memref_slice %arg7[%dma_start3A_2250, %dma_start3A_2251, %dma_start3A_2252] : memref<8x64x128xf32, #tpu.memory_space<vmem>> -> memref<1x64x128xf32, #tpu.memory_space<vmem>>
      %dma_start3A_2254 = tpu.memref_squeeze %dma_start3A_2253 : memref<1x64x128xf32, #tpu.memory_space<vmem>> -> memref<64x128xf32, #tpu.memory_space<vmem>>
      %dma_start3A_2255 = arith.constant 0 : i32
      %dma_start3A_2256 = tpu.memref_slice %arg3[%dma_start3A_2255, %multiple_of3A_2249] : memref<64x1000000xf32, #tpu.memory_space<hbm>> -> memref<64x128xf32, #tpu.memory_space<hbm>>
      %dma_start3A_2257 = arith.constant 0 : i32
      %dma_start3A_2258 = arith.constant 0 : i32
      %dma_start3A_2259 = tpu.memref_slice %arg7[%dma_start3A_2250, %dma_start3A_2257, %dma_start3A_2258] : memref<8x64x128xf32, #tpu.memory_space<vmem>> -> memref<1x64x128xf32, #tpu.memory_space<vmem>>
      %dma_start3A_2260 = tpu.memref_squeeze %dma_start3A_2259 : memref<1x64x128xf32, #tpu.memory_space<vmem>> -> memref<64x128xf32, #tpu.memory_space<vmem>>
      %dma_start3A_2261 = arith.constant 0 : i32
      %dma_start3A_2262 = tpu.memref_slice %arg3[%dma_start3A_2261, %multiple_of3A_2249] : memref<64x1000000xf32, #tpu.memory_space<hbm>> -> memref<64x128xf32, #tpu.memory_space<hbm>>
      tpu.enqueue_dma source(%dma_start3A_2262 : memref<64x128xf32, #tpu.memory_space<hbm>>) target(%dma_start3A_2260 : memref<64x128xf32, #tpu.memory_space<vmem>>) target_semaphore(%arg16 : memref<!tpu.dma_semaphore, #tpu.memory_space<semaphore_mem>>)
      %mul3A_2263 = arith.constant 8 : i32
      %mul3A_2264 = arith.muli %scan3A_1891, %mul3A_2263 : i32
      %add3A_2265 = arith.constant 7 : i32
      %add3A_2266 = arith.addi %mul3A_2264, %add3A_2265 : i32
      %dma_wait3A_2267 = arith.constant 7 : i32
      %dma_wait3A_2268 = arith.constant 0 : i32
      %dma_wait3A_2269 = arith.constant 0 : i32
      %dma_wait3A_2270 = tpu.memref_slice %arg7[%dma_wait3A_2267, %dma_wait3A_2268, %dma_wait3A_2269] : memref<8x64x128xf32, #tpu.memory_space<vmem>> -> memref<1x64x128xf32, #tpu.memory_space<vmem>>
      %dma_wait3A_2271 = tpu.memref_squeeze %dma_wait3A_2270 : memref<1x64x128xf32, #tpu.memory_space<vmem>> -> memref<64x128xf32, #tpu.memory_space<vmem>>
      %dma_wait3A_2272 = arith.constant 0 : i32
      %dma_wait3A_2273 = arith.constant 0 : i32
      %dma_wait3A_2274 = tpu.memref_slice %arg3[%dma_wait3A_2272, %dma_wait3A_2273] : memref<64x1000000xf32, #tpu.memory_space<hbm>> -> memref<64x128xf32, #tpu.memory_space<hbm>>
      %dma_wait3A_2275 = arith.constant 0 : i32
      %dma_wait3A_2276 = arith.constant 0 : i32
      %dma_wait3A_2277 = tpu.memref_slice %arg7[%dma_wait3A_2267, %dma_wait3A_2275, %dma_wait3A_2276] : memref<8x64x128xf32, #tpu.memory_space<vmem>> -> memref<1x64x128xf32, #tpu.memory_space<vmem>>
      %dma_wait3A_2278 = tpu.memref_squeeze %dma_wait3A_2277 : memref<1x64x128xf32, #tpu.memory_space<vmem>> -> memref<64x128xf32, #tpu.memory_space<vmem>>
      %dma_wait3A_2279 = arith.constant 0 : i32
      %dma_wait3A_2280 = arith.constant 0 : i32
      %dma_wait3A_2281 = tpu.memref_slice %arg3[%dma_wait3A_2279, %dma_wait3A_2280] : memref<64x1000000xf32, #tpu.memory_space<hbm>> -> memref<64x128xf32, #tpu.memory_space<hbm>>
      tpu.wait_dma2 semaphore(%arg17 : memref<!tpu.dma_semaphore, #tpu.memory_space<semaphore_mem>>) src(%dma_wait3A_2281 : memref<64x128xf32, #tpu.memory_space<hbm>>) dst(%dma_wait3A_2278 : memref<64x128xf32, #tpu.memory_space<vmem>>)
      %get3A_2282 = arith.index_cast %add3A_2266 : i32 to index
      %get3A_2283 = memref.load %arg9[%get3A_2282] : memref<256xi32, #tpu.memory_space<smem>>
      %and3A_2284 = arith.constant 127 : i32
      %and3A_2285 = arith.andi %get3A_2283, %and3A_2284 : i32
      %broadcast_in_dim3A_2286 = vector.broadcast %and3A_2285 : i32 to vector<16xi32>
      %broadcast_in_dim3A_2287 = arith.constant 7 : i32
      %broadcast_in_dim3A_2288 = vector.broadcast %broadcast_in_dim3A_2287 : i32 to vector<16xi32>
      %broadcast_in_dim3A_2289 = vector.broadcast %add3A_2266 : i32 to vector<16xi32>
      %gather3A_2290 = tpu.vector_load_idx %arg7[%broadcast_in_dim3A_2288, %add3A_1402, %broadcast_in_dim3A_2286] : memref<8x64x128xf32, #tpu.memory_space<vmem>>[vector<16xi32>, vector<16xi32>, vector<16xi32>], vector<16xf32>,
      tpu.vector_store_idx %arg8[%add3A_1402, %broadcast_in_dim3A_2289], %gather3A_2290 {add = true} : memref<64x256xf32, #tpu.memory_space<vmem>>[vector<16xi32>, vector<16xi32>], vector<16xf32>,
      %gather3A_2291 = tpu.vector_load_idx %arg7[%broadcast_in_dim3A_2288, %add3A_1406, %broadcast_in_dim3A_2286] : memref<8x64x128xf32, #tpu.memory_space<vmem>>[vector<16xi32>, vector<16xi32>, vector<16xi32>], vector<16xf32>,
      tpu.vector_store_idx %arg8[%add3A_1406, %broadcast_in_dim3A_2289], %gather3A_2291 {add = true} : memref<64x256xf32, #tpu.memory_space<vmem>>[vector<16xi32>, vector<16xi32>], vector<16xf32>,
      %gather3A_2292 = tpu.vector_load_idx %arg7[%broadcast_in_dim3A_2288, %add3A_1410, %broadcast_in_dim3A_2286] : memref<8x64x128xf32, #tpu.memory_space<vmem>>[vector<16xi32>, vector<16xi32>, vector<16xi32>], vector<16xf32>,
      tpu.vector_store_idx %arg8[%add3A_1410, %broadcast_in_dim3A_2289], %gather3A_2292 {add = true} : memref<64x256xf32, #tpu.memory_space<vmem>>[vector<16xi32>, vector<16xi32>], vector<16xf32>,
      %gather3A_2293 = tpu.vector_load_idx %arg7[%broadcast_in_dim3A_2288, %add3A_1414, %broadcast_in_dim3A_2286] : memref<8x64x128xf32, #tpu.memory_space<vmem>>[vector<16xi32>, vector<16xi32>, vector<16xi32>], vector<16xf32>,
      tpu.vector_store_idx %arg8[%add3A_1414, %broadcast_in_dim3A_2289], %gather3A_2293 {add = true} : memref<64x256xf32, #tpu.memory_space<vmem>>[vector<16xi32>, vector<16xi32>], vector<16xf32>,
      %add3A_2294 = arith.constant 8 : i32
      %add3A_2295 = arith.addi %add3A_2266, %add3A_2294 : i32
      %get3A_2296 = arith.index_cast %add3A_2295 : i32 to index
      %get3A_2297 = memref.load %arg9[%get3A_2296] : memref<256xi32, #tpu.memory_space<smem>>
      %shift_right_arithmetic3A_2298 = arith.constant 7 : i32
      %shift_right_arithmetic3A_2299 = arith.shrsi %get3A_2297, %shift_right_arithmetic3A_2298 : i32
      %mul3A_2300 = arith.constant 128 : i32
      %mul3A_2301 = arith.muli %shift_right_arithmetic3A_2299, %mul3A_2300 : i32
      %multiple_of3A_2302 = tpu.assume_multiple %mul3A_2301, 128 : i32
      %dma_start3A_2303 = arith.constant 7 : i32
      %dma_start3A_2304 = arith.constant 0 : i32
      %dma_start3A_2305 = arith.constant 0 : i32
      %dma_start3A_2306 = tpu.memref_slice %arg7[%dma_start3A_2303, %dma_start3A_2304, %dma_start3A_2305] : memref<8x64x128xf32, #tpu.memory_space<vmem>> -> memref<1x64x128xf32, #tpu.memory_space<vmem>>
      %dma_start3A_2307 = tpu.memref_squeeze %dma_start3A_2306 : memref<1x64x128xf32, #tpu.memory_space<vmem>> -> memref<64x128xf32, #tpu.memory_space<vmem>>
      %dma_start3A_2308 = arith.constant 0 : i32
      %dma_start3A_2309 = tpu.memref_slice %arg3[%dma_start3A_2308, %multiple_of3A_2302] : memref<64x1000000xf32, #tpu.memory_space<hbm>> -> memref<64x128xf32, #tpu.memory_space<hbm>>
      %dma_start3A_2310 = arith.constant 0 : i32
      %dma_start3A_2311 = arith.constant 0 : i32
      %dma_start3A_2312 = tpu.memref_slice %arg7[%dma_start3A_2303, %dma_start3A_2310, %dma_start3A_2311] : memref<8x64x128xf32, #tpu.memory_space<vmem>> -> memref<1x64x128xf32, #tpu.memory_space<vmem>>
      %dma_start3A_2313 = tpu.memref_squeeze %dma_start3A_2312 : memref<1x64x128xf32, #tpu.memory_space<vmem>> -> memref<64x128xf32, #tpu.memory_space<vmem>>
      %dma_start3A_2314 = arith.constant 0 : i32
      %dma_start3A_2315 = tpu.memref_slice %arg3[%dma_start3A_2314, %multiple_of3A_2302] : memref<64x1000000xf32, #tpu.memory_space<hbm>> -> memref<64x128xf32, #tpu.memory_space<hbm>>
      tpu.enqueue_dma source(%dma_start3A_2315 : memref<64x128xf32, #tpu.memory_space<hbm>>) target(%dma_start3A_2313 : memref<64x128xf32, #tpu.memory_space<vmem>>) target_semaphore(%arg17 : memref<!tpu.dma_semaphore, #tpu.memory_space<semaphore_mem>>)
    }
    %scan3A_1604 = arith.constant 31 : i32
    %dma_wait3A_1605 = arith.constant 0 : i32
    %dma_wait3A_1606 = arith.constant 0 : i32
    %dma_wait3A_1607 = arith.constant 0 : i32
    %dma_wait3A_1608 = tpu.memref_slice %arg7[%dma_wait3A_1605, %dma_wait3A_1606, %dma_wait3A_1607] : memref<8x64x128xf32, #tpu.memory_space<vmem>> -> memref<1x64x128xf32, #tpu.memory_space<vmem>>
    %dma_wait3A_1609 = tpu.memref_squeeze %dma_wait3A_1608 : memref<1x64x128xf32, #tpu.memory_space<vmem>> -> memref<64x128xf32, #tpu.memory_space<vmem>>
    %dma_wait3A_1610 = arith.constant 0 : i32
    %dma_wait3A_1611 = arith.constant 0 : i32
    %dma_wait3A_1612 = tpu.memref_slice %arg3[%dma_wait3A_1610, %dma_wait3A_1611] : memref<64x1000000xf32, #tpu.memory_space<hbm>> -> memref<64x128xf32, #tpu.memory_space<hbm>>
    %dma_wait3A_1613 = arith.constant 0 : i32
    %dma_wait3A_1614 = arith.constant 0 : i32
    %dma_wait3A_1615 = tpu.memref_slice %arg7[%dma_wait3A_1605, %dma_wait3A_1613, %dma_wait3A_1614] : memref<8x64x128xf32, #tpu.memory_space<vmem>> -> memref<1x64x128xf32, #tpu.memory_space<vmem>>
    %dma_wait3A_1616 = tpu.memref_squeeze %dma_wait3A_1615 : memref<1x64x128xf32, #tpu.memory_space<vmem>> -> memref<64x128xf32, #tpu.memory_space<vmem>>
    %dma_wait3A_1617 = arith.constant 0 : i32
    %dma_wait3A_1618 = arith.constant 0 : i32
    %dma_wait3A_1619 = tpu.memref_slice %arg3[%dma_wait3A_1617, %dma_wait3A_1618] : memref<64x1000000xf32, #tpu.memory_space<hbm>> -> memref<64x128xf32, #tpu.memory_space<hbm>>
    tpu.wait_dma2 semaphore(%arg10 : memref<!tpu.dma_semaphore, #tpu.memory_space<semaphore_mem>>) src(%dma_wait3A_1619 : memref<64x128xf32, #tpu.memory_space<hbm>>) dst(%dma_wait3A_1616 : memref<64x128xf32, #tpu.memory_space<vmem>>)
    %get3A_1620 = arith.constant 248 : i32
    %get3A_1621 = arith.index_cast %get3A_1620 : i32 to index
    %get3A_1622 = memref.load %arg9[%get3A_1621] : memref<256xi32, #tpu.memory_space<smem>>
    %and3A_1623 = arith.constant 127 : i32
    %and3A_1624 = arith.andi %get3A_1622, %and3A_1623 : i32
    %broadcast_in_dim3A = vector.broadcast %and3A_1624 : i32 to vector<16xi32>
    %broadcast_in_dim3A_1625 = arith.constant 0 : i32
    %broadcast_in_dim3A_1626 = vector.broadcast %broadcast_in_dim3A_1625 : i32 to vector<16xi32>
    %broadcast_in_dim3A_1627 = arith.constant 248 : i32
    %broadcast_in_dim3A_1628 = vector.broadcast %broadcast_in_dim3A_1627 : i32 to vector<16xi32>
    %gather3A = tpu.vector_load_idx %arg7[%broadcast_in_dim3A_1626, %add3A_1402, %broadcast_in_dim3A] : memref<8x64x128xf32, #tpu.memory_space<vmem>>[vector<16xi32>, vector<16xi32>, vector<16xi32>], vector<16xf32>,
    tpu.vector_store_idx %arg8[%add3A_1402, %broadcast_in_dim3A_1628], %gather3A {add = true} : memref<64x256xf32, #tpu.memory_space<vmem>>[vector<16xi32>, vector<16xi32>], vector<16xf32>,
    %gather3A_1629 = tpu.vector_load_idx %arg7[%broadcast_in_dim3A_1626, %add3A_1406, %broadcast_in_dim3A] : memref<8x64x128xf32, #tpu.memory_space<vmem>>[vector<16xi32>, vector<16xi32>, vector<16xi32>], vector<16xf32>,
    tpu.vector_store_idx %arg8[%add3A_1406, %broadcast_in_dim3A_1628], %gather3A_1629 {add = true} : memref<64x256xf32, #tpu.memory_space<vmem>>[vector<16xi32>, vector<16xi32>], vector<16xf32>,
    %gather3A_1630 = tpu.vector_load_idx %arg7[%broadcast_in_dim3A_1626, %add3A_1410, %broadcast_in_dim3A] : memref<8x64x128xf32, #tpu.memory_space<vmem>>[vector<16xi32>, vector<16xi32>, vector<16xi32>], vector<16xf32>,
    tpu.vector_store_idx %arg8[%add3A_1410, %broadcast_in_dim3A_1628], %gather3A_1630 {add = true} : memref<64x256xf32, #tpu.memory_space<vmem>>[vector<16xi32>, vector<16xi32>], vector<16xf32>,
    %gather3A_1631 = tpu.vector_load_idx %arg7[%broadcast_in_dim3A_1626, %add3A_1414, %broadcast_in_dim3A] : memref<8x64x128xf32, #tpu.memory_space<vmem>>[vector<16xi32>, vector<16xi32>, vector<16xi32>], vector<16xf32>,
    tpu.vector_store_idx %arg8[%add3A_1414, %broadcast_in_dim3A_1628], %gather3A_1631 {add = true} : memref<64x256xf32, #tpu.memory_space<vmem>>[vector<16xi32>, vector<16xi32>], vector<16xf32>,
    %dma_wait3A_1632 = arith.constant 1 : i32
    %dma_wait3A_1633 = arith.constant 0 : i32
    %dma_wait3A_1634 = arith.constant 0 : i32
    %dma_wait3A_1635 = tpu.memref_slice %arg7[%dma_wait3A_1632, %dma_wait3A_1633, %dma_wait3A_1634] : memref<8x64x128xf32, #tpu.memory_space<vmem>> -> memref<1x64x128xf32, #tpu.memory_space<vmem>>
    %dma_wait3A_1636 = tpu.memref_squeeze %dma_wait3A_1635 : memref<1x64x128xf32, #tpu.memory_space<vmem>> -> memref<64x128xf32, #tpu.memory_space<vmem>>
    %dma_wait3A_1637 = arith.constant 0 : i32
    %dma_wait3A_1638 = arith.constant 0 : i32
    %dma_wait3A_1639 = tpu.memref_slice %arg3[%dma_wait3A_1637, %dma_wait3A_1638] : memref<64x1000000xf32, #tpu.memory_space<hbm>> -> memref<64x128xf32, #tpu.memory_space<hbm>>
    %dma_wait3A_1640 = arith.constant 0 : i32
    %dma_wait3A_1641 = arith.constant 0 : i32
    %dma_wait3A_1642 = tpu.memref_slice %arg7[%dma_wait3A_1632, %dma_wait3A_1640, %dma_wait3A_1641] : memref<8x64x128xf32, #tpu.memory_space<vmem>> -> memref<1x64x128xf32, #tpu.memory_space<vmem>>
    %dma_wait3A_1643 = tpu.memref_squeeze %dma_wait3A_1642 : memref<1x64x128xf32, #tpu.memory_space<vmem>> -> memref<64x128xf32, #tpu.memory_space<vmem>>
    %dma_wait3A_1644 = arith.constant 0 : i32
    %dma_wait3A_1645 = arith.constant 0 : i32
    %dma_wait3A_1646 = tpu.memref_slice %arg3[%dma_wait3A_1644, %dma_wait3A_1645] : memref<64x1000000xf32, #tpu.memory_space<hbm>> -> memref<64x128xf32, #tpu.memory_space<hbm>>
    tpu.wait_dma2 semaphore(%arg11 : memref<!tpu.dma_semaphore, #tpu.memory_space<semaphore_mem>>) src(%dma_wait3A_1646 : memref<64x128xf32, #tpu.memory_space<hbm>>) dst(%dma_wait3A_1643 : memref<64x128xf32, #tpu.memory_space<vmem>>)
    %get3A_1647 = arith.constant 249 : i32
    %get3A_1648 = arith.index_cast %get3A_1647 : i32 to index
    %get3A_1649 = memref.load %arg9[%get3A_1648] : memref<256xi32, #tpu.memory_space<smem>>
    %and3A_1650 = arith.constant 127 : i32
    %and3A_1651 = arith.andi %get3A_1649, %and3A_1650 : i32
    %broadcast_in_dim3A_1652 = vector.broadcast %and3A_1651 : i32 to vector<16xi32>
    %broadcast_in_dim3A_1653 = arith.constant 1 : i32
    %broadcast_in_dim3A_1654 = vector.broadcast %broadcast_in_dim3A_1653 : i32 to vector<16xi32>
    %broadcast_in_dim3A_1655 = arith.constant 249 : i32
    %broadcast_in_dim3A_1656 = vector.broadcast %broadcast_in_dim3A_1655 : i32 to vector<16xi32>
    %gather3A_1657 = tpu.vector_load_idx %arg7[%broadcast_in_dim3A_1654, %add3A_1402, %broadcast_in_dim3A_1652] : memref<8x64x128xf32, #tpu.memory_space<vmem>>[vector<16xi32>, vector<16xi32>, vector<16xi32>], vector<16xf32>,
    tpu.vector_store_idx %arg8[%add3A_1402, %broadcast_in_dim3A_1656], %gather3A_1657 {add = true} : memref<64x256xf32, #tpu.memory_space<vmem>>[vector<16xi32>, vector<16xi32>], vector<16xf32>,
    %gather3A_1658 = tpu.vector_load_idx %arg7[%broadcast_in_dim3A_1654, %add3A_1406, %broadcast_in_dim3A_1652] : memref<8x64x128xf32, #tpu.memory_space<vmem>>[vector<16xi32>, vector<16xi32>, vector<16xi32>], vector<16xf32>,
    tpu.vector_store_idx %arg8[%add3A_1406, %broadcast_in_dim3A_1656], %gather3A_1658 {add = true} : memref<64x256xf32, #tpu.memory_space<vmem>>[vector<16xi32>, vector<16xi32>], vector<16xf32>,
    %gather3A_1659 = tpu.vector_load_idx %arg7[%broadcast_in_dim3A_1654, %add3A_1410, %broadcast_in_dim3A_1652] : memref<8x64x128xf32, #tpu.memory_space<vmem>>[vector<16xi32>, vector<16xi32>, vector<16xi32>], vector<16xf32>,
    tpu.vector_store_idx %arg8[%add3A_1410, %broadcast_in_dim3A_1656], %gather3A_1659 {add = true} : memref<64x256xf32, #tpu.memory_space<vmem>>[vector<16xi32>, vector<16xi32>], vector<16xf32>,
    %gather3A_1660 = tpu.vector_load_idx %arg7[%broadcast_in_dim3A_1654, %add3A_1414, %broadcast_in_dim3A_1652] : memref<8x64x128xf32, #tpu.memory_space<vmem>>[vector<16xi32>, vector<16xi32>, vector<16xi32>], vector<16xf32>,
    tpu.vector_store_idx %arg8[%add3A_1414, %broadcast_in_dim3A_1656], %gather3A_1660 {add = true} : memref<64x256xf32, #tpu.memory_space<vmem>>[vector<16xi32>, vector<16xi32>], vector<16xf32>,
    %dma_wait3A_1661 = arith.constant 2 : i32
    %dma_wait3A_1662 = arith.constant 0 : i32
    %dma_wait3A_1663 = arith.constant 0 : i32
    %dma_wait3A_1664 = tpu.memref_slice %arg7[%dma_wait3A_1661, %dma_wait3A_1662, %dma_wait3A_1663] : memref<8x64x128xf32, #tpu.memory_space<vmem>> -> memref<1x64x128xf32, #tpu.memory_space<vmem>>
    %dma_wait3A_1665 = tpu.memref_squeeze %dma_wait3A_1664 : memref<1x64x128xf32, #tpu.memory_space<vmem>> -> memref<64x128xf32, #tpu.memory_space<vmem>>
    %dma_wait3A_1666 = arith.constant 0 : i32
    %dma_wait3A_1667 = arith.constant 0 : i32
    %dma_wait3A_1668 = tpu.memref_slice %arg3[%dma_wait3A_1666, %dma_wait3A_1667] : memref<64x1000000xf32, #tpu.memory_space<hbm>> -> memref<64x128xf32, #tpu.memory_space<hbm>>
    %dma_wait3A_1669 = arith.constant 0 : i32
    %dma_wait3A_1670 = arith.constant 0 : i32
    %dma_wait3A_1671 = tpu.memref_slice %arg7[%dma_wait3A_1661, %dma_wait3A_1669, %dma_wait3A_1670] : memref<8x64x128xf32, #tpu.memory_space<vmem>> -> memref<1x64x128xf32, #tpu.memory_space<vmem>>
    %dma_wait3A_1672 = tpu.memref_squeeze %dma_wait3A_1671 : memref<1x64x128xf32, #tpu.memory_space<vmem>> -> memref<64x128xf32, #tpu.memory_space<vmem>>
    %dma_wait3A_1673 = arith.constant 0 : i32
    %dma_wait3A_1674 = arith.constant 0 : i32
    %dma_wait3A_1675 = tpu.memref_slice %arg3[%dma_wait3A_1673, %dma_wait3A_1674] : memref<64x1000000xf32, #tpu.memory_space<hbm>> -> memref<64x128xf32, #tpu.memory_space<hbm>>
    tpu.wait_dma2 semaphore(%arg12 : memref<!tpu.dma_semaphore, #tpu.memory_space<semaphore_mem>>) src(%dma_wait3A_1675 : memref<64x128xf32, #tpu.memory_space<hbm>>) dst(%dma_wait3A_1672 : memref<64x128xf32, #tpu.memory_space<vmem>>)
    %get3A_1676 = arith.constant 250 : i32
    %get3A_1677 = arith.index_cast %get3A_1676 : i32 to index
    %get3A_1678 = memref.load %arg9[%get3A_1677] : memref<256xi32, #tpu.memory_space<smem>>
    %and3A_1679 = arith.constant 127 : i32
    %and3A_1680 = arith.andi %get3A_1678, %and3A_1679 : i32
    %broadcast_in_dim3A_1681 = vector.broadcast %and3A_1680 : i32 to vector<16xi32>
    %broadcast_in_dim3A_1682 = arith.constant 2 : i32
    %broadcast_in_dim3A_1683 = vector.broadcast %broadcast_in_dim3A_1682 : i32 to vector<16xi32>
    %broadcast_in_dim3A_1684 = arith.constant 250 : i32
    %broadcast_in_dim3A_1685 = vector.broadcast %broadcast_in_dim3A_1684 : i32 to vector<16xi32>
    %gather3A_1686 = tpu.vector_load_idx %arg7[%broadcast_in_dim3A_1683, %add3A_1402, %broadcast_in_dim3A_1681] : memref<8x64x128xf32, #tpu.memory_space<vmem>>[vector<16xi32>, vector<16xi32>, vector<16xi32>], vector<16xf32>,
    tpu.vector_store_idx %arg8[%add3A_1402, %broadcast_in_dim3A_1685], %gather3A_1686 {add = true} : memref<64x256xf32, #tpu.memory_space<vmem>>[vector<16xi32>, vector<16xi32>], vector<16xf32>,
    %gather3A_1687 = tpu.vector_load_idx %arg7[%broadcast_in_dim3A_1683, %add3A_1406, %broadcast_in_dim3A_1681] : memref<8x64x128xf32, #tpu.memory_space<vmem>>[vector<16xi32>, vector<16xi32>, vector<16xi32>], vector<16xf32>,
    tpu.vector_store_idx %arg8[%add3A_1406, %broadcast_in_dim3A_1685], %gather3A_1687 {add = true} : memref<64x256xf32, #tpu.memory_space<vmem>>[vector<16xi32>, vector<16xi32>], vector<16xf32>,
    %gather3A_1688 = tpu.vector_load_idx %arg7[%broadcast_in_dim3A_1683, %add3A_1410, %broadcast_in_dim3A_1681] : memref<8x64x128xf32, #tpu.memory_space<vmem>>[vector<16xi32>, vector<16xi32>, vector<16xi32>], vector<16xf32>,
    tpu.vector_store_idx %arg8[%add3A_1410, %broadcast_in_dim3A_1685], %gather3A_1688 {add = true} : memref<64x256xf32, #tpu.memory_space<vmem>>[vector<16xi32>, vector<16xi32>], vector<16xf32>,
    %gather3A_1689 = tpu.vector_load_idx %arg7[%broadcast_in_dim3A_1683, %add3A_1414, %broadcast_in_dim3A_1681] : memref<8x64x128xf32, #tpu.memory_space<vmem>>[vector<16xi32>, vector<16xi32>, vector<16xi32>], vector<16xf32>,
    tpu.vector_store_idx %arg8[%add3A_1414, %broadcast_in_dim3A_1685], %gather3A_1689 {add = true} : memref<64x256xf32, #tpu.memory_space<vmem>>[vector<16xi32>, vector<16xi32>], vector<16xf32>,
    %dma_wait3A_1690 = arith.constant 3 : i32
    %dma_wait3A_1691 = arith.constant 0 : i32
    %dma_wait3A_1692 = arith.constant 0 : i32
    %dma_wait3A_1693 = tpu.memref_slice %arg7[%dma_wait3A_1690, %dma_wait3A_1691, %dma_wait3A_1692] : memref<8x64x128xf32, #tpu.memory_space<vmem>> -> memref<1x64x128xf32, #tpu.memory_space<vmem>>
    %dma_wait3A_1694 = tpu.memref_squeeze %dma_wait3A_1693 : memref<1x64x128xf32, #tpu.memory_space<vmem>> -> memref<64x128xf32, #tpu.memory_space<vmem>>
    %dma_wait3A_1695 = arith.constant 0 : i32
    %dma_wait3A_1696 = arith.constant 0 : i32
    %dma_wait3A_1697 = tpu.memref_slice %arg3[%dma_wait3A_1695, %dma_wait3A_1696] : memref<64x1000000xf32, #tpu.memory_space<hbm>> -> memref<64x128xf32, #tpu.memory_space<hbm>>
    %dma_wait3A_1698 = arith.constant 0 : i32
    %dma_wait3A_1699 = arith.constant 0 : i32
    %dma_wait3A_1700 = tpu.memref_slice %arg7[%dma_wait3A_1690, %dma_wait3A_1698, %dma_wait3A_1699] : memref<8x64x128xf32, #tpu.memory_space<vmem>> -> memref<1x64x128xf32, #tpu.memory_space<vmem>>
    %dma_wait3A_1701 = tpu.memref_squeeze %dma_wait3A_1700 : memref<1x64x128xf32, #tpu.memory_space<vmem>> -> memref<64x128xf32, #tpu.memory_space<vmem>>
    %dma_wait3A_1702 = arith.constant 0 : i32
    %dma_wait3A_1703 = arith.constant 0 : i32
    %dma_wait3A_1704 = tpu.memref_slice %arg3[%dma_wait3A_1702, %dma_wait3A_1703] : memref<64x1000000xf32, #tpu.memory_space<hbm>> -> memref<64x128xf32, #tpu.memory_space<hbm>>
    tpu.wait_dma2 semaphore(%arg13 : memref<!tpu.dma_semaphore, #tpu.memory_space<semaphore_mem>>) src(%dma_wait3A_1704 : memref<64x128xf32, #tpu.memory_space<hbm>>) dst(%dma_wait3A_1701 : memref<64x128xf32, #tpu.memory_space<vmem>>)
    %get3A_1705 = arith.constant 251 : i32
    %get3A_1706 = arith.index_cast %get3A_1705 : i32 to index
    %get3A_1707 = memref.load %arg9[%get3A_1706] : memref<256xi32, #tpu.memory_space<smem>>
    %and3A_1708 = arith.constant 127 : i32
    %and3A_1709 = arith.andi %get3A_1707, %and3A_1708 : i32
    %broadcast_in_dim3A_1710 = vector.broadcast %and3A_1709 : i32 to vector<16xi32>
    %broadcast_in_dim3A_1711 = arith.constant 3 : i32
    %broadcast_in_dim3A_1712 = vector.broadcast %broadcast_in_dim3A_1711 : i32 to vector<16xi32>
    %broadcast_in_dim3A_1713 = arith.constant 251 : i32
    %broadcast_in_dim3A_1714 = vector.broadcast %broadcast_in_dim3A_1713 : i32 to vector<16xi32>
    %gather3A_1715 = tpu.vector_load_idx %arg7[%broadcast_in_dim3A_1712, %add3A_1402, %broadcast_in_dim3A_1710] : memref<8x64x128xf32, #tpu.memory_space<vmem>>[vector<16xi32>, vector<16xi32>, vector<16xi32>], vector<16xf32>,
    tpu.vector_store_idx %arg8[%add3A_1402, %broadcast_in_dim3A_1714], %gather3A_1715 {add = true} : memref<64x256xf32, #tpu.memory_space<vmem>>[vector<16xi32>, vector<16xi32>], vector<16xf32>,
    %gather3A_1716 = tpu.vector_load_idx %arg7[%broadcast_in_dim3A_1712, %add3A_1406, %broadcast_in_dim3A_1710] : memref<8x64x128xf32, #tpu.memory_space<vmem>>[vector<16xi32>, vector<16xi32>, vector<16xi32>], vector<16xf32>,
    tpu.vector_store_idx %arg8[%add3A_1406, %broadcast_in_dim3A_1714], %gather3A_1716 {add = true} : memref<64x256xf32, #tpu.memory_space<vmem>>[vector<16xi32>, vector<16xi32>], vector<16xf32>,
    %gather3A_1717 = tpu.vector_load_idx %arg7[%broadcast_in_dim3A_1712, %add3A_1410, %broadcast_in_dim3A_1710] : memref<8x64x128xf32, #tpu.memory_space<vmem>>[vector<16xi32>, vector<16xi32>, vector<16xi32>], vector<16xf32>,
    tpu.vector_store_idx %arg8[%add3A_1410, %broadcast_in_dim3A_1714], %gather3A_1717 {add = true} : memref<64x256xf32, #tpu.memory_space<vmem>>[vector<16xi32>, vector<16xi32>], vector<16xf32>,
    %gather3A_1718 = tpu.vector_load_idx %arg7[%broadcast_in_dim3A_1712, %add3A_1414, %broadcast_in_dim3A_1710] : memref<8x64x128xf32, #tpu.memory_space<vmem>>[vector<16xi32>, vector<16xi32>, vector<16xi32>], vector<16xf32>,
    tpu.vector_store_idx %arg8[%add3A_1414, %broadcast_in_dim3A_1714], %gather3A_1718 {add = true} : memref<64x256xf32, #tpu.memory_space<vmem>>[vector<16xi32>, vector<16xi32>], vector<16xf32>,
    %dma_wait3A_1719 = arith.constant 4 : i32
    %dma_wait3A_1720 = arith.constant 0 : i32
    %dma_wait3A_1721 = arith.constant 0 : i32
    %dma_wait3A_1722 = tpu.memref_slice %arg7[%dma_wait3A_1719, %dma_wait3A_1720, %dma_wait3A_1721] : memref<8x64x128xf32, #tpu.memory_space<vmem>> -> memref<1x64x128xf32, #tpu.memory_space<vmem>>
    %dma_wait3A_1723 = tpu.memref_squeeze %dma_wait3A_1722 : memref<1x64x128xf32, #tpu.memory_space<vmem>> -> memref<64x128xf32, #tpu.memory_space<vmem>>
    %dma_wait3A_1724 = arith.constant 0 : i32
    %dma_wait3A_1725 = arith.constant 0 : i32
    %dma_wait3A_1726 = tpu.memref_slice %arg3[%dma_wait3A_1724, %dma_wait3A_1725] : memref<64x1000000xf32, #tpu.memory_space<hbm>> -> memref<64x128xf32, #tpu.memory_space<hbm>>
    %dma_wait3A_1727 = arith.constant 0 : i32
    %dma_wait3A_1728 = arith.constant 0 : i32
    %dma_wait3A_1729 = tpu.memref_slice %arg7[%dma_wait3A_1719, %dma_wait3A_1727, %dma_wait3A_1728] : memref<8x64x128xf32, #tpu.memory_space<vmem>> -> memref<1x64x128xf32, #tpu.memory_space<vmem>>
    %dma_wait3A_1730 = tpu.memref_squeeze %dma_wait3A_1729 : memref<1x64x128xf32, #tpu.memory_space<vmem>> -> memref<64x128xf32, #tpu.memory_space<vmem>>
    %dma_wait3A_1731 = arith.constant 0 : i32
    %dma_wait3A_1732 = arith.constant 0 : i32
    %dma_wait3A_1733 = tpu.memref_slice %arg3[%dma_wait3A_1731, %dma_wait3A_1732] : memref<64x1000000xf32, #tpu.memory_space<hbm>> -> memref<64x128xf32, #tpu.memory_space<hbm>>
    tpu.wait_dma2 semaphore(%arg14 : memref<!tpu.dma_semaphore, #tpu.memory_space<semaphore_mem>>) src(%dma_wait3A_1733 : memref<64x128xf32, #tpu.memory_space<hbm>>) dst(%dma_wait3A_1730 : memref<64x128xf32, #tpu.memory_space<vmem>>)
    %get3A_1734 = arith.constant 252 : i32
    %get3A_1735 = arith.index_cast %get3A_1734 : i32 to index
    %get3A_1736 = memref.load %arg9[%get3A_1735] : memref<256xi32, #tpu.memory_space<smem>>
    %and3A_1737 = arith.constant 127 : i32
    %and3A_1738 = arith.andi %get3A_1736, %and3A_1737 : i32
    %broadcast_in_dim3A_1739 = vector.broadcast %and3A_1738 : i32 to vector<16xi32>
    %broadcast_in_dim3A_1740 = arith.constant 4 : i32
    %broadcast_in_dim3A_1741 = vector.broadcast %broadcast_in_dim3A_1740 : i32 to vector<16xi32>
    %broadcast_in_dim3A_1742 = arith.constant 252 : i32
    %broadcast_in_dim3A_1743 = vector.broadcast %broadcast_in_dim3A_1742 : i32 to vector<16xi32>
    %gather3A_1744 = tpu.vector_load_idx %arg7[%broadcast_in_dim3A_1741, %add3A_1402, %broadcast_in_dim3A_1739] : memref<8x64x128xf32, #tpu.memory_space<vmem>>[vector<16xi32>, vector<16xi32>, vector<16xi32>], vector<16xf32>,
    tpu.vector_store_idx %arg8[%add3A_1402, %broadcast_in_dim3A_1743], %gather3A_1744 {add = true} : memref<64x256xf32, #tpu.memory_space<vmem>>[vector<16xi32>, vector<16xi32>], vector<16xf32>,
    %gather3A_1745 = tpu.vector_load_idx %arg7[%broadcast_in_dim3A_1741, %add3A_1406, %broadcast_in_dim3A_1739] : memref<8x64x128xf32, #tpu.memory_space<vmem>>[vector<16xi32>, vector<16xi32>, vector<16xi32>], vector<16xf32>,
    tpu.vector_store_idx %arg8[%add3A_1406, %broadcast_in_dim3A_1743], %gather3A_1745 {add = true} : memref<64x256xf32, #tpu.memory_space<vmem>>[vector<16xi32>, vector<16xi32>], vector<16xf32>,
    %gather3A_1746 = tpu.vector_load_idx %arg7[%broadcast_in_dim3A_1741, %add3A_1410, %broadcast_in_dim3A_1739] : memref<8x64x128xf32, #tpu.memory_space<vmem>>[vector<16xi32>, vector<16xi32>, vector<16xi32>], vector<16xf32>,
    tpu.vector_store_idx %arg8[%add3A_1410, %broadcast_in_dim3A_1743], %gather3A_1746 {add = true} : memref<64x256xf32, #tpu.memory_space<vmem>>[vector<16xi32>, vector<16xi32>], vector<16xf32>,
    %gather3A_1747 = tpu.vector_load_idx %arg7[%broadcast_in_dim3A_1741, %add3A_1414, %broadcast_in_dim3A_1739] : memref<8x64x128xf32, #tpu.memory_space<vmem>>[vector<16xi32>, vector<16xi32>, vector<16xi32>], vector<16xf32>,
    tpu.vector_store_idx %arg8[%add3A_1414, %broadcast_in_dim3A_1743], %gather3A_1747 {add = true} : memref<64x256xf32, #tpu.memory_space<vmem>>[vector<16xi32>, vector<16xi32>], vector<16xf32>,
    %dma_wait3A_1748 = arith.constant 5 : i32
    %dma_wait3A_1749 = arith.constant 0 : i32
    %dma_wait3A_1750 = arith.constant 0 : i32
    %dma_wait3A_1751 = tpu.memref_slice %arg7[%dma_wait3A_1748, %dma_wait3A_1749, %dma_wait3A_1750] : memref<8x64x128xf32, #tpu.memory_space<vmem>> -> memref<1x64x128xf32, #tpu.memory_space<vmem>>
    %dma_wait3A_1752 = tpu.memref_squeeze %dma_wait3A_1751 : memref<1x64x128xf32, #tpu.memory_space<vmem>> -> memref<64x128xf32, #tpu.memory_space<vmem>>
    %dma_wait3A_1753 = arith.constant 0 : i32
    %dma_wait3A_1754 = arith.constant 0 : i32
    %dma_wait3A_1755 = tpu.memref_slice %arg3[%dma_wait3A_1753, %dma_wait3A_1754] : memref<64x1000000xf32, #tpu.memory_space<hbm>> -> memref<64x128xf32, #tpu.memory_space<hbm>>
    %dma_wait3A_1756 = arith.constant 0 : i32
    %dma_wait3A_1757 = arith.constant 0 : i32
    %dma_wait3A_1758 = tpu.memref_slice %arg7[%dma_wait3A_1748, %dma_wait3A_1756, %dma_wait3A_1757] : memref<8x64x128xf32, #tpu.memory_space<vmem>> -> memref<1x64x128xf32, #tpu.memory_space<vmem>>
    %dma_wait3A_1759 = tpu.memref_squeeze %dma_wait3A_1758 : memref<1x64x128xf32, #tpu.memory_space<vmem>> -> memref<64x128xf32, #tpu.memory_space<vmem>>
    %dma_wait3A_1760 = arith.constant 0 : i32
    %dma_wait3A_1761 = arith.constant 0 : i32
    %dma_wait3A_1762 = tpu.memref_slice %arg3[%dma_wait3A_1760, %dma_wait3A_1761] : memref<64x1000000xf32, #tpu.memory_space<hbm>> -> memref<64x128xf32, #tpu.memory_space<hbm>>
    tpu.wait_dma2 semaphore(%arg15 : memref<!tpu.dma_semaphore, #tpu.memory_space<semaphore_mem>>) src(%dma_wait3A_1762 : memref<64x128xf32, #tpu.memory_space<hbm>>) dst(%dma_wait3A_1759 : memref<64x128xf32, #tpu.memory_space<vmem>>)
    %get3A_1763 = arith.constant 253 : i32
    %get3A_1764 = arith.index_cast %get3A_1763 : i32 to index
    %get3A_1765 = memref.load %arg9[%get3A_1764] : memref<256xi32, #tpu.memory_space<smem>>
    %and3A_1766 = arith.constant 127 : i32
    %and3A_1767 = arith.andi %get3A_1765, %and3A_1766 : i32
    %broadcast_in_dim3A_1768 = vector.broadcast %and3A_1767 : i32 to vector<16xi32>
    %broadcast_in_dim3A_1769 = arith.constant 5 : i32
    %broadcast_in_dim3A_1770 = vector.broadcast %broadcast_in_dim3A_1769 : i32 to vector<16xi32>
    %broadcast_in_dim3A_1771 = arith.constant 253 : i32
    %broadcast_in_dim3A_1772 = vector.broadcast %broadcast_in_dim3A_1771 : i32 to vector<16xi32>
    %gather3A_1773 = tpu.vector_load_idx %arg7[%broadcast_in_dim3A_1770, %add3A_1402, %broadcast_in_dim3A_1768] : memref<8x64x128xf32, #tpu.memory_space<vmem>>[vector<16xi32>, vector<16xi32>, vector<16xi32>], vector<16xf32>,
    tpu.vector_store_idx %arg8[%add3A_1402, %broadcast_in_dim3A_1772], %gather3A_1773 {add = true} : memref<64x256xf32, #tpu.memory_space<vmem>>[vector<16xi32>, vector<16xi32>], vector<16xf32>,
    %gather3A_1774 = tpu.vector_load_idx %arg7[%broadcast_in_dim3A_1770, %add3A_1406, %broadcast_in_dim3A_1768] : memref<8x64x128xf32, #tpu.memory_space<vmem>>[vector<16xi32>, vector<16xi32>, vector<16xi32>], vector<16xf32>,
    tpu.vector_store_idx %arg8[%add3A_1406, %broadcast_in_dim3A_1772], %gather3A_1774 {add = true} : memref<64x256xf32, #tpu.memory_space<vmem>>[vector<16xi32>, vector<16xi32>], vector<16xf32>,
    %gather3A_1775 = tpu.vector_load_idx %arg7[%broadcast_in_dim3A_1770, %add3A_1410, %broadcast_in_dim3A_1768] : memref<8x64x128xf32, #tpu.memory_space<vmem>>[vector<16xi32>, vector<16xi32>, vector<16xi32>], vector<16xf32>,
    tpu.vector_store_idx %arg8[%add3A_1410, %broadcast_in_dim3A_1772], %gather3A_1775 {add = true} : memref<64x256xf32, #tpu.memory_space<vmem>>[vector<16xi32>, vector<16xi32>], vector<16xf32>,
    %gather3A_1776 = tpu.vector_load_idx %arg7[%broadcast_in_dim3A_1770, %add3A_1414, %broadcast_in_dim3A_1768] : memref<8x64x128xf32, #tpu.memory_space<vmem>>[vector<16xi32>, vector<16xi32>, vector<16xi32>], vector<16xf32>,
    tpu.vector_store_idx %arg8[%add3A_1414, %broadcast_in_dim3A_1772], %gather3A_1776 {add = true} : memref<64x256xf32, #tpu.memory_space<vmem>>[vector<16xi32>, vector<16xi32>], vector<16xf32>,
    %dma_wait3A_1777 = arith.constant 6 : i32
    %dma_wait3A_1778 = arith.constant 0 : i32
    %dma_wait3A_1779 = arith.constant 0 : i32
    %dma_wait3A_1780 = tpu.memref_slice %arg7[%dma_wait3A_1777, %dma_wait3A_1778, %dma_wait3A_1779] : memref<8x64x128xf32, #tpu.memory_space<vmem>> -> memref<1x64x128xf32, #tpu.memory_space<vmem>>
    %dma_wait3A_1781 = tpu.memref_squeeze %dma_wait3A_1780 : memref<1x64x128xf32, #tpu.memory_space<vmem>> -> memref<64x128xf32, #tpu.memory_space<vmem>>
    %dma_wait3A_1782 = arith.constant 0 : i32
    %dma_wait3A_1783 = arith.constant 0 : i32
    %dma_wait3A_1784 = tpu.memref_slice %arg3[%dma_wait3A_1782, %dma_wait3A_1783] : memref<64x1000000xf32, #tpu.memory_space<hbm>> -> memref<64x128xf32, #tpu.memory_space<hbm>>
    %dma_wait3A_1785 = arith.constant 0 : i32
    %dma_wait3A_1786 = arith.constant 0 : i32
    %dma_wait3A_1787 = tpu.memref_slice %arg7[%dma_wait3A_1777, %dma_wait3A_1785, %dma_wait3A_1786] : memref<8x64x128xf32, #tpu.memory_space<vmem>> -> memref<1x64x128xf32, #tpu.memory_space<vmem>>
    %dma_wait3A_1788 = tpu.memref_squeeze %dma_wait3A_1787 : memref<1x64x128xf32, #tpu.memory_space<vmem>> -> memref<64x128xf32, #tpu.memory_space<vmem>>
    %dma_wait3A_1789 = arith.constant 0 : i32
    %dma_wait3A_1790 = arith.constant 0 : i32
    %dma_wait3A_1791 = tpu.memref_slice %arg3[%dma_wait3A_1789, %dma_wait3A_1790] : memref<64x1000000xf32, #tpu.memory_space<hbm>> -> memref<64x128xf32, #tpu.memory_space<hbm>>
    tpu.wait_dma2 semaphore(%arg16 : memref<!tpu.dma_semaphore, #tpu.memory_space<semaphore_mem>>) src(%dma_wait3A_1791 : memref<64x128xf32, #tpu.memory_space<hbm>>) dst(%dma_wait3A_1788 : memref<64x128xf32, #tpu.memory_space<vmem>>)
    %get3A_1792 = arith.constant 254 : i32
    %get3A_1793 = arith.index_cast %get3A_1792 : i32 to index
    %get3A_1794 = memref.load %arg9[%get3A_1793] : memref<256xi32, #tpu.memory_space<smem>>
    %and3A_1795 = arith.constant 127 : i32
    %and3A_1796 = arith.andi %get3A_1794, %and3A_1795 : i32
    %broadcast_in_dim3A_1797 = vector.broadcast %and3A_1796 : i32 to vector<16xi32>
    %broadcast_in_dim3A_1798 = arith.constant 6 : i32
    %broadcast_in_dim3A_1799 = vector.broadcast %broadcast_in_dim3A_1798 : i32 to vector<16xi32>
    %broadcast_in_dim3A_1800 = arith.constant 254 : i32
    %broadcast_in_dim3A_1801 = vector.broadcast %broadcast_in_dim3A_1800 : i32 to vector<16xi32>
    %gather3A_1802 = tpu.vector_load_idx %arg7[%broadcast_in_dim3A_1799, %add3A_1402, %broadcast_in_dim3A_1797] : memref<8x64x128xf32, #tpu.memory_space<vmem>>[vector<16xi32>, vector<16xi32>, vector<16xi32>], vector<16xf32>,
    tpu.vector_store_idx %arg8[%add3A_1402, %broadcast_in_dim3A_1801], %gather3A_1802 {add = true} : memref<64x256xf32, #tpu.memory_space<vmem>>[vector<16xi32>, vector<16xi32>], vector<16xf32>,
    %gather3A_1803 = tpu.vector_load_idx %arg7[%broadcast_in_dim3A_1799, %add3A_1406, %broadcast_in_dim3A_1797] : memref<8x64x128xf32, #tpu.memory_space<vmem>>[vector<16xi32>, vector<16xi32>, vector<16xi32>], vector<16xf32>,
    tpu.vector_store_idx %arg8[%add3A_1406, %broadcast_in_dim3A_1801], %gather3A_1803 {add = true} : memref<64x256xf32, #tpu.memory_space<vmem>>[vector<16xi32>, vector<16xi32>], vector<16xf32>,
    %gather3A_1804 = tpu.vector_load_idx %arg7[%broadcast_in_dim3A_1799, %add3A_1410, %broadcast_in_dim3A_1797] : memref<8x64x128xf32, #tpu.memory_space<vmem>>[vector<16xi32>, vector<16xi32>, vector<16xi32>], vector<16xf32>,
    tpu.vector_store_idx %arg8[%add3A_1410, %broadcast_in_dim3A_1801], %gather3A_1804 {add = true} : memref<64x256xf32, #tpu.memory_space<vmem>>[vector<16xi32>, vector<16xi32>], vector<16xf32>,
    %gather3A_1805 = tpu.vector_load_idx %arg7[%broadcast_in_dim3A_1799, %add3A_1414, %broadcast_in_dim3A_1797] : memref<8x64x128xf32, #tpu.memory_space<vmem>>[vector<16xi32>, vector<16xi32>, vector<16xi32>], vector<16xf32>,
    tpu.vector_store_idx %arg8[%add3A_1414, %broadcast_in_dim3A_1801], %gather3A_1805 {add = true} : memref<64x256xf32, #tpu.memory_space<vmem>>[vector<16xi32>, vector<16xi32>], vector<16xf32>,
    %dma_wait3A_1806 = arith.constant 7 : i32
    %dma_wait3A_1807 = arith.constant 0 : i32
    %dma_wait3A_1808 = arith.constant 0 : i32
    %dma_wait3A_1809 = tpu.memref_slice %arg7[%dma_wait3A_1806, %dma_wait3A_1807, %dma_wait3A_1808] : memref<8x64x128xf32, #tpu.memory_space<vmem>> -> memref<1x64x128xf32, #tpu.memory_space<vmem>>
    %dma_wait3A_1810 = tpu.memref_squeeze %dma_wait3A_1809 : memref<1x64x128xf32, #tpu.memory_space<vmem>> -> memref<64x128xf32, #tpu.memory_space<vmem>>
    %dma_wait3A_1811 = arith.constant 0 : i32
    %dma_wait3A_1812 = arith.constant 0 : i32
    %dma_wait3A_1813 = tpu.memref_slice %arg3[%dma_wait3A_1811, %dma_wait3A_1812] : memref<64x1000000xf32, #tpu.memory_space<hbm>> -> memref<64x128xf32, #tpu.memory_space<hbm>>
    %dma_wait3A_1814 = arith.constant 0 : i32
    %dma_wait3A_1815 = arith.constant 0 : i32
    %dma_wait3A_1816 = tpu.memref_slice %arg7[%dma_wait3A_1806, %dma_wait3A_1814, %dma_wait3A_1815] : memref<8x64x128xf32, #tpu.memory_space<vmem>> -> memref<1x64x128xf32, #tpu.memory_space<vmem>>
    %dma_wait3A_1817 = tpu.memref_squeeze %dma_wait3A_1816 : memref<1x64x128xf32, #tpu.memory_space<vmem>> -> memref<64x128xf32, #tpu.memory_space<vmem>>
    %dma_wait3A_1818 = arith.constant 0 : i32
    %dma_wait3A_1819 = arith.constant 0 : i32
    %dma_wait3A_1820 = tpu.memref_slice %arg3[%dma_wait3A_1818, %dma_wait3A_1819] : memref<64x1000000xf32, #tpu.memory_space<hbm>> -> memref<64x128xf32, #tpu.memory_space<hbm>>
    tpu.wait_dma2 semaphore(%arg17 : memref<!tpu.dma_semaphore, #tpu.memory_space<semaphore_mem>>) src(%dma_wait3A_1820 : memref<64x128xf32, #tpu.memory_space<hbm>>) dst(%dma_wait3A_1817 : memref<64x128xf32, #tpu.memory_space<vmem>>)
    %get3A_1821 = arith.constant 255 : i32
    %get3A_1822 = arith.index_cast %get3A_1821 : i32 to index
    %get3A_1823 = memref.load %arg9[%get3A_1822] : memref<256xi32, #tpu.memory_space<smem>>
    %and3A_1824 = arith.constant 127 : i32
    %and3A_1825 = arith.andi %get3A_1823, %and3A_1824 : i32
    %broadcast_in_dim3A_1826 = vector.broadcast %and3A_1825 : i32 to vector<16xi32>
    %broadcast_in_dim3A_1827 = arith.constant 7 : i32
    %broadcast_in_dim3A_1828 = vector.broadcast %broadcast_in_dim3A_1827 : i32 to vector<16xi32>
    %broadcast_in_dim3A_1829 = arith.constant 255 : i32
    %broadcast_in_dim3A_1830 = vector.broadcast %broadcast_in_dim3A_1829 : i32 to vector<16xi32>
    %gather3A_1831 = tpu.vector_load_idx %arg7[%broadcast_in_dim3A_1828, %add3A_1402, %broadcast_in_dim3A_1826] : memref<8x64x128xf32, #tpu.memory_space<vmem>>[vector<16xi32>, vector<16xi32>, vector<16xi32>], vector<16xf32>,
    tpu.vector_store_idx %arg8[%add3A_1402, %broadcast_in_dim3A_1830], %gather3A_1831 {add = true} : memref<64x256xf32, #tpu.memory_space<vmem>>[vector<16xi32>, vector<16xi32>], vector<16xf32>,
    %gather3A_1832 = tpu.vector_load_idx %arg7[%broadcast_in_dim3A_1828, %add3A_1406, %broadcast_in_dim3A_1826] : memref<8x64x128xf32, #tpu.memory_space<vmem>>[vector<16xi32>, vector<16xi32>, vector<16xi32>], vector<16xf32>,
    tpu.vector_store_idx %arg8[%add3A_1406, %broadcast_in_dim3A_1830], %gather3A_1832 {add = true} : memref<64x256xf32, #tpu.memory_space<vmem>>[vector<16xi32>, vector<16xi32>], vector<16xf32>,
    %gather3A_1833 = tpu.vector_load_idx %arg7[%broadcast_in_dim3A_1828, %add3A_1410, %broadcast_in_dim3A_1826] : memref<8x64x128xf32, #tpu.memory_space<vmem>>[vector<16xi32>, vector<16xi32>, vector<16xi32>], vector<16xf32>,
    tpu.vector_store_idx %arg8[%add3A_1410, %broadcast_in_dim3A_1830], %gather3A_1833 {add = true} : memref<64x256xf32, #tpu.memory_space<vmem>>[vector<16xi32>, vector<16xi32>], vector<16xf32>,
    %gather3A_1834 = tpu.vector_load_idx %arg7[%broadcast_in_dim3A_1828, %add3A_1414, %broadcast_in_dim3A_1826] : memref<8x64x128xf32, #tpu.memory_space<vmem>>[vector<16xi32>, vector<16xi32>, vector<16xi32>], vector<16xf32>,
    tpu.vector_store_idx %arg8[%add3A_1414, %broadcast_in_dim3A_1830], %gather3A_1834 {add = true} : memref<64x256xf32, #tpu.memory_space<vmem>>[vector<16xi32>, vector<16xi32>], vector<16xf32>,
    %mul3A_1835 = arith.constant 2 : i32
    %mul3A_1836 = arith.muli %mul3A_1835, %select_n3A_30 : i32
    %add3A_1837 = arith.constant 0 : i32
    %add3A_1838 = arith.addi %mul3A_1836, %add3A_1837 : i32
    %dma_start3A_1839 = arith.constant 0 : i32
    %dma_start3A_1840 = arith.constant 0 : i32
    %dma_start3A_1841 = tpu.memref_slice %arg8[%dma_start3A_1839, %dma_start3A_1840] : memref<64x256xf32, #tpu.memory_space<vmem>> -> memref<64x128xf32, #tpu.memory_space<vmem>>
    %dma_start3A_1842 = arith.constant 0 : i32
    %dma_start3A_1843 = tpu.memref_slice %arg5[%add3A_1838, %dma_start3A_1842, %mul3A_32] : memref<4x64x2048xf32, #tpu.memory_space<hbm>> -> memref<1x64x128xf32, #tpu.memory_space<hbm>>
    %dma_start3A_1844 = tpu.memref_squeeze %dma_start3A_1843 : memref<1x64x128xf32, #tpu.memory_space<hbm>> -> memref<64x128xf32, #tpu.memory_space<hbm>>
    %dma_start3A_1845 = arith.constant 0 : i32
    %dma_start3A_1846 = tpu.memref_slice %arg5[%add3A_1838, %dma_start3A_1845, %mul3A_32] : memref<4x64x2048xf32, #tpu.memory_space<hbm>> -> memref<1x64x128xf32, #tpu.memory_space<hbm>>
    %dma_start3A_1847 = tpu.memref_squeeze %dma_start3A_1846 : memref<1x64x128xf32, #tpu.memory_space<hbm>> -> memref<64x128xf32, #tpu.memory_space<hbm>>
    %dma_start3A_1848 = arith.constant 0 : i32
    %dma_start3A_1849 = arith.constant 0 : i32
    %dma_start3A_1850 = tpu.memref_slice %arg8[%dma_start3A_1848, %dma_start3A_1849] : memref<64x256xf32, #tpu.memory_space<vmem>> -> memref<64x128xf32, #tpu.memory_space<vmem>>
    tpu.enqueue_dma source(%dma_start3A_1850 : memref<64x128xf32, #tpu.memory_space<vmem>>) target(%dma_start3A_1847 : memref<64x128xf32, #tpu.memory_space<hbm>>) target_semaphore(%arg18 : memref<!tpu.dma_semaphore, #tpu.memory_space<semaphore_mem>>)
    %mul3A_1851 = arith.constant 2 : i32
    %mul3A_1852 = arith.muli %mul3A_1851, %select_n3A_30 : i32
    %add3A_1853 = arith.constant 1 : i32
    %add3A_1854 = arith.addi %mul3A_1852, %add3A_1853 : i32
    %dma_start3A_1855 = arith.constant 0 : i32
    %dma_start3A_1856 = arith.constant 128 : i32
    %dma_start3A_1857 = tpu.memref_slice %arg8[%dma_start3A_1855, %dma_start3A_1856] : memref<64x256xf32, #tpu.memory_space<vmem>> -> memref<64x128xf32, #tpu.memory_space<vmem>>
    %dma_start3A_1858 = arith.constant 0 : i32
    %dma_start3A_1859 = tpu.memref_slice %arg5[%add3A_1854, %dma_start3A_1858, %mul3A_32] : memref<4x64x2048xf32, #tpu.memory_space<hbm>> -> memref<1x64x128xf32, #tpu.memory_space<hbm>>
    %dma_start3A_1860 = tpu.memref_squeeze %dma_start3A_1859 : memref<1x64x128xf32, #tpu.memory_space<hbm>> -> memref<64x128xf32, #tpu.memory_space<hbm>>
    %dma_start3A_1861 = arith.constant 0 : i32
    %dma_start3A_1862 = tpu.memref_slice %arg5[%add3A_1854, %dma_start3A_1861, %mul3A_32] : memref<4x64x2048xf32, #tpu.memory_space<hbm>> -> memref<1x64x128xf32, #tpu.memory_space<hbm>>
    %dma_start3A_1863 = tpu.memref_squeeze %dma_start3A_1862 : memref<1x64x128xf32, #tpu.memory_space<hbm>> -> memref<64x128xf32, #tpu.memory_space<hbm>>
    %dma_start3A_1864 = arith.constant 0 : i32
    %dma_start3A_1865 = arith.constant 128 : i32
    %dma_start3A_1866 = tpu.memref_slice %arg8[%dma_start3A_1864, %dma_start3A_1865] : memref<64x256xf32, #tpu.memory_space<vmem>> -> memref<64x128xf32, #tpu.memory_space<vmem>>
    tpu.enqueue_dma source(%dma_start3A_1866 : memref<64x128xf32, #tpu.memory_space<vmem>>) target(%dma_start3A_1863 : memref<64x128xf32, #tpu.memory_space<hbm>>) target_semaphore(%arg18 : memref<!tpu.dma_semaphore, #tpu.memory_space<semaphore_mem>>)
    %dma_wait3A_1867 = arith.constant 0 : i32
    %dma_wait3A_1868 = arith.constant 0 : i32
    %dma_wait3A_1869 = tpu.memref_slice %arg8[%dma_wait3A_1867, %dma_wait3A_1868] : memref<64x256xf32, #tpu.memory_space<vmem>> -> memref<64x128xf32, #tpu.memory_space<vmem>>
    %dma_wait3A_1870 = arith.constant 0 : i32
    %dma_wait3A_1871 = tpu.memref_slice %arg5[%add3A_1838, %dma_wait3A_1870, %mul3A_32] : memref<4x64x2048xf32, #tpu.memory_space<hbm>> -> memref<1x64x128xf32, #tpu.memory_space<hbm>>
    %dma_wait3A_1872 = tpu.memref_squeeze %dma_wait3A_1871 : memref<1x64x128xf32, #tpu.memory_space<hbm>> -> memref<64x128xf32, #tpu.memory_space<hbm>>
    %dma_wait3A_1873 = arith.constant 0 : i32
    %dma_wait3A_1874 = tpu.memref_slice %arg5[%add3A_1838, %dma_wait3A_1873, %mul3A_32] : memref<4x64x2048xf32, #tpu.memory_space<hbm>> -> memref<1x64x128xf32, #tpu.memory_space<hbm>>
    %dma_wait3A_1875 = tpu.memref_squeeze %dma_wait3A_1874 : memref<1x64x128xf32, #tpu.memory_space<hbm>> -> memref<64x128xf32, #tpu.memory_space<hbm>>
    %dma_wait3A_1876 = arith.constant 0 : i32
    %dma_wait3A_1877 = arith.constant 0 : i32
    %dma_wait3A_1878 = tpu.memref_slice %arg8[%dma_wait3A_1876, %dma_wait3A_1877] : memref<64x256xf32, #tpu.memory_space<vmem>> -> memref<64x128xf32, #tpu.memory_space<vmem>>
    tpu.wait_dma2 semaphore(%arg18 : memref<!tpu.dma_semaphore, #tpu.memory_space<semaphore_mem>>) src(%dma_wait3A_1878 : memref<64x128xf32, #tpu.memory_space<vmem>>) dst(%dma_wait3A_1875 : memref<64x128xf32, #tpu.memory_space<hbm>>)
    %dma_wait3A_1879 = arith.constant 0 : i32
    %dma_wait3A_1880 = arith.constant 128 : i32
    %dma_wait3A_1881 = tpu.memref_slice %arg8[%dma_wait3A_1879, %dma_wait3A_1880] : memref<64x256xf32, #tpu.memory_space<vmem>> -> memref<64x128xf32, #tpu.memory_space<vmem>>
    %dma_wait3A_1882 = arith.constant 0 : i32
    %dma_wait3A_1883 = tpu.memref_slice %arg5[%add3A_1854, %dma_wait3A_1882, %mul3A_32] : memref<4x64x2048xf32, #tpu.memory_space<hbm>> -> memref<1x64x128xf32, #tpu.memory_space<hbm>>
    %dma_wait3A_1884 = tpu.memref_squeeze %dma_wait3A_1883 : memref<1x64x128xf32, #tpu.memory_space<hbm>> -> memref<64x128xf32, #tpu.memory_space<hbm>>
    %dma_wait3A_1885 = arith.constant 0 : i32
    %dma_wait3A_1886 = tpu.memref_slice %arg5[%add3A_1854, %dma_wait3A_1885, %mul3A_32] : memref<4x64x2048xf32, #tpu.memory_space<hbm>> -> memref<1x64x128xf32, #tpu.memory_space<hbm>>
    %dma_wait3A_1887 = tpu.memref_squeeze %dma_wait3A_1886 : memref<1x64x128xf32, #tpu.memory_space<hbm>> -> memref<64x128xf32, #tpu.memory_space<hbm>>
    %dma_wait3A_1888 = arith.constant 0 : i32
    %dma_wait3A_1889 = arith.constant 128 : i32
    %dma_wait3A_1890 = tpu.memref_slice %arg8[%dma_wait3A_1888, %dma_wait3A_1889] : memref<64x256xf32, #tpu.memory_space<vmem>> -> memref<64x128xf32, #tpu.memory_space<vmem>>
    tpu.wait_dma2 semaphore(%arg18 : memref<!tpu.dma_semaphore, #tpu.memory_space<semaphore_mem>>) src(%dma_wait3A_1890 : memref<64x128xf32, #tpu.memory_space<vmem>>) dst(%dma_wait3A_1887 : memref<64x128xf32, #tpu.memory_space<hbm>>)
    return
  }
}

</mosaic_0001>

<sc_bundles>
// kernel: kernel.3.cloned.1.call-start
scs
__scs_entry_jumppad:
0x0: {  	(pc) =	sbr.rel $0x88, $3  }
0x1: {  	(tag) =	ssettag $0x0;
	lr =	simm.s32 $0x1  }
0x2: {  	[smem:$0x3F9E] =	sst lr;
	_ =	strace $0xD0000000  }
0x3: {  	_ = 	snop  }
0x4: {  	_ = 	snop  }
0x5: {  	_ = 	snop  }
0x6: {  	_ = 	snop  }
0x7: {  	_ = 	snop  }
__scs_overlays_trampoline_lowered:
0x8: {  	[smem:$0x3FAD] =	sst s0  }
0x9: {  	[smem:$0x3FAE] =	sst s1  }
0xa: {  	[smem:$0x3FAF] =	sst s2  }
0xb: {  	[smem:$0x3FB0] =	sst s3  }
0xc: {  	[smem:$0x3FB1] =	sst s4  }
0xd: {  	[smem:$0x3FB2] =	sst s5  }
0xe: {  	[smem:$0x3FB3] =	sst s6  }
0xf: {  	[smem:$0x3FB4] =	sst s7  }
0x10: {  	[smem:$0x3FB5] =	sst s8  }
0x11: {  	[smem:$0x3FB6] =	sst s9;
	s0 =	simm.s32 @!p0 $0x0  }
0x12: {  	s1 =	sld [smem:$0x3F9C];
	s0 =	simm.s32 @p0 $0x1  }
0x13: {  	[smem:$0x3FB7] =	sst s0;
	s0 =	simm.s32 @!p1 $0x0  }
0x14: {  	s2 =	sld [smem:$0x3F9B];
	s0 =	simm.s32 @p1 $0x1  }
0x15: {  	[smem:$0x3FB8] =	sst s0;
	s0 =	simm.s32 @!p2 $0x0  }
0x16: {  	s3 =	sld [smem:$0x3FDB];
	s0 =	simm.s32 @p2 $0x1  }
0x17: {  	s4 =	simm.s32 $0x1BF5;
	[smem:$0x3FBA] =	sst s0  }
0x18: {  	s0 =	sld [smem:$0x3F9D];
	_ =	swait.ge [sflag:s4], $0x0  }
0x19: {  	s7 =	sld [smem:$0x3F9E]  }
0x1a: {  	s8 =	sadd.s32 $0xFFFFE003, lr  }
0x1b: {  	s9 =	sadd.s32 $0xFFFFFEF7, lr;
	s5 =	simm.s32 $0xFFFFFFFF;
	p2 =	slt.u32 s8, $0xFFFFF086  }
0x1c: {  	p1 =	slt.u32 s9, $0xF7A;
	s5 =	simm.s32 @!p2 $0x0  }
0x1d: {  	s5 =	simm.s32 @p1 $0x1;
	p0 =	seq.s32 s7, s2  }
0x1e: {  	s7 =	smul.u32 @!p0 $0xF7A, s2;
	p2 =	seq.s32 @!p0 s5, $0x0  }
0x1f: {  	s9 =	smul.u32 $0xF7A, s1;
	s8 =	simm.s32 @!p0 $0x1BF5;
	p2 =	por !p2, p0  }
0x20: {  	[sflag:s8] =	ssyncset.s32 @!p0 $0xFFFFF086;
	s6 =	sadd.s32 @!p0 s3, s7;
	s7 =	simm.s32 @!p0 $0x108  }
0x21: {  	s3 =	sadd.s32 s3, s9;
	s6 =	sadd.s32 @!p0 $0x88, s6;
	s7 =	simm.s32 @p2 $0x1082  }
0x22: {  	[simem:s7], [sflag:s8] =	dma.local @!p0 [hbm:s6], $0xF7A  }
0x23: {  	s9 =	sor.u32 $0xD0000000, s2;
	s6 =	simm.s32 $0x108;
	_ =	swait.ge @!p0 [sflag:s8], $0x0  }
0x24: {  	s3 =	sadd.s32 $0x88, s3;
	s6 =	simm.s32 @!p1 $0x1082;
	[sflag:s4] =	ssyncset.s32 $0xFFFFF086  }
0x25: {  	[simem:s6], [sflag:s4] =	dma.local [hbm:s3], $0xF7A  }
0x26: {  	[smem:$0x3F9E] =	sst s1;
	(tag) =	ssettag s2;
	_ =	strace s9  }
0x27: {  	s1 =	sld [smem:$0x3FAE]  }
0x28: {  	s2 =	sld [smem:$0x3FAF]  }
0x29: {  	s4 =	sld [smem:$0x3FB1]  }
0x2a: {  	p0 =	seq.s32 s5, $0x0;
	s5 =	sld [smem:$0x3FB2]  }
0x2b: {  	s6 =	sld [smem:$0x3FB3]  }
0x2c: {  	s7 =	sld [smem:$0x3FB4]  }
0x2d: {  	s3 =	simm.s32 $0x108;
	s8 =	sld [smem:$0x3FB5]  }
0x2e: {  	s3 =	simm.s32 @!p0 $0x1082;
	s9 =	sld [smem:$0x3FB6]  }
0x2f: {  	lr =	sadd.s32 s0, s3;
	s0 =	sld [smem:$0x3FAD]  }
0x30: {  	s3 =	sld [smem:$0x3FB0]  }
0x31: {  	[smem:$0x3FB9] =	sst s10  }
0x32: {  	s10 =	sld [smem:$0x3FB7];
	_ =	sdelay $0x3  }
0x33: {  	p0 =	seq.s32 s10, $0x1;
	s10 =	sld [smem:$0x3FB9];
	_ =	sdelay $0x3  }
0x34: {  	[smem:$0x3FB9] =	sst s10  }
0x35: {  	s10 =	sld [smem:$0x3FB8];
	_ =	sdelay $0x3  }
0x36: {  	p1 =	seq.s32 s10, $0x1;
	s10 =	sld [smem:$0x3FB9];
	_ =	sdelay $0x3  }
0x37: {  	[smem:$0x3FB9] =	sst s10  }
0x38: {  	s10 =	sld [smem:$0x3FBA]  }
0x39: {  	_ = 	snop;
	(pc) =	sbr.ind lr, $3  }
0x3a: {  	_ = 	snop  }
0x3b: {  	_ = 	snop  }
0x3c: {  	p2 =	seq.s32 s10, $0x1;
	s10 =	sld [smem:$0x3FB9]  }
0x3d: {  	_ =	shalt  }
0x3e: {  	_ =	shalt  }
0x3f: {  	_ =	shalt  }
0x40: {  	_ =	shalt  }
0x41: {  	_ =	shalt  }
0x42: {  	_ =	shalt  }
0x43: {  	_ =	shalt  }
0x44: {  	_ =	shalt  }
0x45: {  	_ =	shalt  }
0x46: {  	_ =	shalt  }
0x47: {  	_ =	shalt  }
0x48: {  	_ =	shalt  }
0x49: {  	_ =	shalt  }
0x4a: {  	_ =	shalt  }
0x4b: {  	_ =	shalt  }
0x4c: {  	_ =	shalt  }
0x4d: {  	_ =	shalt  }
0x4e: {  	_ =	shalt  }
0x4f: {  	_ =	shalt  }
0x50: {  	_ =	shalt  }
0x51: {  	_ =	shalt  }
0x52: {  	_ =	shalt  }
0x53: {  	_ =	shalt  }
0x54: {  	_ =	shalt  }
0x55: {  	_ =	shalt  }
0x56: {  	_ =	shalt  }
0x57: {  	_ =	shalt  }
0x58: {  	_ =	shalt  }
0x59: {  	_ =	shalt  }
0x5a: {  	_ =	shalt  }
0x5b: {  	_ =	shalt  }
0x5c: {  	_ =	shalt  }
0x5d: {  	_ =	shalt  }
0x5e: {  	_ =	shalt  }
0x5f: {  	_ =	shalt  }
0x60: {  	_ =	shalt  }
0x61: {  	_ =	shalt  }
0x62: {  	_ =	shalt  }
0x63: {  	_ =	shalt  }
0x64: {  	_ =	shalt  }
0x65: {  	_ =	shalt  }
0x66: {  	_ =	shalt  }
0x67: {  	_ =	shalt  }
0x68: {  	_ =	shalt  }
0x69: {  	_ =	shalt  }
0x6a: {  	_ =	shalt  }
0x6b: {  	_ =	shalt  }
0x6c: {  	_ =	shalt  }
0x6d: {  	_ =	shalt  }
0x6e: {  	_ =	shalt  }
0x6f: {  	_ =	shalt  }
0x70: {  	_ =	shalt  }
0x71: {  	_ =	shalt  }
0x72: {  	_ =	shalt  }
0x73: {  	_ =	shalt  }
0x74: {  	_ =	shalt  }
0x75: {  	_ =	shalt  }
0x76: {  	_ =	shalt  }
0x77: {  	_ =	shalt  }
0x78: {  	_ =	shalt  }
0x79: {  	_ =	shalt  }
0x7a: {  	_ =	shalt  }
0x7b: {  	_ =	shalt  }
0x7c: {  	_ =	shalt  }
0x7d: {  	_ =	shalt  }
0x7e: {  	_ =	shalt  }
0x7f: {  	_ =	shalt  }
0x80: {  	_ =	shalt  }
0x81: {  	_ =	shalt  }
0x82: {  	_ =	shalt  }
0x83: {  	_ =	shalt  }
0x84: {  	_ =	shalt  }
0x85: {  	_ =	shalt  }
0x86: {  	_ =	shalt  }
0x87: {  	_ =	shalt  }
.Lfunc_end0:
.L_simem_size_0:
called_computation_lowered:
.L_overlay_start_0:
0x88: {  	s2 =	sld [smem:$0x3FD9]  }
0x89: {  	s3 =	sld [smem:$0x3FFE];
	_ =	sdelay $0x1  }
0x8a: {  	s1 =	srdreg.scid  }
0x8b: {  	s0 =	sand.u32 $0x1, s1  }
0x8c: {  	s18 =	sshll.u32 s0, $0xA;
	s2 =	sadd.s32 s3, s2  }
0x8d: {  	s2 =	sadd.s32 s2, s18  }
0x8e: {  	[smem:$0x3FC5] =	sst s2  }
0x8f: {  	_ = 	snop  }
0x90: {  	s2 =	sld [smem:$0x3FC9]  }
0x91: {  	s19 =	sld [smem:$0x3FC8]  }
0x92: {  	s4 =	sld [smem:$0x3FC7]  }
0x93: {  	s5 =	sld [smem:$0x3FD0];
	(tm) =	ssettm $0x1  }
0x94: {  	s6 =	sld [smem:$0x3FFB];
	_ =	sdelay $0x3  }
0x95: {  	_ =	strace s6  }
0x96: {  	s6 =	sld [smem:$0x3FFC];
	_ =	sdelay $0x3  }
0x97: {  	_ =	strace s6  }
0x98: {  	s6 =	sld [smem:$0x3FFD];
	_ =	sdelay $0x3  }
0x99: {  	_ =	strace s6  }
0x9a: {  	_ =	strace $0x8FFFFFFF  }
0x9b: {  	s20 =	sld [smem:$0x3FDB];
	_ =	sdelay $0x1  }
0x9c: {  	s7 =	simm.s32 $_scs_section_size  }
0x9d: {  	s8 =	simm.s32 $_size__tile_overlayer_lowered;
	s9 =	simm.s32 $_tile_overlayer_lowered  }
0x9e: {  	s23 =	simm.s32 $0x1BFF;
	s22 =	sshll.u32 s9, $0x1;
	s6 =	sadd.s32 s7, s20  }
0x9f: {  	s10 =	simm.s32 $0x0;
	s21 =	sshll.u32 s8, $0x1;
	s8 =	sadd.s32 s22, s6  }
0xa0: {  	[timem:s10], [sflag:s23] =	dma.local [hbm:s8], s21  }
0xa1: {  	_ =	swait.ge [sflag:s23], s21  }
0xa2: {  	s7 =	ssub.s32 $0x0, s21;
	[sflag:s23] =	ssyncset.done $0x0  }
0xa3: {  	[sflag:s23] =	ssyncadd.s32 s7;
	_ =	sdelay $0x1  }
0xa4: {  	s24 =	simm.s32 $0x1B8B  }
0xa5: {  	_ =	swait.ge [sflag:s24], $0x1  }
0xa6: {  	[sflag:s24] =	ssyncset.done $0x0  }
0xa7: {  	s25 =	simm.s32 $0x1B8E;
	[sflag:s24] =	ssyncadd.s32 $0xFFFFFFFF  }
0xa8: {  	s26 =	simm.s32 $execute0_lowered;
	[smem:$0x3FD2] =	sst s25  }
0xa9: {  	s7 =	sshll.u32 s26, $0x1;
	_ =	strace $0x80000046;
	[dreg:$0x1] =	wrdreg $0xFFFFFFFF  }
0xaa: {  	s28 =	simm.s32 $_size_execute0_lowered;
	s6 =	sadd.s32 s6, s7;
	[dreg:$0x0] =	wrdreg $0x0  }
0xab: {  	s7 =	sshll.u32 s28, $0x1;
	[dreg:$0x2] =	wrdreg s6  }
0xac: {  	[dreg:$0x3] =	wrdreg s7  }
0xad: {  	[dreg:$0x4] =	wrdreg $0xC0  }
0xae: {  	_ =	task [dreg:s10], $0x5FFFF  }
0xaf: {  	[dreg:$0x1] =	wrdreg $0xFFFFFFFF  }
0xb0: {  	[dreg:$0x0] =	wrdreg $0x60  }
0xb1: {  	[dreg:$0x2] =	wrdreg s2  }
0xb2: {  	[dreg:$0x3] =	wrdreg s19  }
0xb3: {  	[dreg:$0x4] =	wrdreg s4  }
0xb4: {  	[dreg:$0x5] =	wrdreg s5  }
0xb5: {  	[dreg:$0x6] =	wrdreg $0x9  }
0xb6: {  	_ =	task.clear_ibuf [dreg:s10], $0x7FFFF;
	_ =	strace $0x90000046  }
0xb7: {  	s29 =	simm.s32 $0x9;
	_ =	strace $0x80000048  }
0xb8: {  	_ =	swait.ge [sflag:s29], $0x1  }
0xb9: {  	[sflag:s29] =	ssyncadd.s32 $0xFFFFFFFF  }
0xba: {  	_ =	strace $0x90000048  }
0xbb: {  	_ =	sfence  }
0xbc: {  	s30 =	sld [smem:$0x0];
	_ =	sdelay $0x2  }
0xbd: {  	s31 =	sshll.u32 s1, $0xD;
	s1 =	sshrl.u32 s1, $0x2  }
0xbe: {  	s3 =	sand.u32 $0x4000, s31;
	s1 =	sadd.s32 s1, s30  }
0xbf: {  	s0 =	sor.u32 s3, s0;
	s1 =	sshll.u32 s1, $0x11  }
0xc0: {  	s0 =	sor.u32 s1, s0  }
0xc1: {  	s0 =	sadd.s32 $0x8F2B, s0  }
0xc2: {  	[sflag:s0] =	ssyncadd.remote.s32 $0x1  }
0xc3: {  	_ =	sfence.sel $0xFFFF  }
0xc4: {  	[dreg:$0x0] =	wrdreg $0xFFFFFFFF;
	(pc) =	sbr.abs _section_cstart, $3  }
0xc5: {  	[dreg:$0x1] =	wrdreg $0xFFFFFFFF  }
0xc6: {  	_ =	task.clear_ibuf [dreg:s10], $0x2FFFF;
	_ =	strace $0x9FFFFFFF  }
0xc7: {  	(tm) =	ssettm $0x7FFFFFFF  }
tec
execute0_lowered:
.L_overlay_start_1:
0x0: {  	(tag) =	ssettag $0x1  }
0x1: {  	v0 =	vimm.s32 $0xB80;
	vm14 =	vcmask $0x300;
	vm13 =	vcmask $0x704  }
0x2: {  	vm12 =	vcmask $0xB08;
	vm11 =	vcmask $0xF0C;
	vm10 =	vcmask $0x1310  }
0x3: {  	vm9 =	vcmask $0x1714;
	vm8 =	vcmask $0x1B18;
	vm7 =	vcmask $0x1F1C  }
0x4: {  	vm6 =	vcmask $0x2320;
	vm5 =	vcmask $0x2724;
	vm4 =	vcmask $0x2B28  }
0x5: {  	vm3 =	vcmask $0x2F2C;
	vm2 =	vcmask $0x3330;
	v1 =	vlaneseq.u32  }
0x6: {  	vm1 =	vcmask $0x3734;
	vm0 =	vcmask $0x3B38;
	v3 =	vimm.s32 $0x1B80  }
0x7: {  	v4 =	vimm.s32 $0x2B80;
	v5 =	vimm.s32 $0x3B80;
	v20 =	vimm.s32 $0xFF8  }
0x8: {  	v21 =	vimm.s32 $0x1FF8;
	v34 =	vimm.s32 $0x2FF8;
	v48 =	vimm.s32 $0x3FF8  }
0x9: {  	v49 =	vimm.s32 $0xFF9;
	v52 =	vimm.s32 $0x1FF9;
	v55 =	vimm.s32 $0x2FF9  }
0xa: {  	v56 =	vimm.s32 $0x3FF9;
	v59 =	vimm.s32 $0xFFA;
	v62 =	vimm.s32 $0x1FFA  }
0xb: {  	v63 =	vimm.s32 $0x2FFA;
	v38 =	vimm.s32 $0x3FFA;
	v45 =	vimm.s32 $0xFFB  }
0xc: {  	v39 =	vimm.s32 $0x3FFD;
	v0 =	vsel vm14, $0x0, v0;
	v3 =	vsel vm14, $0x1000, v3  }
0xd: {  	v4 =	vsel vm14, $0x2000, v4;
	v5 =	vsel vm14, $0x3000, v5;
	v22 =	vsel vm14, $0x478, v20  }
0xe: {  	v21 =	vsel vm14, $0x1478, v21;
	v47 =	vsel vm14, $0x2478, v34;
	v34 =	vsel vm14, $0x479, v49  }
0xf: {  	v54 =	vsel vm14, $0x1479, v52;
	v61 =	vsel vm14, $0x47A, v59;
	v44 =	vsel vm14, $0x347A, v38  }
0x10: {  	v49 =	vimm.s32 $0x2FFB;
	v52 =	vimm.s32 $0xFFC;
	v0 =	vsel vm13, $0x80, v0  }
0x11: {  	v3 =	vsel vm13, $0x1080, v3;
	v4 =	vsel vm13, $0x2080, v4;
	v5 =	vsel vm13, $0x3080, v5  }
0x12: {  	v22 =	vsel vm13, $0x4F8, v22;
	v23 =	vsel vm13, $0x14F8, v21;
	v34 =	vsel vm13, $0x4F9, v34  }
0x13: {  	v0 =	vsel vm12, $0x100, v0;
	v3 =	vsel vm12, $0x1100, v3;
	v4 =	vsel vm12, $0x2100, v4  }
0x14: {  	v5 =	vsel vm12, $0x3100, v5;
	v24 =	vsel vm12, $0x578, v22;
	v23 =	vsel vm12, $0x1578, v23  }
0x15: {  	v34 =	vsel vm12, $0x579, v34;
	v0 =	vsel vm11, $0x180, v0;
	v3 =	vsel vm11, $0x1180, v3  }
0x16: {  	v4 =	vsel vm11, $0x2180, v4;
	v5 =	vsel vm11, $0x3180, v5;
	v24 =	vsel vm11, $0x5F8, v24  }
0x17: {  	v25 =	vsel vm11, $0x15F8, v23;
	v34 =	vsel vm11, $0x5F9, v34;
	v0 =	vsel vm10, $0x200, v0  }
0x18: {  	v3 =	vsel vm10, $0x1200, v3;
	v4 =	vsel vm10, $0x2200, v4;
	v5 =	vsel vm10, $0x3200, v5  }
0x19: {  	v26 =	vsel vm10, $0x678, v24;
	v25 =	vsel vm10, $0x1678, v25;
	v34 =	vsel vm10, $0x679, v34  }
0x1a: {  	v0 =	vsel vm9, $0x280, v0;
	v3 =	vsel vm9, $0x1280, v3;
	v4 =	vsel vm9, $0x2280, v4  }
0x1b: {  	v5 =	vsel vm9, $0x3280, v5;
	v26 =	vsel vm9, $0x6F8, v26;
	v27 =	vsel vm9, $0x16F8, v25  }
0x1c: {  	v34 =	vsel vm9, $0x6F9, v34;
	v0 =	vsel vm8, $0x300, v0;
	v3 =	vsel vm8, $0x1300, v3  }
0x1d: {  	v4 =	vsel vm8, $0x2300, v4;
	v5 =	vsel vm8, $0x3300, v5;
	v28 =	vsel vm8, $0x778, v26  }
0x1e: {  	v27 =	vsel vm8, $0x1778, v27;
	v34 =	vsel vm8, $0x779, v34;
	v0 =	vsel vm7, $0x380, v0  }
0x1f: {  	v3 =	vsel vm7, $0x1380, v3;
	v4 =	vsel vm7, $0x2380, v4;
	v5 =	vsel vm7, $0x3380, v5  }
0x20: {  	v28 =	vsel vm7, $0x7F8, v28;
	v29 =	vsel vm7, $0x17F8, v27;
	v34 =	vsel vm7, $0x7F9, v34  }
0x21: {  	v0 =	vsel vm6, $0x800, v0;
	v3 =	vsel vm6, $0x1800, v3;
	v4 =	vsel vm6, $0x2800, v4  }
0x22: {  	v5 =	vsel vm6, $0x3800, v5;
	v30 =	vsel vm6, $0xC78, v28;
	v29 =	vsel vm6, $0x1C78, v29  }
0x23: {  	v34 =	vsel vm6, $0xC79, v34;
	v0 =	vsel vm5, $0x880, v0;
	v3 =	vsel vm5, $0x1880, v3  }
0x24: {  	v4 =	vsel vm5, $0x2880, v4;
	v5 =	vsel vm5, $0x3880, v5;
	v30 =	vsel vm5, $0xCF8, v30  }
0x25: {  	v31 =	vsel vm5, $0x1CF8, v29;
	v34 =	vsel vm5, $0xCF9, v34;
	v0 =	vsel vm4, $0x900, v0  }
0x26: {  	v3 =	vsel vm4, $0x1900, v3;
	v4 =	vsel vm4, $0x2900, v4;
	v5 =	vsel vm4, $0x3900, v5  }
0x27: {  	v32 =	vsel vm4, $0xD78, v30;
	v31 =	vsel vm4, $0x1D78, v31;
	v34 =	vsel vm4, $0xD79, v34  }
0x28: {  	v0 =	vsel vm3, $0x980, v0;
	v3 =	vsel vm3, $0x1980, v3;
	v4 =	vsel vm3, $0x2980, v4  }
0x29: {  	v5 =	vsel vm3, $0x3980, v5;
	v32 =	vsel vm3, $0xDF8, v32;
	v33 =	vsel vm3, $0x1DF8, v31  }
0x2a: {  	v34 =	vsel vm3, $0xDF9, v34;
	v2 =	vsel vm2, $0xA00, v0;
	v0 =	vmul.u32 $0x80, v1  }
0x2b: {  	v3 =	vsel vm2, $0x1A00, v3;
	v4 =	vsel vm2, $0x2A00, v4;
	v7 =	vsel vm2, $0x3A00, v5  }
0x2c: {  	v32 =	vsel vm2, $0xE78, v32;
	v33 =	vsel vm2, $0x1E78, v33;
	v51 =	vsel vm2, $0xE79, v34  }
0x2d: {  	v34 =	vsel vm14, $0x3479, v56;
	v1 =	vsel vm1, $0xA80, v2;
	v3 =	vsel vm1, $0x1A80, v3  }
0x2e: {  	v6 =	vsel vm1, $0x2A80, v4;
	v7 =	vsel vm1, $0x3A80, v7;
	v32 =	vsel vm1, $0xEF8, v32  }
0x2f: {  	v33 =	vsel vm1, $0x1EF8, v33;
	v34 =	vsel vm13, $0x34F9, v34;
	v1 =	vsel vm0, $0xB00, v1  }
0x30: {  	v2 =	vor.u32 $0x800, v0;
	v3 =	vsel vm0, $0x1B00, v3;
	v4 =	vor.u32 $0x1000, v0  }
0x31: {  	v5 =	vsel vm0, $0x2B00, v6;
	v6 =	vor.u32 $0x1800, v0;
	v7 =	vsel vm0, $0x3B00, v7  }
0x32: {  	v8 =	vor.u32 $0x2000, v0;
	v9 =	vor.u32 $0x2800, v0;
	v10 =	vor.u32 $0x3000, v0  }
0x33: {  	v11 =	vor.u32 $0x3800, v0;
	v12 =	vor.u32 $0x4000, v0;
	v13 =	vor.u32 $0x4800, v0  }
0x34: {  	v14 =	vor.u32 $0x5000, v0;
	v15 =	vor.u32 $0x5800, v0;
	v16 =	vor.u32 $0x6000, v0  }
0x35: {  	v17 =	vor.u32 $0x6800, v0;
	v18 =	vor.u32 $0x7000, v0;
	v19 =	vor.u32 $0x7800, v0  }
0x36: {  	v20 =	vor.u32 $0x8000, v0;
	v21 =	vor.u32 $0x8800, v0;
	v22 =	vor.u32 $0x9000, v0  }
0x37: {  	v23 =	vor.u32 $0x9800, v0;
	v24 =	vor.u32 $0xA000, v0;
	v25 =	vor.u32 $0xA800, v0  }
0x38: {  	v26 =	vor.u32 $0xB000, v0;
	v27 =	vor.u32 $0xB800, v0;
	v28 =	vor.u32 $0xC000, v0  }
0x39: {  	v29 =	vor.u32 $0xC800, v0;
	v30 =	vor.u32 $0xD000, v0;
	v31 =	vor.u32 $0xD800, v0  }
0x3a: {  	v32 =	vsel vm0, $0xF78, v32;
	v46 =	vsel vm0, $0x1F78, v33;
	v33 =	vsel vm14, $0x3478, v48  }
0x3b: {  	v34 =	vsel vm12, $0x3579, v34;
	v35 =	vor.u32 $0xF800, v0;
	[tilespmem:$0x1FF80] =	vst v32;
	v32 =	vsel vm13, $0x24F8, v47  }
0x3c: {  	[tilespmem:$0x1FF90] =	vst v46;
	v33 =	vsel vm13, $0x34F8, v33;
	v34 =	vsel vm11, $0x35F9, v34;
	v46 =	vimm.s32 $0x1FFB  }
0x3d: {  	v32 =	vsel vm12, $0x2578, v32;
	v33 =	vsel vm12, $0x3578, v33;
	v34 =	vsel vm10, $0x3679, v34  }
0x3e: {  	v32 =	vsel vm11, $0x25F8, v32;
	v33 =	vsel vm11, $0x35F8, v33;
	v34 =	vsel vm9, $0x36F9, v34  }
0x3f: {  	v32 =	vsel vm10, $0x2678, v32;
	v33 =	vsel vm10, $0x3678, v33;
	v34 =	vsel vm8, $0x3779, v34  }
0x40: {  	v32 =	vsel vm9, $0x26F8, v32;
	v33 =	vsel vm9, $0x36F8, v33;
	v34 =	vsel vm7, $0x37F9, v34  }
0x41: {  	v32 =	vsel vm8, $0x2778, v32;
	v33 =	vsel vm8, $0x3778, v33;
	v34 =	vsel vm6, $0x3C79, v34  }
0x42: {  	v32 =	vsel vm7, $0x27F8, v32;
	v33 =	vsel vm7, $0x37F8, v33;
	v34 =	vsel vm5, $0x3CF9, v34  }
0x43: {  	v32 =	vsel vm6, $0x2C78, v32;
	v33 =	vsel vm6, $0x3C78, v33;
	v34 =	vsel vm4, $0x3D79, v34  }
0x44: {  	v32 =	vsel vm5, $0x2CF8, v32;
	v33 =	vsel vm5, $0x3CF8, v33;
	v34 =	vsel vm3, $0x3DF9, v34  }
0x45: {  	v32 =	vsel vm4, $0x2D78, v32;
	v33 =	vsel vm4, $0x3D78, v33;
	v58 =	vsel vm2, $0x3E79, v34  }
0x46: {  	v34 =	vsel vm14, $0x247A, v63;
	v63 =	vimm.s32 $0x1FFD;
	v32 =	vsel vm3, $0x2DF8, v32  }
0x47: {  	v33 =	vsel vm3, $0x3DF8, v33;
	v34 =	vsel vm13, $0x24FA, v34;
	v32 =	vsel vm2, $0x2E78, v32  }
0x48: {  	v50 =	vsel vm2, $0x3E78, v33;
	v33 =	vsel vm1, $0xEF9, v51;
	v34 =	vsel vm12, $0x257A, v34  }
0x49: {  	v51 =	vimm.s32 $0x3FFB;
	v32 =	vsel vm1, $0x2EF8, v32;
	v53 =	vsel vm0, $0xF79, v33  }
0x4a: {  	v33 =	vsel vm14, $0x2479, v55;
	v34 =	vsel vm11, $0x25FA, v34;
	v55 =	vimm.s32 $0x1FFC  }
0x4b: {  	v32 =	vsel vm0, $0x2F78, v32;
	v33 =	vsel vm13, $0x24F9, v33;
	v34 =	vsel vm10, $0x267A, v34  }
0x4c: {  	v56 =	vsel vm14, $0x147C, v55;
	[tilespmem:$0x1FFA0] =	vst v32;
	v32 =	vsel vm1, $0x3EF8, v50;
	v33 =	vsel vm12, $0x2579, v33  }
0x4d: {  	v34 =	vsel vm9, $0x26FA, v34;
	v50 =	vsel vm14, $0x247B, v49;
	v32 =	vsel vm0, $0x3F78, v32  }
0x4e: {  	v33 =	vsel vm11, $0x25F9, v33;
	v34 =	vsel vm8, $0x277A, v34;
	[tilespmem:$0x1FFB0] =	vst v32;
	v32 =	vsel vm13, $0x14F9, v54  }
0x4f: {  	v33 =	vsel vm10, $0x2679, v33;
	v34 =	vsel vm7, $0x27FA, v34;
	v32 =	vsel vm12, $0x1579, v32  }
0x50: {  	v33 =	vsel vm9, $0x26F9, v33;
	v34 =	vsel vm6, $0x2C7A, v34;
	v32 =	vsel vm11, $0x15F9, v32  }
0x51: {  	v33 =	vsel vm8, $0x2779, v33;
	v34 =	vsel vm5, $0x2CFA, v34;
	v32 =	vsel vm10, $0x1679, v32  }
0x52: {  	v33 =	vsel vm7, $0x27F9, v33;
	v34 =	vsel vm4, $0x2D7A, v34;
	v32 =	vsel vm9, $0x16F9, v32  }
0x53: {  	v33 =	vsel vm6, $0x2C79, v33;
	v34 =	vsel vm3, $0x2DFA, v34;
	v32 =	vsel vm8, $0x1779, v32  }
0x54: {  	v33 =	vsel vm5, $0x2CF9, v33;
	v37 =	vsel vm2, $0x2E7A, v34;
	v34 =	vsel vm14, $0x147B, v46  }
0x55: {  	v32 =	vsel vm7, $0x17F9, v32;
	v33 =	vsel vm4, $0x2D79, v33;
	v34 =	vsel vm13, $0x14FB, v34  }
0x56: {  	v32 =	vsel vm6, $0x1C79, v32;
	v33 =	vsel vm3, $0x2DF9, v33;
	v34 =	vsel vm12, $0x157B, v34  }
0x57: {  	v32 =	vsel vm5, $0x1CF9, v32;
	v57 =	vsel vm2, $0x2E79, v33;
	v33 =	vsel vm1, $0x3EF9, v58  }
0x58: {  	v34 =	vsel vm11, $0x15FB, v34;
	v58 =	vimm.s32 $0x3FFC;
	v32 =	vsel vm4, $0x1D79, v32  }
0x59: {  	v60 =	vsel vm0, $0x3F79, v33;
	v33 =	vsel vm14, $0x147A, v62;
	v34 =	vsel vm10, $0x167B, v34  }
0x5a: {  	v32 =	vsel vm3, $0x1DF9, v32;
	v33 =	vsel vm13, $0x14FA, v33;
	v34 =	vsel vm9, $0x16FB, v34  }
0x5b: {  	v32 =	vsel vm2, $0x1E79, v32;
	v33 =	vsel vm12, $0x157A, v33;
	v34 =	vsel vm8, $0x177B, v34  }
0x5c: {  	v32 =	vsel vm1, $0x1EF9, v32;
	v33 =	vsel vm11, $0x15FA, v33;
	v34 =	vsel vm7, $0x17FB, v34  }
0x5d: {  	v32 =	vsel vm0, $0x1F79, v32;
	v33 =	vsel vm10, $0x167A, v33;
	v34 =	vsel vm6, $0x1C7B, v34  }
0x5e: {  	[tilespmem:$0x1FFD0] =	vst v32;
	v32 =	vsel vm1, $0x2EF9, v57;
	v33 =	vsel vm9, $0x16FA, v33;
	v34 =	vsel vm5, $0x1CFB, v34  }
0x5f: {  	v57 =	vimm.s32 $0x2FFC;
	v32 =	vsel vm0, $0x2F79, v32;
	v33 =	vsel vm8, $0x177A, v33  }
0x60: {  	v34 =	vsel vm4, $0x1D7B, v34;
	[tilespmem:$0x1FFE0] =	vst v32;
	v32 =	vsel vm13, $0x4FA, v61;
	v33 =	vsel vm7, $0x17FA, v33  }
0x61: {  	v34 =	vsel vm3, $0x1DFB, v34;
	v61 =	vimm.s32 $0xFFD;
	v32 =	vsel vm12, $0x57A, v32  }
0x62: {  	v33 =	vsel vm6, $0x1C7A, v33;
	v48 =	vsel vm2, $0x1E7B, v34;
	v32 =	vsel vm11, $0x5FA, v32  }
0x63: {  	v34 =	vsel vm14, $0x47C, v52;
	v62 =	vsel vm14, $0x47D, v61;
	v32 =	vsel vm10, $0x67A, v32  }
0x64: {  	v61 =	vimm.s32 $0x2FFE;
	v33 =	vsel vm5, $0x1CFA, v33;
	v32 =	vsel vm9, $0x6FA, v32  }
0x65: {  	v34 =	vsel vm13, $0x4FC, v34;
	v33 =	vsel vm4, $0x1D7A, v33;
	v32 =	vsel vm8, $0x77A, v32  }
0x66: {  	v34 =	vsel vm12, $0x57C, v34;
	v33 =	vsel vm3, $0x1DFA, v33;
	v32 =	vsel vm7, $0x7FA, v32  }
0x67: {  	v34 =	vsel vm11, $0x5FC, v34;
	v36 =	vsel vm2, $0x1E7A, v33;
	v32 =	vsel vm6, $0xC7A, v32  }
0x68: {  	v33 =	vsel vm1, $0x2EFA, v37;
	v34 =	vsel vm10, $0x67C, v34;
	v32 =	vsel vm5, $0xCFA, v32  }
0x69: {  	v42 =	vsel vm0, $0x2F7A, v33;
	v33 =	vsel vm14, $0x47B, v45;
	v32 =	vsel vm4, $0xD7A, v32  }
0x6a: {  	v34 =	vsel vm9, $0x6FC, v34;
	v33 =	vsel vm13, $0x4FB, v33;
	v32 =	vsel vm3, $0xDFA, v32  }
0x6b: {  	v34 =	vsel vm8, $0x77C, v34;
	v33 =	vsel vm12, $0x57B, v33;
	v32 =	vsel vm2, $0xE7A, v32  }
0x6c: {  	v34 =	vsel vm7, $0x7FC, v34;
	v33 =	vsel vm11, $0x5FB, v33;
	v32 =	vsel vm1, $0xEFA, v32  }
0x6d: {  	v34 =	vsel vm6, $0xC7C, v34;
	v40 =	vsel vm0, $0xF7A, v32;
	v32 =	vsel vm1, $0x1EFA, v36  }
0x6e: {  	v33 =	vsel vm10, $0x67B, v33;
	v41 =	vsel vm0, $0x1F7A, v32;
	v32 =	vsel vm13, $0x34FA, v44  }
0x6f: {  	v34 =	vsel vm5, $0xCFC, v34;
	v33 =	vsel vm9, $0x6FB, v33;
	v32 =	vsel vm12, $0x357A, v32  }
0x70: {  	v34 =	vsel vm4, $0xD7C, v34;
	v33 =	vsel vm8, $0x77B, v33;
	v32 =	vsel vm11, $0x35FA, v32  }
0x71: {  	v34 =	vsel vm3, $0xDFC, v34;
	v33 =	vsel vm7, $0x7FB, v33;
	v32 =	vsel vm10, $0x367A, v32  }
0x72: {  	v54 =	vsel vm2, $0xE7C, v34;
	v34 =	vsel vm14, $0x347C, v58;
	v32 =	vsel vm9, $0x36FA, v32  }
0x73: {  	v36 =	vimm.s32 $0x2FFD;
	v58 =	vimm.s32 $0x1FFE;
	v32 =	vsel vm8, $0x377A, v32  }
0x74: {  	v33 =	vsel vm6, $0xC7B, v33;
	v34 =	vsel vm13, $0x34FC, v34;
	v32 =	vsel vm7, $0x37FA, v32  }
0x75: {  	v33 =	vsel vm5, $0xCFB, v33;
	v34 =	vsel vm12, $0x357C, v34;
	v32 =	vsel vm6, $0x3C7A, v32  }
0x76: {  	v33 =	vsel vm4, $0xD7B, v33;
	v34 =	vsel vm11, $0x35FC, v34;
	v32 =	vsel vm5, $0x3CFA, v32  }
0x77: {  	v33 =	vsel vm3, $0xDFB, v33;
	v34 =	vsel vm10, $0x367C, v34;
	v32 =	vsel vm4, $0x3D7A, v32  }
0x78: {  	v47 =	vsel vm2, $0xE7B, v33;
	v33 =	vsel vm1, $0x1EFB, v48;
	v32 =	vsel vm3, $0x3DFA, v32  }
0x79: {  	v34 =	vsel vm9, $0x36FC, v34;
	v45 =	vsel vm0, $0x1F7B, v33;
	v32 =	vsel vm2, $0x3E7A, v32  }
0x7a: {  	v33 =	vsel vm14, $0x347B, v51;
	v34 =	vsel vm8, $0x377C, v34;
	v32 =	vsel vm1, $0x3EFA, v32  }
0x7b: {  	v33 =	vsel vm13, $0x34FB, v33;
	v43 =	vsel vm0, $0x3F7A, v32;
	v32 =	vsel vm1, $0xEFB, v47  }
0x7c: {  	v34 =	vsel vm7, $0x37FC, v34;
	v44 =	vsel vm0, $0xF7B, v32;
	v32 =	vsel vm13, $0x24FB, v50  }
0x7d: {  	v33 =	vsel vm12, $0x357B, v33;
	v34 =	vsel vm6, $0x3C7C, v34;
	v32 =	vsel vm12, $0x257B, v32  }
0x7e: {  	v33 =	vsel vm11, $0x35FB, v33;
	v34 =	vsel vm5, $0x3CFC, v34;
	v32 =	vsel vm11, $0x25FB, v32  }
0x7f: {  	v33 =	vsel vm10, $0x367B, v33;
	v34 =	vsel vm4, $0x3D7C, v34;
	v32 =	vsel vm10, $0x267B, v32  }
0x80: {  	v33 =	vsel vm9, $0x36FB, v33;
	v34 =	vsel vm3, $0x3DFC, v34;
	v32 =	vsel vm9, $0x26FB, v32  }
0x81: {  	[tilespmem:$0x1FFF0] =	vst v60;
	v33 =	vsel vm8, $0x377B, v33;
	v60 =	vsel vm2, $0x3E7C, v34;
	v32 =	vsel vm8, $0x277B, v32  }
0x82: {  	v34 =	vsel vm14, $0x247D, v36;
	v33 =	vsel vm7, $0x37FB, v33;
	v32 =	vsel vm7, $0x27FB, v32  }
0x83: {  	v36 =	vimm.s32 $0xFFF;
	v33 =	vsel vm6, $0x3C7B, v33;
	v32 =	vsel vm6, $0x2C7B, v32  }
0x84: {  	v34 =	vsel vm13, $0x24FD, v34;
	v33 =	vsel vm5, $0x3CFB, v33;
	v32 =	vsel vm5, $0x2CFB, v32  }
0x85: {  	v34 =	vsel vm12, $0x257D, v34;
	v33 =	vsel vm4, $0x3D7B, v33;
	v32 =	vsel vm4, $0x2D7B, v32  }
0x86: {  	v34 =	vsel vm11, $0x25FD, v34;
	v33 =	vsel vm3, $0x3DFB, v33;
	v32 =	vsel vm3, $0x2DFB, v32  }
0x87: {  	[tilespmem:$0x1FFC0] =	vst v53;
	v53 =	vsel vm2, $0x3E7B, v33;
	v33 =	vsel vm1, $0xEFC, v54;
	v32 =	vsel vm2, $0x2E7B, v32  }
0x88: {  	v34 =	vsel vm10, $0x267D, v34;
	v48 =	vsel vm0, $0xF7C, v33;
	v32 =	vsel vm1, $0x2EFB, v32  }
0x89: {  	v33 =	vsel vm14, $0x247C, v57;
	v46 =	vsel vm0, $0x2F7B, v32;
	v32 =	vsel vm1, $0x3EFB, v53  }
0x8a: {  	v33 =	vsel vm13, $0x24FC, v33;
	v47 =	vsel vm0, $0x3F7B, v32;
	v32 =	vsel vm13, $0x14FC, v56  }
0x8b: {  	v34 =	vsel vm9, $0x26FD, v34;
	v33 =	vsel vm12, $0x257C, v33;
	v32 =	vsel vm12, $0x157C, v32  }
0x8c: {  	v34 =	vsel vm8, $0x277D, v34;
	v33 =	vsel vm11, $0x25FC, v33;
	v32 =	vsel vm11, $0x15FC, v32  }
0x8d: {  	v34 =	vsel vm7, $0x27FD, v34;
	v33 =	vsel vm10, $0x267C, v33;
	v32 =	vsel vm10, $0x167C, v32  }
0x8e: {  	v57 =	vimm.s32 $0xFFE;
	v33 =	vsel vm9, $0x26FC, v33;
	v32 =	vsel vm9, $0x16FC, v32  }
0x8f: {  	v34 =	vsel vm6, $0x2C7D, v34;
	v33 =	vsel vm8, $0x277C, v33;
	v32 =	vsel vm8, $0x177C, v32  }
0x90: {  	v34 =	vsel vm5, $0x2CFD, v34;
	v33 =	vsel vm7, $0x27FC, v33;
	v32 =	vsel vm7, $0x17FC, v32  }
0x91: {  	v34 =	vsel vm4, $0x2D7D, v34;
	v33 =	vsel vm6, $0x2C7C, v33;
	v32 =	vsel vm6, $0x1C7C, v32  }
0x92: {  	v34 =	vsel vm3, $0x2DFD, v34;
	v33 =	vsel vm5, $0x2CFC, v33;
	v32 =	vsel vm5, $0x1CFC, v32  }
0x93: {  	v38 =	vsel vm2, $0x2E7D, v34;
	v33 =	vsel vm4, $0x2D7C, v33;
	v32 =	vsel vm4, $0x1D7C, v32  }
0x94: {  	v34 =	vsel vm14, $0x147E, v58;
	v33 =	vsel vm3, $0x2DFC, v33;
	v32 =	vsel vm3, $0x1DFC, v32  }
0x95: {  	v59 =	vsel vm2, $0x2E7C, v33;
	v33 =	vsel vm1, $0x3EFC, v60;
	v32 =	vsel vm2, $0x1E7C, v32  }
0x96: {  	v34 =	vsel vm13, $0x14FE, v34;
	v51 =	vsel vm0, $0x3F7C, v33;
	v32 =	vsel vm1, $0x1EFC, v32  }
0x97: {  	v33 =	vsel vm14, $0x147D, v63;
	v49 =	vsel vm0, $0x1F7C, v32;
	v32 =	vsel vm1, $0x2EFC, v59  }
0x98: {  	v33 =	vsel vm13, $0x14FD, v33;
	v50 =	vsel vm0, $0x2F7C, v32;
	v32 =	vsel vm13, $0x4FD, v62  }
0x99: {  	v34 =	vsel vm12, $0x157E, v34;
	v33 =	vsel vm12, $0x157D, v33;
	v32 =	vsel vm12, $0x57D, v32  }
0x9a: {  	v34 =	vsel vm11, $0x15FE, v34;
	v33 =	vsel vm11, $0x15FD, v33;
	v32 =	vsel vm11, $0x5FD, v32  }
0x9b: {  	v34 =	vsel vm10, $0x167E, v34;
	v33 =	vsel vm10, $0x167D, v33;
	v32 =	vsel vm10, $0x67D, v32  }
0x9c: {  	v56 =	vsel vm14, $0x347D, v39;
	v33 =	vsel vm9, $0x16FD, v33;
	v32 =	vsel vm9, $0x6FD, v32  }
0x9d: {  	v34 =	vsel vm9, $0x16FE, v34;
	v33 =	vsel vm8, $0x177D, v33;
	v32 =	vsel vm8, $0x77D, v32  }
0x9e: {  	v34 =	vsel vm8, $0x177E, v34;
	v33 =	vsel vm7, $0x17FD, v33;
	v32 =	vsel vm7, $0x7FD, v32  }
0x9f: {  	v34 =	vsel vm7, $0x17FE, v34;
	v33 =	vsel vm6, $0x1C7D, v33;
	v32 =	vsel vm6, $0xC7D, v32  }
0xa0: {  	v34 =	vsel vm6, $0x1C7E, v34;
	v33 =	vsel vm5, $0x1CFD, v33;
	v32 =	vsel vm5, $0xCFD, v32  }
0xa1: {  	v63 =	vimm.s32 $0x3FFE;
	v33 =	vsel vm4, $0x1D7D, v33;
	v32 =	vsel vm4, $0xD7D, v32  }
0xa2: {  	v34 =	vsel vm5, $0x1CFE, v34;
	v33 =	vsel vm3, $0x1DFD, v33;
	v32 =	vsel vm3, $0xDFD, v32  }
0xa3: {  	v37 =	vsel vm2, $0x1E7D, v33;
	v33 =	vsel vm1, $0x2EFD, v38;
	v32 =	vsel vm2, $0xE7D, v32  }
0xa4: {  	v54 =	vsel vm0, $0x2F7D, v33;
	v33 =	vsel vm14, $0x47E, v57;
	v32 =	vsel vm1, $0xEFD, v32  }
0xa5: {  	v33 =	vsel vm13, $0x4FE, v33;
	v52 =	vsel vm0, $0xF7D, v32;
	v32 =	vsel vm1, $0x1EFD, v37  }
0xa6: {  	v33 =	vsel vm12, $0x57E, v33;
	v53 =	vsel vm0, $0x1F7D, v32;
	v32 =	vsel vm13, $0x34FD, v56  }
0xa7: {  	v34 =	vsel vm4, $0x1D7E, v34;
	v33 =	vsel vm11, $0x5FE, v33;
	v32 =	vsel vm12, $0x357D, v32  }
0xa8: {  	v34 =	vsel vm3, $0x1DFE, v34;
	v33 =	vsel vm10, $0x67E, v33;
	v32 =	vsel vm11, $0x35FD, v32  }
0xa9: {  	v60 =	vsel vm2, $0x1E7E, v34;
	v33 =	vsel vm9, $0x6FE, v33;
	v32 =	vsel vm10, $0x367D, v32  }
0xaa: {  	v34 =	vsel vm14, $0x47F, v36;
	v33 =	vsel vm8, $0x77E, v33;
	v32 =	vsel vm9, $0x36FD, v32  }
0xab: {  	v36 =	vimm.s32 $0x2FFF;
	v33 =	vsel vm7, $0x7FE, v33;
	v32 =	vsel vm8, $0x377D, v32  }
0xac: {  	v34 =	vsel vm13, $0x4FF, v34;
	v33 =	vsel vm6, $0xC7E, v33;
	v32 =	vsel vm7, $0x37FD, v32  }
0xad: {  	v34 =	vsel vm12, $0x57F, v34;
	v33 =	vsel vm5, $0xCFE, v33;
	v32 =	vsel vm6, $0x3C7D, v32  }
0xae: {  	v34 =	vsel vm11, $0x5FF, v34;
	v33 =	vsel vm4, $0xD7E, v33;
	v32 =	vsel vm5, $0x3CFD, v32  }
0xaf: {  	v34 =	vsel vm10, $0x67F, v34;
	v33 =	vsel vm3, $0xDFE, v33;
	v32 =	vsel vm4, $0x3D7D, v32  }
0xb0: {  	v59 =	vsel vm2, $0xE7E, v33;
	v33 =	vsel vm1, $0x1EFE, v60;
	v32 =	vsel vm3, $0x3DFD, v32  }
0xb1: {  	v57 =	vsel vm0, $0x1F7E, v33;
	v33 =	vsel vm14, $0x347E, v63;
	v32 =	vsel vm2, $0x3E7D, v32  }
0xb2: {  	v62 =	vsel vm14, $0x247E, v61;
	v33 =	vsel vm13, $0x34FE, v33;
	v32 =	vsel vm1, $0x3EFD, v32  }
0xb3: {  	v33 =	vsel vm12, $0x357E, v33;
	v55 =	vsel vm0, $0x3F7D, v32;
	v32 =	vsel vm1, $0xEFE, v59  }
0xb4: {  	v33 =	vsel vm11, $0x35FE, v33;
	v56 =	vsel vm0, $0xF7E, v32;
	v32 =	vsel vm13, $0x24FE, v62  }
0xb5: {  	v34 =	vsel vm9, $0x6FF, v34;
	v33 =	vsel vm10, $0x367E, v33;
	v32 =	vsel vm12, $0x257E, v32  }
0xb6: {  	s4 =	rddreg [dreg:$0x0];
	v34 =	vsel vm8, $0x77F, v34;
	v33 =	vsel vm9, $0x36FE, v33;
	v32 =	vsel vm11, $0x25FE, v32  }
0xb7: {  	s0 =	rddreg [dreg:$0x1];
	v34 =	vsel vm7, $0x7FF, v34;
	v33 =	vsel vm8, $0x377E, v33;
	v32 =	vsel vm10, $0x267E, v32  }
0xb8: {  	s2 =	rddreg [dreg:$0x2];
	v34 =	vsel vm6, $0xC7F, v34;
	v33 =	vsel vm7, $0x37FE, v33;
	v32 =	vsel vm9, $0x26FE, v32  }
0xb9: {  	s1 =	rddreg [dreg:$0x3];
	v34 =	vsel vm5, $0xCFF, v34;
	v33 =	vsel vm6, $0x3C7E, v33;
	v32 =	vsel vm8, $0x277E, v32  }
0xba: {  	s10 =	stileid.u32;
	s3 =	simm.s32 $0x0;
	s5 =	srdreg.scid;
	v34 =	vsel vm4, $0xD7F, v34;
	v33 =	vsel vm5, $0x3CFE, v33;
	v32 =	vsel vm7, $0x27FE, v32  }
0xbb: {  	s28 =	simm.s32 $0x3;
	s29 =	simm.s32 $0x4;
	s30 =	simm.s32 $0x5;
	v34 =	vsel vm3, $0xDFF, v34;
	v33 =	vsel vm4, $0x3D7E, v33;
	v32 =	vsel vm6, $0x2C7E, v32  }
0xbc: {  	s31 =	simm.s32 $0x6;
	s6 =	sshll.u32 s10, $0x1;
	[smem:$0x7FF] =	sst s3;
	v38 =	vsel vm2, $0xE7F, v34;
	v33 =	vsel vm3, $0x3DFE, v33;
	v32 =	vsel vm5, $0x2CFE, v32  }
0xbd: {  	s5 =	sand.u32 $0x1, s5;
	s7 =	sshrl.u32 s10, $0x3;
	s10 =	sshrl.u32 s10, $0x2;
	v37 =	vsel vm2, $0x3E7E, v33;
	v33 =	vsel vm1, $0xEFF, v38;
	v32 =	vsel vm4, $0x2D7E, v32  }
0xbe: {  	s6 =	sand.u32 $0xE, s6;
	s8 =	sshll.u32 s7, $0x8;
	s10 =	sor.u32 $0x1, s10;
	v60 =	vsel vm0, $0xF7F, v33;
	v33 =	vsel vm14, $0x247F, v36;
	v32 =	vsel vm3, $0x2DFE, v32  }
0xbf: {  	s7 =	sshll.u32 s7, $0x12;
	s6 =	sor.u32 s5, s6;
	s5 =	ssub.s32 $0x2, s5;
	v39 =	vimm.s32 $0x1FFF;
	v33 =	vsel vm13, $0x24FF, v33;
	v32 =	vsel vm2, $0x2E7E, v32  }
0xc0: {  	s12 =	sshll.u32 s10, $0x7;
	s17 =	sshll.u32 s10, $0x11;
	s9 =	sshll.u32 s6, $0x9;
	v63 =	vsel vm14, $0x147F, v39;
	v33 =	vsel vm12, $0x257F, v33;
	v32 =	vsel vm1, $0x2EFE, v32  }
0xc1: {  	s11 =	sshrl.u32 s5, $0x1;
	s15 =	sshll.u32 s6, $0xA;
	s6 =	sshll.u32 s6, $0x7;
	v58 =	vsel vm0, $0x2F7E, v32;
	v32 =	vsel vm1, $0x3EFE, v37;
	v37 =	vimm.s32 $0x3FFF  }
0xc2: {  	s8 =	sor.u32 s8, s9;
	s5 =	ssub.s32 s5, s11;
	s14 =	sor.u32 s9, s12;
	v59 =	vsel vm0, $0x3F7E, v32;
	v32 =	vsel vm13, $0x14FF, v63;
	v34 =	vsel vm14, $0x347F, v37  }
0xc3: {  	s16 =	sor.u32 s7, s15;
	s18 =	sor.u32 s15, s17;
	s8 =	sshrl.u32 s8, $0x3;
	v33 =	vsel vm11, $0x25FF, v33;
	v32 =	vsel vm12, $0x157F, v32;
	v34 =	vsel vm13, $0x34FF, v34  }
0xc4: {  	s6 =	sadd.s32 s2, s6;
	s12 =	simm.s32 $0x10100;
	s8 =	sadd.s32 s4, s8;
	v33 =	vsel vm10, $0x267F, v33;
	v32 =	vsel vm11, $0x15FF, v32;
	v34 =	vsel vm12, $0x357F, v34  }
0xc5: {  	s21 =	smax.u32 s5, $0x1;
	_ =	strace $0x80000047;
	[dreg:$0x5] =	wrdreg s8;
	v33 =	vsel vm9, $0x26FF, v33;
	v32 =	vsel vm10, $0x167F, v32;
	v34 =	vsel vm11, $0x35FF, v34  }
0xc6: {  	s11 =	simm.s32 $0x400;
	s22 =	sadd.s32 $0x800, s6;
	[dreg:$0x7] =	wrdreg s21;
	v33 =	vsel vm8, $0x277F, v33;
	v32 =	vsel vm9, $0x16FF, v32;
	v34 =	vsel vm10, $0x367F, v34  }
0xc7: {  	s2 =	simm.s32 $0x8;
	s23 =	sadd.s32 $0x1000, s6;
	[dreg:$0x8] =	wrdreg s22;
	v33 =	vsel vm7, $0x27FF, v33;
	v32 =	vsel vm8, $0x177F, v32;
	v34 =	vsel vm9, $0x36FF, v34  }
0xc8: {  	s7 =	simm.s32 $0x0;
	s24 =	sadd.s32 $0x1800, s6;
	[dreg:$0x9] =	wrdreg s23;
	v33 =	vsel vm6, $0x2C7F, v33;
	v32 =	vsel vm7, $0x17FF, v32;
	v34 =	vsel vm8, $0x377F, v34  }
0xc9: {  	s20 =	sshrl.u32 s18, $0x3;
	s25 =	sadd.s32 $0x2000, s6;
	[dreg:$0xa] =	wrdreg s24;
	v33 =	vsel vm5, $0x2CFF, v33;
	v32 =	vsel vm6, $0x1C7F, v32;
	v34 =	vsel vm7, $0x37FF, v34  }
0xca: {  	s26 =	sadd.s32 $0x2800, s6;
	s5 =	simm.s32 $0x100;
	[dreg:$0xc] =	wrdreg s25;
	v33 =	vsel vm4, $0x2D7F, v33;
	v32 =	vsel vm5, $0x1CFF, v32;
	v34 =	vsel vm6, $0x3C7F, v34  }
0xcb: {  	s8 =	sshrl.u32 s14, $0x3;
	s21 =	simm.s32 $0x10900;
	[dreg:$0xb] =	wrdreg s6;
	v33 =	vsel vm3, $0x2DFF, v33;
	v32 =	vsel vm4, $0x1D7F, v32;
	v34 =	vsel vm5, $0x3CFF, v34  }
0xcc: {  	[dreg:$0xd] =	wrdreg s26;
	s22 =	simm.s32 $0xC100;
	s4 =	sadd.s32 s4, s8;
	v33 =	vsel vm2, $0x2E7F, v33;
	v32 =	vsel vm3, $0x1DFF, v32;
	v34 =	vsel vm4, $0x3D7F, v34  }
0xcd: {  	s23 =	simm.s32 $0xE100;
	[dreg:$0x6] =	wrdreg s4;
	s4 =	sshrl.u32 s16, $0x3;
	v38 =	vsel vm1, $0x2EFF, v33;
	v32 =	vsel vm2, $0x1E7F, v32;
	v34 =	vsel vm3, $0x3DFF, v34  }
0xce: {  	s25 =	simm.s32 $0x1;
	s26 =	simm.s32 $0x2;
	s19 =	sadd.s32 s1, s4;
	v33 =	vor.u32 $0xE800, v0;
	v32 =	vsel vm1, $0x1EFF, v32;
	v34 =	vsel vm2, $0x3E7F, v34  }
0xcf: {  	s1 =	sadd.s32 s1, s20;
	s4 =	simm.s32 $0x7A1400;
	[dreg:$0xe] =	wrdreg s19;
	v62 =	vsel vm0, $0x2F7F, v38;
	v61 =	vsel vm0, $0x1F7F, v32;
	v39 =	vsel vm1, $0x3EFF, v34  }
0xd0: {  	s20 =	simm.s32 $0xA100;
	[dreg:$0xf] =	wrdreg s1;
	s1 =	simm.s32 $0x7;
	v32 =	vor.u32 $0xE000, v0;
	v34 =	vor.u32 $0xF000, v0;
	v63 =	vsel vm0, $0x3F7F, v39  }
.LBB2_1:
0xd1: {  	[dreg:$0x10] =	wrdreg s7  }
0xd2: {  	s15 =	rddreg [dreg:$0x5];
	s19 =	simm.s32 $0xA  }
0xd3: {  	[tilespmem:s3], [sflag:$0xA] =	stream.linear.gather [hbm4b:s15+s3], $0x80, $0x38;
	[tilespmem:$0x14100] =	vst v63  }
0xd4: {  	_ =	swait.ge [sflag:s19], $0x80  }
0xd5: {  	[sflag:s19] =	ssyncset.done $0x0  }
0xd6: {  	s17 =	simm.s32 $0x80;
	s14 =	rddreg [dreg:$0x6];
	[sflag:s19] =	ssyncadd.s32 $0xFFFFFF80  }
0xd7: {  	[tilespmem:s17], [sflag:$0xA] =	stream.linear.gather [hbm4b:s14+s3], $0x80, $0x38;
	[tilespmem:$0x14100] =	vst v63  }
0xd8: {  	_ =	swait.ge [sflag:s19], $0x80  }
0xd9: {  	[sflag:s19] =	ssyncset.done $0x0  }
0xda: {  	s14 =	simm.s32 $0x0;
	s24 =	rddreg [dreg:$0xb];
	[sflag:s19] =	ssyncadd.s32 $0xFFFFFF80  }
0xdb: {  	[tilespmem:s12], [sflag:$0x9] =	stream.linear.gather [hbm4b:s24+s14], $0x400, $0x38;
	[tilespmem:$0x14100] =	vst v63  }
0xdc: {  	s19 =	rddreg [dreg:$0x8]  }
0xdd: {  	[tilespmem:s21], [sflag:$0x9] =	stream.linear.gather [hbm4b:s19+s14], $0x400, $0x38;
	[tilespmem:$0x14100] =	vst v63  }
0xde: {  	s10 =	simm.s32 $0x11100;
	s21 =	rddreg [dreg:$0x9]  }
0xdf: {  	[tilespmem:s10], [sflag:$0x9] =	stream.linear.gather [hbm4b:s21+s14], $0x400, $0x38;
	[tilespmem:$0x14100] =	vst v63  }
0xe0: {  	s6 =	simm.s32 $0x11900;
	s10 =	rddreg [dreg:$0xa]  }
0xe1: {  	[tilespmem:s6], [sflag:$0x9] =	stream.linear.gather [hbm4b:s10+s14], $0x400, $0x38;
	[tilespmem:$0x14100] =	vst v63  }
0xe2: {  	s13 =	simm.s32 $0x12100;
	s6 =	rddreg [dreg:$0xc]  }
0xe3: {  	[tilespmem:s13], [sflag:$0x9] =	stream.linear.gather [hbm4b:s6+s14], $0x400, $0x38;
	[tilespmem:$0x14100] =	vst v63  }
0xe4: {  	s7 =	simm.s32 $0x12900;
	s15 =	rddreg [dreg:$0xd]  }
0xe5: {  	[tilespmem:s7], [sflag:$0x9] =	stream.linear.gather [hbm4b:s15+s14], $0x400, $0x38;
	[tilespmem:$0x14100] =	vst v63  }
0xe6: {  	s8 =	simm.s32 $0x13100;
	s17 =	sadd.s32 $0x3000, s24  }
0xe7: {  	[tilespmem:s8], [sflag:$0x9] =	stream.linear.gather [hbm4b:s17+s14], $0x400, $0x38;
	[tilespmem:$0x14100] =	vst v63  }
0xe8: {  	s7 =	sadd.s32 $0x3800, s24;
	s8 =	simm.s32 $0x13900  }
0xe9: {  	[tilespmem:s8], [sflag:$0x9] =	stream.linear.gather [hbm4b:s7+s14], $0x400, $0x38;
	[tilespmem:$0x14100] =	vst v63  }
0xea: {  	s3 =	simm.s32 $0x10500  }
0xeb: {  	[tilespmem:s3], [sflag:$0x9] =	stream.linear.gather [hbm4b:s24+s14], $0x400, $0x38;
	[tilespmem:$0x14100] =	vst v63  }
0xec: {  	s14 =	simm.s32 $0x10D00;
	s3 =	simm.s32 $0x0  }
0xed: {  	[tilespmem:s14], [sflag:$0x9] =	stream.linear.gather [hbm4b:s19+s3], $0x400, $0x38;
	[tilespmem:$0x14100] =	vst v63  }
0xee: {  	s16 =	simm.s32 $0x11500  }
0xef: {  	[tilespmem:s16], [sflag:$0x9] =	stream.linear.gather [hbm4b:s21+s3], $0x400, $0x38;
	[tilespmem:$0x14100] =	vst v63  }
0xf0: {  	s16 =	simm.s32 $0x11D00  }
0xf1: {  	[tilespmem:s16], [sflag:$0x9] =	stream.linear.gather [hbm4b:s10+s3], $0x400, $0x38;
	[tilespmem:$0x14100] =	vst v63  }
0xf2: {  	s18 =	simm.s32 $0x12500  }
0xf3: {  	[tilespmem:s18], [sflag:$0x9] =	stream.linear.gather [hbm4b:s6+s3], $0x400, $0x38;
	[tilespmem:$0x14100] =	vst v63  }
0xf4: {  	s9 =	simm.s32 $0x12D00  }
0xf5: {  	[tilespmem:s9], [sflag:$0x9] =	stream.linear.gather [hbm4b:s15+s3], $0x400, $0x38;
	[tilespmem:$0x14100] =	vst v63  }
0xf6: {  	s9 =	simm.s32 $0x13500  }
0xf7: {  	[tilespmem:s9], [sflag:$0x9] =	stream.linear.gather [hbm4b:s17+s3], $0x400, $0x38;
	[tilespmem:$0x14100] =	vst v63  }
0xf8: {  	s18 =	simm.s32 $0x13D00  }
0xf9: {  	[tilespmem:s18], [sflag:$0x9] =	stream.linear.gather [hbm4b:s7+s3], $0x400, $0x38;
	[tilespmem:$0x14100] =	vst v63  }
0xfa: {  	v36 =	vld [tilespmem:$0x0];
	_ =	sdelay $0x4  }
0xfb: {  	(v2sf) =	vpush v36, $0x0  }
0xfc: {  	(v2sf) =	vpush v36, $0x1  }
0xfd: {  	(v2sf) =	vpush v36, $0x2  }
0xfe: {  	(v2sf) =	vpush v36, $0x3  }
0xff: {  	(v2sf) =	vpush v36, $0x4  }
0x100: {  	(v2sf) =	vpush v36, $0x5  }
0x101: {  	(v2sf) =	vpush v36, $0x6  }
0x102: {  	(v2sf) =	vpush v36, $0x7  }
0x103: {  	(v2sf) =	vpush v36, $0x8  }
0x104: {  	(v2sf) =	vpush v36, $0x9  }
0x105: {  	(v2sf) =	vpush v36, $0xA  }
0x106: {  	v37 =	vld [tilespmem:$0x10];
	(v2sf) =	vpush v36, $0xB  }
0x107: {  	(v2sf) =	vpush v36, $0xC  }
0x108: {  	(v2sf) =	vpush v36, $0xD  }
0x109: {  	(v2sf) =	vpush v36, $0xE  }
0x10a: {  	s17 =	spop (v2sf);
	(v2sf) =	vpush v36, $0xF  }
0x10b: {  	[smem:$0x0] =	sst s17;
	s19 =	spop (v2sf);
	(v2sf) =	vpush v37, $0x0  }
0x10c: {  	[smem:$0x1] =	sst s19;
	s21 =	spop (v2sf);
	(v2sf) =	vpush v37, $0x1  }
0x10d: {  	[smem:$0x2] =	sst s21;
	s6 =	spop (v2sf);
	(v2sf) =	vpush v37, $0x2  }
0x10e: {  	[smem:$0x3] =	sst s6;
	s7 =	spop (v2sf);
	(v2sf) =	vpush v37, $0x3  }
0x10f: {  	[smem:$0x4] =	sst s7;
	s10 =	spop (v2sf);
	(v2sf) =	vpush v37, $0x4  }
0x110: {  	[smem:$0x5] =	sst s10;
	s13 =	spop (v2sf);
	(v2sf) =	vpush v37, $0x5  }
0x111: {  	[smem:$0x6] =	sst s13;
	s17 =	spop (v2sf);
	(v2sf) =	vpush v37, $0x6  }
0x112: {  	[smem:$0x7] =	sst s17;
	s19 =	spop (v2sf);
	(v2sf) =	vpush v37, $0x7  }
0x113: {  	[smem:$0x8] =	sst s19;
	s21 =	spop (v2sf);
	(v2sf) =	vpush v37, $0x8  }
0x114: {  	[smem:$0x9] =	sst s21;
	s6 =	spop (v2sf);
	(v2sf) =	vpush v37, $0x9  }
0x115: {  	[smem:$0xA] =	sst s6;
	s7 =	spop (v2sf);
	(v2sf) =	vpush v37, $0xA  }
0x116: {  	v36 =	vld [tilespmem:$0x20];
	[smem:$0xB] =	sst s7;
	s10 =	spop (v2sf);
	(v2sf) =	vpush v37, $0xB  }
0x117: {  	[smem:$0xC] =	sst s10;
	s13 =	spop (v2sf);
	(v2sf) =	vpush v37, $0xC  }
0x118: {  	[smem:$0xD] =	sst s13;
	s17 =	spop (v2sf);
	(v2sf) =	vpush v37, $0xD  }
0x119: {  	[smem:$0xE] =	sst s17;
	s19 =	spop (v2sf);
	(v2sf) =	vpush v37, $0xE  }
0x11a: {  	[smem:$0xF] =	sst s19;
	s21 =	spop (v2sf);
	(v2sf) =	vpush v37, $0xF  }
0x11b: {  	[smem:$0x10] =	sst s21;
	s6 =	spop (v2sf);
	(v2sf) =	vpush v36, $0x0  }
0x11c: {  	[smem:$0x11] =	sst s6;
	s7 =	spop (v2sf);
	(v2sf) =	vpush v36, $0x1  }
0x11d: {  	[smem:$0x12] =	sst s7;
	s10 =	spop (v2sf);
	(v2sf) =	vpush v36, $0x2  }
0x11e: {  	[smem:$0x13] =	sst s10;
	s13 =	spop (v2sf);
	(v2sf) =	vpush v36, $0x3  }
0x11f: {  	[smem:$0x14] =	sst s13;
	s17 =	spop (v2sf);
	(v2sf) =	vpush v36, $0x4  }
0x120: {  	[smem:$0x15] =	sst s17;
	s19 =	spop (v2sf);
	(v2sf) =	vpush v36, $0x5  }
0x121: {  	[smem:$0x16] =	sst s19;
	s21 =	spop (v2sf);
	(v2sf) =	vpush v36, $0x6  }
0x122: {  	[smem:$0x17] =	sst s21;
	s6 =	spop (v2sf);
	(v2sf) =	vpush v36, $0x7  }
0x123: {  	[smem:$0x18] =	sst s6;
	s7 =	spop (v2sf);
	(v2sf) =	vpush v36, $0x8  }
0x124: {  	[smem:$0x19] =	sst s7;
	s10 =	spop (v2sf);
	(v2sf) =	vpush v36, $0x9  }
0x125: {  	[smem:$0x1A] =	sst s10;
	s13 =	spop (v2sf);
	(v2sf) =	vpush v36, $0xA  }
0x126: {  	v37 =	vld [tilespmem:$0x30];
	[smem:$0x1B] =	sst s13;
	s17 =	spop (v2sf);
	(v2sf) =	vpush v36, $0xB  }
0x127: {  	[smem:$0x1C] =	sst s17;
	s19 =	spop (v2sf);
	(v2sf) =	vpush v36, $0xC  }
0x128: {  	[smem:$0x1D] =	sst s19;
	s21 =	spop (v2sf);
	(v2sf) =	vpush v36, $0xD  }
0x129: {  	[smem:$0x1E] =	sst s21;
	s6 =	spop (v2sf);
	(v2sf) =	vpush v36, $0xE  }
0x12a: {  	[smem:$0x1F] =	sst s6;
	s7 =	spop (v2sf);
	(v2sf) =	vpush v36, $0xF  }
0x12b: {  	[smem:$0x20] =	sst s7;
	s10 =	spop (v2sf);
	(v2sf) =	vpush v37, $0x0  }
0x12c: {  	[smem:$0x21] =	sst s10;
	s13 =	spop (v2sf);
	(v2sf) =	vpush v37, $0x1  }
0x12d: {  	[smem:$0x22] =	sst s13;
	s17 =	spop (v2sf);
	(v2sf) =	vpush v37, $0x2  }
0x12e: {  	[smem:$0x23] =	sst s17;
	s19 =	spop (v2sf);
	(v2sf) =	vpush v37, $0x3  }
0x12f: {  	[smem:$0x24] =	sst s19;
	s21 =	spop (v2sf);
	(v2sf) =	vpush v37, $0x4  }
0x130: {  	[smem:$0x25] =	sst s21;
	s6 =	spop (v2sf);
	(v2sf) =	vpush v37, $0x5  }
0x131: {  	[smem:$0x26] =	sst s6;
	s7 =	spop (v2sf);
	(v2sf) =	vpush v37, $0x6  }
0x132: {  	[smem:$0x27] =	sst s7;
	s10 =	spop (v2sf);
	(v2sf) =	vpush v37, $0x7  }
0x133: {  	[smem:$0x28] =	sst s10;
	s13 =	spop (v2sf);
	(v2sf) =	vpush v37, $0x8  }
0x134: {  	[smem:$0x29] =	sst s13;
	s17 =	spop (v2sf);
	(v2sf) =	vpush v37, $0x9  }
0x135: {  	[smem:$0x2A] =	sst s17;
	s19 =	spop (v2sf);
	(v2sf) =	vpush v37, $0xA  }
0x136: {  	v36 =	vld [tilespmem:$0x40];
	[smem:$0x2B] =	sst s19;
	s21 =	spop (v2sf);
	(v2sf) =	vpush v37, $0xB  }
0x137: {  	[smem:$0x2C] =	sst s21;
	s6 =	spop (v2sf);
	(v2sf) =	vpush v37, $0xC  }
0x138: {  	[smem:$0x2D] =	sst s6;
	s7 =	spop (v2sf);
	(v2sf) =	vpush v37, $0xD  }
0x139: {  	[smem:$0x2E] =	sst s7;
	s10 =	spop (v2sf);
	(v2sf) =	vpush v37, $0xE  }
0x13a: {  	[smem:$0x2F] =	sst s10;
	s13 =	spop (v2sf);
	(v2sf) =	vpush v37, $0xF  }
0x13b: {  	[smem:$0x30] =	sst s13;
	s17 =	spop (v2sf);
	(v2sf) =	vpush v36, $0x0  }
0x13c: {  	[smem:$0x31] =	sst s17;
	s19 =	spop (v2sf);
	(v2sf) =	vpush v36, $0x1  }
0x13d: {  	[smem:$0x32] =	sst s19;
	s21 =	spop (v2sf);
	(v2sf) =	vpush v36, $0x2  }
0x13e: {  	[smem:$0x33] =	sst s21;
	s6 =	spop (v2sf);
	(v2sf) =	vpush v36, $0x3  }
0x13f: {  	[smem:$0x34] =	sst s6;
	s7 =	spop (v2sf);
	(v2sf) =	vpush v36, $0x4  }
0x140: {  	[smem:$0x35] =	sst s7;
	s10 =	spop (v2sf);
	(v2sf) =	vpush v36, $0x5  }
0x141: {  	[smem:$0x36] =	sst s10;
	s13 =	spop (v2sf);
	(v2sf) =	vpush v36, $0x6  }
0x142: {  	[smem:$0x37] =	sst s13;
	s17 =	spop (v2sf);
	(v2sf) =	vpush v36, $0x7  }
0x143: {  	[smem:$0x38] =	sst s17;
	s19 =	spop (v2sf);
	(v2sf) =	vpush v36, $0x8  }
0x144: {  	[smem:$0x39] =	sst s19;
	s21 =	spop (v2sf);
	(v2sf) =	vpush v36, $0x9  }
0x145: {  	[smem:$0x3A] =	sst s21;
	s6 =	spop (v2sf);
	(v2sf) =	vpush v36, $0xA  }
0x146: {  	v37 =	vld [tilespmem:$0x50];
	[smem:$0x3B] =	sst s6;
	s7 =	spop (v2sf);
	(v2sf) =	vpush v36, $0xB  }
0x147: {  	[smem:$0x3C] =	sst s7;
	s10 =	spop (v2sf);
	(v2sf) =	vpush v36, $0xC  }
0x148: {  	[smem:$0x3D] =	sst s10;
	s13 =	spop (v2sf);
	(v2sf) =	vpush v36, $0xD  }
0x149: {  	[smem:$0x3E] =	sst s13;
	s17 =	spop (v2sf);
	(v2sf) =	vpush v36, $0xE  }
0x14a: {  	[smem:$0x3F] =	sst s17;
	s19 =	spop (v2sf);
	(v2sf) =	vpush v36, $0xF  }
0x14b: {  	[smem:$0x40] =	sst s19;
	s21 =	spop (v2sf);
	(v2sf) =	vpush v37, $0x0  }
0x14c: {  	[smem:$0x41] =	sst s21;
	s6 =	spop (v2sf);
	(v2sf) =	vpush v37, $0x1  }
0x14d: {  	[smem:$0x42] =	sst s6;
	s7 =	spop (v2sf);
	(v2sf) =	vpush v37, $0x2  }
0x14e: {  	[smem:$0x43] =	sst s7;
	s10 =	spop (v2sf);
	(v2sf) =	vpush v37, $0x3  }
0x14f: {  	[smem:$0x44] =	sst s10;
	s13 =	spop (v2sf);
	(v2sf) =	vpush v37, $0x4  }
0x150: {  	[smem:$0x45] =	sst s13;
	s17 =	spop (v2sf);
	(v2sf) =	vpush v37, $0x5  }
0x151: {  	[smem:$0x46] =	sst s17;
	s19 =	spop (v2sf);
	(v2sf) =	vpush v37, $0x6  }
0x152: {  	[smem:$0x47] =	sst s19;
	s21 =	spop (v2sf);
	(v2sf) =	vpush v37, $0x7  }
0x153: {  	[smem:$0x48] =	sst s21;
	s6 =	spop (v2sf);
	(v2sf) =	vpush v37, $0x8  }
0x154: {  	[smem:$0x49] =	sst s6;
	s7 =	spop (v2sf);
	(v2sf) =	vpush v37, $0x9  }
0x155: {  	[smem:$0x4A] =	sst s7;
	s10 =	spop (v2sf);
	(v2sf) =	vpush v37, $0xA  }
0x156: {  	v36 =	vld [tilespmem:$0x60];
	[smem:$0x4B] =	sst s10;
	s13 =	spop (v2sf);
	(v2sf) =	vpush v37, $0xB  }
0x157: {  	[smem:$0x4C] =	sst s13;
	s17 =	spop (v2sf);
	(v2sf) =	vpush v37, $0xC  }
0x158: {  	[smem:$0x4D] =	sst s17;
	s19 =	spop (v2sf);
	(v2sf) =	vpush v37, $0xD  }
0x159: {  	[smem:$0x4E] =	sst s19;
	s21 =	spop (v2sf);
	(v2sf) =	vpush v37, $0xE  }
0x15a: {  	[smem:$0x4F] =	sst s21;
	s6 =	spop (v2sf);
	(v2sf) =	vpush v37, $0xF  }
0x15b: {  	[smem:$0x50] =	sst s6;
	s7 =	spop (v2sf);
	(v2sf) =	vpush v36, $0x0  }
0x15c: {  	[smem:$0x51] =	sst s7;
	s10 =	spop (v2sf);
	(v2sf) =	vpush v36, $0x1  }
0x15d: {  	[smem:$0x52] =	sst s10;
	s13 =	spop (v2sf);
	(v2sf) =	vpush v36, $0x2  }
0x15e: {  	[smem:$0x53] =	sst s13;
	s17 =	spop (v2sf)  }
0x15f: {  	[smem:$0x54] =	sst s17;
	s19 =	spop (v2sf)  }
0x160: {  	[smem:$0x55] =	sst s19;
	s21 =	spop (v2sf)  }
0x161: {  	[smem:$0x56] =	sst s21;
	s6 =	spop (v2sf)  }
0x162: {  	[smem:$0x57] =	sst s6;
	s7 =	spop (v2sf)  }
0x163: {  	[smem:$0x58] =	sst s7;
	s10 =	spop (v2sf)  }
0x164: {  	[smem:$0x59] =	sst s10;
	s13 =	spop (v2sf)  }
0x165: {  	[smem:$0x5A] =	sst s13;
	s17 =	spop (v2sf)  }
0x166: {  	[smem:$0x5B] =	sst s17;
	s19 =	spop (v2sf)  }
0x167: {  	[smem:$0x5C] =	sst s19;
	s21 =	spop (v2sf)  }
0x168: {  	[smem:$0x5D] =	sst s21;
	s6 =	spop (v2sf)  }
0x169: {  	[smem:$0x5E] =	sst s6;
	s7 =	spop (v2sf)  }
0x16a: {  	[smem:$0x5F] =	sst s7;
	s10 =	spop (v2sf)  }
0x16b: {  	[smem:$0x60] =	sst s10;
	s13 =	spop (v2sf)  }
0x16c: {  	[smem:$0x61] =	sst s13;
	s17 =	spop (v2sf)  }
0x16d: {  	[smem:$0x62] =	sst s17  }
0x16e: {  	(v2sf) =	vpush v36, $0x3  }
0x16f: {  	(v2sf) =	vpush v36, $0x4  }
0x170: {  	(v2sf) =	vpush v36, $0x5  }
0x171: {  	(v2sf) =	vpush v36, $0x6  }
0x172: {  	(v2sf) =	vpush v36, $0x7  }
0x173: {  	(v2sf) =	vpush v36, $0x8  }
0x174: {  	(v2sf) =	vpush v36, $0x9  }
0x175: {  	(v2sf) =	vpush v36, $0xA  }
0x176: {  	v37 =	vld [tilespmem:$0x70];
	(v2sf) =	vpush v36, $0xB  }
0x177: {  	(v2sf) =	vpush v36, $0xC  }
0x178: {  	(v2sf) =	vpush v36, $0xD  }
0x179: {  	(v2sf) =	vpush v36, $0xE  }
0x17a: {  	(v2sf) =	vpush v36, $0xF  }
0x17b: {  	(v2sf) =	vpush v37, $0x0  }
0x17c: {  	(v2sf) =	vpush v37, $0x1  }
0x17d: {  	s19 =	spop (v2sf);
	(v2sf) =	vpush v37, $0x2  }
0x17e: {  	[smem:$0x63] =	sst s19;
	s21 =	spop (v2sf);
	(v2sf) =	vpush v37, $0x3  }
0x17f: {  	[smem:$0x64] =	sst s21;
	s6 =	spop (v2sf);
	(v2sf) =	vpush v37, $0x4  }
0x180: {  	[smem:$0x65] =	sst s6;
	s7 =	spop (v2sf);
	(v2sf) =	vpush v37, $0x5  }
0x181: {  	[smem:$0x66] =	sst s7;
	s10 =	spop (v2sf);
	(v2sf) =	vpush v37, $0x6  }
0x182: {  	[smem:$0x67] =	sst s10;
	s13 =	spop (v2sf);
	(v2sf) =	vpush v37, $0x7  }
0x183: {  	[smem:$0x68] =	sst s13;
	s17 =	spop (v2sf);
	(v2sf) =	vpush v37, $0x8  }
0x184: {  	[smem:$0x69] =	sst s17;
	s19 =	spop (v2sf);
	(v2sf) =	vpush v37, $0x9  }
0x185: {  	[smem:$0x6A] =	sst s19;
	s21 =	spop (v2sf);
	(v2sf) =	vpush v37, $0xA  }
0x186: {  	v36 =	vld [tilespmem:$0x80];
	[smem:$0x6B] =	sst s21;
	s6 =	spop (v2sf);
	(v2sf) =	vpush v37, $0xB  }
0x187: {  	[smem:$0x6C] =	sst s6;
	s7 =	spop (v2sf);
	(v2sf) =	vpush v37, $0xC  }
0x188: {  	[smem:$0x6D] =	sst s7;
	s10 =	spop (v2sf);
	(v2sf) =	vpush v37, $0xD  }
0x189: {  	[smem:$0x6E] =	sst s10;
	s13 =	spop (v2sf);
	(v2sf) =	vpush v37, $0xE  }
0x18a: {  	[smem:$0x6F] =	sst s13;
	s17 =	spop (v2sf);
	(v2sf) =	vpush v37, $0xF  }
0x18b: {  	[smem:$0x70] =	sst s17;
	s19 =	spop (v2sf);
	(v2sf) =	vpush v36, $0x0  }
0x18c: {  	[smem:$0x71] =	sst s19;
	s21 =	spop (v2sf);
	(v2sf) =	vpush v36, $0x1  }
0x18d: {  	[smem:$0x72] =	sst s21;
	s6 =	spop (v2sf);
	(v2sf) =	vpush v36, $0x2  }
0x18e: {  	[smem:$0x73] =	sst s6;
	s7 =	spop (v2sf);
	(v2sf) =	vpush v36, $0x3  }
0x18f: {  	[smem:$0x74] =	sst s7;
	s10 =	spop (v2sf);
	(v2sf) =	vpush v36, $0x4  }
0x190: {  	[smem:$0x75] =	sst s10;
	s13 =	spop (v2sf);
	(v2sf) =	vpush v36, $0x5  }
0x191: {  	[smem:$0x76] =	sst s13;
	s17 =	spop (v2sf);
	(v2sf) =	vpush v36, $0x6  }
0x192: {  	[smem:$0x77] =	sst s17;
	s19 =	spop (v2sf);
	(v2sf) =	vpush v36, $0x7  }
0x193: {  	[smem:$0x78] =	sst s19;
	s21 =	spop (v2sf);
	(v2sf) =	vpush v36, $0x8  }
0x194: {  	[smem:$0x79] =	sst s21;
	s6 =	spop (v2sf);
	(v2sf) =	vpush v36, $0x9  }
0x195: {  	[smem:$0x7A] =	sst s6;
	s7 =	spop (v2sf);
	(v2sf) =	vpush v36, $0xA  }
0x196: {  	v37 =	vld [tilespmem:$0x90];
	[smem:$0x7B] =	sst s7;
	s10 =	spop (v2sf);
	(v2sf) =	vpush v36, $0xB  }
0x197: {  	[smem:$0x7C] =	sst s10;
	s13 =	spop (v2sf);
	(v2sf) =	vpush v36, $0xC  }
0x198: {  	[smem:$0x7D] =	sst s13;
	s17 =	spop (v2sf);
	(v2sf) =	vpush v36, $0xD  }
0x199: {  	[smem:$0x7E] =	sst s17;
	s19 =	spop (v2sf);
	(v2sf) =	vpush v36, $0xE  }
0x19a: {  	[smem:$0x7F] =	sst s19;
	s21 =	spop (v2sf);
	(v2sf) =	vpush v36, $0xF  }
0x19b: {  	[smem:$0x80] =	sst s21;
	s6 =	spop (v2sf);
	(v2sf) =	vpush v37, $0x0  }
0x19c: {  	[smem:$0x81] =	sst s6;
	s7 =	spop (v2sf);
	(v2sf) =	vpush v37, $0x1  }
0x19d: {  	[smem:$0x82] =	sst s7;
	s10 =	spop (v2sf);
	(v2sf) =	vpush v37, $0x2  }
0x19e: {  	[smem:$0x83] =	sst s10;
	s13 =	spop (v2sf);
	(v2sf) =	vpush v37, $0x3  }
0x19f: {  	[smem:$0x84] =	sst s13;
	s17 =	spop (v2sf);
	(v2sf) =	vpush v37, $0x4  }
0x1a0: {  	[smem:$0x85] =	sst s17;
	s19 =	spop (v2sf);
	(v2sf) =	vpush v37, $0x5  }
0x1a1: {  	[smem:$0x86] =	sst s19;
	s21 =	spop (v2sf);
	(v2sf) =	vpush v37, $0x6  }
0x1a2: {  	[smem:$0x87] =	sst s21;
	s6 =	spop (v2sf);
	(v2sf) =	vpush v37, $0x7  }
0x1a3: {  	[smem:$0x88] =	sst s6;
	s7 =	spop (v2sf);
	(v2sf) =	vpush v37, $0x8  }
0x1a4: {  	[smem:$0x89] =	sst s7;
	s10 =	spop (v2sf);
	(v2sf) =	vpush v37, $0x9  }
0x1a5: {  	[smem:$0x8A] =	sst s10;
	s13 =	spop (v2sf);
	(v2sf) =	vpush v37, $0xA  }
0x1a6: {  	v36 =	vld [tilespmem:$0xA0];
	[smem:$0x8B] =	sst s13;
	s17 =	spop (v2sf);
	(v2sf) =	vpush v37, $0xB  }
0x1a7: {  	[smem:$0x8C] =	sst s17;
	s19 =	spop (v2sf);
	(v2sf) =	vpush v37, $0xC  }
0x1a8: {  	[smem:$0x8D] =	sst s19;
	s21 =	spop (v2sf);
	(v2sf) =	vpush v37, $0xD  }
0x1a9: {  	[smem:$0x8E] =	sst s21;
	s6 =	spop (v2sf);
	(v2sf) =	vpush v37, $0xE  }
0x1aa: {  	[smem:$0x8F] =	sst s6;
	s7 =	spop (v2sf);
	(v2sf) =	vpush v37, $0xF  }
0x1ab: {  	[smem:$0x90] =	sst s7;
	s10 =	spop (v2sf);
	(v2sf) =	vpush v36, $0x0  }
0x1ac: {  	[smem:$0x91] =	sst s10;
	s13 =	spop (v2sf);
	(v2sf) =	vpush v36, $0x1  }
0x1ad: {  	[smem:$0x92] =	sst s13;
	s17 =	spop (v2sf);
	(v2sf) =	vpush v36, $0x2  }
0x1ae: {  	[smem:$0x93] =	sst s17;
	s19 =	spop (v2sf);
	(v2sf) =	vpush v36, $0x3  }
0x1af: {  	[smem:$0x94] =	sst s19;
	s21 =	spop (v2sf);
	(v2sf) =	vpush v36, $0x4  }
0x1b0: {  	[smem:$0x95] =	sst s21;
	s6 =	spop (v2sf);
	(v2sf) =	vpush v36, $0x5  }
0x1b1: {  	[smem:$0x96] =	sst s6;
	s7 =	spop (v2sf);
	(v2sf) =	vpush v36, $0x6  }
0x1b2: {  	[smem:$0x97] =	sst s7;
	s10 =	spop (v2sf);
	(v2sf) =	vpush v36, $0x7  }
0x1b3: {  	[smem:$0x98] =	sst s10;
	s13 =	spop (v2sf);
	(v2sf) =	vpush v36, $0x8  }
0x1b4: {  	[smem:$0x99] =	sst s13;
	s17 =	spop (v2sf);
	(v2sf) =	vpush v36, $0x9  }
0x1b5: {  	[smem:$0x9A] =	sst s17;
	s19 =	spop (v2sf);
	(v2sf) =	vpush v36, $0xA  }
0x1b6: {  	v37 =	vld [tilespmem:$0xB0];
	[smem:$0x9B] =	sst s19;
	s21 =	spop (v2sf);
	(v2sf) =	vpush v36, $0xB  }
0x1b7: {  	[smem:$0x9C] =	sst s21;
	s6 =	spop (v2sf);
	(v2sf) =	vpush v36, $0xC  }
0x1b8: {  	[smem:$0x9D] =	sst s6;
	s7 =	spop (v2sf);
	(v2sf) =	vpush v36, $0xD  }
0x1b9: {  	[smem:$0x9E] =	sst s7;
	s10 =	spop (v2sf);
	(v2sf) =	vpush v36, $0xE  }
0x1ba: {  	[smem:$0x9F] =	sst s10;
	s13 =	spop (v2sf);
	(v2sf) =	vpush v36, $0xF  }
0x1bb: {  	[smem:$0xA0] =	sst s13;
	s17 =	spop (v2sf);
	(v2sf) =	vpush v37, $0x0  }
0x1bc: {  	[smem:$0xA1] =	sst s17;
	s19 =	spop (v2sf);
	(v2sf) =	vpush v37, $0x1  }
0x1bd: {  	[smem:$0xA2] =	sst s19;
	s21 =	spop (v2sf);
	(v2sf) =	vpush v37, $0x2  }
0x1be: {  	[smem:$0xA3] =	sst s21;
	s6 =	spop (v2sf);
	(v2sf) =	vpush v37, $0x3  }
0x1bf: {  	[smem:$0xA4] =	sst s6;
	s7 =	spop (v2sf);
	(v2sf) =	vpush v37, $0x4  }
0x1c0: {  	[smem:$0xA5] =	sst s7;
	s10 =	spop (v2sf);
	(v2sf) =	vpush v37, $0x5  }
0x1c1: {  	[smem:$0xA6] =	sst s10;
	s13 =	spop (v2sf);
	(v2sf) =	vpush v37, $0x6  }
0x1c2: {  	[smem:$0xA7] =	sst s13;
	s17 =	spop (v2sf);
	(v2sf) =	vpush v37, $0x7  }
0x1c3: {  	[smem:$0xA8] =	sst s17;
	s19 =	spop (v2sf);
	(v2sf) =	vpush v37, $0x8  }
0x1c4: {  	[smem:$0xA9] =	sst s19;
	s21 =	spop (v2sf);
	(v2sf) =	vpush v37, $0x9  }
0x1c5: {  	[smem:$0xAA] =	sst s21;
	s6 =	spop (v2sf);
	(v2sf) =	vpush v37, $0xA  }
0x1c6: {  	v36 =	vld [tilespmem:$0xC0];
	[smem:$0xAB] =	sst s6;
	s7 =	spop (v2sf);
	(v2sf) =	vpush v37, $0xB  }
0x1c7: {  	[smem:$0xAC] =	sst s7;
	s10 =	spop (v2sf);
	(v2sf) =	vpush v37, $0xC  }
0x1c8: {  	[smem:$0xAD] =	sst s10;
	s13 =	spop (v2sf);
	(v2sf) =	vpush v37, $0xD  }
0x1c9: {  	[smem:$0xAE] =	sst s13;
	s17 =	spop (v2sf);
	(v2sf) =	vpush v37, $0xE  }
0x1ca: {  	[smem:$0xAF] =	sst s17;
	s19 =	spop (v2sf);
	(v2sf) =	vpush v37, $0xF  }
0x1cb: {  	[smem:$0xB0] =	sst s19;
	s21 =	spop (v2sf);
	(v2sf) =	vpush v36, $0x0  }
0x1cc: {  	[smem:$0xB1] =	sst s21;
	s6 =	spop (v2sf);
	(v2sf) =	vpush v36, $0x1  }
0x1cd: {  	[smem:$0xB2] =	sst s6;
	s7 =	spop (v2sf);
	(v2sf) =	vpush v36, $0x2  }
0x1ce: {  	[smem:$0xB3] =	sst s7;
	s10 =	spop (v2sf);
	(v2sf) =	vpush v36, $0x3  }
0x1cf: {  	[smem:$0xB4] =	sst s10;
	s13 =	spop (v2sf);
	(v2sf) =	vpush v36, $0x4  }
0x1d0: {  	[smem:$0xB5] =	sst s13;
	s17 =	spop (v2sf);
	(v2sf) =	vpush v36, $0x5  }
0x1d1: {  	[smem:$0xB6] =	sst s17;
	s19 =	spop (v2sf);
	(v2sf) =	vpush v36, $0x6  }
0x1d2: {  	[smem:$0xB7] =	sst s19;
	s21 =	spop (v2sf);
	(v2sf) =	vpush v36, $0x7  }
0x1d3: {  	[smem:$0xB8] =	sst s21;
	s6 =	spop (v2sf);
	(v2sf) =	vpush v36, $0x8  }
0x1d4: {  	[smem:$0xB9] =	sst s6;
	s7 =	spop (v2sf);
	(v2sf) =	vpush v36, $0x9  }
0x1d5: {  	[smem:$0xBA] =	sst s7;
	s10 =	spop (v2sf);
	(v2sf) =	vpush v36, $0xA  }
0x1d6: {  	v37 =	vld [tilespmem:$0xD0];
	[smem:$0xBB] =	sst s10;
	s13 =	spop (v2sf);
	(v2sf) =	vpush v36, $0xB  }
0x1d7: {  	[smem:$0xBC] =	sst s13;
	s17 =	spop (v2sf);
	(v2sf) =	vpush v36, $0xC  }
0x1d8: {  	[smem:$0xBD] =	sst s17;
	s19 =	spop (v2sf);
	(v2sf) =	vpush v36, $0xD  }
0x1d9: {  	[smem:$0xBE] =	sst s19;
	s21 =	spop (v2sf);
	(v2sf) =	vpush v36, $0xE  }
0x1da: {  	[smem:$0xBF] =	sst s21;
	s6 =	spop (v2sf);
	(v2sf) =	vpush v36, $0xF  }
0x1db: {  	[smem:$0xC0] =	sst s6;
	s7 =	spop (v2sf);
	(v2sf) =	vpush v37, $0x0  }
0x1dc: {  	[smem:$0xC1] =	sst s7;
	s10 =	spop (v2sf);
	(v2sf) =	vpush v37, $0x1  }
0x1dd: {  	[smem:$0xC2] =	sst s10;
	s13 =	spop (v2sf);
	(v2sf) =	vpush v37, $0x2  }
0x1de: {  	[smem:$0xC3] =	sst s13;
	s17 =	spop (v2sf);
	(v2sf) =	vpush v37, $0x3  }
0x1df: {  	[smem:$0xC4] =	sst s17;
	s19 =	spop (v2sf);
	(v2sf) =	vpush v37, $0x4  }
0x1e0: {  	[smem:$0xC5] =	sst s19;
	s21 =	spop (v2sf);
	(v2sf) =	vpush v37, $0x5  }
0x1e1: {  	[smem:$0xC6] =	sst s21;
	s6 =	spop (v2sf);
	(v2sf) =	vpush v37, $0x6  }
0x1e2: {  	[smem:$0xC7] =	sst s6;
	s7 =	spop (v2sf);
	(v2sf) =	vpush v37, $0x7  }
0x1e3: {  	[smem:$0xC8] =	sst s7;
	s10 =	spop (v2sf);
	(v2sf) =	vpush v37, $0x8  }
0x1e4: {  	[smem:$0xC9] =	sst s10;
	s13 =	spop (v2sf);
	(v2sf) =	vpush v37, $0x9  }
0x1e5: {  	[smem:$0xCA] =	sst s13;
	s17 =	spop (v2sf);
	(v2sf) =	vpush v37, $0xA  }
0x1e6: {  	[smem:$0xCB] =	sst s17;
	s19 =	spop (v2sf)  }
0x1e7: {  	(v2sf) =	vpush v37, $0xB;
	[smem:$0xCC] =	sst s19;
	s21 =	spop (v2sf)  }
0x1e8: {  	v36 =	vld [tilespmem:$0xE0];
	(v2sf) =	vpush v37, $0xC;
	[smem:$0xCD] =	sst s21;
	s6 =	spop (v2sf)  }
0x1e9: {  	(v2sf) =	vpush v37, $0xD;
	[smem:$0xCE] =	sst s6;
	s7 =	spop (v2sf)  }
0x1ea: {  	(v2sf) =	vpush v37, $0xE;
	[smem:$0xCF] =	sst s7;
	s10 =	spop (v2sf)  }
0x1eb: {  	s13 =	spop (v2sf);
	[smem:$0xD0] =	sst s10  }
0x1ec: {  	(v2sf) =	vpush v37, $0xF;
	[smem:$0xD1] =	sst s13;
	s19 =	spop (v2sf)  }
0x1ed: {  	(v2sf) =	vpush v36, $0x0;
	[smem:$0xD2] =	sst s19;
	s21 =	spop (v2sf)  }
0x1ee: {  	(v2sf) =	vpush v36, $0x1;
	[smem:$0xD3] =	sst s21;
	s6 =	spop (v2sf)  }
0x1ef: {  	[smem:$0xD4] =	sst s6;
	s7 =	spop (v2sf)  }
0x1f0: {  	(v2sf) =	vpush v36, $0x2;
	s10 =	spop (v2sf);
	[smem:$0xD5] =	sst s7  }
0x1f1: {  	(v2sf) =	vpush v36, $0x3;
	s13 =	spop (v2sf);
	[smem:$0xD6] =	sst s10  }
0x1f2: {  	(v2sf) =	vpush v36, $0x4;
	[smem:$0xD7] =	sst s13;
	s19 =	spop (v2sf)  }
0x1f3: {  	[smem:$0xD8] =	sst s19;
	s21 =	spop (v2sf)  }
0x1f4: {  	(v2sf) =	vpush v36, $0x5;
	[smem:$0xD9] =	sst s21;
	s6 =	spop (v2sf)  }
0x1f5: {  	(v2sf) =	vpush v36, $0x6;
	[smem:$0xDA] =	sst s6  }
0x1f6: {  	s7 =	spop (v2sf);
	(v2sf) =	vpush v36, $0x7;
	s6 =	sld [smem:$0x0]  }
0x1f7: {  	[smem:$0xDB] =	sst s7;
	s10 =	spop (v2sf)  }
0x1f8: {  	[smem:$0xDC] =	sst s10;
	s13 =	spop (v2sf)  }
0x1f9: {  	(v2sf) =	vpush v36, $0x8;
	[smem:$0xDD] =	sst s13;
	s17 =	spop (v2sf)  }
0x1fa: {  	[smem:$0xDE] =	sst s17  }
0x1fb: {  	(v2sf) =	vpush v36, $0x9;
	s19 =	spop (v2sf);
	s17 =	sand.u32 $0xFFFFF80, s6;
	s6 =	sld [smem:$0x1]  }
0x1fc: {  	(v2sf) =	vpush v36, $0xA;
	[smem:$0xDF] =	sst s19;
	s21 =	spop (v2sf)  }
0x1fd: {  	(v2sf) =	vpush v36, $0xB;
	s19 =	sadd.s32 s0, s17;
	[smem:$0xE0] =	sst s21;
	s7 =	spop (v2sf)  }
0x1fe: {  	v37 =	vld [tilespmem:$0xF0];
	[tilespmem:s5], [sflag:$0x1] =	stream.strided.gather [hbm4b:s19+s11], $0x2000, s4, s11, $0x38  }
0x1ff: {  	[smem:$0xE1] =	sst s7;
	s10 =	spop (v2sf)  }
0x200: {  	(v2sf) =	vpush v36, $0xC;
	s17 =	sand.u32 $0xFFFFF80, s6;
	s6 =	simm.s32 $0x2100;
	s13 =	spop (v2sf)  }
0x201: {  	(v2sf) =	vpush v36, $0xD;
	[smem:$0xE2] =	sst s10;
	s17 =	sadd.s32 s0, s17;
	s21 =	spop (v2sf)  }
0x202: {  	(v2sf) =	vpush v36, $0xE;
	[tilespmem:s6], [sflag:$0x2] =	stream.strided.gather [hbm4b:s17+s11], $0x2000, s4, s11, $0x38;
	[tilespmem:$0x14100] =	vst v63  }
0x203: {  	(v2sf) =	vpush v36, $0xF;
	[smem:$0xE3] =	sst s13;
	s7 =	spop (v2sf)  }
0x204: {  	[smem:$0xE4] =	sst s21;
	s10 =	spop (v2sf)  }
0x205: {  	s21 =	sld [smem:$0x2];
	s13 =	spop (v2sf);
	(v2sf) =	vpush v37, $0x0  }
0x206: {  	[smem:$0xE5] =	sst s7;
	(v2sf) =	vpush v37, $0x1  }
0x207: {  	[smem:$0xE6] =	sst s10;
	(v2sf) =	vpush v37, $0x2  }
0x208: {  	s17 =	sand.u32 $0xFFFFF80, s21;
	s21 =	sld [smem:$0x3];
	s19 =	spop (v2sf);
	(v2sf) =	vpush v37, $0x3  }
0x209: {  	[smem:$0xE7] =	sst s13  }
0x20a: {  	[smem:$0xE8] =	sst s19;
	s7 =	spop (v2sf)  }
0x20b: {  	s17 =	sadd.s32 s0, s17;
	[smem:$0xE9] =	sst s7;
	s10 =	spop (v2sf)  }
0x20c: {  	s7 =	simm.s32 $0x4100;
	[smem:$0xEA] =	sst s10;
	s13 =	spop (v2sf);
	(v2sf) =	vpush v37, $0x4  }
0x20d: {  	[tilespmem:s7], [sflag:$0x3] =	stream.strided.gather [hbm4b:s17+s11], $0x2000, s4, s11, $0x38;
	(v2sf) =	vpush v37, $0x5;
	[tilespmem:$0x14100] =	vst v63  }
0x20e: {  	s17 =	sand.u32 $0xFFFFF80, s21;
	[smem:$0xEB] =	sst s13;
	(v2sf) =	vpush v37, $0x6  }
0x20f: {  	s19 =	spop (v2sf);
	s21 =	sadd.s32 s0, s17;
	s17 =	sld [smem:$0x4]  }
0x210: {  	[smem:$0xEC] =	sst s19;
	s10 =	spop (v2sf)  }
0x211: {  	(v2sf) =	vpush v37, $0x7;
	[smem:$0xED] =	sst s10;
	s13 =	spop (v2sf)  }
0x212: {  	s10 =	simm.s32 $0x6100;
	[smem:$0xEE] =	sst s13;
	s19 =	spop (v2sf);
	(v2sf) =	vpush v37, $0x8  }
0x213: {  	[tilespmem:s10], [sflag:$0x4] =	stream.strided.gather [hbm4b:s21+s11], $0x2000, s4, s11, $0x38;
	(v2sf) =	vpush v37, $0x9;
	[tilespmem:$0x14100] =	vst v63  }
0x214: {  	[smem:$0xEF] =	sst s19;
	(v2sf) =	vpush v37, $0xA;
	s13 =	spop (v2sf)  }
0x215: {  	[smem:$0xF0] =	sst s13;
	s19 =	spop (v2sf)  }
0x216: {  	[smem:$0xF1] =	sst s19;
	s21 =	spop (v2sf)  }
0x217: {  	s17 =	sand.u32 $0xFFFFF80, s17;
	(v2sf) =	vpush v37, $0xB;
	[smem:$0xF2] =	sst s21;
	s13 =	spop (v2sf)  }
0x218: {  	s17 =	sadd.s32 s0, s17;
	(v2sf) =	vpush v37, $0xC;
	[smem:$0xF3] =	sst s13;
	s13 =	simm.s32 $0x8100  }
0x219: {  	(v2sf) =	vpush v37, $0xD;
	[tilespmem:s13], [sflag:$0x5] =	stream.strided.gather [hbm4b:s17+s11], $0x2000, s4, s11, $0x38;
	[tilespmem:$0x14100] =	vst v63  }
0x21a: {  	(v2sf) =	vpush v37, $0xE;
	s17 =	sld [smem:$0x5]  }
0x21b: {  	s19 =	spop (v2sf);
	(v2sf) =	vpush v37, $0xF  }
0x21c: {  	[smem:$0xF4] =	sst s19;
	s21 =	spop (v2sf)  }
0x21d: {  	[smem:$0xF5] =	sst s21;
	s19 =	spop (v2sf);
	s17 =	sand.u32 $0xFFFFF80, s17  }
0x21e: {  	[smem:$0xF6] =	sst s19;
	s17 =	sadd.s32 s0, s17  }
0x21f: {  	[tilespmem:s20], [sflag:$0x6] =	stream.strided.gather [hbm4b:s17+s11], $0x2000, s4, s11, $0x38;
	[tilespmem:$0x14100] =	vst v63  }
0x220: {  	s21 =	spop (v2sf);
	s17 =	sld [smem:$0x6]  }
0x221: {  	[smem:$0xF7] =	sst s21;
	s19 =	spop (v2sf)  }
0x222: {  	[smem:$0xF8] =	sst s19;
	s21 =	spop (v2sf)  }
0x223: {  	[smem:$0xF9] =	sst s21;
	s19 =	spop (v2sf);
	s17 =	sand.u32 $0xFFFFF80, s17  }
0x224: {  	[smem:$0xFA] =	sst s19;
	s17 =	sadd.s32 s0, s17  }
0x225: {  	[tilespmem:s22], [sflag:$0x7] =	stream.strided.gather [hbm4b:s17+s11], $0x2000, s4, s11, $0x38;
	[tilespmem:$0x14100] =	vst v63  }
0x226: {  	s21 =	spop (v2sf);
	s17 =	sld [smem:$0x7]  }
0x227: {  	[smem:$0xFB] =	sst s21;
	s19 =	spop (v2sf)  }
0x228: {  	[smem:$0xFC] =	sst s19;
	s21 =	spop (v2sf)  }
0x229: {  	s17 =	sand.u32 $0xFFFFF80, s17;
	[smem:$0xFD] =	sst s21;
	s19 =	spop (v2sf)  }
0x22a: {  	[smem:$0xFE] =	sst s19;
	s21 =	spop (v2sf);
	s19 =	sadd.s32 s0, s17  }
0x22b: {  	[tilespmem:s23], [sflag:$0x8] =	stream.strided.gather [hbm4b:s19+s11], $0x2000, s4, s11, $0x38;
	[tilespmem:$0x14100] =	vst v63  }
0x22c: {  	[smem:$0xFF] =	sst s21;
	s21 =	simm.s32 $0x9  }
0x22d: {  	_ =	swait.ge [sflag:s21], $0x2000  }
0x22e: {  	[sflag:s21] =	ssyncset.done $0x0  }
0x22f: {  	[sflag:s21] =	ssyncadd.s32 $0xFFFFE000  }
0x230: {  	_ =	swait.ge [sflag:s21], $0x2000  }
0x231: {  	s24 =	simm.s32 $0x10500;
	[sflag:s21] =	ssyncset.done $0x0  }
0x232: {  	s15 =	simm.s32 $0x8;
	s17 =	simm.s32 $0x7;
	[sflag:s21] =	ssyncadd.s32 $0xFFFFE000  }
.LBB2_2:
0x233: {  	_ =	swait.ge [sflag:s25], $0x2000  }
0x234: {  	[sflag:s25] =	ssyncset.done $0x0  }
0x235: {  	[sflag:s25] =	ssyncadd.s32 $0xFFFFE000  }
0x236: {  	s19 =	sld [smem:s15+$0xFFFFFFF8];
	_ =	sdelay $0x2  }
0x237: {  	s19 =	sand.u32 $0x7F, s19  }
0x238: {  	s21 =	sadd.s32 $0xFFFFFFF9, s17;
	v36 =	vor.u32 s19, v0  }
0x239: {  	v37 =	vmov s21  }
0x23a: {  	v38 =	vshll.u32 v37, $0x3  }
0x23b: {  	v37 =	vand.u32 $0x78, v37;
	v38 =	vand.u32 $0x400, v38  }
0x23c: {  	v37 =	vor.u32 v37, v38  }
0x23d: {  	v38 =	vor.u32 v1, v37;
	v36 =	vld.idx.msk [tilespmem:v36+s5+$0x0], $0xffff  }
0x23e: {  	v39 =	vor.u32 s19, v2;
	_ =	sdelay $0x3  }
0x23f: {  	[tilespmem:v38+s12+$0x0] =	vst.idx.add.f32.msk $0xffff, v36  }
0x240: {  	v38 =	vor.u32 v3, v37;
	v36 =	vld.idx.msk [tilespmem:v39+s5+$0x0], $0xffff  }
0x241: {  	v39 =	vor.u32 s19, v4;
	_ =	sdelay $0x3  }
0x242: {  	[tilespmem:v38+s12+$0x0] =	vst.idx.add.f32.msk $0xffff, v36  }
0x243: {  	v38 =	vor.u32 v5, v37;
	v36 =	vld.idx.msk [tilespmem:v39+s5+$0x0], $0xffff  }
0x244: {  	v39 =	vor.u32 s19, v6;
	_ =	sdelay $0x3  }
0x245: {  	[tilespmem:v38+s12+$0x0] =	vst.idx.add.f32.msk $0xffff, v36  }
0x246: {  	v37 =	vor.u32 v7, v37;
	v36 =	vld.idx.msk [tilespmem:v39+s5+$0x0], $0xffff  }
0x247: {  	s21 =	sld [smem:s15+$0x0];
	_ =	sdelay $0x2  }
0x248: {  	s19 =	sand.u32 $0xFFFFF80, s21  }
0x249: {  	s19 =	sadd.s32 s0, s19;
	[tilespmem:v37+s12+$0x0] =	vst.idx.add.f32.msk $0xffff, v36  }
0x24a: {  	[tilespmem:s5], [sflag:$0x1] =	stream.strided.gather [hbm4b:s19+s11], $0x2000, s4, s11, $0x38;
	[tilespmem:$0x14100] =	vst v63  }
0x24b: {  	_ =	swait.ge [sflag:s26], $0x2000  }
0x24c: {  	[sflag:s26] =	ssyncset.done $0x0  }
0x24d: {  	[sflag:s26] =	ssyncadd.s32 $0xFFFFE000  }
0x24e: {  	s21 =	sld [smem:s15+$0xFFFFFFF9];
	_ =	sdelay $0x2  }
0x24f: {  	s19 =	sand.u32 $0x7F, s21  }
0x250: {  	s21 =	sadd.s32 $0xFFFFFFFA, s17;
	v36 =	vor.u32 s19, v8  }
0x251: {  	v37 =	vmov s21  }
0x252: {  	v38 =	vshll.u32 v37, $0x3  }
0x253: {  	v37 =	vand.u32 $0x79, v37;
	v38 =	vand.u32 $0x400, v38  }
0x254: {  	v37 =	vor.u32 v37, v38  }
0x255: {  	v38 =	vor.u32 v1, v37;
	v36 =	vld.idx.msk [tilespmem:v36+s5+$0x0], $0xffff  }
0x256: {  	v39 =	vor.u32 s19, v9;
	_ =	sdelay $0x3  }
0x257: {  	[tilespmem:v38+s12+$0x0] =	vst.idx.add.f32.msk $0xffff, v36  }
0x258: {  	v38 =	vor.u32 v3, v37;
	v36 =	vld.idx.msk [tilespmem:v39+s5+$0x0], $0xffff  }
0x259: {  	v39 =	vor.u32 s19, v10;
	_ =	sdelay $0x3  }
0x25a: {  	[tilespmem:v38+s12+$0x0] =	vst.idx.add.f32.msk $0xffff, v36  }
0x25b: {  	v38 =	vor.u32 v5, v37;
	v36 =	vld.idx.msk [tilespmem:v39+s5+$0x0], $0xffff  }
0x25c: {  	v39 =	vor.u32 s19, v11;
	_ =	sdelay $0x3  }
0x25d: {  	[tilespmem:v38+s12+$0x0] =	vst.idx.add.f32.msk $0xffff, v36  }
0x25e: {  	v37 =	vor.u32 v7, v37;
	v36 =	vld.idx.msk [tilespmem:v39+s5+$0x0], $0xffff  }
0x25f: {  	s21 =	sld [smem:s15+$0x1];
	_ =	sdelay $0x2  }
0x260: {  	s19 =	sand.u32 $0xFFFFF80, s21  }
0x261: {  	s19 =	sadd.s32 s0, s19;
	[tilespmem:v37+s12+$0x0] =	vst.idx.add.f32.msk $0xffff, v36  }
0x262: {  	[tilespmem:s6], [sflag:$0x2] =	stream.strided.gather [hbm4b:s19+s11], $0x2000, s4, s11, $0x38;
	[tilespmem:$0x14100] =	vst v63  }
0x263: {  	_ =	swait.ge [sflag:s28], $0x2000  }
0x264: {  	[sflag:s28] =	ssyncset.done $0x0  }
0x265: {  	[sflag:s28] =	ssyncadd.s32 $0xFFFFE000  }
0x266: {  	s21 =	sld [smem:s15+$0xFFFFFFFA];
	_ =	sdelay $0x2  }
0x267: {  	s19 =	sand.u32 $0x7F, s21  }
0x268: {  	s21 =	sadd.s32 $0xFFFFFFFB, s17;
	v36 =	vor.u32 s19, v12  }
0x269: {  	v37 =	vmov s21  }
0x26a: {  	v38 =	vshll.u32 v37, $0x3  }
0x26b: {  	v37 =	vand.u32 $0x7A, v37;
	v38 =	vand.u32 $0x400, v38  }
0x26c: {  	v37 =	vor.u32 v37, v38  }
0x26d: {  	v38 =	vor.u32 v1, v37;
	v36 =	vld.idx.msk [tilespmem:v36+s5+$0x0], $0xffff  }
0x26e: {  	v39 =	vor.u32 s19, v13;
	_ =	sdelay $0x3  }
0x26f: {  	[tilespmem:v38+s12+$0x0] =	vst.idx.add.f32.msk $0xffff, v36  }
0x270: {  	v38 =	vor.u32 v3, v37;
	v36 =	vld.idx.msk [tilespmem:v39+s5+$0x0], $0xffff  }
0x271: {  	v39 =	vor.u32 s19, v14;
	_ =	sdelay $0x3  }
0x272: {  	[tilespmem:v38+s12+$0x0] =	vst.idx.add.f32.msk $0xffff, v36  }
0x273: {  	v38 =	vor.u32 v5, v37;
	v36 =	vld.idx.msk [tilespmem:v39+s5+$0x0], $0xffff  }
0x274: {  	v39 =	vor.u32 s19, v15;
	_ =	sdelay $0x3  }
0x275: {  	[tilespmem:v38+s12+$0x0] =	vst.idx.add.f32.msk $0xffff, v36  }
0x276: {  	v37 =	vor.u32 v7, v37;
	v36 =	vld.idx.msk [tilespmem:v39+s5+$0x0], $0xffff  }
0x277: {  	s21 =	sld [smem:s15+$0x2];
	_ =	sdelay $0x2  }
0x278: {  	s19 =	sand.u32 $0xFFFFF80, s21  }
0x279: {  	s19 =	sadd.s32 s0, s19;
	[tilespmem:v37+s12+$0x0] =	vst.idx.add.f32.msk $0xffff, v36  }
0x27a: {  	[tilespmem:s7], [sflag:$0x3] =	stream.strided.gather [hbm4b:s19+s11], $0x2000, s4, s11, $0x38;
	[tilespmem:$0x14100] =	vst v63  }
0x27b: {  	_ =	swait.ge [sflag:s29], $0x2000  }
0x27c: {  	[sflag:s29] =	ssyncset.done $0x0  }
0x27d: {  	[sflag:s29] =	ssyncadd.s32 $0xFFFFE000  }
0x27e: {  	s21 =	sld [smem:s15+$0xFFFFFFFB];
	_ =	sdelay $0x2  }
0x27f: {  	s19 =	sand.u32 $0x7F, s21  }
0x280: {  	s21 =	sadd.s32 $0xFFFFFFFC, s17;
	v36 =	vor.u32 s19, v16  }
0x281: {  	v37 =	vmov s21  }
0x282: {  	v38 =	vshll.u32 v37, $0x3  }
0x283: {  	v37 =	vand.u32 $0x7B, v37;
	v38 =	vand.u32 $0x400, v38  }
0x284: {  	v37 =	vor.u32 v37, v38  }
0x285: {  	v38 =	vor.u32 v1, v37;
	v36 =	vld.idx.msk [tilespmem:v36+s5+$0x0], $0xffff  }
0x286: {  	v39 =	vor.u32 s19, v17;
	_ =	sdelay $0x3  }
0x287: {  	[tilespmem:v38+s12+$0x0] =	vst.idx.add.f32.msk $0xffff, v36  }
0x288: {  	v38 =	vor.u32 v3, v37;
	v36 =	vld.idx.msk [tilespmem:v39+s5+$0x0], $0xffff  }
0x289: {  	v39 =	vor.u32 s19, v18;
	_ =	sdelay $0x3  }
0x28a: {  	[tilespmem:v38+s12+$0x0] =	vst.idx.add.f32.msk $0xffff, v36  }
0x28b: {  	v38 =	vor.u32 v5, v37;
	v36 =	vld.idx.msk [tilespmem:v39+s5+$0x0], $0xffff  }
0x28c: {  	v39 =	vor.u32 s19, v19;
	_ =	sdelay $0x3  }
0x28d: {  	[tilespmem:v38+s12+$0x0] =	vst.idx.add.f32.msk $0xffff, v36  }
0x28e: {  	v37 =	vor.u32 v7, v37;
	v36 =	vld.idx.msk [tilespmem:v39+s5+$0x0], $0xffff  }
0x28f: {  	s21 =	sld [smem:s15+$0x3];
	_ =	sdelay $0x2  }
0x290: {  	s19 =	sand.u32 $0xFFFFF80, s21  }
0x291: {  	s19 =	sadd.s32 s0, s19;
	[tilespmem:v37+s12+$0x0] =	vst.idx.add.f32.msk $0xffff, v36  }
0x292: {  	[tilespmem:s10], [sflag:$0x4] =	stream.strided.gather [hbm4b:s19+s11], $0x2000, s4, s11, $0x38;
	[tilespmem:$0x14100] =	vst v63  }
0x293: {  	_ =	swait.ge [sflag:s30], $0x2000  }
0x294: {  	[sflag:s30] =	ssyncset.done $0x0  }
0x295: {  	[sflag:s30] =	ssyncadd.s32 $0xFFFFE000  }
0x296: {  	s21 =	sld [smem:s15+$0xFFFFFFFC];
	_ =	sdelay $0x2  }
0x297: {  	s19 =	sand.u32 $0x7F, s21  }
0x298: {  	s21 =	sadd.s32 $0xFFFFFFFD, s17;
	v36 =	vor.u32 s19, v20  }
0x299: {  	v37 =	vmov s21  }
0x29a: {  	v38 =	vshll.u32 v37, $0x3  }
0x29b: {  	v37 =	vand.u32 $0x7C, v37;
	v38 =	vand.u32 $0x400, v38  }
0x29c: {  	v37 =	vor.u32 v37, v38  }
0x29d: {  	v38 =	vor.u32 v1, v37;
	v36 =	vld.idx.msk [tilespmem:v36+s5+$0x0], $0xffff  }
0x29e: {  	v39 =	vor.u32 s19, v21;
	_ =	sdelay $0x3  }
0x29f: {  	[tilespmem:v38+s12+$0x0] =	vst.idx.add.f32.msk $0xffff, v36  }
0x2a0: {  	v38 =	vor.u32 v3, v37;
	v36 =	vld.idx.msk [tilespmem:v39+s5+$0x0], $0xffff  }
0x2a1: {  	v39 =	vor.u32 s19, v22;
	_ =	sdelay $0x3  }
0x2a2: {  	[tilespmem:v38+s12+$0x0] =	vst.idx.add.f32.msk $0xffff, v36  }
0x2a3: {  	v38 =	vor.u32 v5, v37;
	v36 =	vld.idx.msk [tilespmem:v39+s5+$0x0], $0xffff  }
0x2a4: {  	v39 =	vor.u32 s19, v23;
	_ =	sdelay $0x3  }
0x2a5: {  	[tilespmem:v38+s12+$0x0] =	vst.idx.add.f32.msk $0xffff, v36  }
0x2a6: {  	v37 =	vor.u32 v7, v37;
	v36 =	vld.idx.msk [tilespmem:v39+s5+$0x0], $0xffff  }
0x2a7: {  	s21 =	sld [smem:s15+$0x4];
	_ =	sdelay $0x2  }
0x2a8: {  	s19 =	sand.u32 $0xFFFFF80, s21  }
0x2a9: {  	s19 =	sadd.s32 s0, s19;
	[tilespmem:v37+s12+$0x0] =	vst.idx.add.f32.msk $0xffff, v36  }
0x2aa: {  	[tilespmem:s13], [sflag:$0x5] =	stream.strided.gather [hbm4b:s19+s11], $0x2000, s4, s11, $0x38;
	[tilespmem:$0x14100] =	vst v63  }
0x2ab: {  	_ =	swait.ge [sflag:s31], $0x2000  }
0x2ac: {  	[sflag:s31] =	ssyncset.done $0x0  }
0x2ad: {  	[sflag:s31] =	ssyncadd.s32 $0xFFFFE000  }
0x2ae: {  	s21 =	sld [smem:s15+$0xFFFFFFFD];
	_ =	sdelay $0x2  }
0x2af: {  	s19 =	sand.u32 $0x7F, s21  }
0x2b0: {  	s21 =	sadd.s32 $0xFFFFFFFE, s17;
	v36 =	vor.u32 s19, v24  }
0x2b1: {  	v37 =	vmov s21  }
0x2b2: {  	v38 =	vshll.u32 v37, $0x3  }
0x2b3: {  	v37 =	vand.u32 $0x7D, v37;
	v38 =	vand.u32 $0x400, v38  }
0x2b4: {  	v37 =	vor.u32 v37, v38  }
0x2b5: {  	v38 =	vor.u32 v1, v37;
	v36 =	vld.idx.msk [tilespmem:v36+s5+$0x0], $0xffff  }
0x2b6: {  	v39 =	vor.u32 s19, v25;
	_ =	sdelay $0x3  }
0x2b7: {  	[tilespmem:v38+s12+$0x0] =	vst.idx.add.f32.msk $0xffff, v36  }
0x2b8: {  	v38 =	vor.u32 v3, v37;
	v36 =	vld.idx.msk [tilespmem:v39+s5+$0x0], $0xffff  }
0x2b9: {  	v39 =	vor.u32 s19, v26;
	_ =	sdelay $0x3  }
0x2ba: {  	[tilespmem:v38+s12+$0x0] =	vst.idx.add.f32.msk $0xffff, v36  }
0x2bb: {  	v38 =	vor.u32 v5, v37;
	v36 =	vld.idx.msk [tilespmem:v39+s5+$0x0], $0xffff  }
0x2bc: {  	v39 =	vor.u32 s19, v27;
	_ =	sdelay $0x3  }
0x2bd: {  	[tilespmem:v38+s12+$0x0] =	vst.idx.add.f32.msk $0xffff, v36  }
0x2be: {  	v37 =	vor.u32 v7, v37;
	v36 =	vld.idx.msk [tilespmem:v39+s5+$0x0], $0xffff  }
0x2bf: {  	s21 =	sld [smem:s15+$0x5];
	_ =	sdelay $0x2  }
0x2c0: {  	s19 =	sand.u32 $0xFFFFF80, s21  }
0x2c1: {  	s19 =	sadd.s32 s0, s19;
	[tilespmem:v37+s12+$0x0] =	vst.idx.add.f32.msk $0xffff, v36  }
0x2c2: {  	[tilespmem:s20], [sflag:$0x6] =	stream.strided.gather [hbm4b:s19+s11], $0x2000, s4, s11, $0x38;
	[tilespmem:$0x14100] =	vst v63  }
0x2c3: {  	_ =	swait.ge [sflag:s1], $0x2000  }
0x2c4: {  	[sflag:s1] =	ssyncset.done $0x0  }
0x2c5: {  	[sflag:s1] =	ssyncadd.s32 $0xFFFFE000  }
0x2c6: {  	s21 =	sld [smem:s15+$0xFFFFFFFE];
	_ =	sdelay $0x2  }
0x2c7: {  	s19 =	sand.u32 $0x7F, s21  }
0x2c8: {  	s21 =	sadd.s32 $0xFFFFFFFF, s17;
	v36 =	vor.u32 s19, v28  }
0x2c9: {  	v37 =	vmov s21  }
0x2ca: {  	v38 =	vshll.u32 v37, $0x3  }
0x2cb: {  	v37 =	vand.u32 $0x7E, v37;
	v38 =	vand.u32 $0x400, v38  }
0x2cc: {  	v37 =	vor.u32 v37, v38  }
0x2cd: {  	v38 =	vor.u32 v1, v37;
	v36 =	vld.idx.msk [tilespmem:v36+s5+$0x0], $0xffff  }
0x2ce: {  	v39 =	vor.u32 s19, v29;
	_ =	sdelay $0x3  }
0x2cf: {  	[tilespmem:v38+s12+$0x0] =	vst.idx.add.f32.msk $0xffff, v36  }
0x2d0: {  	v38 =	vor.u32 v3, v37;
	v36 =	vld.idx.msk [tilespmem:v39+s5+$0x0], $0xffff  }
0x2d1: {  	v39 =	vor.u32 s19, v30;
	_ =	sdelay $0x3  }
0x2d2: {  	[tilespmem:v38+s12+$0x0] =	vst.idx.add.f32.msk $0xffff, v36  }
0x2d3: {  	v38 =	vor.u32 v5, v37;
	v36 =	vld.idx.msk [tilespmem:v39+s5+$0x0], $0xffff  }
0x2d4: {  	v39 =	vor.u32 s19, v31;
	_ =	sdelay $0x3  }
0x2d5: {  	[tilespmem:v38+s12+$0x0] =	vst.idx.add.f32.msk $0xffff, v36  }
0x2d6: {  	v37 =	vor.u32 v7, v37;
	v36 =	vld.idx.msk [tilespmem:v39+s5+$0x0], $0xffff  }
0x2d7: {  	s21 =	sld [smem:s15+$0x6];
	_ =	sdelay $0x2  }
0x2d8: {  	s19 =	sand.u32 $0xFFFFF80, s21  }
0x2d9: {  	s19 =	sadd.s32 s0, s19;
	[tilespmem:v37+s12+$0x0] =	vst.idx.add.f32.msk $0xffff, v36  }
0x2da: {  	[tilespmem:s22], [sflag:$0x7] =	stream.strided.gather [hbm4b:s19+s11], $0x2000, s4, s11, $0x38;
	[tilespmem:$0x14100] =	vst v63  }
0x2db: {  	_ =	swait.ge [sflag:s2], $0x2000  }
0x2dc: {  	[sflag:s2] =	ssyncset.done $0x0  }
0x2dd: {  	[sflag:s2] =	ssyncadd.s32 $0xFFFFE000  }
0x2de: {  	s21 =	sld [smem:s15+$0xFFFFFFFF];
	_ =	sdelay $0x2  }
0x2df: {  	s19 =	sand.u32 $0x7F, s21  }
0x2e0: {  	v36 =	vor.u32 s19, v32  }
0x2e1: {  	v37 =	vmov s17  }
0x2e2: {  	v38 =	vshll.u32 v37, $0x3  }
0x2e3: {  	v37 =	vand.u32 $0x7F, v37;
	v38 =	vand.u32 $0x400, v38  }
0x2e4: {  	v37 =	vor.u32 v37, v38  }
0x2e5: {  	v38 =	vor.u32 v1, v37;
	v36 =	vld.idx.msk [tilespmem:v36+s5+$0x0], $0xffff  }
0x2e6: {  	v39 =	vor.u32 s19, v33;
	_ =	sdelay $0x3  }
0x2e7: {  	[tilespmem:v38+s12+$0x0] =	vst.idx.add.f32.msk $0xffff, v36  }
0x2e8: {  	v38 =	vor.u32 v3, v37;
	v36 =	vld.idx.msk [tilespmem:v39+s5+$0x0], $0xffff  }
0x2e9: {  	v39 =	vor.u32 s19, v34;
	_ =	sdelay $0x3  }
0x2ea: {  	[tilespmem:v38+s12+$0x0] =	vst.idx.add.f32.msk $0xffff, v36  }
0x2eb: {  	v38 =	vor.u32 v5, v37;
	v36 =	vld.idx.msk [tilespmem:v39+s5+$0x0], $0xffff  }
0x2ec: {  	v39 =	vor.u32 s19, v35;
	_ =	sdelay $0x3  }
0x2ed: {  	[tilespmem:v38+s12+$0x0] =	vst.idx.add.f32.msk $0xffff, v36  }
0x2ee: {  	v37 =	vor.u32 v7, v37;
	v36 =	vld.idx.msk [tilespmem:v39+s5+$0x0], $0xffff  }
0x2ef: {  	p0 =	sne.s32 s17, $0xF7;
	s21 =	sld [smem:s15+$0x7]  }
.Ltmp0:
0x2f0: {  	_ = 	snop;
	(pc) =	sbr.rel @p0 .LBB2_2-.Ltmp0, $4  }
0x2f1: {  	_ = 	snop  }
0x2f2: {  	s19 =	sand.u32 $0xFFFFF80, s21  }
0x2f3: {  	s17 =	sadd.s32 $0x8, s17;
	s15 =	sadd.s32 $0x8, s15;
	s19 =	sadd.s32 s0, s19;
	[tilespmem:v37+s12+$0x0] =	vst.idx.add.f32.msk $0xffff, v36  }
0x2f4: {  	[tilespmem:s23], [sflag:$0x8] =	stream.strided.gather [hbm4b:s19+s11], $0x2000, s4, s11, $0x38;
	[tilespmem:$0x14100] =	vst v63  }
0x2f5: {  	_ =	swait.ge [sflag:s25], $0x2000  }
0x2f6: {  	[sflag:s25] =	ssyncset.done $0x0  }
0x2f7: {  	[sflag:s25] =	ssyncadd.s32 $0xFFFFE000  }
0x2f8: {  	s15 =	sld [smem:$0xF8];
	_ =	sdelay $0x2  }
0x2f9: {  	s15 =	sand.u32 $0x7F, s15  }
0x2fa: {  	v36 =	vor.u32 s15, v0;
	_ =	sdelay $0x1  }
0x2fb: {  	v38 =	vld [tilespmem:$0x1FF80];
	_ =	sdelay $0x2  }
0x2fc: {  	v36 =	vld.idx.msk [tilespmem:v36+s5+$0x0], $0xffff;
	_ =	sdelay $0x3  }
0x2fd: {  	v37 =	vor.u32 s15, v2  }
0x2fe: {  	[tilespmem:v38+s12+$0x0] =	vst.idx.add.f32.msk $0xffff, v36  }
0x2ff: {  	v38 =	vld [tilespmem:$0x1FF90];
	_ =	sdelay $0x2  }
0x300: {  	v36 =	vld.idx.msk [tilespmem:v37+s5+$0x0], $0xffff;
	_ =	sdelay $0x3  }
0x301: {  	v37 =	vor.u32 s15, v4  }
0x302: {  	[tilespmem:v38+s12+$0x0] =	vst.idx.add.f32.msk $0xffff, v36  }
0x303: {  	v38 =	vld [tilespmem:$0x1FFA0];
	_ =	sdelay $0x2  }
0x304: {  	v36 =	vld.idx.msk [tilespmem:v37+s5+$0x0], $0xffff  }
0x305: {  	v37 =	vor.u32 s15, v6;
	_ =	sdelay $0x3  }
0x306: {  	[tilespmem:v38+s12+$0x0] =	vst.idx.add.f32.msk $0xffff, v36  }
0x307: {  	v36 =	vld.idx.msk [tilespmem:v37+s5+$0x0], $0xffff  }
0x308: {  	v37 =	vld [tilespmem:$0x1FFB0];
	_ =	sdelay $0x7  }
0x309: {  	[tilespmem:v37+s12+$0x0] =	vst.idx.add.f32.msk $0xffff, v36  }
0x30a: {  	_ =	swait.ge [sflag:s26], $0x2000  }
0x30b: {  	[sflag:s26] =	ssyncset.done $0x0  }
0x30c: {  	[sflag:s26] =	ssyncadd.s32 $0xFFFFE000  }
0x30d: {  	s13 =	sld [smem:$0xF9];
	_ =	sdelay $0x2  }
0x30e: {  	s15 =	sand.u32 $0x7F, s13  }
0x30f: {  	v36 =	vor.u32 s15, v8;
	_ =	sdelay $0x1  }
0x310: {  	v38 =	vld [tilespmem:$0x1FFC0];
	_ =	sdelay $0x2  }
0x311: {  	v36 =	vld.idx.msk [tilespmem:v36+s5+$0x0], $0xffff;
	_ =	sdelay $0x3  }
0x312: {  	v37 =	vor.u32 s15, v9  }
0x313: {  	[tilespmem:v38+s12+$0x0] =	vst.idx.add.f32.msk $0xffff, v36  }
0x314: {  	v38 =	vld [tilespmem:$0x1FFD0];
	_ =	sdelay $0x2  }
0x315: {  	v36 =	vld.idx.msk [tilespmem:v37+s5+$0x0], $0xffff;
	_ =	sdelay $0x3  }
0x316: {  	v37 =	vor.u32 s15, v10  }
0x317: {  	[tilespmem:v38+s12+$0x0] =	vst.idx.add.f32.msk $0xffff, v36  }
0x318: {  	v38 =	vld [tilespmem:$0x1FFE0];
	_ =	sdelay $0x2  }
0x319: {  	v36 =	vld.idx.msk [tilespmem:v37+s5+$0x0], $0xffff  }
0x31a: {  	v37 =	vor.u32 s15, v11;
	_ =	sdelay $0x3  }
0x31b: {  	[tilespmem:v38+s12+$0x0] =	vst.idx.add.f32.msk $0xffff, v36  }
0x31c: {  	v36 =	vld.idx.msk [tilespmem:v37+s5+$0x0], $0xffff  }
0x31d: {  	v37 =	vld [tilespmem:$0x1FFF0];
	_ =	sdelay $0x7  }
0x31e: {  	[tilespmem:v37+s12+$0x0] =	vst.idx.add.f32.msk $0xffff, v36  }
0x31f: {  	_ =	swait.ge [sflag:s28], $0x2000  }
0x320: {  	[sflag:s28] =	ssyncset.done $0x0  }
0x321: {  	[sflag:s28] =	ssyncadd.s32 $0xFFFFE000  }
0x322: {  	s17 =	sld [smem:$0xFA];
	_ =	sdelay $0x2  }
0x323: {  	s15 =	sand.u32 $0x7F, s17  }
0x324: {  	v36 =	vor.u32 s15, v12;
	_ =	sdelay $0x4  }
0x325: {  	v36 =	vld.idx.msk [tilespmem:v36+s5+$0x0], $0xffff  }
0x326: {  	v37 =	vor.u32 s15, v13;
	_ =	sdelay $0x3  }
0x327: {  	[tilespmem:v40+s12+$0x0] =	vst.idx.add.f32.msk $0xffff, v36  }
0x328: {  	v36 =	vld.idx.msk [tilespmem:v37+s5+$0x0], $0xffff  }
0x329: {  	v37 =	vor.u32 s15, v14;
	_ =	sdelay $0x3  }
0x32a: {  	[tilespmem:v41+s12+$0x0] =	vst.idx.add.f32.msk $0xffff, v36  }
0x32b: {  	v36 =	vld.idx.msk [tilespmem:v37+s5+$0x0], $0xffff  }
0x32c: {  	v37 =	vor.u32 s15, v15;
	_ =	sdelay $0x3  }
0x32d: {  	[tilespmem:v42+s12+$0x0] =	vst.idx.add.f32.msk $0xffff, v36  }
0x32e: {  	v36 =	vld.idx.msk [tilespmem:v37+s5+$0x0], $0xffff;
	_ =	sdelay $0x4  }
0x32f: {  	[tilespmem:v43+s12+$0x0] =	vst.idx.add.f32.msk $0xffff, v36  }
0x330: {  	_ =	swait.ge [sflag:s29], $0x2000  }
0x331: {  	[sflag:s29] =	ssyncset.done $0x0  }
0x332: {  	[sflag:s29] =	ssyncadd.s32 $0xFFFFE000  }
0x333: {  	s19 =	sld [smem:$0xFB];
	_ =	sdelay $0x2  }
0x334: {  	s15 =	sand.u32 $0x7F, s19  }
0x335: {  	v36 =	vor.u32 s15, v16;
	_ =	sdelay $0x4  }
0x336: {  	v36 =	vld.idx.msk [tilespmem:v36+s5+$0x0], $0xffff  }
0x337: {  	v37 =	vor.u32 s15, v17;
	_ =	sdelay $0x3  }
0x338: {  	[tilespmem:v44+s12+$0x0] =	vst.idx.add.f32.msk $0xffff, v36  }
0x339: {  	v36 =	vld.idx.msk [tilespmem:v37+s5+$0x0], $0xffff  }
0x33a: {  	v37 =	vor.u32 s15, v18;
	_ =	sdelay $0x3  }
0x33b: {  	[tilespmem:v45+s12+$0x0] =	vst.idx.add.f32.msk $0xffff, v36  }
0x33c: {  	v36 =	vld.idx.msk [tilespmem:v37+s5+$0x0], $0xffff  }
0x33d: {  	v37 =	vor.u32 s15, v19;
	_ =	sdelay $0x3  }
0x33e: {  	[tilespmem:v46+s12+$0x0] =	vst.idx.add.f32.msk $0xffff, v36  }
0x33f: {  	v36 =	vld.idx.msk [tilespmem:v37+s5+$0x0], $0xffff;
	_ =	sdelay $0x4  }
0x340: {  	[tilespmem:v47+s12+$0x0] =	vst.idx.add.f32.msk $0xffff, v36  }
0x341: {  	_ =	swait.ge [sflag:s30], $0x2000  }
0x342: {  	[sflag:s30] =	ssyncset.done $0x0  }
0x343: {  	[sflag:s30] =	ssyncadd.s32 $0xFFFFE000  }
0x344: {  	s21 =	sld [smem:$0xFC];
	_ =	sdelay $0x2  }
0x345: {  	s15 =	sand.u32 $0x7F, s21  }
0x346: {  	v36 =	vor.u32 s15, v20;
	_ =	sdelay $0x4  }
0x347: {  	v36 =	vld.idx.msk [tilespmem:v36+s5+$0x0], $0xffff  }
0x348: {  	v37 =	vor.u32 s15, v21;
	_ =	sdelay $0x3  }
0x349: {  	[tilespmem:v48+s12+$0x0] =	vst.idx.add.f32.msk $0xffff, v36  }
0x34a: {  	v36 =	vld.idx.msk [tilespmem:v37+s5+$0x0], $0xffff  }
0x34b: {  	v37 =	vor.u32 s15, v22;
	_ =	sdelay $0x3  }
0x34c: {  	[tilespmem:v49+s12+$0x0] =	vst.idx.add.f32.msk $0xffff, v36  }
0x34d: {  	v36 =	vld.idx.msk [tilespmem:v37+s5+$0x0], $0xffff  }
0x34e: {  	v37 =	vor.u32 s15, v23;
	_ =	sdelay $0x3  }
0x34f: {  	[tilespmem:v50+s12+$0x0] =	vst.idx.add.f32.msk $0xffff, v36  }
0x350: {  	v36 =	vld.idx.msk [tilespmem:v37+s5+$0x0], $0xffff;
	_ =	sdelay $0x4  }
0x351: {  	[tilespmem:v51+s12+$0x0] =	vst.idx.add.f32.msk $0xffff, v36  }
0x352: {  	_ =	swait.ge [sflag:s31], $0x2000  }
0x353: {  	[sflag:s31] =	ssyncset.done $0x0  }
0x354: {  	[sflag:s31] =	ssyncadd.s32 $0xFFFFE000  }
0x355: {  	s6 =	sld [smem:$0xFD];
	_ =	sdelay $0x2  }
0x356: {  	s15 =	sand.u32 $0x7F, s6  }
0x357: {  	v36 =	vor.u32 s15, v24;
	_ =	sdelay $0x4  }
0x358: {  	v36 =	vld.idx.msk [tilespmem:v36+s5+$0x0], $0xffff  }
0x359: {  	v37 =	vor.u32 s15, v25;
	_ =	sdelay $0x3  }
0x35a: {  	[tilespmem:v52+s12+$0x0] =	vst.idx.add.f32.msk $0xffff, v36  }
0x35b: {  	v36 =	vld.idx.msk [tilespmem:v37+s5+$0x0], $0xffff  }
0x35c: {  	v37 =	vor.u32 s15, v26;
	_ =	sdelay $0x3  }
0x35d: {  	[tilespmem:v53+s12+$0x0] =	vst.idx.add.f32.msk $0xffff, v36  }
0x35e: {  	v36 =	vld.idx.msk [tilespmem:v37+s5+$0x0], $0xffff  }
0x35f: {  	v37 =	vor.u32 s15, v27;
	_ =	sdelay $0x3  }
0x360: {  	[tilespmem:v54+s12+$0x0] =	vst.idx.add.f32.msk $0xffff, v36  }
0x361: {  	v36 =	vld.idx.msk [tilespmem:v37+s5+$0x0], $0xffff;
	_ =	sdelay $0x4  }
0x362: {  	[tilespmem:v55+s12+$0x0] =	vst.idx.add.f32.msk $0xffff, v36  }
0x363: {  	_ =	swait.ge [sflag:s1], $0x2000  }
0x364: {  	[sflag:s1] =	ssyncset.done $0x0  }
0x365: {  	[sflag:s1] =	ssyncadd.s32 $0xFFFFE000  }
0x366: {  	s7 =	sld [smem:$0xFE];
	_ =	sdelay $0x2  }
0x367: {  	s15 =	sand.u32 $0x7F, s7  }
0x368: {  	v36 =	vor.u32 s15, v28;
	_ =	sdelay $0x4  }
0x369: {  	v36 =	vld.idx.msk [tilespmem:v36+s5+$0x0], $0xffff  }
0x36a: {  	v37 =	vor.u32 s15, v29;
	_ =	sdelay $0x3  }
0x36b: {  	[tilespmem:v56+s12+$0x0] =	vst.idx.add.f32.msk $0xffff, v36  }
0x36c: {  	v36 =	vld.idx.msk [tilespmem:v37+s5+$0x0], $0xffff  }
0x36d: {  	v37 =	vor.u32 s15, v30;
	_ =	sdelay $0x3  }
0x36e: {  	[tilespmem:v57+s12+$0x0] =	vst.idx.add.f32.msk $0xffff, v36  }
0x36f: {  	v36 =	vld.idx.msk [tilespmem:v37+s5+$0x0], $0xffff  }
0x370: {  	v37 =	vor.u32 s15, v31;
	_ =	sdelay $0x3  }
0x371: {  	[tilespmem:v58+s12+$0x0] =	vst.idx.add.f32.msk $0xffff, v36  }
0x372: {  	v36 =	vld.idx.msk [tilespmem:v37+s5+$0x0], $0xffff;
	_ =	sdelay $0x4  }
0x373: {  	[tilespmem:v59+s12+$0x0] =	vst.idx.add.f32.msk $0xffff, v36  }
0x374: {  	_ =	swait.ge [sflag:s2], $0x2000  }
0x375: {  	[sflag:s2] =	ssyncset.done $0x0  }
0x376: {  	[sflag:s2] =	ssyncadd.s32 $0xFFFFE000  }
0x377: {  	s10 =	sld [smem:$0xFF];
	_ =	sdelay $0x2  }
0x378: {  	s15 =	sand.u32 $0x7F, s10  }
0x379: {  	v36 =	vor.u32 s15, v32;
	_ =	sdelay $0x4  }
0x37a: {  	v36 =	vld.idx.msk [tilespmem:v36+s5+$0x0], $0xffff  }
0x37b: {  	v37 =	vor.u32 s15, v33;
	_ =	sdelay $0x3  }
0x37c: {  	[tilespmem:v60+s12+$0x0] =	vst.idx.add.f32.msk $0xffff, v36  }
0x37d: {  	v36 =	vld.idx.msk [tilespmem:v37+s5+$0x0], $0xffff  }
0x37e: {  	v37 =	vor.u32 s15, v34;
	_ =	sdelay $0x3  }
0x37f: {  	[tilespmem:v61+s12+$0x0] =	vst.idx.add.f32.msk $0xffff, v36  }
0x380: {  	v36 =	vld.idx.msk [tilespmem:v37+s5+$0x0], $0xffff  }
0x381: {  	v37 =	vor.u32 s15, v35;
	_ =	sdelay $0x3  }
0x382: {  	[tilespmem:v62+s12+$0x0] =	vst.idx.add.f32.msk $0xffff, v36  }
0x383: {  	v36 =	vld.idx.msk [tilespmem:v37+s5+$0x0], $0xffff;
	_ =	sdelay $0x4  }
0x384: {  	s7 =	rddreg [dreg:$0xe];
	[tilespmem:v63+s12+$0x0] =	vst.idx.add.f32.msk $0xffff, v36  }
0x385: {  	[hbm4b:s7+s3] =	stream.linear.scatter [tilespmem:s12], [sflag:$0x9], $0x400, $0x38;
	[tilespmem:$0x14100] =	vst v63  }
0x386: {  	s21 =	simm.s32 $0x10900;
	s13 =	sadd.s32 $0x800, s7  }
0x387: {  	[hbm4b:s13+s3] =	stream.linear.scatter [tilespmem:s21], [sflag:$0x9], $0x400, $0x38;
	[tilespmem:$0x14100] =	vst v63  }
0x388: {  	s17 =	sadd.s32 $0x1000, s7;
	s10 =	simm.s32 $0x11100  }
0x389: {  	[hbm4b:s17+s3] =	stream.linear.scatter [tilespmem:s10], [sflag:$0x9], $0x400, $0x38;
	[tilespmem:$0x14100] =	vst v63  }
0x38a: {  	s6 =	simm.s32 $0x11900;
	s19 =	sadd.s32 $0x1800, s7  }
0x38b: {  	[hbm4b:s19+s3] =	stream.linear.scatter [tilespmem:s6], [sflag:$0x9], $0x400, $0x38;
	[tilespmem:$0x14100] =	vst v63  }
0x38c: {  	s13 =	simm.s32 $0x12100;
	s10 =	sadd.s32 $0x2000, s7  }
0x38d: {  	[hbm4b:s10+s3] =	stream.linear.scatter [tilespmem:s13], [sflag:$0x9], $0x400, $0x38;
	[tilespmem:$0x14100] =	vst v63  }
0x38e: {  	s17 =	sadd.s32 $0x2800, s7;
	s19 =	simm.s32 $0x12900  }
0x38f: {  	[hbm4b:s17+s3] =	stream.linear.scatter [tilespmem:s19], [sflag:$0x9], $0x400, $0x38;
	[tilespmem:$0x14100] =	vst v63  }
0x390: {  	s6 =	sadd.s32 $0x3000, s7;
	s10 =	simm.s32 $0x13100  }
0x391: {  	[hbm4b:s6+s3] =	stream.linear.scatter [tilespmem:s10], [sflag:$0x9], $0x400, $0x38;
	[tilespmem:$0x14100] =	vst v63  }
0x392: {  	s13 =	sadd.s32 $0x3800, s7  }
0x393: {  	[hbm4b:s13+s3] =	stream.linear.scatter [tilespmem:s8], [sflag:$0x9], $0x400, $0x38;
	[tilespmem:$0x14100] =	vst v63  }
0x394: {  	s6 =	rddreg [dreg:$0xf]  }
0x395: {  	[hbm4b:s6+s3] =	stream.linear.scatter [tilespmem:s24], [sflag:$0x9], $0x400, $0x38;
	[tilespmem:$0x14100] =	vst v63  }
0x396: {  	s17 =	sadd.s32 $0x800, s6  }
0x397: {  	[hbm4b:s17+s3] =	stream.linear.scatter [tilespmem:s14], [sflag:$0x9], $0x400, $0x38;
	[tilespmem:$0x14100] =	vst v63  }
0x398: {  	s19 =	sadd.s32 $0x1000, s6;
	s24 =	simm.s32 $0x11500  }
0x399: {  	[hbm4b:s19+s3] =	stream.linear.scatter [tilespmem:s24], [sflag:$0x9], $0x400, $0x38;
	[tilespmem:$0x14100] =	vst v63  }
0x39a: {  	s7 =	sadd.s32 $0x1800, s6  }
0x39b: {  	[hbm4b:s7+s3] =	stream.linear.scatter [tilespmem:s16], [sflag:$0x9], $0x400, $0x38;
	[tilespmem:$0x14100] =	vst v63  }
0x39c: {  	s10 =	simm.s32 $0x12500;
	s8 =	sadd.s32 $0x2000, s6  }
0x39d: {  	[hbm4b:s8+s3] =	stream.linear.scatter [tilespmem:s10], [sflag:$0x9], $0x400, $0x38;
	[tilespmem:$0x14100] =	vst v63  }
0x39e: {  	s13 =	sadd.s32 $0x2800, s6;
	s14 =	simm.s32 $0x12D00  }
0x39f: {  	[hbm4b:s13+s3] =	stream.linear.scatter [tilespmem:s14], [sflag:$0x9], $0x400, $0x38;
	[tilespmem:$0x14100] =	vst v63  }
0x3a0: {  	s16 =	sadd.s32 $0x3000, s6  }
0x3a1: {  	[hbm4b:s16+s3] =	stream.linear.scatter [tilespmem:s9], [sflag:$0x9], $0x400, $0x38;
	[tilespmem:$0x14100] =	vst v63  }
0x3a2: {  	s17 =	sadd.s32 $0x3800, s6  }
0x3a3: {  	[hbm4b:s17+s3] =	stream.linear.scatter [tilespmem:s18], [sflag:$0x9], $0x400, $0x38;
	[tilespmem:$0x14100] =	vst v63  }
0x3a4: {  	s18 =	simm.s32 $0x9  }
0x3a5: {  	_ =	swait.ge [sflag:s18], $0x2000  }
0x3a6: {  	[sflag:s18] =	ssyncset.done $0x0  }
0x3a7: {  	[sflag:s18] =	ssyncadd.s32 $0xFFFFE000  }
0x3a8: {  	_ =	swait.ge [sflag:s18], $0x2000  }
0x3a9: {  	s19 =	rddreg [dreg:$0x10]  }
0x3aa: {  	s24 =	rddreg [dreg:$0x7];
	s7 =	sadd.s32 $0x1, s19  }
0x3ab: {  	p0 =	sne.s32 s7, s24  }
.Ltmp1:
0x3ac: {  	_ = 	snop;
	(pc) =	sbr.rel @p0 .LBB2_1-.Ltmp1, $3  }
0x3ad: {  	_ =	sdelay $0x1  }
0x3ae: {  	[sflag:s18] =	ssyncset.done $0x0  }
0x3af: {  	[sflag:s18] =	ssyncadd.s32 $0xFFFFE000  }
0x3b0: {  	_ =	sfence.sel $0x180000  }
0x3b1: {  	[bflag:$0x0] =	sbarrier.arrive $0xFFFF  }
0x3b2: {  	_ =	strace $0x90000047  }
0x3b3: {  	s0 =	stileid.u32;
	[bflag:$0x2] =	sbarrier.arrive $0xFFFF  }
0x3b4: {  	p0 =	sne.s32 s0, $0x0;
	s0 =	rddreg [dreg:$0x4]  }
0x3b5: {  	s0 =	sadd.s32 @!p0 $0x100000, s0  }
0x3b6: {  	[sflag:s0] =	ssyncadd.tile.s32 @!p0 $0x1;
	_ =	shalt  }
.Lfunc_end2:
_tile_overlayer_lowered:
.L_overlay_start_2:
0x3b7: {  	(tag) =	ssettag $0x2  }
0x3b8: {  	s0 =	rddreg [dreg:$0x0];
	s2 =	stileid.u32  }
0x3b9: {  	s1 =	rddreg [dreg:$0x1];
	p0 =	sne.s32 s2, $0x0  }
0x3ba: {  	s3 =	rddreg [dreg:$0x2];
	[bflag:$0x3] =	sbarrier.arrive $0xFFFF;
	s2 =	simm.s32 @!p0 $0x1C0A  }
0x3bb: {  	[timem:s3], [sflag:s2] =	dma.local @!p0 [hbm:s0], s1  }
0x3bc: {  	s0 =	simm.s32 @!p0 $0xA  }
0x3bd: {  	_ =	swait.ge @!p0 [sflag:s0], s1  }
0x3be: {  	s1 =	ssub.s32 @!p0 $0x0, s1;
	[sflag:s0] =	ssyncset.done @!p0 $0x0  }
0x3bf: {  	[sflag:s0] =	ssyncadd.s32 @!p0 s1  }
0x3c0: {  	[bflag:$0x3] =	sbarrier.arrive $0xFFFF  }
0x3c1: {  	_ =	shalt  }

</sc_bundles>
